<compile_context>
chip_gen: v7x
topology: tpu7x:2x2x1
jax: 0.10.2.dev20260603
libtpu: 0.0.44.dev20260713+nightly
codegen_flags: <defaults>
</compile_context>

<pallas_src>
import functools

import jax
import jax.numpy as jnp
from jax import lax
from jax.experimental import pallas as pl
from jax.experimental.pallas import tpu as pltpu
from jax.experimental.pallas import tpu_sc as plsc

_NC = 2
_NS = 16
_NW = _NC * _NS
_NEG = -3.0e38


def _g_body(f_ref, p_ref, w1t_ref, b1_ref, w2t_ref, b2_ref, g_ref):
    p = p_ref[...]
    h = (p[:, 0:1] * w1t_ref[0:1, :]
         + p[:, 1:2] * w1t_ref[1:2, :]
         + p[:, 2:3] * w1t_ref[2:3, :]
         + b1_ref[...])
    h = jnp.maximum(h, 0.0)
    bias = jnp.dot(h, w2t_ref[...], preferred_element_type=jnp.float32)
    g_ref[...] = (f_ref[...] + bias + b2_ref[...]).astype(jnp.bfloat16)


def _compute_g(f, p, W1, b1, W2, b2):
    n, c = f.shape
    br = 2000
    assert n % br == 0
    grid = n // br
    return pl.pallas_call(
        _g_body,
        grid=(grid,),
        in_specs=[
            pl.BlockSpec((br, c), lambda i: (i, 0)),
            pl.BlockSpec((br, 3), lambda i: (i, 0)),
            pl.BlockSpec((3, 32), lambda i: (0, 0)),
            pl.BlockSpec((1, 32), lambda i: (0, 0)),
            pl.BlockSpec((32, c), lambda i: (0, 0)),
            pl.BlockSpec((1, c), lambda i: (0, 0)),
        ],
        out_specs=pl.BlockSpec((br, c), lambda i: (i, 0)),
        out_shape=jax.ShapeDtypeStruct((n, c), jnp.bfloat16),
    )(f, p, W1.T, b1[None, :], W2.T, b2[None, :])


def _make_seg_max(N, C, M):
    ROWS = ((N + _NW - 1) // _NW + 7) // 8 * 8
    NPAD = ROWS * _NW
    SCAN = 8000
    assert M % (2 * SCAN) == 0 and SCAN % 16 == 0
    NCH = M // SCAN
    GB = 256
    CAPB = 16384
    RMASK = CAPB - 1
    ACC = ROWS * C
    UROWS = jnp.uint32(ROWS)

    mesh = plsc.VectorSubcoreMesh(
        core_axis_name="c", subcore_axis_name="s",
        num_cores=_NC, num_subcores=_NS)

    @functools.partial(
        pl.kernel,
        out_type=jax.ShapeDtypeStruct((NPAD * C,), jnp.bfloat16),
        mesh=mesh,
        compiler_params=pltpu.CompilerParams(
            needs_layout_passes=False, use_tc_tiling_on_sc=False),
        scratch_types=[
            pltpu.VMEM((ACC,), jnp.bfloat16),
            pltpu.VMEM((2 * SCAN,), jnp.int32),
            pltpu.VMEM((CAPB,), jnp.int32),
            pltpu.VMEM((CAPB + 16,), jnp.int32),
            pltpu.VMEM((2 * GB, C), jnp.bfloat16),
            pltpu.SemaphoreType.DMA,
            pltpu.SemaphoreType.DMA,
            pltpu.SemaphoreType.DMA,
        ],
    )
    def seg_max(g_hbm, edges_hbm, out_hbm,
                acc, estg, sbuf, dbuf, rows, sem0, sem1, gsem):
        w = lax.axis_index("s") * _NC + lax.axis_index("c")
        lo = w * ROWS

        @plsc.parallel_loop(0, ACC // 32, unroll=8)
        def _(i):
            acc[pl.ds(i * 32, 32)] = jnp.full((32,), _NEG, jnp.bfloat16)

        @plsc.parallel_loop(0, CAPB // 16, unroll=8)
        def _(i):
            sbuf[pl.ds(i * 16, 16)] = jnp.zeros((16,), jnp.int32)

        def stage_desc(c, half):
            base = half * SCAN
            sem = (sem0, sem1)[half]
            coff = pl.multiple_of(c * SCAN, 8)
            return pltpu.make_async_copy(
                edges_hbm.at[pl.ds(coff, SCAN)],
                estg.at[pl.ds(base, SCAN)], sem)

        def start_stage(c, half):
            stage_desc(c, half).start()

        def gather_desc(off, par):
            off = pl.multiple_of(off, 8)
            return pltpu.make_async_copy(
                g_hbm.at[sbuf.at[pl.ds(off, GB)]],
                rows.at[pl.ds(par * GB, GB), :], gsem)

        def merge_row(ab, re):
            a0 = acc[pl.ds(ab, 32)]
            r0 = rows[re, pl.ds(0, 32)]
            acc[pl.ds(ab, 32)] = jnp.maximum(a0, r0)
            a1 = acc[pl.ds(ab + 32, 32)]
            r1 = rows[re, pl.ds(32, 32)]
            acc[pl.ds(ab + 32, 32)] = jnp.maximum(a1, r1)

        def rmw_batch(off, count, par):
            if isinstance(count, int):
                assert count == GB

                def group(gi, _):
                    av = dbuf[pl.ds(off + gi * 16, 16)] * C
                    for k in range(16):
                        merge_row(av[k], par * GB + gi * 16 + k)
                    return 0
                lax.fori_loop(0, GB // 16, group, 0, unroll=2)
            else:
                def rmw(e, _):
                    dloc = dbuf[pl.ds(off + e, 16)][0]
                    merge_row(dloc * C, par * GB + e)
                    return 0
                lax.fori_loop(0, count, rmw, 0)

        def scan_chunk(half, pnd):
            base = half * SCAN

            def scan_body(i, pvm1):
                v = estg[pl.ds(base + i * 16, 16)]
                s = v & jnp.int32(0xFFFF)
                dl = lax.shift_right_logical(v, 16) - lo
                m = plsc.bitcast(dl, jnp.uint32) < UROWS
                cs = plsc.cumsum(jnp.where(m, 1, 0))
                pos = (pvm1 + cs) & RMASK
                plsc.store_scatter(sbuf, [pos], s, mask=m)
                plsc.store_scatter(dbuf, [pos], dl, mask=m)
                return pvm1 + plsc.all_reduce_population_count(m)
            return plsc.parallel_loop(
                0, SCAN // 16, carry=pnd, unroll=16)(scan_body)

        def drain(written, issued, done):
            def cond(state):
                iss, _ = state
                return iss + GB <= written

            def step(state):
                iss, dn = state

                @pl.when(iss > dn)
                def _():
                    gather_desc(dn & RMASK, (dn // GB) & 1).wait()
                    rmw_batch(dn & RMASK, GB, (dn // GB) & 1)
                dn = jnp.where(iss > dn, iss, dn)
                gather_desc(iss & RMASK, (iss // GB) & 1).start()
                return iss + GB, dn

            return lax.while_loop(cond, step, (issued, done))

        start_stage(0, 0)

        def pair_body(i, state):
            pnd, issued, done = state
            c0 = 2 * i

            start_stage(c0 + 1, 1)
            stage_desc(c0, 0).wait()
            pnd = scan_chunk(0, pnd)
            issued, done = drain(pnd[0] + 1, issued, done)

            @pl.when(c0 + 2 < NCH)
            def _():
                start_stage(c0 + 2, 0)
            stage_desc(c0 + 1, 1).wait()
            pnd = scan_chunk(1, pnd)
            issued, done = drain(pnd[0] + 1, issued, done)
            return pnd, issued, done

        neg1 = jnp.full((16,), -1, jnp.int32)
        pnd, issued, done = lax.fori_loop(
            0, NCH // 2, pair_body, (neg1, jnp.int32(0), jnp.int32(0)))

        @pl.when(issued > done)
        def _():
            gather_desc(done & RMASK, (done // GB) & 1).wait()
            rmw_batch(done & RMASK, GB, (done // GB) & 1)
        done = jnp.where(issued > done, issued, done)

        written = pnd[0] + 1
        gather_desc(done & RMASK, (done // GB) & 1).start()
        gather_desc(done & RMASK, (done // GB) & 1).wait()
        rmw_batch(done & RMASK, written - done, (done // GB) & 1)

        @plsc.parallel_loop(0, ACC // 32, unroll=8)
        def _(i):
            v = acc[pl.ds(i * 32, 32)]
            acc[pl.ds(i * 32, 32)] = jnp.where(
                v == jnp.bfloat16(_NEG), jnp.bfloat16(0), v)
        pltpu.sync_copy(acc, out_hbm.at[pl.ds(pl.multiple_of(lo * C, 8), ACC)])

    return seg_max, NPAD


def kernel(f, p, rulebook, W1, b1, W2, b2):
    n, c = f.shape
    m = rulebook.shape[0]
    packed = rulebook[:, 0] | (rulebook[:, 1] << 16)
    g = _compute_g(f, p, W1, b1, W2, b2)
    seg_max, npad = _make_seg_max(n, c, m)
    out_flat = seg_max(g, packed)
    return out_flat.reshape(npad, c)[:n].astype(jnp.float32)

# --- scband reference (transcript-rebuilt; emitter-appended) ---
"""Pipeline reference for scband-bias-net-28767690949192 (READ-ONLY COPY).

The authoritative reference and input builder live on the scoring server;
editing this copy changes nothing except your own understanding.
"""

import jax, jax.numpy as jnp
import numpy as np

N = 50000
C = 64
M = 800000

def setup_inputs(seed: int = 0) -> dict:
    key = jax.random.key(seed)
    k1, k2, k3, k4, k5 = jax.random.split(key, 5)
    f = jax.random.normal(k1, (N, C), dtype=jnp.float32)
    p = jax.random.normal(k2, (N, 3), dtype=jnp.float32)
    rulebook = jax.random.randint(k3, (M, 2), 0, N, dtype=jnp.int32)
    # parameters (kaiming-uniform-like init)
    bound1 = float(np.sqrt(6.0 / 3.0))
    W1 = jax.random.uniform(k4, (32, 3), dtype=jnp.float32, minval=-bound1, maxval=bound1)
    b1 = jnp.zeros((32,), dtype=jnp.float32)
    bound2 = float(np.sqrt(6.0 / 32.0))
    W2 = jax.random.uniform(k5, (C, 32), dtype=jnp.float32, minval=-bound2, maxval=bound2)
    b2 = jnp.zeros((C,), dtype=jnp.float32)
    return {"f": f, "p": p, "rulebook": rulebook, "W1": W1, "b1": b1, "W2": W2, "b2": b2}

def reference(f, p, rulebook, W1, b1, W2, b2):
    # bias_max_forward: per rulebook entry (src, dst):
    #   bias = W2 @ relu(W1 @ p[src] + b1) + b2      (position-dependent bias MLP 3->32->C)
    #   msg  = f[src] + bias
    # output[dst] = max over all msgs routed to dst (max-pooling aggregation; max_indices saved for bwd)
    src = rulebook[:, 0]
    dst = rulebook[:, 1]
    p_g = jnp.take(p, src, axis=0)                 # [M, 3] gather
    h = jnp.maximum(p_g @ W1.T + b1, 0.0)          # [M, 32]
    bias = h @ W2.T + b2                           # [M, C]
    msg = jnp.take(f, src, axis=0) + bias          # [M, C] gather + add
    out = jax.ops.segment_max(msg, dst, num_segments=f.shape[0])  # [N, C]
    # empty segments produce -inf; zero them out
    out = jnp.where(jnp.isneginf(out), 0.0, out)
    return out

if __name__ == "__main__":
    import jax
    _d = setup_inputs()
    print(jax.jit(kernel)(*tuple(_d.values())))

</pallas_src>

<mosaic_0001>
#map = affine_map<(d0, d1) -> (0, 0)>
#map1 = affine_map<(d0, d1) -> (0)>
module attributes {stable_mosaic.version = 14 : i64} {
  func.func @_rewritten_body(%arg0: i32, %arg1: i32, %arg2: memref<50000x64xbf16, #tpu.memory_space<hbm>>, %arg3: memref<800000xi32, #tpu.memory_space<hbm>>, %arg4: memref<1xi32, #tpu.memory_space<hbm>>, %arg5: memref<3211264xbf16, #tpu.memory_space<hbm>>, %arg6: memref<100352xbf16, #tpu.memory_space<vmem>>, %arg7: memref<16000xi32, #tpu.memory_space<vmem>>, %arg8: memref<16384xi32, #tpu.memory_space<vmem>>, %arg9: memref<16400xi32, #tpu.memory_space<vmem>>, %arg10: memref<512x64xbf16, #tpu.memory_space<vmem>>, %arg11: memref<!tpu.dma_semaphore, #tpu.memory_space<semaphore_mem>>, %arg12: memref<!tpu.dma_semaphore, #tpu.memory_space<semaphore_mem>>, %arg13: memref<!tpu.dma_semaphore, #tpu.memory_space<semaphore_mem>>) attributes {dimension_semantics = [#tpu.dimension_semantics<core_parallel>, #tpu.dimension_semantics<subcore_parallel>], iteration_bounds = array<i64: 2, 16>, scalar_prefetch = 0 : i64, scratch_operands = 8 : i64, tpu.core_type = #tpu.core_type<sc_vector_subcore>, window_params = [{transform_indices = #map}, {transform_indices = #map1}, {transform_indices = #map1}, {transform_indices = #map1}]} {
    %empty_ref3A = memref.alloca() : memref<16xi32, #tpu.memory_space<vmem>>
    "tpu.region"() ({
      %run_scoped3A = tpu.sem_alloc : memref<!tpu.dma_semaphore, #tpu.memory_space<semaphore_mem>>
      %dma_start3A_141 = arith.constant 0 : i32
      %dma_start3A_142 = tpu.memref_slice %empty_ref3A[%dma_start3A_141] : memref<16xi32, #tpu.memory_space<vmem>> -> memref<1xi32, #tpu.memory_space<vmem>>
      %dma_start3A_143 = arith.constant 0 : i32
      %dma_start3A_144 = tpu.memref_slice %empty_ref3A[%dma_start3A_143] : memref<16xi32, #tpu.memory_space<vmem>> -> memref<1xi32, #tpu.memory_space<vmem>>
      tpu.enqueue_dma source(%arg4 : memref<1xi32, #tpu.memory_space<hbm>>) target(%dma_start3A_144 : memref<1xi32, #tpu.memory_space<vmem>>) target_semaphore(%run_scoped3A : memref<!tpu.dma_semaphore, #tpu.memory_space<semaphore_mem>>)
      %dma_wait3A_145 = arith.constant 0 : i32
      %dma_wait3A_146 = tpu.memref_slice %empty_ref3A[%dma_wait3A_145] : memref<16xi32, #tpu.memory_space<vmem>> -> memref<1xi32, #tpu.memory_space<vmem>>
      %dma_wait3A_147 = arith.constant 0 : i32
      %dma_wait3A_148 = tpu.memref_slice %empty_ref3A[%dma_wait3A_147] : memref<16xi32, #tpu.memory_space<vmem>> -> memref<1xi32, #tpu.memory_space<vmem>>
      tpu.wait_dma2 semaphore(%run_scoped3A : memref<!tpu.dma_semaphore, #tpu.memory_space<semaphore_mem>>) src(%arg4 : memref<1xi32, #tpu.memory_space<hbm>>) dst(%dma_wait3A_148 : memref<1xi32, #tpu.memory_space<vmem>>)
      tpu.yield
    }) : () -> ()
    %get3A = arith.constant 0 : index
    %get3A_0 = tpu.vector_load %empty_ref3A[%get3A] {strides = array<i32>} : memref<16xi32, #tpu.memory_space<vmem>>, vector<16xi32>,
    %slice3A = vector.extract_strided_slice %get3A_0 {offsets = [0], sizes = [1], strides = [1]} : vector<16xi32> to vector<1xi32>
    %squeeze3A = vector.extract %slice3A[0] : i32 from vector<1xi32>
    %mul3A = arith.constant 2 : i32
    %mul3A_1 = arith.muli %arg1, %mul3A : i32
    %add3A = arith.addi %mul3A_1, %arg0 : i32
    %mul3A_2 = arith.constant 1568 : i32
    %mul3A_3 = arith.muli %add3A, %mul3A_2 : i32
    %parallel_loop3A = arith.constant 0 : i32
    %parallel_loop3A_4 = arith.constant 3136 : i32
    %parallel_loop3A_5 = arith.constant 1 : i32
    scf.for %parallel_loop3A_141 = %parallel_loop3A to %parallel_loop3A_4 step %parallel_loop3A_5  : i32 {
      %parallel_loop3A_142 = arith.constant -3.004060e+38 : bf16
      %parallel_loop3A_143 = vector.broadcast %parallel_loop3A_142 : bf16 to vector<32xbf16>
      %parallel_loop3A_144 = arith.constant 32 : i32
      %parallel_loop3A_145 = arith.muli %parallel_loop3A_141, %parallel_loop3A_144 : i32
      %parallel_loop3A_146 = arith.index_cast %parallel_loop3A_145 : i32 to index
      %parallel_loop3A_147 = tpu.vector_load %arg6[%parallel_loop3A_146] {strides = array<i32>} : memref<100352xbf16, #tpu.memory_space<vmem>>, vector<32xbf16>,
      tpu.vector_store %arg6[%parallel_loop3A_146], %parallel_loop3A_143 {strides = array<i32>} : memref<100352xbf16, #tpu.memory_space<vmem>>, vector<32xbf16>,
    } {sc.loop_unroll_factor = 8 : i64, sc.parallel_access}
    %parallel_loop3A_6 = arith.constant 0 : i32
    %parallel_loop3A_7 = arith.constant 1024 : i32
    %parallel_loop3A_8 = arith.constant 1 : i32
    scf.for %parallel_loop3A_141 = %parallel_loop3A_6 to %parallel_loop3A_7 step %parallel_loop3A_8  : i32 {
      %parallel_loop3A_142 = arith.constant 0 : i32
      %parallel_loop3A_143 = vector.broadcast %parallel_loop3A_142 : i32 to vector<16xi32>
      %parallel_loop3A_144 = arith.constant 16 : i32
      %parallel_loop3A_145 = arith.muli %parallel_loop3A_141, %parallel_loop3A_144 : i32
      %parallel_loop3A_146 = arith.index_cast %parallel_loop3A_145 : i32 to index
      %parallel_loop3A_147 = tpu.vector_load %arg8[%parallel_loop3A_146] {strides = array<i32>} : memref<16384xi32, #tpu.memory_space<vmem>>, vector<16xi32>,
      tpu.vector_store %arg8[%parallel_loop3A_146], %parallel_loop3A_143 {strides = array<i32>} : memref<16384xi32, #tpu.memory_space<vmem>>, vector<16xi32>,
    } {sc.loop_unroll_factor = 8 : i64, sc.parallel_access}
    %multiple_of3A = arith.constant 0 : i32
    %multiple_of3A_9 = tpu.assume_multiple %multiple_of3A, 8 : i32
    %dma_start3A = arith.constant 0 : i32
    %dma_start3A_10 = tpu.memref_slice %arg7[%dma_start3A] : memref<16000xi32, #tpu.memory_space<vmem>> -> memref<8000xi32, #tpu.memory_space<vmem>>
    %dma_start3A_11 = tpu.memref_slice %arg3[%multiple_of3A_9] : memref<800000xi32, #tpu.memory_space<hbm>> -> memref<8000xi32, #tpu.memory_space<hbm>>
    %dma_start3A_12 = arith.constant 0 : i32
    %dma_start3A_13 = tpu.memref_slice %arg7[%dma_start3A_12] : memref<16000xi32, #tpu.memory_space<vmem>> -> memref<8000xi32, #tpu.memory_space<vmem>>
    %dma_start3A_14 = tpu.memref_slice %arg3[%multiple_of3A_9] : memref<800000xi32, #tpu.memory_space<hbm>> -> memref<8000xi32, #tpu.memory_space<hbm>>
    tpu.enqueue_dma source(%dma_start3A_14 : memref<8000xi32, #tpu.memory_space<hbm>>) target(%dma_start3A_13 : memref<8000xi32, #tpu.memory_space<vmem>>) target_semaphore(%arg11 : memref<!tpu.dma_semaphore, #tpu.memory_space<semaphore_mem>>)
    %broadcast_in_dim3A = arith.constant -1 : i32
    %broadcast_in_dim3A_15 = vector.broadcast %broadcast_in_dim3A : i32 to vector<16xi32>
    %scan3A = arith.constant 0 : i32
    %scan3A_16 = arith.constant 0 : i32
    %scan3A_17 = arith.constant 0 : i32
    %scan3A_18 = arith.constant 50 : i32
    %scan3A_19 = arith.addi %scan3A_17, %scan3A_18 : i32
    %scan3A_20 = arith.constant 1 : i32
    %scan3A_21:3 = scf.for %scan3A_141 = %scan3A_17 to %scan3A_19 step %scan3A_20 iter_args(%scan3A_142 = %broadcast_in_dim3A_15, %scan3A_143 = %scan3A, %scan3A_144 = %scan3A_16) -> (vector<16xi32>, i32, i32)  : i32 {
      %mul3A_145 = arith.constant 2 : i32
      %mul3A_146 = arith.muli %mul3A_145, %scan3A_141 : i32
      %add3A_147 = arith.constant 1 : i32
      %add3A_148 = arith.addi %mul3A_146, %add3A_147 : i32
      %mul3A_149 = arith.constant 8000 : i32
      %mul3A_150 = arith.muli %add3A_148, %mul3A_149 : i32
      %multiple_of3A_151 = tpu.assume_multiple %mul3A_150, 8 : i32
      %dma_start3A_152 = arith.constant 8000 : i32
      %dma_start3A_153 = tpu.memref_slice %arg7[%dma_start3A_152] : memref<16000xi32, #tpu.memory_space<vmem>> -> memref<8000xi32, #tpu.memory_space<vmem>>
      %dma_start3A_154 = tpu.memref_slice %arg3[%multiple_of3A_151] : memref<800000xi32, #tpu.memory_space<hbm>> -> memref<8000xi32, #tpu.memory_space<hbm>>
      %dma_start3A_155 = arith.constant 8000 : i32
      %dma_start3A_156 = tpu.memref_slice %arg7[%dma_start3A_155] : memref<16000xi32, #tpu.memory_space<vmem>> -> memref<8000xi32, #tpu.memory_space<vmem>>
      %dma_start3A_157 = tpu.memref_slice %arg3[%multiple_of3A_151] : memref<800000xi32, #tpu.memory_space<hbm>> -> memref<8000xi32, #tpu.memory_space<hbm>>
      tpu.enqueue_dma source(%dma_start3A_157 : memref<8000xi32, #tpu.memory_space<hbm>>) target(%dma_start3A_156 : memref<8000xi32, #tpu.memory_space<vmem>>) target_semaphore(%arg12 : memref<!tpu.dma_semaphore, #tpu.memory_space<semaphore_mem>>)
      %mul3A_158 = arith.constant 8000 : i32
      %mul3A_159 = arith.muli %mul3A_146, %mul3A_158 : i32
      %multiple_of3A_160 = tpu.assume_multiple %mul3A_159, 8 : i32
      %dma_wait3A_161 = arith.constant 0 : i32
      %dma_wait3A_162 = tpu.memref_slice %arg7[%dma_wait3A_161] : memref<16000xi32, #tpu.memory_space<vmem>> -> memref<8000xi32, #tpu.memory_space<vmem>>
      %dma_wait3A_163 = tpu.memref_slice %arg3[%multiple_of3A_160] : memref<800000xi32, #tpu.memory_space<hbm>> -> memref<8000xi32, #tpu.memory_space<hbm>>
      %dma_wait3A_164 = arith.constant 0 : i32
      %dma_wait3A_165 = tpu.memref_slice %arg7[%dma_wait3A_164] : memref<16000xi32, #tpu.memory_space<vmem>> -> memref<8000xi32, #tpu.memory_space<vmem>>
      %dma_wait3A_166 = tpu.memref_slice %arg3[%multiple_of3A_160] : memref<800000xi32, #tpu.memory_space<hbm>> -> memref<8000xi32, #tpu.memory_space<hbm>>
      tpu.wait_dma2 semaphore(%arg11 : memref<!tpu.dma_semaphore, #tpu.memory_space<semaphore_mem>>) src(%dma_wait3A_166 : memref<8000xi32, #tpu.memory_space<hbm>>) dst(%dma_wait3A_165 : memref<8000xi32, #tpu.memory_space<vmem>>)
      %parallel_loop3A_167 = arith.constant 0 : i32
      %parallel_loop3A_168 = arith.constant 500 : i32
      %parallel_loop3A_169 = arith.constant 1 : i32
      %parallel_loop3A_170 = scf.for %parallel_loop3A_202 = %parallel_loop3A_167 to %parallel_loop3A_168 step %parallel_loop3A_169 iter_args(%parallel_loop3A_203 = %scan3A_142) -> (vector<16xi32>)  : i32 {
        %parallel_loop3A_204 = arith.constant 16 : i32
        %parallel_loop3A_205 = arith.muli %parallel_loop3A_202, %parallel_loop3A_204 : i32
        %parallel_loop3A_206 = arith.constant 0 : i32
        %parallel_loop3A_207 = arith.addi %parallel_loop3A_206, %parallel_loop3A_205 : i32
        %parallel_loop3A_208 = arith.index_cast %parallel_loop3A_207 : i32 to index
        %parallel_loop3A_209 = tpu.vector_load %arg7[%parallel_loop3A_208] {strides = array<i32>} : memref<16000xi32, #tpu.memory_space<vmem>>, vector<16xi32>,
        %parallel_loop3A_210 = arith.constant 65535 : i32
        %parallel_loop3A_211 = vector.broadcast %parallel_loop3A_210 : i32 to vector<16xi32>
        %parallel_loop3A_212 = arith.andi %parallel_loop3A_209, %parallel_loop3A_211 : vector<16xi32>
        %parallel_loop3A_213 = arith.constant 16 : i32
        %parallel_loop3A_214 = vector.broadcast %parallel_loop3A_213 : i32 to vector<16xi32>
        %parallel_loop3A_215 = arith.shrui %parallel_loop3A_209, %parallel_loop3A_214 : vector<16xi32>
        %parallel_loop3A_216 = vector.broadcast %mul3A_3 : i32 to vector<16xi32>
        %parallel_loop3A_217 = arith.subi %parallel_loop3A_215, %parallel_loop3A_216 : vector<16xi32>
        %parallel_loop3A_218 = vector.bitcast %parallel_loop3A_217 : vector<16xi32> to vector<16xi32>
        %parallel_loop3A_219 = vector.broadcast %squeeze3A : i32 to vector<16xi32>
        %parallel_loop3A_220 = arith.cmpi ult, %parallel_loop3A_218, %parallel_loop3A_219 : vector<16xi32>
        %parallel_loop3A_221 = arith.constant 1 : i32
        %parallel_loop3A_222 = arith.constant 0 : i32
        %parallel_loop3A_223 = vector.broadcast %parallel_loop3A_221 : i32 to vector<16xi32>
        %parallel_loop3A_224 = vector.broadcast %parallel_loop3A_222 : i32 to vector<16xi32>
        %parallel_loop3A_225 = arith.select %parallel_loop3A_220, %parallel_loop3A_223, %parallel_loop3A_224 : vector<16xi1>, vector<16xi32>
        %parallel_loop3A_226 = arith.constant true
        %parallel_loop3A_227 = vector.broadcast %parallel_loop3A_226 : i1 to vector<16xi1>
        %parallel_loop3A_228 = tpu.scan <sum>, %parallel_loop3A_225 masked %parallel_loop3A_227 : vector<16xi32>, vector<16xi1> -> vector<16xi32>
        %parallel_loop3A_229 = arith.addi %parallel_loop3A_203, %parallel_loop3A_228 : vector<16xi32>
        %parallel_loop3A_230 = arith.constant 16383 : i32
        %parallel_loop3A_231 = vector.broadcast %parallel_loop3A_230 : i32 to vector<16xi32>
        %parallel_loop3A_232 = arith.andi %parallel_loop3A_229, %parallel_loop3A_231 : vector<16xi32>
        tpu.vector_store_idx %arg8[%parallel_loop3A_232], %parallel_loop3A_212 masked %parallel_loop3A_220 : memref<16384xi32, #tpu.memory_space<vmem>>[vector<16xi32>], vector<16xi32>, vector<16xi1>
        tpu.vector_store_idx %arg9[%parallel_loop3A_232], %parallel_loop3A_217 masked %parallel_loop3A_220 : memref<16400xi32, #tpu.memory_space<vmem>>[vector<16xi32>], vector<16xi32>, vector<16xi1>
        %parallel_loop3A_233 = tpu.all_reduce %parallel_loop3A_220 {dim = 0 : i64, kind = #tpu.reduction_kind<sum>} : vector<16xi1> -> vector<16xi32>
        %parallel_loop3A_234 = arith.addi %parallel_loop3A_203, %parallel_loop3A_233 : vector<16xi32>
        scf.yield %parallel_loop3A_234 : vector<16xi32>
      } {sc.loop_unroll_factor = 16 : i64, sc.parallel_access}
      %slice3A_171 = vector.extract_strided_slice %parallel_loop3A_170 {offsets = [0], sizes = [1], strides = [1]} : vector<16xi32> to vector<1xi32>
      %squeeze3A_172 = vector.extract %slice3A_171[0] : i32 from vector<1xi32>
      %add3A_173 = arith.constant 1 : i32
      %add3A_174 = arith.addi %squeeze3A_172, %add3A_173 : i32
      %while3A_175:2 = scf.while (%while3A_202 = %scan3A_143, %while3A_203 = %scan3A_144) : (i32, i32) -> (i32, i32) {
        %add3A_204 = arith.constant 256 : i32
        %add3A_205 = arith.addi %while3A_202, %add3A_204 : i32
        %le3A = arith.cmpi sle, %add3A_205, %add3A_174 : i32
        scf.condition(%le3A) %while3A_202, %while3A_203 : i32, i32
      } do {
      ^bb0(%while3A_202: i32, %while3A_203: i32):
        %gt3A_204 = arith.cmpi sgt, %while3A_202, %while3A_203 : i32
        %convert_element_type3A_205 = arith.extui %gt3A_204 : i1 to i32
        %cond3A_206 = arith.constant 0 : i32
        %cond3A_207 = arith.cmpi ne, %convert_element_type3A_205, %cond3A_206 : i32
        scf.if %cond3A_207 {
          %and3A_249 = arith.constant 16383 : i32
          %and3A_250 = arith.andi %while3A_203, %and3A_249 : i32
          %jit3A_251 = arith.constant 256 : i32
          %div3A_252 = arith.divsi %while3A_203, %jit3A_251 : i32
          %sign3A_253 = arith.constant 0 : i32
          %sign3A_254 = arith.cmpi sgt, %while3A_203, %sign3A_253 : i32
          %sign3A_255 = arith.extui %sign3A_254 : i1 to i32
          %sign3A_256 = arith.constant 0 : i32
          %sign3A_257 = arith.cmpi slt, %while3A_203, %sign3A_256 : i32
          %sign3A_258 = arith.extui %sign3A_257 : i1 to i32
          %sign3A_259 = arith.subi %sign3A_255, %sign3A_258 : i32
          %sign3A_260 = arith.constant 0 : i32
          %sign3A_261 = arith.cmpi sgt, %jit3A_251, %sign3A_260 : i32
          %sign3A_262 = arith.extui %sign3A_261 : i1 to i32
          %sign3A_263 = arith.constant 0 : i32
          %sign3A_264 = arith.cmpi slt, %jit3A_251, %sign3A_263 : i32
          %sign3A_265 = arith.extui %sign3A_264 : i1 to i32
          %sign3A_266 = arith.subi %sign3A_262, %sign3A_265 : i32
          %ne3A_267 = arith.cmpi ne, %sign3A_259, %sign3A_266 : i32
          %rem3A_268 = arith.remsi %while3A_203, %jit3A_251 : i32
          %ne3A_269 = arith.constant 0 : i32
          %ne3A_270 = arith.cmpi ne, %rem3A_268, %ne3A_269 : i32
          %and3A_271 = arith.andi %ne3A_267, %ne3A_270 : i1
          %sub3A_272 = arith.constant 1 : i32
          %sub3A_273 = arith.subi %div3A_252, %sub3A_272 : i32
          %select_n3A_274 = arith.select %and3A_271, %sub3A_273, %div3A_252 : i32
          %and3A_275 = arith.constant 1 : i32
          %and3A_276 = arith.andi %select_n3A_274, %and3A_275 : i32
          %multiple_of3A_277 = tpu.assume_multiple %and3A_250, 8 : i32
          %mul3A_278 = arith.constant 256 : i32
          %mul3A_279 = arith.muli %and3A_276, %mul3A_278 : i32
          %dma_wait3A_280 = arith.constant 0 : i32
          %dma_wait3A_281 = tpu.memref_slice %arg10[%mul3A_279, %dma_wait3A_280] : memref<512x64xbf16, #tpu.memory_space<vmem>> -> memref<256x64xbf16, #tpu.memory_space<vmem>>
          %dma_wait3A_282 = tpu.memref_slice %arg8[%multiple_of3A_277] : memref<16384xi32, #tpu.memory_space<vmem>> -> memref<256xi32, #tpu.memory_space<vmem>>
          %dma_wait3A_283 = arith.constant 0 : i32
          %dma_wait3A_284 = arith.constant 0 : i32
          %dma_wait3A_285 = tpu.memref_slice %arg2[%dma_wait3A_283, %dma_wait3A_284] : memref<50000x64xbf16, #tpu.memory_space<hbm>> -> memref<50000x64xbf16, #tpu.memory_space<hbm>>
          tpu.wait_indirect_dma semaphore(%arg13 : memref<!tpu.dma_semaphore, #tpu.memory_space<semaphore_mem>>) src(%dma_wait3A_285 : memref<50000x64xbf16, #tpu.memory_space<hbm>>) dst(%dma_wait3A_281 : memref<256x64xbf16, #tpu.memory_space<vmem>>)
          %and3A_286 = arith.constant 16383 : i32
          %and3A_287 = arith.andi %while3A_203, %and3A_286 : i32
          %jit3A_288 = arith.constant 256 : i32
          %div3A_289 = arith.divsi %while3A_203, %jit3A_288 : i32
          %sign3A_290 = arith.constant 0 : i32
          %sign3A_291 = arith.cmpi sgt, %while3A_203, %sign3A_290 : i32
          %sign3A_292 = arith.extui %sign3A_291 : i1 to i32
          %sign3A_293 = arith.constant 0 : i32
          %sign3A_294 = arith.cmpi slt, %while3A_203, %sign3A_293 : i32
          %sign3A_295 = arith.extui %sign3A_294 : i1 to i32
          %sign3A_296 = arith.subi %sign3A_292, %sign3A_295 : i32
          %sign3A_297 = arith.constant 0 : i32
          %sign3A_298 = arith.cmpi sgt, %jit3A_288, %sign3A_297 : i32
          %sign3A_299 = arith.extui %sign3A_298 : i1 to i32
          %sign3A_300 = arith.constant 0 : i32
          %sign3A_301 = arith.cmpi slt, %jit3A_288, %sign3A_300 : i32
          %sign3A_302 = arith.extui %sign3A_301 : i1 to i32
          %sign3A_303 = arith.subi %sign3A_299, %sign3A_302 : i32
          %ne3A_304 = arith.cmpi ne, %sign3A_296, %sign3A_303 : i32
          %rem3A_305 = arith.remsi %while3A_203, %jit3A_288 : i32
          %ne3A_306 = arith.constant 0 : i32
          %ne3A_307 = arith.cmpi ne, %rem3A_305, %ne3A_306 : i32
          %and3A_308 = arith.andi %ne3A_304, %ne3A_307 : i1
          %sub3A_309 = arith.constant 1 : i32
          %sub3A_310 = arith.subi %div3A_289, %sub3A_309 : i32
          %select_n3A_311 = arith.select %and3A_308, %sub3A_310, %div3A_289 : i32
          %and3A_312 = arith.constant 1 : i32
          %and3A_313 = arith.andi %select_n3A_311, %and3A_312 : i32
          %scan3A_314 = arith.constant 0 : i32
          %scan3A_315 = arith.constant 0 : i32
          %scan3A_316 = arith.constant 16 : i32
          %scan3A_317 = arith.addi %scan3A_315, %scan3A_316 : i32
          %scan3A_318 = arith.constant 2 : i32
          %scan3A_319 = scf.for %scan3A_321 = %scan3A_315 to %scan3A_317 step %scan3A_318 iter_args(%scan3A_322 = %scan3A_314) -> (i32)  : i32 {
            %mul3A_323 = arith.constant 16 : i32
            %mul3A_324 = arith.muli %scan3A_321, %mul3A_323 : i32
            %add3A_325 = arith.addi %and3A_287, %mul3A_324 : i32
            %get3A_326 = arith.index_cast %add3A_325 : i32 to index
            %get3A_327 = tpu.vector_load %arg9[%get3A_326] {strides = array<i32>} : memref<16400xi32, #tpu.memory_space<vmem>>, vector<16xi32>,
            %mul3A_328 = arith.constant 64 : i32
            %mul3A_329 = vector.broadcast %mul3A_328 : i32 to vector<16xi32>
            %mul3A_330 = arith.muli %get3A_327, %mul3A_329 : vector<16xi32>
            %slice3A_331 = vector.extract_strided_slice %mul3A_330 {offsets = [0], sizes = [1], strides = [1]} : vector<16xi32> to vector<1xi32>
            %squeeze3A_332 = vector.extract %slice3A_331[0] : i32 from vector<1xi32>
            %mul3A_333 = arith.constant 256 : i32
            %mul3A_334 = arith.muli %and3A_313, %mul3A_333 : i32
            %mul3A_335 = arith.constant 16 : i32
            %mul3A_336 = arith.muli %scan3A_321, %mul3A_335 : i32
            %add3A_337 = arith.addi %mul3A_334, %mul3A_336 : i32
            %add3A_338 = arith.constant 0 : i32
            %add3A_339 = arith.addi %add3A_337, %add3A_338 : i32
            %get3A_340 = arith.index_cast %squeeze3A_332 : i32 to index
            %get3A_341 = tpu.vector_load %arg6[%get3A_340] {strides = array<i32>} : memref<100352xbf16, #tpu.memory_space<vmem>>, vector<32xbf16>,
            %get3A_342 = arith.index_cast %add3A_339 : i32 to index
            %get3A_343 = arith.constant 0 : index
            %get3A_344 = tpu.vector_load %arg10[%get3A_342, %get3A_343] {strides = array<i32>} : memref<512x64xbf16, #tpu.memory_space<vmem>>, vector<32xbf16>,
            %max3A = arith.maximumf %get3A_341, %get3A_344 : vector<32xbf16>
            %swap3A = arith.index_cast %squeeze3A_332 : i32 to index
            %swap3A_345 = tpu.vector_load %arg6[%swap3A] {strides = array<i32>} : memref<100352xbf16, #tpu.memory_space<vmem>>, vector<32xbf16>,
            tpu.vector_store %arg6[%swap3A], %max3A {strides = array<i32>} : memref<100352xbf16, #tpu.memory_space<vmem>>, vector<32xbf16>,
            %add3A_346 = arith.constant 32 : i32
            %add3A_347 = arith.addi %squeeze3A_332, %add3A_346 : i32
            %get3A_348 = arith.index_cast %add3A_347 : i32 to index
            %get3A_349 = tpu.vector_load %arg6[%get3A_348] {strides = array<i32>} : memref<100352xbf16, #tpu.memory_space<vmem>>, vector<32xbf16>,
            %get3A_350 = arith.index_cast %add3A_339 : i32 to index
            %get3A_351 = arith.constant 32 : index
            %get3A_352 = tpu.vector_load %arg10[%get3A_350, %get3A_351] {strides = array<i32>} : memref<512x64xbf16, #tpu.memory_space<vmem>>, vector<32xbf16>,
            %max3A_353 = arith.maximumf %get3A_349, %get3A_352 : vector<32xbf16>
            %add3A_354 = arith.constant 32 : i32
            %add3A_355 = arith.addi %squeeze3A_332, %add3A_354 : i32
            %swap3A_356 = arith.index_cast %add3A_355 : i32 to index
            %swap3A_357 = tpu.vector_load %arg6[%swap3A_356] {strides = array<i32>} : memref<100352xbf16, #tpu.memory_space<vmem>>, vector<32xbf16>,
            tpu.vector_store %arg6[%swap3A_356], %max3A_353 {strides = array<i32>} : memref<100352xbf16, #tpu.memory_space<vmem>>, vector<32xbf16>,
            %slice3A_358 = vector.extract_strided_slice %mul3A_330 {offsets = [1], sizes = [1], strides = [1]} : vector<16xi32> to vector<1xi32>
            %squeeze3A_359 = vector.extract %slice3A_358[0] : i32 from vector<1xi32>
            %mul3A_360 = arith.constant 256 : i32
            %mul3A_361 = arith.muli %and3A_313, %mul3A_360 : i32
            %mul3A_362 = arith.constant 16 : i32
            %mul3A_363 = arith.muli %scan3A_321, %mul3A_362 : i32
            %add3A_364 = arith.addi %mul3A_361, %mul3A_363 : i32
            %add3A_365 = arith.constant 1 : i32
            %add3A_366 = arith.addi %add3A_364, %add3A_365 : i32
            %get3A_367 = arith.index_cast %squeeze3A_359 : i32 to index
            %get3A_368 = tpu.vector_load %arg6[%get3A_367] {strides = array<i32>} : memref<100352xbf16, #tpu.memory_space<vmem>>, vector<32xbf16>,
            %get3A_369 = arith.index_cast %add3A_366 : i32 to index
            %get3A_370 = arith.constant 0 : index
            %get3A_371 = tpu.vector_load %arg10[%get3A_369, %get3A_370] {strides = array<i32>} : memref<512x64xbf16, #tpu.memory_space<vmem>>, vector<32xbf16>,
            %max3A_372 = arith.maximumf %get3A_368, %get3A_371 : vector<32xbf16>
            %swap3A_373 = arith.index_cast %squeeze3A_359 : i32 to index
            %swap3A_374 = tpu.vector_load %arg6[%swap3A_373] {strides = array<i32>} : memref<100352xbf16, #tpu.memory_space<vmem>>, vector<32xbf16>,
            tpu.vector_store %arg6[%swap3A_373], %max3A_372 {strides = array<i32>} : memref<100352xbf16, #tpu.memory_space<vmem>>, vector<32xbf16>,
            %add3A_375 = arith.constant 32 : i32
            %add3A_376 = arith.addi %squeeze3A_359, %add3A_375 : i32
            %get3A_377 = arith.index_cast %add3A_376 : i32 to index
            %get3A_378 = tpu.vector_load %arg6[%get3A_377] {strides = array<i32>} : memref<100352xbf16, #tpu.memory_space<vmem>>, vector<32xbf16>,
            %get3A_379 = arith.index_cast %add3A_366 : i32 to index
            %get3A_380 = arith.constant 32 : index
            %get3A_381 = tpu.vector_load %arg10[%get3A_379, %get3A_380] {strides = array<i32>} : memref<512x64xbf16, #tpu.memory_space<vmem>>, vector<32xbf16>,
            %max3A_382 = arith.maximumf %get3A_378, %get3A_381 : vector<32xbf16>
            %add3A_383 = arith.constant 32 : i32
            %add3A_384 = arith.addi %squeeze3A_359, %add3A_383 : i32
            %swap3A_385 = arith.index_cast %add3A_384 : i32 to index
            %swap3A_386 = tpu.vector_load %arg6[%swap3A_385] {strides = array<i32>} : memref<100352xbf16, #tpu.memory_space<vmem>>, vector<32xbf16>,
            tpu.vector_store %arg6[%swap3A_385], %max3A_382 {strides = array<i32>} : memref<100352xbf16, #tpu.memory_space<vmem>>, vector<32xbf16>,
            %slice3A_387 = vector.extract_strided_slice %mul3A_330 {offsets = [2], sizes = [1], strides = [1]} : vector<16xi32> to vector<1xi32>
            %squeeze3A_388 = vector.extract %slice3A_387[0] : i32 from vector<1xi32>
            %mul3A_389 = arith.constant 256 : i32
            %mul3A_390 = arith.muli %and3A_313, %mul3A_389 : i32
            %mul3A_391 = arith.constant 16 : i32
            %mul3A_392 = arith.muli %scan3A_321, %mul3A_391 : i32
            %add3A_393 = arith.addi %mul3A_390, %mul3A_392 : i32
            %add3A_394 = arith.constant 2 : i32
            %add3A_395 = arith.addi %add3A_393, %add3A_394 : i32
            %get3A_396 = arith.index_cast %squeeze3A_388 : i32 to index
            %get3A_397 = tpu.vector_load %arg6[%get3A_396] {strides = array<i32>} : memref<100352xbf16, #tpu.memory_space<vmem>>, vector<32xbf16>,
            %get3A_398 = arith.index_cast %add3A_395 : i32 to index
            %get3A_399 = arith.constant 0 : index
            %get3A_400 = tpu.vector_load %arg10[%get3A_398, %get3A_399] {strides = array<i32>} : memref<512x64xbf16, #tpu.memory_space<vmem>>, vector<32xbf16>,
            %max3A_401 = arith.maximumf %get3A_397, %get3A_400 : vector<32xbf16>
            %swap3A_402 = arith.index_cast %squeeze3A_388 : i32 to index
            %swap3A_403 = tpu.vector_load %arg6[%swap3A_402] {strides = array<i32>} : memref<100352xbf16, #tpu.memory_space<vmem>>, vector<32xbf16>,
            tpu.vector_store %arg6[%swap3A_402], %max3A_401 {strides = array<i32>} : memref<100352xbf16, #tpu.memory_space<vmem>>, vector<32xbf16>,
            %add3A_404 = arith.constant 32 : i32
            %add3A_405 = arith.addi %squeeze3A_388, %add3A_404 : i32
            %get3A_406 = arith.index_cast %add3A_405 : i32 to index
            %get3A_407 = tpu.vector_load %arg6[%get3A_406] {strides = array<i32>} : memref<100352xbf16, #tpu.memory_space<vmem>>, vector<32xbf16>,
            %get3A_408 = arith.index_cast %add3A_395 : i32 to index
            %get3A_409 = arith.constant 32 : index
            %get3A_410 = tpu.vector_load %arg10[%get3A_408, %get3A_409] {strides = array<i32>} : memref<512x64xbf16, #tpu.memory_space<vmem>>, vector<32xbf16>,
            %max3A_411 = arith.maximumf %get3A_407, %get3A_410 : vector<32xbf16>
            %add3A_412 = arith.constant 32 : i32
            %add3A_413 = arith.addi %squeeze3A_388, %add3A_412 : i32
            %swap3A_414 = arith.index_cast %add3A_413 : i32 to index
            %swap3A_415 = tpu.vector_load %arg6[%swap3A_414] {strides = array<i32>} : memref<100352xbf16, #tpu.memory_space<vmem>>, vector<32xbf16>,
            tpu.vector_store %arg6[%swap3A_414], %max3A_411 {strides = array<i32>} : memref<100352xbf16, #tpu.memory_space<vmem>>, vector<32xbf16>,
            %slice3A_416 = vector.extract_strided_slice %mul3A_330 {offsets = [3], sizes = [1], strides = [1]} : vector<16xi32> to vector<1xi32>
            %squeeze3A_417 = vector.extract %slice3A_416[0] : i32 from vector<1xi32>
            %mul3A_418 = arith.constant 256 : i32
            %mul3A_419 = arith.muli %and3A_313, %mul3A_418 : i32
            %mul3A_420 = arith.constant 16 : i32
            %mul3A_421 = arith.muli %scan3A_321, %mul3A_420 : i32
            %add3A_422 = arith.addi %mul3A_419, %mul3A_421 : i32
            %add3A_423 = arith.constant 3 : i32
            %add3A_424 = arith.addi %add3A_422, %add3A_423 : i32
            %get3A_425 = arith.index_cast %squeeze3A_417 : i32 to index
            %get3A_426 = tpu.vector_load %arg6[%get3A_425] {strides = array<i32>} : memref<100352xbf16, #tpu.memory_space<vmem>>, vector<32xbf16>,
            %get3A_427 = arith.index_cast %add3A_424 : i32 to index
            %get3A_428 = arith.constant 0 : index
            %get3A_429 = tpu.vector_load %arg10[%get3A_427, %get3A_428] {strides = array<i32>} : memref<512x64xbf16, #tpu.memory_space<vmem>>, vector<32xbf16>,
            %max3A_430 = arith.maximumf %get3A_426, %get3A_429 : vector<32xbf16>
            %swap3A_431 = arith.index_cast %squeeze3A_417 : i32 to index
            %swap3A_432 = tpu.vector_load %arg6[%swap3A_431] {strides = array<i32>} : memref<100352xbf16, #tpu.memory_space<vmem>>, vector<32xbf16>,
            tpu.vector_store %arg6[%swap3A_431], %max3A_430 {strides = array<i32>} : memref<100352xbf16, #tpu.memory_space<vmem>>, vector<32xbf16>,
            %add3A_433 = arith.constant 32 : i32
            %add3A_434 = arith.addi %squeeze3A_417, %add3A_433 : i32
            %get3A_435 = arith.index_cast %add3A_434 : i32 to index
            %get3A_436 = tpu.vector_load %arg6[%get3A_435] {strides = array<i32>} : memref<100352xbf16, #tpu.memory_space<vmem>>, vector<32xbf16>,
            %get3A_437 = arith.index_cast %add3A_424 : i32 to index
            %get3A_438 = arith.constant 32 : index
            %get3A_439 = tpu.vector_load %arg10[%get3A_437, %get3A_438] {strides = array<i32>} : memref<512x64xbf16, #tpu.memory_space<vmem>>, vector<32xbf16>,
            %max3A_440 = arith.maximumf %get3A_436, %get3A_439 : vector<32xbf16>
            %add3A_441 = arith.constant 32 : i32
            %add3A_442 = arith.addi %squeeze3A_417, %add3A_441 : i32
            %swap3A_443 = arith.index_cast %add3A_442 : i32 to index
            %swap3A_444 = tpu.vector_load %arg6[%swap3A_443] {strides = array<i32>} : memref<100352xbf16, #tpu.memory_space<vmem>>, vector<32xbf16>,
            tpu.vector_store %arg6[%swap3A_443], %max3A_440 {strides = array<i32>} : memref<100352xbf16, #tpu.memory_space<vmem>>, vector<32xbf16>,
            %slice3A_445 = vector.extract_strided_slice %mul3A_330 {offsets = [4], sizes = [1], strides = [1]} : vector<16xi32> to vector<1xi32>
            %squeeze3A_446 = vector.extract %slice3A_445[0] : i32 from vector<1xi32>
            %mul3A_447 = arith.constant 256 : i32
            %mul3A_448 = arith.muli %and3A_313, %mul3A_447 : i32
            %mul3A_449 = arith.constant 16 : i32
            %mul3A_450 = arith.muli %scan3A_321, %mul3A_449 : i32
            %add3A_451 = arith.addi %mul3A_448, %mul3A_450 : i32
            %add3A_452 = arith.constant 4 : i32
            %add3A_453 = arith.addi %add3A_451, %add3A_452 : i32
            %get3A_454 = arith.index_cast %squeeze3A_446 : i32 to index
            %get3A_455 = tpu.vector_load %arg6[%get3A_454] {strides = array<i32>} : memref<100352xbf16, #tpu.memory_space<vmem>>, vector<32xbf16>,
            %get3A_456 = arith.index_cast %add3A_453 : i32 to index
            %get3A_457 = arith.constant 0 : index
            %get3A_458 = tpu.vector_load %arg10[%get3A_456, %get3A_457] {strides = array<i32>} : memref<512x64xbf16, #tpu.memory_space<vmem>>, vector<32xbf16>,
            %max3A_459 = arith.maximumf %get3A_455, %get3A_458 : vector<32xbf16>
            %swap3A_460 = arith.index_cast %squeeze3A_446 : i32 to index
            %swap3A_461 = tpu.vector_load %arg6[%swap3A_460] {strides = array<i32>} : memref<100352xbf16, #tpu.memory_space<vmem>>, vector<32xbf16>,
            tpu.vector_store %arg6[%swap3A_460], %max3A_459 {strides = array<i32>} : memref<100352xbf16, #tpu.memory_space<vmem>>, vector<32xbf16>,
            %add3A_462 = arith.constant 32 : i32
            %add3A_463 = arith.addi %squeeze3A_446, %add3A_462 : i32
            %get3A_464 = arith.index_cast %add3A_463 : i32 to index
            %get3A_465 = tpu.vector_load %arg6[%get3A_464] {strides = array<i32>} : memref<100352xbf16, #tpu.memory_space<vmem>>, vector<32xbf16>,
            %get3A_466 = arith.index_cast %add3A_453 : i32 to index
            %get3A_467 = arith.constant 32 : index
            %get3A_468 = tpu.vector_load %arg10[%get3A_466, %get3A_467] {strides = array<i32>} : memref<512x64xbf16, #tpu.memory_space<vmem>>, vector<32xbf16>,
            %max3A_469 = arith.maximumf %get3A_465, %get3A_468 : vector<32xbf16>
            %add3A_470 = arith.constant 32 : i32
            %add3A_471 = arith.addi %squeeze3A_446, %add3A_470 : i32
            %swap3A_472 = arith.index_cast %add3A_471 : i32 to index
            %swap3A_473 = tpu.vector_load %arg6[%swap3A_472] {strides = array<i32>} : memref<100352xbf16, #tpu.memory_space<vmem>>, vector<32xbf16>,
            tpu.vector_store %arg6[%swap3A_472], %max3A_469 {strides = array<i32>} : memref<100352xbf16, #tpu.memory_space<vmem>>, vector<32xbf16>,
            %slice3A_474 = vector.extract_strided_slice %mul3A_330 {offsets = [5], sizes = [1], strides = [1]} : vector<16xi32> to vector<1xi32>
            %squeeze3A_475 = vector.extract %slice3A_474[0] : i32 from vector<1xi32>
            %mul3A_476 = arith.constant 256 : i32
            %mul3A_477 = arith.muli %and3A_313, %mul3A_476 : i32
            %mul3A_478 = arith.constant 16 : i32
            %mul3A_479 = arith.muli %scan3A_321, %mul3A_478 : i32
            %add3A_480 = arith.addi %mul3A_477, %mul3A_479 : i32
            %add3A_481 = arith.constant 5 : i32
            %add3A_482 = arith.addi %add3A_480, %add3A_481 : i32
            %get3A_483 = arith.index_cast %squeeze3A_475 : i32 to index
            %get3A_484 = tpu.vector_load %arg6[%get3A_483] {strides = array<i32>} : memref<100352xbf16, #tpu.memory_space<vmem>>, vector<32xbf16>,
            %get3A_485 = arith.index_cast %add3A_482 : i32 to index
            %get3A_486 = arith.constant 0 : index
            %get3A_487 = tpu.vector_load %arg10[%get3A_485, %get3A_486] {strides = array<i32>} : memref<512x64xbf16, #tpu.memory_space<vmem>>, vector<32xbf16>,
            %max3A_488 = arith.maximumf %get3A_484, %get3A_487 : vector<32xbf16>
            %swap3A_489 = arith.index_cast %squeeze3A_475 : i32 to index
            %swap3A_490 = tpu.vector_load %arg6[%swap3A_489] {strides = array<i32>} : memref<100352xbf16, #tpu.memory_space<vmem>>, vector<32xbf16>,
            tpu.vector_store %arg6[%swap3A_489], %max3A_488 {strides = array<i32>} : memref<100352xbf16, #tpu.memory_space<vmem>>, vector<32xbf16>,
            %add3A_491 = arith.constant 32 : i32
            %add3A_492 = arith.addi %squeeze3A_475, %add3A_491 : i32
            %get3A_493 = arith.index_cast %add3A_492 : i32 to index
            %get3A_494 = tpu.vector_load %arg6[%get3A_493] {strides = array<i32>} : memref<100352xbf16, #tpu.memory_space<vmem>>, vector<32xbf16>,
            %get3A_495 = arith.index_cast %add3A_482 : i32 to index
            %get3A_496 = arith.constant 32 : index
            %get3A_497 = tpu.vector_load %arg10[%get3A_495, %get3A_496] {strides = array<i32>} : memref<512x64xbf16, #tpu.memory_space<vmem>>, vector<32xbf16>,
            %max3A_498 = arith.maximumf %get3A_494, %get3A_497 : vector<32xbf16>
            %add3A_499 = arith.constant 32 : i32
            %add3A_500 = arith.addi %squeeze3A_475, %add3A_499 : i32
            %swap3A_501 = arith.index_cast %add3A_500 : i32 to index
            %swap3A_502 = tpu.vector_load %arg6[%swap3A_501] {strides = array<i32>} : memref<100352xbf16, #tpu.memory_space<vmem>>, vector<32xbf16>,
            tpu.vector_store %arg6[%swap3A_501], %max3A_498 {strides = array<i32>} : memref<100352xbf16, #tpu.memory_space<vmem>>, vector<32xbf16>,
            %slice3A_503 = vector.extract_strided_slice %mul3A_330 {offsets = [6], sizes = [1], strides = [1]} : vector<16xi32> to vector<1xi32>
            %squeeze3A_504 = vector.extract %slice3A_503[0] : i32 from vector<1xi32>
            %mul3A_505 = arith.constant 256 : i32
            %mul3A_506 = arith.muli %and3A_313, %mul3A_505 : i32
            %mul3A_507 = arith.constant 16 : i32
            %mul3A_508 = arith.muli %scan3A_321, %mul3A_507 : i32
            %add3A_509 = arith.addi %mul3A_506, %mul3A_508 : i32
            %add3A_510 = arith.constant 6 : i32
            %add3A_511 = arith.addi %add3A_509, %add3A_510 : i32
            %get3A_512 = arith.index_cast %squeeze3A_504 : i32 to index
            %get3A_513 = tpu.vector_load %arg6[%get3A_512] {strides = array<i32>} : memref<100352xbf16, #tpu.memory_space<vmem>>, vector<32xbf16>,
            %get3A_514 = arith.index_cast %add3A_511 : i32 to index
            %get3A_515 = arith.constant 0 : index
            %get3A_516 = tpu.vector_load %arg10[%get3A_514, %get3A_515] {strides = array<i32>} : memref<512x64xbf16, #tpu.memory_space<vmem>>, vector<32xbf16>,
            %max3A_517 = arith.maximumf %get3A_513, %get3A_516 : vector<32xbf16>
            %swap3A_518 = arith.index_cast %squeeze3A_504 : i32 to index
            %swap3A_519 = tpu.vector_load %arg6[%swap3A_518] {strides = array<i32>} : memref<100352xbf16, #tpu.memory_space<vmem>>, vector<32xbf16>,
            tpu.vector_store %arg6[%swap3A_518], %max3A_517 {strides = array<i32>} : memref<100352xbf16, #tpu.memory_space<vmem>>, vector<32xbf16>,
            %add3A_520 = arith.constant 32 : i32
            %add3A_521 = arith.addi %squeeze3A_504, %add3A_520 : i32
            %get3A_522 = arith.index_cast %add3A_521 : i32 to index
            %get3A_523 = tpu.vector_load %arg6[%get3A_522] {strides = array<i32>} : memref<100352xbf16, #tpu.memory_space<vmem>>, vector<32xbf16>,
            %get3A_524 = arith.index_cast %add3A_511 : i32 to index
            %get3A_525 = arith.constant 32 : index
            %get3A_526 = tpu.vector_load %arg10[%get3A_524, %get3A_525] {strides = array<i32>} : memref<512x64xbf16, #tpu.memory_space<vmem>>, vector<32xbf16>,
            %max3A_527 = arith.maximumf %get3A_523, %get3A_526 : vector<32xbf16>
            %add3A_528 = arith.constant 32 : i32
            %add3A_529 = arith.addi %squeeze3A_504, %add3A_528 : i32
            %swap3A_530 = arith.index_cast %add3A_529 : i32 to index
            %swap3A_531 = tpu.vector_load %arg6[%swap3A_530] {strides = array<i32>} : memref<100352xbf16, #tpu.memory_space<vmem>>, vector<32xbf16>,
            tpu.vector_store %arg6[%swap3A_530], %max3A_527 {strides = array<i32>} : memref<100352xbf16, #tpu.memory_space<vmem>>, vector<32xbf16>,
            %slice3A_532 = vector.extract_strided_slice %mul3A_330 {offsets = [7], sizes = [1], strides = [1]} : vector<16xi32> to vector<1xi32>
            %squeeze3A_533 = vector.extract %slice3A_532[0] : i32 from vector<1xi32>
            %mul3A_534 = arith.constant 256 : i32
            %mul3A_535 = arith.muli %and3A_313, %mul3A_534 : i32
            %mul3A_536 = arith.constant 16 : i32
            %mul3A_537 = arith.muli %scan3A_321, %mul3A_536 : i32
            %add3A_538 = arith.addi %mul3A_535, %mul3A_537 : i32
            %add3A_539 = arith.constant 7 : i32
            %add3A_540 = arith.addi %add3A_538, %add3A_539 : i32
            %get3A_541 = arith.index_cast %squeeze3A_533 : i32 to index
            %get3A_542 = tpu.vector_load %arg6[%get3A_541] {strides = array<i32>} : memref<100352xbf16, #tpu.memory_space<vmem>>, vector<32xbf16>,
            %get3A_543 = arith.index_cast %add3A_540 : i32 to index
            %get3A_544 = arith.constant 0 : index
            %get3A_545 = tpu.vector_load %arg10[%get3A_543, %get3A_544] {strides = array<i32>} : memref<512x64xbf16, #tpu.memory_space<vmem>>, vector<32xbf16>,
            %max3A_546 = arith.maximumf %get3A_542, %get3A_545 : vector<32xbf16>
            %swap3A_547 = arith.index_cast %squeeze3A_533 : i32 to index
            %swap3A_548 = tpu.vector_load %arg6[%swap3A_547] {strides = array<i32>} : memref<100352xbf16, #tpu.memory_space<vmem>>, vector<32xbf16>,
            tpu.vector_store %arg6[%swap3A_547], %max3A_546 {strides = array<i32>} : memref<100352xbf16, #tpu.memory_space<vmem>>, vector<32xbf16>,
            %add3A_549 = arith.constant 32 : i32
            %add3A_550 = arith.addi %squeeze3A_533, %add3A_549 : i32
            %get3A_551 = arith.index_cast %add3A_550 : i32 to index
            %get3A_552 = tpu.vector_load %arg6[%get3A_551] {strides = array<i32>} : memref<100352xbf16, #tpu.memory_space<vmem>>, vector<32xbf16>,
            %get3A_553 = arith.index_cast %add3A_540 : i32 to index
            %get3A_554 = arith.constant 32 : index
            %get3A_555 = tpu.vector_load %arg10[%get3A_553, %get3A_554] {strides = array<i32>} : memref<512x64xbf16, #tpu.memory_space<vmem>>, vector<32xbf16>,
            %max3A_556 = arith.maximumf %get3A_552, %get3A_555 : vector<32xbf16>
            %add3A_557 = arith.constant 32 : i32
            %add3A_558 = arith.addi %squeeze3A_533, %add3A_557 : i32
            %swap3A_559 = arith.index_cast %add3A_558 : i32 to index
            %swap3A_560 = tpu.vector_load %arg6[%swap3A_559] {strides = array<i32>} : memref<100352xbf16, #tpu.memory_space<vmem>>, vector<32xbf16>,
            tpu.vector_store %arg6[%swap3A_559], %max3A_556 {strides = array<i32>} : memref<100352xbf16, #tpu.memory_space<vmem>>, vector<32xbf16>,
            %slice3A_561 = vector.extract_strided_slice %mul3A_330 {offsets = [8], sizes = [1], strides = [1]} : vector<16xi32> to vector<1xi32>
            %squeeze3A_562 = vector.extract %slice3A_561[0] : i32 from vector<1xi32>
            %mul3A_563 = arith.constant 256 : i32
            %mul3A_564 = arith.muli %and3A_313, %mul3A_563 : i32
            %mul3A_565 = arith.constant 16 : i32
            %mul3A_566 = arith.muli %scan3A_321, %mul3A_565 : i32
            %add3A_567 = arith.addi %mul3A_564, %mul3A_566 : i32
            %add3A_568 = arith.constant 8 : i32
            %add3A_569 = arith.addi %add3A_567, %add3A_568 : i32
            %get3A_570 = arith.index_cast %squeeze3A_562 : i32 to index
            %get3A_571 = tpu.vector_load %arg6[%get3A_570] {strides = array<i32>} : memref<100352xbf16, #tpu.memory_space<vmem>>, vector<32xbf16>,
            %get3A_572 = arith.index_cast %add3A_569 : i32 to index
            %get3A_573 = arith.constant 0 : index
            %get3A_574 = tpu.vector_load %arg10[%get3A_572, %get3A_573] {strides = array<i32>} : memref<512x64xbf16, #tpu.memory_space<vmem>>, vector<32xbf16>,
            %max3A_575 = arith.maximumf %get3A_571, %get3A_574 : vector<32xbf16>
            %swap3A_576 = arith.index_cast %squeeze3A_562 : i32 to index
            %swap3A_577 = tpu.vector_load %arg6[%swap3A_576] {strides = array<i32>} : memref<100352xbf16, #tpu.memory_space<vmem>>, vector<32xbf16>,
            tpu.vector_store %arg6[%swap3A_576], %max3A_575 {strides = array<i32>} : memref<100352xbf16, #tpu.memory_space<vmem>>, vector<32xbf16>,
            %add3A_578 = arith.constant 32 : i32
            %add3A_579 = arith.addi %squeeze3A_562, %add3A_578 : i32
            %get3A_580 = arith.index_cast %add3A_579 : i32 to index
            %get3A_581 = tpu.vector_load %arg6[%get3A_580] {strides = array<i32>} : memref<100352xbf16, #tpu.memory_space<vmem>>, vector<32xbf16>,
            %get3A_582 = arith.index_cast %add3A_569 : i32 to index
            %get3A_583 = arith.constant 32 : index
            %get3A_584 = tpu.vector_load %arg10[%get3A_582, %get3A_583] {strides = array<i32>} : memref<512x64xbf16, #tpu.memory_space<vmem>>, vector<32xbf16>,
            %max3A_585 = arith.maximumf %get3A_581, %get3A_584 : vector<32xbf16>
            %add3A_586 = arith.constant 32 : i32
            %add3A_587 = arith.addi %squeeze3A_562, %add3A_586 : i32
            %swap3A_588 = arith.index_cast %add3A_587 : i32 to index
            %swap3A_589 = tpu.vector_load %arg6[%swap3A_588] {strides = array<i32>} : memref<100352xbf16, #tpu.memory_space<vmem>>, vector<32xbf16>,
            tpu.vector_store %arg6[%swap3A_588], %max3A_585 {strides = array<i32>} : memref<100352xbf16, #tpu.memory_space<vmem>>, vector<32xbf16>,
            %slice3A_590 = vector.extract_strided_slice %mul3A_330 {offsets = [9], sizes = [1], strides = [1]} : vector<16xi32> to vector<1xi32>
            %squeeze3A_591 = vector.extract %slice3A_590[0] : i32 from vector<1xi32>
            %mul3A_592 = arith.constant 256 : i32
            %mul3A_593 = arith.muli %and3A_313, %mul3A_592 : i32
            %mul3A_594 = arith.constant 16 : i32
            %mul3A_595 = arith.muli %scan3A_321, %mul3A_594 : i32
            %add3A_596 = arith.addi %mul3A_593, %mul3A_595 : i32
            %add3A_597 = arith.constant 9 : i32
            %add3A_598 = arith.addi %add3A_596, %add3A_597 : i32
            %get3A_599 = arith.index_cast %squeeze3A_591 : i32 to index
            %get3A_600 = tpu.vector_load %arg6[%get3A_599] {strides = array<i32>} : memref<100352xbf16, #tpu.memory_space<vmem>>, vector<32xbf16>,
            %get3A_601 = arith.index_cast %add3A_598 : i32 to index
            %get3A_602 = arith.constant 0 : index
            %get3A_603 = tpu.vector_load %arg10[%get3A_601, %get3A_602] {strides = array<i32>} : memref<512x64xbf16, #tpu.memory_space<vmem>>, vector<32xbf16>,
            %max3A_604 = arith.maximumf %get3A_600, %get3A_603 : vector<32xbf16>
            %swap3A_605 = arith.index_cast %squeeze3A_591 : i32 to index
            %swap3A_606 = tpu.vector_load %arg6[%swap3A_605] {strides = array<i32>} : memref<100352xbf16, #tpu.memory_space<vmem>>, vector<32xbf16>,
            tpu.vector_store %arg6[%swap3A_605], %max3A_604 {strides = array<i32>} : memref<100352xbf16, #tpu.memory_space<vmem>>, vector<32xbf16>,
            %add3A_607 = arith.constant 32 : i32
            %add3A_608 = arith.addi %squeeze3A_591, %add3A_607 : i32
            %get3A_609 = arith.index_cast %add3A_608 : i32 to index
            %get3A_610 = tpu.vector_load %arg6[%get3A_609] {strides = array<i32>} : memref<100352xbf16, #tpu.memory_space<vmem>>, vector<32xbf16>,
            %get3A_611 = arith.index_cast %add3A_598 : i32 to index
            %get3A_612 = arith.constant 32 : index
            %get3A_613 = tpu.vector_load %arg10[%get3A_611, %get3A_612] {strides = array<i32>} : memref<512x64xbf16, #tpu.memory_space<vmem>>, vector<32xbf16>,
            %max3A_614 = arith.maximumf %get3A_610, %get3A_613 : vector<32xbf16>
            %add3A_615 = arith.constant 32 : i32
            %add3A_616 = arith.addi %squeeze3A_591, %add3A_615 : i32
            %swap3A_617 = arith.index_cast %add3A_616 : i32 to index
            %swap3A_618 = tpu.vector_load %arg6[%swap3A_617] {strides = array<i32>} : memref<100352xbf16, #tpu.memory_space<vmem>>, vector<32xbf16>,
            tpu.vector_store %arg6[%swap3A_617], %max3A_614 {strides = array<i32>} : memref<100352xbf16, #tpu.memory_space<vmem>>, vector<32xbf16>,
            %slice3A_619 = vector.extract_strided_slice %mul3A_330 {offsets = [10], sizes = [1], strides = [1]} : vector<16xi32> to vector<1xi32>
            %squeeze3A_620 = vector.extract %slice3A_619[0] : i32 from vector<1xi32>
            %mul3A_621 = arith.constant 256 : i32
            %mul3A_622 = arith.muli %and3A_313, %mul3A_621 : i32
            %mul3A_623 = arith.constant 16 : i32
            %mul3A_624 = arith.muli %scan3A_321, %mul3A_623 : i32
            %add3A_625 = arith.addi %mul3A_622, %mul3A_624 : i32
            %add3A_626 = arith.constant 10 : i32
            %add3A_627 = arith.addi %add3A_625, %add3A_626 : i32
            %get3A_628 = arith.index_cast %squeeze3A_620 : i32 to index
            %get3A_629 = tpu.vector_load %arg6[%get3A_628] {strides = array<i32>} : memref<100352xbf16, #tpu.memory_space<vmem>>, vector<32xbf16>,
            %get3A_630 = arith.index_cast %add3A_627 : i32 to index
            %get3A_631 = arith.constant 0 : index
            %get3A_632 = tpu.vector_load %arg10[%get3A_630, %get3A_631] {strides = array<i32>} : memref<512x64xbf16, #tpu.memory_space<vmem>>, vector<32xbf16>,
            %max3A_633 = arith.maximumf %get3A_629, %get3A_632 : vector<32xbf16>
            %swap3A_634 = arith.index_cast %squeeze3A_620 : i32 to index
            %swap3A_635 = tpu.vector_load %arg6[%swap3A_634] {strides = array<i32>} : memref<100352xbf16, #tpu.memory_space<vmem>>, vector<32xbf16>,
            tpu.vector_store %arg6[%swap3A_634], %max3A_633 {strides = array<i32>} : memref<100352xbf16, #tpu.memory_space<vmem>>, vector<32xbf16>,
            %add3A_636 = arith.constant 32 : i32
            %add3A_637 = arith.addi %squeeze3A_620, %add3A_636 : i32
            %get3A_638 = arith.index_cast %add3A_637 : i32 to index
            %get3A_639 = tpu.vector_load %arg6[%get3A_638] {strides = array<i32>} : memref<100352xbf16, #tpu.memory_space<vmem>>, vector<32xbf16>,
            %get3A_640 = arith.index_cast %add3A_627 : i32 to index
            %get3A_641 = arith.constant 32 : index
            %get3A_642 = tpu.vector_load %arg10[%get3A_640, %get3A_641] {strides = array<i32>} : memref<512x64xbf16, #tpu.memory_space<vmem>>, vector<32xbf16>,
            %max3A_643 = arith.maximumf %get3A_639, %get3A_642 : vector<32xbf16>
            %add3A_644 = arith.constant 32 : i32
            %add3A_645 = arith.addi %squeeze3A_620, %add3A_644 : i32
            %swap3A_646 = arith.index_cast %add3A_645 : i32 to index
            %swap3A_647 = tpu.vector_load %arg6[%swap3A_646] {strides = array<i32>} : memref<100352xbf16, #tpu.memory_space<vmem>>, vector<32xbf16>,
            tpu.vector_store %arg6[%swap3A_646], %max3A_643 {strides = array<i32>} : memref<100352xbf16, #tpu.memory_space<vmem>>, vector<32xbf16>,
            %slice3A_648 = vector.extract_strided_slice %mul3A_330 {offsets = [11], sizes = [1], strides = [1]} : vector<16xi32> to vector<1xi32>
            %squeeze3A_649 = vector.extract %slice3A_648[0] : i32 from vector<1xi32>
            %mul3A_650 = arith.constant 256 : i32
            %mul3A_651 = arith.muli %and3A_313, %mul3A_650 : i32
            %mul3A_652 = arith.constant 16 : i32
            %mul3A_653 = arith.muli %scan3A_321, %mul3A_652 : i32
            %add3A_654 = arith.addi %mul3A_651, %mul3A_653 : i32
            %add3A_655 = arith.constant 11 : i32
            %add3A_656 = arith.addi %add3A_654, %add3A_655 : i32
            %get3A_657 = arith.index_cast %squeeze3A_649 : i32 to index
            %get3A_658 = tpu.vector_load %arg6[%get3A_657] {strides = array<i32>} : memref<100352xbf16, #tpu.memory_space<vmem>>, vector<32xbf16>,
            %get3A_659 = arith.index_cast %add3A_656 : i32 to index
            %get3A_660 = arith.constant 0 : index
            %get3A_661 = tpu.vector_load %arg10[%get3A_659, %get3A_660] {strides = array<i32>} : memref<512x64xbf16, #tpu.memory_space<vmem>>, vector<32xbf16>,
            %max3A_662 = arith.maximumf %get3A_658, %get3A_661 : vector<32xbf16>
            %swap3A_663 = arith.index_cast %squeeze3A_649 : i32 to index
            %swap3A_664 = tpu.vector_load %arg6[%swap3A_663] {strides = array<i32>} : memref<100352xbf16, #tpu.memory_space<vmem>>, vector<32xbf16>,
            tpu.vector_store %arg6[%swap3A_663], %max3A_662 {strides = array<i32>} : memref<100352xbf16, #tpu.memory_space<vmem>>, vector<32xbf16>,
            %add3A_665 = arith.constant 32 : i32
            %add3A_666 = arith.addi %squeeze3A_649, %add3A_665 : i32
            %get3A_667 = arith.index_cast %add3A_666 : i32 to index
            %get3A_668 = tpu.vector_load %arg6[%get3A_667] {strides = array<i32>} : memref<100352xbf16, #tpu.memory_space<vmem>>, vector<32xbf16>,
            %get3A_669 = arith.index_cast %add3A_656 : i32 to index
            %get3A_670 = arith.constant 32 : index
            %get3A_671 = tpu.vector_load %arg10[%get3A_669, %get3A_670] {strides = array<i32>} : memref<512x64xbf16, #tpu.memory_space<vmem>>, vector<32xbf16>,
            %max3A_672 = arith.maximumf %get3A_668, %get3A_671 : vector<32xbf16>
            %add3A_673 = arith.constant 32 : i32
            %add3A_674 = arith.addi %squeeze3A_649, %add3A_673 : i32
            %swap3A_675 = arith.index_cast %add3A_674 : i32 to index
            %swap3A_676 = tpu.vector_load %arg6[%swap3A_675] {strides = array<i32>} : memref<100352xbf16, #tpu.memory_space<vmem>>, vector<32xbf16>,
            tpu.vector_store %arg6[%swap3A_675], %max3A_672 {strides = array<i32>} : memref<100352xbf16, #tpu.memory_space<vmem>>, vector<32xbf16>,
            %slice3A_677 = vector.extract_strided_slice %mul3A_330 {offsets = [12], sizes = [1], strides = [1]} : vector<16xi32> to vector<1xi32>
            %squeeze3A_678 = vector.extract %slice3A_677[0] : i32 from vector<1xi32>
            %mul3A_679 = arith.constant 256 : i32
            %mul3A_680 = arith.muli %and3A_313, %mul3A_679 : i32
            %mul3A_681 = arith.constant 16 : i32
            %mul3A_682 = arith.muli %scan3A_321, %mul3A_681 : i32
            %add3A_683 = arith.addi %mul3A_680, %mul3A_682 : i32
            %add3A_684 = arith.constant 12 : i32
            %add3A_685 = arith.addi %add3A_683, %add3A_684 : i32
            %get3A_686 = arith.index_cast %squeeze3A_678 : i32 to index
            %get3A_687 = tpu.vector_load %arg6[%get3A_686] {strides = array<i32>} : memref<100352xbf16, #tpu.memory_space<vmem>>, vector<32xbf16>,
            %get3A_688 = arith.index_cast %add3A_685 : i32 to index
            %get3A_689 = arith.constant 0 : index
            %get3A_690 = tpu.vector_load %arg10[%get3A_688, %get3A_689] {strides = array<i32>} : memref<512x64xbf16, #tpu.memory_space<vmem>>, vector<32xbf16>,
            %max3A_691 = arith.maximumf %get3A_687, %get3A_690 : vector<32xbf16>
            %swap3A_692 = arith.index_cast %squeeze3A_678 : i32 to index
            %swap3A_693 = tpu.vector_load %arg6[%swap3A_692] {strides = array<i32>} : memref<100352xbf16, #tpu.memory_space<vmem>>, vector<32xbf16>,
            tpu.vector_store %arg6[%swap3A_692], %max3A_691 {strides = array<i32>} : memref<100352xbf16, #tpu.memory_space<vmem>>, vector<32xbf16>,
            %add3A_694 = arith.constant 32 : i32
            %add3A_695 = arith.addi %squeeze3A_678, %add3A_694 : i32
            %get3A_696 = arith.index_cast %add3A_695 : i32 to index
            %get3A_697 = tpu.vector_load %arg6[%get3A_696] {strides = array<i32>} : memref<100352xbf16, #tpu.memory_space<vmem>>, vector<32xbf16>,
            %get3A_698 = arith.index_cast %add3A_685 : i32 to index
            %get3A_699 = arith.constant 32 : index
            %get3A_700 = tpu.vector_load %arg10[%get3A_698, %get3A_699] {strides = array<i32>} : memref<512x64xbf16, #tpu.memory_space<vmem>>, vector<32xbf16>,
            %max3A_701 = arith.maximumf %get3A_697, %get3A_700 : vector<32xbf16>
            %add3A_702 = arith.constant 32 : i32
            %add3A_703 = arith.addi %squeeze3A_678, %add3A_702 : i32
            %swap3A_704 = arith.index_cast %add3A_703 : i32 to index
            %swap3A_705 = tpu.vector_load %arg6[%swap3A_704] {strides = array<i32>} : memref<100352xbf16, #tpu.memory_space<vmem>>, vector<32xbf16>,
            tpu.vector_store %arg6[%swap3A_704], %max3A_701 {strides = array<i32>} : memref<100352xbf16, #tpu.memory_space<vmem>>, vector<32xbf16>,
            %slice3A_706 = vector.extract_strided_slice %mul3A_330 {offsets = [13], sizes = [1], strides = [1]} : vector<16xi32> to vector<1xi32>
            %squeeze3A_707 = vector.extract %slice3A_706[0] : i32 from vector<1xi32>
            %mul3A_708 = arith.constant 256 : i32
            %mul3A_709 = arith.muli %and3A_313, %mul3A_708 : i32
            %mul3A_710 = arith.constant 16 : i32
            %mul3A_711 = arith.muli %scan3A_321, %mul3A_710 : i32
            %add3A_712 = arith.addi %mul3A_709, %mul3A_711 : i32
            %add3A_713 = arith.constant 13 : i32
            %add3A_714 = arith.addi %add3A_712, %add3A_713 : i32
            %get3A_715 = arith.index_cast %squeeze3A_707 : i32 to index
            %get3A_716 = tpu.vector_load %arg6[%get3A_715] {strides = array<i32>} : memref<100352xbf16, #tpu.memory_space<vmem>>, vector<32xbf16>,
            %get3A_717 = arith.index_cast %add3A_714 : i32 to index
            %get3A_718 = arith.constant 0 : index
            %get3A_719 = tpu.vector_load %arg10[%get3A_717, %get3A_718] {strides = array<i32>} : memref<512x64xbf16, #tpu.memory_space<vmem>>, vector<32xbf16>,
            %max3A_720 = arith.maximumf %get3A_716, %get3A_719 : vector<32xbf16>
            %swap3A_721 = arith.index_cast %squeeze3A_707 : i32 to index
            %swap3A_722 = tpu.vector_load %arg6[%swap3A_721] {strides = array<i32>} : memref<100352xbf16, #tpu.memory_space<vmem>>, vector<32xbf16>,
            tpu.vector_store %arg6[%swap3A_721], %max3A_720 {strides = array<i32>} : memref<100352xbf16, #tpu.memory_space<vmem>>, vector<32xbf16>,
            %add3A_723 = arith.constant 32 : i32
            %add3A_724 = arith.addi %squeeze3A_707, %add3A_723 : i32
            %get3A_725 = arith.index_cast %add3A_724 : i32 to index
            %get3A_726 = tpu.vector_load %arg6[%get3A_725] {strides = array<i32>} : memref<100352xbf16, #tpu.memory_space<vmem>>, vector<32xbf16>,
            %get3A_727 = arith.index_cast %add3A_714 : i32 to index
            %get3A_728 = arith.constant 32 : index
            %get3A_729 = tpu.vector_load %arg10[%get3A_727, %get3A_728] {strides = array<i32>} : memref<512x64xbf16, #tpu.memory_space<vmem>>, vector<32xbf16>,
            %max3A_730 = arith.maximumf %get3A_726, %get3A_729 : vector<32xbf16>
            %add3A_731 = arith.constant 32 : i32
            %add3A_732 = arith.addi %squeeze3A_707, %add3A_731 : i32
            %swap3A_733 = arith.index_cast %add3A_732 : i32 to index
            %swap3A_734 = tpu.vector_load %arg6[%swap3A_733] {strides = array<i32>} : memref<100352xbf16, #tpu.memory_space<vmem>>, vector<32xbf16>,
            tpu.vector_store %arg6[%swap3A_733], %max3A_730 {strides = array<i32>} : memref<100352xbf16, #tpu.memory_space<vmem>>, vector<32xbf16>,
            %slice3A_735 = vector.extract_strided_slice %mul3A_330 {offsets = [14], sizes = [1], strides = [1]} : vector<16xi32> to vector<1xi32>
            %squeeze3A_736 = vector.extract %slice3A_735[0] : i32 from vector<1xi32>
            %mul3A_737 = arith.constant 256 : i32
            %mul3A_738 = arith.muli %and3A_313, %mul3A_737 : i32
            %mul3A_739 = arith.constant 16 : i32
            %mul3A_740 = arith.muli %scan3A_321, %mul3A_739 : i32
            %add3A_741 = arith.addi %mul3A_738, %mul3A_740 : i32
            %add3A_742 = arith.constant 14 : i32
            %add3A_743 = arith.addi %add3A_741, %add3A_742 : i32
            %get3A_744 = arith.index_cast %squeeze3A_736 : i32 to index
            %get3A_745 = tpu.vector_load %arg6[%get3A_744] {strides = array<i32>} : memref<100352xbf16, #tpu.memory_space<vmem>>, vector<32xbf16>,
            %get3A_746 = arith.index_cast %add3A_743 : i32 to index
            %get3A_747 = arith.constant 0 : index
            %get3A_748 = tpu.vector_load %arg10[%get3A_746, %get3A_747] {strides = array<i32>} : memref<512x64xbf16, #tpu.memory_space<vmem>>, vector<32xbf16>,
            %max3A_749 = arith.maximumf %get3A_745, %get3A_748 : vector<32xbf16>
            %swap3A_750 = arith.index_cast %squeeze3A_736 : i32 to index
            %swap3A_751 = tpu.vector_load %arg6[%swap3A_750] {strides = array<i32>} : memref<100352xbf16, #tpu.memory_space<vmem>>, vector<32xbf16>,
            tpu.vector_store %arg6[%swap3A_750], %max3A_749 {strides = array<i32>} : memref<100352xbf16, #tpu.memory_space<vmem>>, vector<32xbf16>,
            %add3A_752 = arith.constant 32 : i32
            %add3A_753 = arith.addi %squeeze3A_736, %add3A_752 : i32
            %get3A_754 = arith.index_cast %add3A_753 : i32 to index
            %get3A_755 = tpu.vector_load %arg6[%get3A_754] {strides = array<i32>} : memref<100352xbf16, #tpu.memory_space<vmem>>, vector<32xbf16>,
            %get3A_756 = arith.index_cast %add3A_743 : i32 to index
            %get3A_757 = arith.constant 32 : index
            %get3A_758 = tpu.vector_load %arg10[%get3A_756, %get3A_757] {strides = array<i32>} : memref<512x64xbf16, #tpu.memory_space<vmem>>, vector<32xbf16>,
            %max3A_759 = arith.maximumf %get3A_755, %get3A_758 : vector<32xbf16>
            %add3A_760 = arith.constant 32 : i32
            %add3A_761 = arith.addi %squeeze3A_736, %add3A_760 : i32
            %swap3A_762 = arith.index_cast %add3A_761 : i32 to index
            %swap3A_763 = tpu.vector_load %arg6[%swap3A_762] {strides = array<i32>} : memref<100352xbf16, #tpu.memory_space<vmem>>, vector<32xbf16>,
            tpu.vector_store %arg6[%swap3A_762], %max3A_759 {strides = array<i32>} : memref<100352xbf16, #tpu.memory_space<vmem>>, vector<32xbf16>,
            %slice3A_764 = vector.extract_strided_slice %mul3A_330 {offsets = [15], sizes = [1], strides = [1]} : vector<16xi32> to vector<1xi32>
            %squeeze3A_765 = vector.extract %slice3A_764[0] : i32 from vector<1xi32>
            %mul3A_766 = arith.constant 256 : i32
            %mul3A_767 = arith.muli %and3A_313, %mul3A_766 : i32
            %mul3A_768 = arith.constant 16 : i32
            %mul3A_769 = arith.muli %scan3A_321, %mul3A_768 : i32
            %add3A_770 = arith.addi %mul3A_767, %mul3A_769 : i32
            %add3A_771 = arith.constant 15 : i32
            %add3A_772 = arith.addi %add3A_770, %add3A_771 : i32
            %get3A_773 = arith.index_cast %squeeze3A_765 : i32 to index
            %get3A_774 = tpu.vector_load %arg6[%get3A_773] {strides = array<i32>} : memref<100352xbf16, #tpu.memory_space<vmem>>, vector<32xbf16>,
            %get3A_775 = arith.index_cast %add3A_772 : i32 to index
            %get3A_776 = arith.constant 0 : index
            %get3A_777 = tpu.vector_load %arg10[%get3A_775, %get3A_776] {strides = array<i32>} : memref<512x64xbf16, #tpu.memory_space<vmem>>, vector<32xbf16>,
            %max3A_778 = arith.maximumf %get3A_774, %get3A_777 : vector<32xbf16>
            %swap3A_779 = arith.index_cast %squeeze3A_765 : i32 to index
            %swap3A_780 = tpu.vector_load %arg6[%swap3A_779] {strides = array<i32>} : memref<100352xbf16, #tpu.memory_space<vmem>>, vector<32xbf16>,
            tpu.vector_store %arg6[%swap3A_779], %max3A_778 {strides = array<i32>} : memref<100352xbf16, #tpu.memory_space<vmem>>, vector<32xbf16>,
            %add3A_781 = arith.constant 32 : i32
            %add3A_782 = arith.addi %squeeze3A_765, %add3A_781 : i32
            %get3A_783 = arith.index_cast %add3A_782 : i32 to index
            %get3A_784 = tpu.vector_load %arg6[%get3A_783] {strides = array<i32>} : memref<100352xbf16, #tpu.memory_space<vmem>>, vector<32xbf16>,
            %get3A_785 = arith.index_cast %add3A_772 : i32 to index
            %get3A_786 = arith.constant 32 : index
            %get3A_787 = tpu.vector_load %arg10[%get3A_785, %get3A_786] {strides = array<i32>} : memref<512x64xbf16, #tpu.memory_space<vmem>>, vector<32xbf16>,
            %max3A_788 = arith.maximumf %get3A_784, %get3A_787 : vector<32xbf16>
            %add3A_789 = arith.constant 32 : i32
            %add3A_790 = arith.addi %squeeze3A_765, %add3A_789 : i32
            %swap3A_791 = arith.index_cast %add3A_790 : i32 to index
            %swap3A_792 = tpu.vector_load %arg6[%swap3A_791] {strides = array<i32>} : memref<100352xbf16, #tpu.memory_space<vmem>>, vector<32xbf16>,
            tpu.vector_store %arg6[%swap3A_791], %max3A_788 {strides = array<i32>} : memref<100352xbf16, #tpu.memory_space<vmem>>, vector<32xbf16>,
            %scan3A_793 = arith.constant 0 : i32
            %scan3A_794 = arith.constant 1 : i32
            %scan3A_795 = arith.addi %scan3A_321, %scan3A_794 : i32
            %mul3A_796 = arith.constant 16 : i32
            %mul3A_797 = arith.muli %scan3A_795, %mul3A_796 : i32
            %add3A_798 = arith.addi %and3A_287, %mul3A_797 : i32
            %get3A_799 = arith.index_cast %add3A_798 : i32 to index
            %get3A_800 = tpu.vector_load %arg9[%get3A_799] {strides = array<i32>} : memref<16400xi32, #tpu.memory_space<vmem>>, vector<16xi32>,
            %mul3A_801 = arith.constant 64 : i32
            %mul3A_802 = vector.broadcast %mul3A_801 : i32 to vector<16xi32>
            %mul3A_803 = arith.muli %get3A_800, %mul3A_802 : vector<16xi32>
            %slice3A_804 = vector.extract_strided_slice %mul3A_803 {offsets = [0], sizes = [1], strides = [1]} : vector<16xi32> to vector<1xi32>
            %squeeze3A_805 = vector.extract %slice3A_804[0] : i32 from vector<1xi32>
            %mul3A_806 = arith.constant 256 : i32
            %mul3A_807 = arith.muli %and3A_313, %mul3A_806 : i32
            %mul3A_808 = arith.constant 16 : i32
            %mul3A_809 = arith.muli %scan3A_795, %mul3A_808 : i32
            %add3A_810 = arith.addi %mul3A_807, %mul3A_809 : i32
            %add3A_811 = arith.constant 0 : i32
            %add3A_812 = arith.addi %add3A_810, %add3A_811 : i32
            %get3A_813 = arith.index_cast %squeeze3A_805 : i32 to index
            %get3A_814 = tpu.vector_load %arg6[%get3A_813] {strides = array<i32>} : memref<100352xbf16, #tpu.memory_space<vmem>>, vector<32xbf16>,
            %get3A_815 = arith.index_cast %add3A_812 : i32 to index
            %get3A_816 = arith.constant 0 : index
            %get3A_817 = tpu.vector_load %arg10[%get3A_815, %get3A_816] {strides = array<i32>} : memref<512x64xbf16, #tpu.memory_space<vmem>>, vector<32xbf16>,
            %max3A_818 = arith.maximumf %get3A_814, %get3A_817 : vector<32xbf16>
            %swap3A_819 = arith.index_cast %squeeze3A_805 : i32 to index
            %swap3A_820 = tpu.vector_load %arg6[%swap3A_819] {strides = array<i32>} : memref<100352xbf16, #tpu.memory_space<vmem>>, vector<32xbf16>,
            tpu.vector_store %arg6[%swap3A_819], %max3A_818 {strides = array<i32>} : memref<100352xbf16, #tpu.memory_space<vmem>>, vector<32xbf16>,
            %add3A_821 = arith.constant 32 : i32
            %add3A_822 = arith.addi %squeeze3A_805, %add3A_821 : i32
            %get3A_823 = arith.index_cast %add3A_822 : i32 to index
            %get3A_824 = tpu.vector_load %arg6[%get3A_823] {strides = array<i32>} : memref<100352xbf16, #tpu.memory_space<vmem>>, vector<32xbf16>,
            %get3A_825 = arith.index_cast %add3A_812 : i32 to index
            %get3A_826 = arith.constant 32 : index
            %get3A_827 = tpu.vector_load %arg10[%get3A_825, %get3A_826] {strides = array<i32>} : memref<512x64xbf16, #tpu.memory_space<vmem>>, vector<32xbf16>,
            %max3A_828 = arith.maximumf %get3A_824, %get3A_827 : vector<32xbf16>
            %add3A_829 = arith.constant 32 : i32
            %add3A_830 = arith.addi %squeeze3A_805, %add3A_829 : i32
            %swap3A_831 = arith.index_cast %add3A_830 : i32 to index
            %swap3A_832 = tpu.vector_load %arg6[%swap3A_831] {strides = array<i32>} : memref<100352xbf16, #tpu.memory_space<vmem>>, vector<32xbf16>,
            tpu.vector_store %arg6[%swap3A_831], %max3A_828 {strides = array<i32>} : memref<100352xbf16, #tpu.memory_space<vmem>>, vector<32xbf16>,
            %slice3A_833 = vector.extract_strided_slice %mul3A_803 {offsets = [1], sizes = [1], strides = [1]} : vector<16xi32> to vector<1xi32>
            %squeeze3A_834 = vector.extract %slice3A_833[0] : i32 from vector<1xi32>
            %mul3A_835 = arith.constant 256 : i32
            %mul3A_836 = arith.muli %and3A_313, %mul3A_835 : i32
            %mul3A_837 = arith.constant 16 : i32
            %mul3A_838 = arith.muli %scan3A_795, %mul3A_837 : i32
            %add3A_839 = arith.addi %mul3A_836, %mul3A_838 : i32
            %add3A_840 = arith.constant 1 : i32
            %add3A_841 = arith.addi %add3A_839, %add3A_840 : i32
            %get3A_842 = arith.index_cast %squeeze3A_834 : i32 to index
            %get3A_843 = tpu.vector_load %arg6[%get3A_842] {strides = array<i32>} : memref<100352xbf16, #tpu.memory_space<vmem>>, vector<32xbf16>,
            %get3A_844 = arith.index_cast %add3A_841 : i32 to index
            %get3A_845 = arith.constant 0 : index
            %get3A_846 = tpu.vector_load %arg10[%get3A_844, %get3A_845] {strides = array<i32>} : memref<512x64xbf16, #tpu.memory_space<vmem>>, vector<32xbf16>,
            %max3A_847 = arith.maximumf %get3A_843, %get3A_846 : vector<32xbf16>
            %swap3A_848 = arith.index_cast %squeeze3A_834 : i32 to index
            %swap3A_849 = tpu.vector_load %arg6[%swap3A_848] {strides = array<i32>} : memref<100352xbf16, #tpu.memory_space<vmem>>, vector<32xbf16>,
            tpu.vector_store %arg6[%swap3A_848], %max3A_847 {strides = array<i32>} : memref<100352xbf16, #tpu.memory_space<vmem>>, vector<32xbf16>,
            %add3A_850 = arith.constant 32 : i32
            %add3A_851 = arith.addi %squeeze3A_834, %add3A_850 : i32
            %get3A_852 = arith.index_cast %add3A_851 : i32 to index
            %get3A_853 = tpu.vector_load %arg6[%get3A_852] {strides = array<i32>} : memref<100352xbf16, #tpu.memory_space<vmem>>, vector<32xbf16>,
            %get3A_854 = arith.index_cast %add3A_841 : i32 to index
            %get3A_855 = arith.constant 32 : index
            %get3A_856 = tpu.vector_load %arg10[%get3A_854, %get3A_855] {strides = array<i32>} : memref<512x64xbf16, #tpu.memory_space<vmem>>, vector<32xbf16>,
            %max3A_857 = arith.maximumf %get3A_853, %get3A_856 : vector<32xbf16>
            %add3A_858 = arith.constant 32 : i32
            %add3A_859 = arith.addi %squeeze3A_834, %add3A_858 : i32
            %swap3A_860 = arith.index_cast %add3A_859 : i32 to index
            %swap3A_861 = tpu.vector_load %arg6[%swap3A_860] {strides = array<i32>} : memref<100352xbf16, #tpu.memory_space<vmem>>, vector<32xbf16>,
            tpu.vector_store %arg6[%swap3A_860], %max3A_857 {strides = array<i32>} : memref<100352xbf16, #tpu.memory_space<vmem>>, vector<32xbf16>,
            %slice3A_862 = vector.extract_strided_slice %mul3A_803 {offsets = [2], sizes = [1], strides = [1]} : vector<16xi32> to vector<1xi32>
            %squeeze3A_863 = vector.extract %slice3A_862[0] : i32 from vector<1xi32>
            %mul3A_864 = arith.constant 256 : i32
            %mul3A_865 = arith.muli %and3A_313, %mul3A_864 : i32
            %mul3A_866 = arith.constant 16 : i32
            %mul3A_867 = arith.muli %scan3A_795, %mul3A_866 : i32
            %add3A_868 = arith.addi %mul3A_865, %mul3A_867 : i32
            %add3A_869 = arith.constant 2 : i32
            %add3A_870 = arith.addi %add3A_868, %add3A_869 : i32
            %get3A_871 = arith.index_cast %squeeze3A_863 : i32 to index
            %get3A_872 = tpu.vector_load %arg6[%get3A_871] {strides = array<i32>} : memref<100352xbf16, #tpu.memory_space<vmem>>, vector<32xbf16>,
            %get3A_873 = arith.index_cast %add3A_870 : i32 to index
            %get3A_874 = arith.constant 0 : index
            %get3A_875 = tpu.vector_load %arg10[%get3A_873, %get3A_874] {strides = array<i32>} : memref<512x64xbf16, #tpu.memory_space<vmem>>, vector<32xbf16>,
            %max3A_876 = arith.maximumf %get3A_872, %get3A_875 : vector<32xbf16>
            %swap3A_877 = arith.index_cast %squeeze3A_863 : i32 to index
            %swap3A_878 = tpu.vector_load %arg6[%swap3A_877] {strides = array<i32>} : memref<100352xbf16, #tpu.memory_space<vmem>>, vector<32xbf16>,
            tpu.vector_store %arg6[%swap3A_877], %max3A_876 {strides = array<i32>} : memref<100352xbf16, #tpu.memory_space<vmem>>, vector<32xbf16>,
            %add3A_879 = arith.constant 32 : i32
            %add3A_880 = arith.addi %squeeze3A_863, %add3A_879 : i32
            %get3A_881 = arith.index_cast %add3A_880 : i32 to index
            %get3A_882 = tpu.vector_load %arg6[%get3A_881] {strides = array<i32>} : memref<100352xbf16, #tpu.memory_space<vmem>>, vector<32xbf16>,
            %get3A_883 = arith.index_cast %add3A_870 : i32 to index
            %get3A_884 = arith.constant 32 : index
            %get3A_885 = tpu.vector_load %arg10[%get3A_883, %get3A_884] {strides = array<i32>} : memref<512x64xbf16, #tpu.memory_space<vmem>>, vector<32xbf16>,
            %max3A_886 = arith.maximumf %get3A_882, %get3A_885 : vector<32xbf16>
            %add3A_887 = arith.constant 32 : i32
            %add3A_888 = arith.addi %squeeze3A_863, %add3A_887 : i32
            %swap3A_889 = arith.index_cast %add3A_888 : i32 to index
            %swap3A_890 = tpu.vector_load %arg6[%swap3A_889] {strides = array<i32>} : memref<100352xbf16, #tpu.memory_space<vmem>>, vector<32xbf16>,
            tpu.vector_store %arg6[%swap3A_889], %max3A_886 {strides = array<i32>} : memref<100352xbf16, #tpu.memory_space<vmem>>, vector<32xbf16>,
            %slice3A_891 = vector.extract_strided_slice %mul3A_803 {offsets = [3], sizes = [1], strides = [1]} : vector<16xi32> to vector<1xi32>
            %squeeze3A_892 = vector.extract %slice3A_891[0] : i32 from vector<1xi32>
            %mul3A_893 = arith.constant 256 : i32
            %mul3A_894 = arith.muli %and3A_313, %mul3A_893 : i32
            %mul3A_895 = arith.constant 16 : i32
            %mul3A_896 = arith.muli %scan3A_795, %mul3A_895 : i32
            %add3A_897 = arith.addi %mul3A_894, %mul3A_896 : i32
            %add3A_898 = arith.constant 3 : i32
            %add3A_899 = arith.addi %add3A_897, %add3A_898 : i32
            %get3A_900 = arith.index_cast %squeeze3A_892 : i32 to index
            %get3A_901 = tpu.vector_load %arg6[%get3A_900] {strides = array<i32>} : memref<100352xbf16, #tpu.memory_space<vmem>>, vector<32xbf16>,
            %get3A_902 = arith.index_cast %add3A_899 : i32 to index
            %get3A_903 = arith.constant 0 : index
            %get3A_904 = tpu.vector_load %arg10[%get3A_902, %get3A_903] {strides = array<i32>} : memref<512x64xbf16, #tpu.memory_space<vmem>>, vector<32xbf16>,
            %max3A_905 = arith.maximumf %get3A_901, %get3A_904 : vector<32xbf16>
            %swap3A_906 = arith.index_cast %squeeze3A_892 : i32 to index
            %swap3A_907 = tpu.vector_load %arg6[%swap3A_906] {strides = array<i32>} : memref<100352xbf16, #tpu.memory_space<vmem>>, vector<32xbf16>,
            tpu.vector_store %arg6[%swap3A_906], %max3A_905 {strides = array<i32>} : memref<100352xbf16, #tpu.memory_space<vmem>>, vector<32xbf16>,
            %add3A_908 = arith.constant 32 : i32
            %add3A_909 = arith.addi %squeeze3A_892, %add3A_908 : i32
            %get3A_910 = arith.index_cast %add3A_909 : i32 to index
            %get3A_911 = tpu.vector_load %arg6[%get3A_910] {strides = array<i32>} : memref<100352xbf16, #tpu.memory_space<vmem>>, vector<32xbf16>,
            %get3A_912 = arith.index_cast %add3A_899 : i32 to index
            %get3A_913 = arith.constant 32 : index
            %get3A_914 = tpu.vector_load %arg10[%get3A_912, %get3A_913] {strides = array<i32>} : memref<512x64xbf16, #tpu.memory_space<vmem>>, vector<32xbf16>,
            %max3A_915 = arith.maximumf %get3A_911, %get3A_914 : vector<32xbf16>
            %add3A_916 = arith.constant 32 : i32
            %add3A_917 = arith.addi %squeeze3A_892, %add3A_916 : i32
            %swap3A_918 = arith.index_cast %add3A_917 : i32 to index
            %swap3A_919 = tpu.vector_load %arg6[%swap3A_918] {strides = array<i32>} : memref<100352xbf16, #tpu.memory_space<vmem>>, vector<32xbf16>,
            tpu.vector_store %arg6[%swap3A_918], %max3A_915 {strides = array<i32>} : memref<100352xbf16, #tpu.memory_space<vmem>>, vector<32xbf16>,
            %slice3A_920 = vector.extract_strided_slice %mul3A_803 {offsets = [4], sizes = [1], strides = [1]} : vector<16xi32> to vector<1xi32>
            %squeeze3A_921 = vector.extract %slice3A_920[0] : i32 from vector<1xi32>
            %mul3A_922 = arith.constant 256 : i32
            %mul3A_923 = arith.muli %and3A_313, %mul3A_922 : i32
            %mul3A_924 = arith.constant 16 : i32
            %mul3A_925 = arith.muli %scan3A_795, %mul3A_924 : i32
            %add3A_926 = arith.addi %mul3A_923, %mul3A_925 : i32
            %add3A_927 = arith.constant 4 : i32
            %add3A_928 = arith.addi %add3A_926, %add3A_927 : i32
            %get3A_929 = arith.index_cast %squeeze3A_921 : i32 to index
            %get3A_930 = tpu.vector_load %arg6[%get3A_929] {strides = array<i32>} : memref<100352xbf16, #tpu.memory_space<vmem>>, vector<32xbf16>,
            %get3A_931 = arith.index_cast %add3A_928 : i32 to index
            %get3A_932 = arith.constant 0 : index
            %get3A_933 = tpu.vector_load %arg10[%get3A_931, %get3A_932] {strides = array<i32>} : memref<512x64xbf16, #tpu.memory_space<vmem>>, vector<32xbf16>,
            %max3A_934 = arith.maximumf %get3A_930, %get3A_933 : vector<32xbf16>
            %swap3A_935 = arith.index_cast %squeeze3A_921 : i32 to index
            %swap3A_936 = tpu.vector_load %arg6[%swap3A_935] {strides = array<i32>} : memref<100352xbf16, #tpu.memory_space<vmem>>, vector<32xbf16>,
            tpu.vector_store %arg6[%swap3A_935], %max3A_934 {strides = array<i32>} : memref<100352xbf16, #tpu.memory_space<vmem>>, vector<32xbf16>,
            %add3A_937 = arith.constant 32 : i32
            %add3A_938 = arith.addi %squeeze3A_921, %add3A_937 : i32
            %get3A_939 = arith.index_cast %add3A_938 : i32 to index
            %get3A_940 = tpu.vector_load %arg6[%get3A_939] {strides = array<i32>} : memref<100352xbf16, #tpu.memory_space<vmem>>, vector<32xbf16>,
            %get3A_941 = arith.index_cast %add3A_928 : i32 to index
            %get3A_942 = arith.constant 32 : index
            %get3A_943 = tpu.vector_load %arg10[%get3A_941, %get3A_942] {strides = array<i32>} : memref<512x64xbf16, #tpu.memory_space<vmem>>, vector<32xbf16>,
            %max3A_944 = arith.maximumf %get3A_940, %get3A_943 : vector<32xbf16>
            %add3A_945 = arith.constant 32 : i32
            %add3A_946 = arith.addi %squeeze3A_921, %add3A_945 : i32
            %swap3A_947 = arith.index_cast %add3A_946 : i32 to index
            %swap3A_948 = tpu.vector_load %arg6[%swap3A_947] {strides = array<i32>} : memref<100352xbf16, #tpu.memory_space<vmem>>, vector<32xbf16>,
            tpu.vector_store %arg6[%swap3A_947], %max3A_944 {strides = array<i32>} : memref<100352xbf16, #tpu.memory_space<vmem>>, vector<32xbf16>,
            %slice3A_949 = vector.extract_strided_slice %mul3A_803 {offsets = [5], sizes = [1], strides = [1]} : vector<16xi32> to vector<1xi32>
            %squeeze3A_950 = vector.extract %slice3A_949[0] : i32 from vector<1xi32>
            %mul3A_951 = arith.constant 256 : i32
            %mul3A_952 = arith.muli %and3A_313, %mul3A_951 : i32
            %mul3A_953 = arith.constant 16 : i32
            %mul3A_954 = arith.muli %scan3A_795, %mul3A_953 : i32
            %add3A_955 = arith.addi %mul3A_952, %mul3A_954 : i32
            %add3A_956 = arith.constant 5 : i32
            %add3A_957 = arith.addi %add3A_955, %add3A_956 : i32
            %get3A_958 = arith.index_cast %squeeze3A_950 : i32 to index
            %get3A_959 = tpu.vector_load %arg6[%get3A_958] {strides = array<i32>} : memref<100352xbf16, #tpu.memory_space<vmem>>, vector<32xbf16>,
            %get3A_960 = arith.index_cast %add3A_957 : i32 to index
            %get3A_961 = arith.constant 0 : index
            %get3A_962 = tpu.vector_load %arg10[%get3A_960, %get3A_961] {strides = array<i32>} : memref<512x64xbf16, #tpu.memory_space<vmem>>, vector<32xbf16>,
            %max3A_963 = arith.maximumf %get3A_959, %get3A_962 : vector<32xbf16>
            %swap3A_964 = arith.index_cast %squeeze3A_950 : i32 to index
            %swap3A_965 = tpu.vector_load %arg6[%swap3A_964] {strides = array<i32>} : memref<100352xbf16, #tpu.memory_space<vmem>>, vector<32xbf16>,
            tpu.vector_store %arg6[%swap3A_964], %max3A_963 {strides = array<i32>} : memref<100352xbf16, #tpu.memory_space<vmem>>, vector<32xbf16>,
            %add3A_966 = arith.constant 32 : i32
            %add3A_967 = arith.addi %squeeze3A_950, %add3A_966 : i32
            %get3A_968 = arith.index_cast %add3A_967 : i32 to index
            %get3A_969 = tpu.vector_load %arg6[%get3A_968] {strides = array<i32>} : memref<100352xbf16, #tpu.memory_space<vmem>>, vector<32xbf16>,
            %get3A_970 = arith.index_cast %add3A_957 : i32 to index
            %get3A_971 = arith.constant 32 : index
            %get3A_972 = tpu.vector_load %arg10[%get3A_970, %get3A_971] {strides = array<i32>} : memref<512x64xbf16, #tpu.memory_space<vmem>>, vector<32xbf16>,
            %max3A_973 = arith.maximumf %get3A_969, %get3A_972 : vector<32xbf16>
            %add3A_974 = arith.constant 32 : i32
            %add3A_975 = arith.addi %squeeze3A_950, %add3A_974 : i32
            %swap3A_976 = arith.index_cast %add3A_975 : i32 to index
            %swap3A_977 = tpu.vector_load %arg6[%swap3A_976] {strides = array<i32>} : memref<100352xbf16, #tpu.memory_space<vmem>>, vector<32xbf16>,
            tpu.vector_store %arg6[%swap3A_976], %max3A_973 {strides = array<i32>} : memref<100352xbf16, #tpu.memory_space<vmem>>, vector<32xbf16>,
            %slice3A_978 = vector.extract_strided_slice %mul3A_803 {offsets = [6], sizes = [1], strides = [1]} : vector<16xi32> to vector<1xi32>
            %squeeze3A_979 = vector.extract %slice3A_978[0] : i32 from vector<1xi32>
            %mul3A_980 = arith.constant 256 : i32
            %mul3A_981 = arith.muli %and3A_313, %mul3A_980 : i32
            %mul3A_982 = arith.constant 16 : i32
            %mul3A_983 = arith.muli %scan3A_795, %mul3A_982 : i32
            %add3A_984 = arith.addi %mul3A_981, %mul3A_983 : i32
            %add3A_985 = arith.constant 6 : i32
            %add3A_986 = arith.addi %add3A_984, %add3A_985 : i32
            %get3A_987 = arith.index_cast %squeeze3A_979 : i32 to index
            %get3A_988 = tpu.vector_load %arg6[%get3A_987] {strides = array<i32>} : memref<100352xbf16, #tpu.memory_space<vmem>>, vector<32xbf16>,
            %get3A_989 = arith.index_cast %add3A_986 : i32 to index
            %get3A_990 = arith.constant 0 : index
            %get3A_991 = tpu.vector_load %arg10[%get3A_989, %get3A_990] {strides = array<i32>} : memref<512x64xbf16, #tpu.memory_space<vmem>>, vector<32xbf16>,
            %max3A_992 = arith.maximumf %get3A_988, %get3A_991 : vector<32xbf16>
            %swap3A_993 = arith.index_cast %squeeze3A_979 : i32 to index
            %swap3A_994 = tpu.vector_load %arg6[%swap3A_993] {strides = array<i32>} : memref<100352xbf16, #tpu.memory_space<vmem>>, vector<32xbf16>,
            tpu.vector_store %arg6[%swap3A_993], %max3A_992 {strides = array<i32>} : memref<100352xbf16, #tpu.memory_space<vmem>>, vector<32xbf16>,
            %add3A_995 = arith.constant 32 : i32
            %add3A_996 = arith.addi %squeeze3A_979, %add3A_995 : i32
            %get3A_997 = arith.index_cast %add3A_996 : i32 to index
            %get3A_998 = tpu.vector_load %arg6[%get3A_997] {strides = array<i32>} : memref<100352xbf16, #tpu.memory_space<vmem>>, vector<32xbf16>,
            %get3A_999 = arith.index_cast %add3A_986 : i32 to index
            %get3A_1000 = arith.constant 32 : index
            %get3A_1001 = tpu.vector_load %arg10[%get3A_999, %get3A_1000] {strides = array<i32>} : memref<512x64xbf16, #tpu.memory_space<vmem>>, vector<32xbf16>,
            %max3A_1002 = arith.maximumf %get3A_998, %get3A_1001 : vector<32xbf16>
            %add3A_1003 = arith.constant 32 : i32
            %add3A_1004 = arith.addi %squeeze3A_979, %add3A_1003 : i32
            %swap3A_1005 = arith.index_cast %add3A_1004 : i32 to index
            %swap3A_1006 = tpu.vector_load %arg6[%swap3A_1005] {strides = array<i32>} : memref<100352xbf16, #tpu.memory_space<vmem>>, vector<32xbf16>,
            tpu.vector_store %arg6[%swap3A_1005], %max3A_1002 {strides = array<i32>} : memref<100352xbf16, #tpu.memory_space<vmem>>, vector<32xbf16>,
            %slice3A_1007 = vector.extract_strided_slice %mul3A_803 {offsets = [7], sizes = [1], strides = [1]} : vector<16xi32> to vector<1xi32>
            %squeeze3A_1008 = vector.extract %slice3A_1007[0] : i32 from vector<1xi32>
            %mul3A_1009 = arith.constant 256 : i32
            %mul3A_1010 = arith.muli %and3A_313, %mul3A_1009 : i32
            %mul3A_1011 = arith.constant 16 : i32
            %mul3A_1012 = arith.muli %scan3A_795, %mul3A_1011 : i32
            %add3A_1013 = arith.addi %mul3A_1010, %mul3A_1012 : i32
            %add3A_1014 = arith.constant 7 : i32
            %add3A_1015 = arith.addi %add3A_1013, %add3A_1014 : i32
            %get3A_1016 = arith.index_cast %squeeze3A_1008 : i32 to index
            %get3A_1017 = tpu.vector_load %arg6[%get3A_1016] {strides = array<i32>} : memref<100352xbf16, #tpu.memory_space<vmem>>, vector<32xbf16>,
            %get3A_1018 = arith.index_cast %add3A_1015 : i32 to index
            %get3A_1019 = arith.constant 0 : index
            %get3A_1020 = tpu.vector_load %arg10[%get3A_1018, %get3A_1019] {strides = array<i32>} : memref<512x64xbf16, #tpu.memory_space<vmem>>, vector<32xbf16>,
            %max3A_1021 = arith.maximumf %get3A_1017, %get3A_1020 : vector<32xbf16>
            %swap3A_1022 = arith.index_cast %squeeze3A_1008 : i32 to index
            %swap3A_1023 = tpu.vector_load %arg6[%swap3A_1022] {strides = array<i32>} : memref<100352xbf16, #tpu.memory_space<vmem>>, vector<32xbf16>,
            tpu.vector_store %arg6[%swap3A_1022], %max3A_1021 {strides = array<i32>} : memref<100352xbf16, #tpu.memory_space<vmem>>, vector<32xbf16>,
            %add3A_1024 = arith.constant 32 : i32
            %add3A_1025 = arith.addi %squeeze3A_1008, %add3A_1024 : i32
            %get3A_1026 = arith.index_cast %add3A_1025 : i32 to index
            %get3A_1027 = tpu.vector_load %arg6[%get3A_1026] {strides = array<i32>} : memref<100352xbf16, #tpu.memory_space<vmem>>, vector<32xbf16>,
            %get3A_1028 = arith.index_cast %add3A_1015 : i32 to index
            %get3A_1029 = arith.constant 32 : index
            %get3A_1030 = tpu.vector_load %arg10[%get3A_1028, %get3A_1029] {strides = array<i32>} : memref<512x64xbf16, #tpu.memory_space<vmem>>, vector<32xbf16>,
            %max3A_1031 = arith.maximumf %get3A_1027, %get3A_1030 : vector<32xbf16>
            %add3A_1032 = arith.constant 32 : i32
            %add3A_1033 = arith.addi %squeeze3A_1008, %add3A_1032 : i32
            %swap3A_1034 = arith.index_cast %add3A_1033 : i32 to index
            %swap3A_1035 = tpu.vector_load %arg6[%swap3A_1034] {strides = array<i32>} : memref<100352xbf16, #tpu.memory_space<vmem>>, vector<32xbf16>,
            tpu.vector_store %arg6[%swap3A_1034], %max3A_1031 {strides = array<i32>} : memref<100352xbf16, #tpu.memory_space<vmem>>, vector<32xbf16>,
            %slice3A_1036 = vector.extract_strided_slice %mul3A_803 {offsets = [8], sizes = [1], strides = [1]} : vector<16xi32> to vector<1xi32>
            %squeeze3A_1037 = vector.extract %slice3A_1036[0] : i32 from vector<1xi32>
            %mul3A_1038 = arith.constant 256 : i32
            %mul3A_1039 = arith.muli %and3A_313, %mul3A_1038 : i32
            %mul3A_1040 = arith.constant 16 : i32
            %mul3A_1041 = arith.muli %scan3A_795, %mul3A_1040 : i32
            %add3A_1042 = arith.addi %mul3A_1039, %mul3A_1041 : i32
            %add3A_1043 = arith.constant 8 : i32
            %add3A_1044 = arith.addi %add3A_1042, %add3A_1043 : i32
            %get3A_1045 = arith.index_cast %squeeze3A_1037 : i32 to index
            %get3A_1046 = tpu.vector_load %arg6[%get3A_1045] {strides = array<i32>} : memref<100352xbf16, #tpu.memory_space<vmem>>, vector<32xbf16>,
            %get3A_1047 = arith.index_cast %add3A_1044 : i32 to index
            %get3A_1048 = arith.constant 0 : index
            %get3A_1049 = tpu.vector_load %arg10[%get3A_1047, %get3A_1048] {strides = array<i32>} : memref<512x64xbf16, #tpu.memory_space<vmem>>, vector<32xbf16>,
            %max3A_1050 = arith.maximumf %get3A_1046, %get3A_1049 : vector<32xbf16>
            %swap3A_1051 = arith.index_cast %squeeze3A_1037 : i32 to index
            %swap3A_1052 = tpu.vector_load %arg6[%swap3A_1051] {strides = array<i32>} : memref<100352xbf16, #tpu.memory_space<vmem>>, vector<32xbf16>,
            tpu.vector_store %arg6[%swap3A_1051], %max3A_1050 {strides = array<i32>} : memref<100352xbf16, #tpu.memory_space<vmem>>, vector<32xbf16>,
            %add3A_1053 = arith.constant 32 : i32
            %add3A_1054 = arith.addi %squeeze3A_1037, %add3A_1053 : i32
            %get3A_1055 = arith.index_cast %add3A_1054 : i32 to index
            %get3A_1056 = tpu.vector_load %arg6[%get3A_1055] {strides = array<i32>} : memref<100352xbf16, #tpu.memory_space<vmem>>, vector<32xbf16>,
            %get3A_1057 = arith.index_cast %add3A_1044 : i32 to index
            %get3A_1058 = arith.constant 32 : index
            %get3A_1059 = tpu.vector_load %arg10[%get3A_1057, %get3A_1058] {strides = array<i32>} : memref<512x64xbf16, #tpu.memory_space<vmem>>, vector<32xbf16>,
            %max3A_1060 = arith.maximumf %get3A_1056, %get3A_1059 : vector<32xbf16>
            %add3A_1061 = arith.constant 32 : i32
            %add3A_1062 = arith.addi %squeeze3A_1037, %add3A_1061 : i32
            %swap3A_1063 = arith.index_cast %add3A_1062 : i32 to index
            %swap3A_1064 = tpu.vector_load %arg6[%swap3A_1063] {strides = array<i32>} : memref<100352xbf16, #tpu.memory_space<vmem>>, vector<32xbf16>,
            tpu.vector_store %arg6[%swap3A_1063], %max3A_1060 {strides = array<i32>} : memref<100352xbf16, #tpu.memory_space<vmem>>, vector<32xbf16>,
            %slice3A_1065 = vector.extract_strided_slice %mul3A_803 {offsets = [9], sizes = [1], strides = [1]} : vector<16xi32> to vector<1xi32>
            %squeeze3A_1066 = vector.extract %slice3A_1065[0] : i32 from vector<1xi32>
            %mul3A_1067 = arith.constant 256 : i32
            %mul3A_1068 = arith.muli %and3A_313, %mul3A_1067 : i32
            %mul3A_1069 = arith.constant 16 : i32
            %mul3A_1070 = arith.muli %scan3A_795, %mul3A_1069 : i32
            %add3A_1071 = arith.addi %mul3A_1068, %mul3A_1070 : i32
            %add3A_1072 = arith.constant 9 : i32
            %add3A_1073 = arith.addi %add3A_1071, %add3A_1072 : i32
            %get3A_1074 = arith.index_cast %squeeze3A_1066 : i32 to index
            %get3A_1075 = tpu.vector_load %arg6[%get3A_1074] {strides = array<i32>} : memref<100352xbf16, #tpu.memory_space<vmem>>, vector<32xbf16>,
            %get3A_1076 = arith.index_cast %add3A_1073 : i32 to index
            %get3A_1077 = arith.constant 0 : index
            %get3A_1078 = tpu.vector_load %arg10[%get3A_1076, %get3A_1077] {strides = array<i32>} : memref<512x64xbf16, #tpu.memory_space<vmem>>, vector<32xbf16>,
            %max3A_1079 = arith.maximumf %get3A_1075, %get3A_1078 : vector<32xbf16>
            %swap3A_1080 = arith.index_cast %squeeze3A_1066 : i32 to index
            %swap3A_1081 = tpu.vector_load %arg6[%swap3A_1080] {strides = array<i32>} : memref<100352xbf16, #tpu.memory_space<vmem>>, vector<32xbf16>,
            tpu.vector_store %arg6[%swap3A_1080], %max3A_1079 {strides = array<i32>} : memref<100352xbf16, #tpu.memory_space<vmem>>, vector<32xbf16>,
            %add3A_1082 = arith.constant 32 : i32
            %add3A_1083 = arith.addi %squeeze3A_1066, %add3A_1082 : i32
            %get3A_1084 = arith.index_cast %add3A_1083 : i32 to index
            %get3A_1085 = tpu.vector_load %arg6[%get3A_1084] {strides = array<i32>} : memref<100352xbf16, #tpu.memory_space<vmem>>, vector<32xbf16>,
            %get3A_1086 = arith.index_cast %add3A_1073 : i32 to index
            %get3A_1087 = arith.constant 32 : index
            %get3A_1088 = tpu.vector_load %arg10[%get3A_1086, %get3A_1087] {strides = array<i32>} : memref<512x64xbf16, #tpu.memory_space<vmem>>, vector<32xbf16>,
            %max3A_1089 = arith.maximumf %get3A_1085, %get3A_1088 : vector<32xbf16>
            %add3A_1090 = arith.constant 32 : i32
            %add3A_1091 = arith.addi %squeeze3A_1066, %add3A_1090 : i32
            %swap3A_1092 = arith.index_cast %add3A_1091 : i32 to index
            %swap3A_1093 = tpu.vector_load %arg6[%swap3A_1092] {strides = array<i32>} : memref<100352xbf16, #tpu.memory_space<vmem>>, vector<32xbf16>,
            tpu.vector_store %arg6[%swap3A_1092], %max3A_1089 {strides = array<i32>} : memref<100352xbf16, #tpu.memory_space<vmem>>, vector<32xbf16>,
            %slice3A_1094 = vector.extract_strided_slice %mul3A_803 {offsets = [10], sizes = [1], strides = [1]} : vector<16xi32> to vector<1xi32>
            %squeeze3A_1095 = vector.extract %slice3A_1094[0] : i32 from vector<1xi32>
            %mul3A_1096 = arith.constant 256 : i32
            %mul3A_1097 = arith.muli %and3A_313, %mul3A_1096 : i32
            %mul3A_1098 = arith.constant 16 : i32
            %mul3A_1099 = arith.muli %scan3A_795, %mul3A_1098 : i32
            %add3A_1100 = arith.addi %mul3A_1097, %mul3A_1099 : i32
            %add3A_1101 = arith.constant 10 : i32
            %add3A_1102 = arith.addi %add3A_1100, %add3A_1101 : i32
            %get3A_1103 = arith.index_cast %squeeze3A_1095 : i32 to index
            %get3A_1104 = tpu.vector_load %arg6[%get3A_1103] {strides = array<i32>} : memref<100352xbf16, #tpu.memory_space<vmem>>, vector<32xbf16>,
            %get3A_1105 = arith.index_cast %add3A_1102 : i32 to index
            %get3A_1106 = arith.constant 0 : index
            %get3A_1107 = tpu.vector_load %arg10[%get3A_1105, %get3A_1106] {strides = array<i32>} : memref<512x64xbf16, #tpu.memory_space<vmem>>, vector<32xbf16>,
            %max3A_1108 = arith.maximumf %get3A_1104, %get3A_1107 : vector<32xbf16>
            %swap3A_1109 = arith.index_cast %squeeze3A_1095 : i32 to index
            %swap3A_1110 = tpu.vector_load %arg6[%swap3A_1109] {strides = array<i32>} : memref<100352xbf16, #tpu.memory_space<vmem>>, vector<32xbf16>,
            tpu.vector_store %arg6[%swap3A_1109], %max3A_1108 {strides = array<i32>} : memref<100352xbf16, #tpu.memory_space<vmem>>, vector<32xbf16>,
            %add3A_1111 = arith.constant 32 : i32
            %add3A_1112 = arith.addi %squeeze3A_1095, %add3A_1111 : i32
            %get3A_1113 = arith.index_cast %add3A_1112 : i32 to index
            %get3A_1114 = tpu.vector_load %arg6[%get3A_1113] {strides = array<i32>} : memref<100352xbf16, #tpu.memory_space<vmem>>, vector<32xbf16>,
            %get3A_1115 = arith.index_cast %add3A_1102 : i32 to index
            %get3A_1116 = arith.constant 32 : index
            %get3A_1117 = tpu.vector_load %arg10[%get3A_1115, %get3A_1116] {strides = array<i32>} : memref<512x64xbf16, #tpu.memory_space<vmem>>, vector<32xbf16>,
            %max3A_1118 = arith.maximumf %get3A_1114, %get3A_1117 : vector<32xbf16>
            %add3A_1119 = arith.constant 32 : i32
            %add3A_1120 = arith.addi %squeeze3A_1095, %add3A_1119 : i32
            %swap3A_1121 = arith.index_cast %add3A_1120 : i32 to index
            %swap3A_1122 = tpu.vector_load %arg6[%swap3A_1121] {strides = array<i32>} : memref<100352xbf16, #tpu.memory_space<vmem>>, vector<32xbf16>,
            tpu.vector_store %arg6[%swap3A_1121], %max3A_1118 {strides = array<i32>} : memref<100352xbf16, #tpu.memory_space<vmem>>, vector<32xbf16>,
            %slice3A_1123 = vector.extract_strided_slice %mul3A_803 {offsets = [11], sizes = [1], strides = [1]} : vector<16xi32> to vector<1xi32>
            %squeeze3A_1124 = vector.extract %slice3A_1123[0] : i32 from vector<1xi32>
            %mul3A_1125 = arith.constant 256 : i32
            %mul3A_1126 = arith.muli %and3A_313, %mul3A_1125 : i32
            %mul3A_1127 = arith.constant 16 : i32
            %mul3A_1128 = arith.muli %scan3A_795, %mul3A_1127 : i32
            %add3A_1129 = arith.addi %mul3A_1126, %mul3A_1128 : i32
            %add3A_1130 = arith.constant 11 : i32
            %add3A_1131 = arith.addi %add3A_1129, %add3A_1130 : i32
            %get3A_1132 = arith.index_cast %squeeze3A_1124 : i32 to index
            %get3A_1133 = tpu.vector_load %arg6[%get3A_1132] {strides = array<i32>} : memref<100352xbf16, #tpu.memory_space<vmem>>, vector<32xbf16>,
            %get3A_1134 = arith.index_cast %add3A_1131 : i32 to index
            %get3A_1135 = arith.constant 0 : index
            %get3A_1136 = tpu.vector_load %arg10[%get3A_1134, %get3A_1135] {strides = array<i32>} : memref<512x64xbf16, #tpu.memory_space<vmem>>, vector<32xbf16>,
            %max3A_1137 = arith.maximumf %get3A_1133, %get3A_1136 : vector<32xbf16>
            %swap3A_1138 = arith.index_cast %squeeze3A_1124 : i32 to index
            %swap3A_1139 = tpu.vector_load %arg6[%swap3A_1138] {strides = array<i32>} : memref<100352xbf16, #tpu.memory_space<vmem>>, vector<32xbf16>,
            tpu.vector_store %arg6[%swap3A_1138], %max3A_1137 {strides = array<i32>} : memref<100352xbf16, #tpu.memory_space<vmem>>, vector<32xbf16>,
            %add3A_1140 = arith.constant 32 : i32
            %add3A_1141 = arith.addi %squeeze3A_1124, %add3A_1140 : i32
            %get3A_1142 = arith.index_cast %add3A_1141 : i32 to index
            %get3A_1143 = tpu.vector_load %arg6[%get3A_1142] {strides = array<i32>} : memref<100352xbf16, #tpu.memory_space<vmem>>, vector<32xbf16>,
            %get3A_1144 = arith.index_cast %add3A_1131 : i32 to index
            %get3A_1145 = arith.constant 32 : index
            %get3A_1146 = tpu.vector_load %arg10[%get3A_1144, %get3A_1145] {strides = array<i32>} : memref<512x64xbf16, #tpu.memory_space<vmem>>, vector<32xbf16>,
            %max3A_1147 = arith.maximumf %get3A_1143, %get3A_1146 : vector<32xbf16>
            %add3A_1148 = arith.constant 32 : i32
            %add3A_1149 = arith.addi %squeeze3A_1124, %add3A_1148 : i32
            %swap3A_1150 = arith.index_cast %add3A_1149 : i32 to index
            %swap3A_1151 = tpu.vector_load %arg6[%swap3A_1150] {strides = array<i32>} : memref<100352xbf16, #tpu.memory_space<vmem>>, vector<32xbf16>,
            tpu.vector_store %arg6[%swap3A_1150], %max3A_1147 {strides = array<i32>} : memref<100352xbf16, #tpu.memory_space<vmem>>, vector<32xbf16>,
            %slice3A_1152 = vector.extract_strided_slice %mul3A_803 {offsets = [12], sizes = [1], strides = [1]} : vector<16xi32> to vector<1xi32>
            %squeeze3A_1153 = vector.extract %slice3A_1152[0] : i32 from vector<1xi32>
            %mul3A_1154 = arith.constant 256 : i32
            %mul3A_1155 = arith.muli %and3A_313, %mul3A_1154 : i32
            %mul3A_1156 = arith.constant 16 : i32
            %mul3A_1157 = arith.muli %scan3A_795, %mul3A_1156 : i32
            %add3A_1158 = arith.addi %mul3A_1155, %mul3A_1157 : i32
            %add3A_1159 = arith.constant 12 : i32
            %add3A_1160 = arith.addi %add3A_1158, %add3A_1159 : i32
            %get3A_1161 = arith.index_cast %squeeze3A_1153 : i32 to index
            %get3A_1162 = tpu.vector_load %arg6[%get3A_1161] {strides = array<i32>} : memref<100352xbf16, #tpu.memory_space<vmem>>, vector<32xbf16>,
            %get3A_1163 = arith.index_cast %add3A_1160 : i32 to index
            %get3A_1164 = arith.constant 0 : index
            %get3A_1165 = tpu.vector_load %arg10[%get3A_1163, %get3A_1164] {strides = array<i32>} : memref<512x64xbf16, #tpu.memory_space<vmem>>, vector<32xbf16>,
            %max3A_1166 = arith.maximumf %get3A_1162, %get3A_1165 : vector<32xbf16>
            %swap3A_1167 = arith.index_cast %squeeze3A_1153 : i32 to index
            %swap3A_1168 = tpu.vector_load %arg6[%swap3A_1167] {strides = array<i32>} : memref<100352xbf16, #tpu.memory_space<vmem>>, vector<32xbf16>,
            tpu.vector_store %arg6[%swap3A_1167], %max3A_1166 {strides = array<i32>} : memref<100352xbf16, #tpu.memory_space<vmem>>, vector<32xbf16>,
            %add3A_1169 = arith.constant 32 : i32
            %add3A_1170 = arith.addi %squeeze3A_1153, %add3A_1169 : i32
            %get3A_1171 = arith.index_cast %add3A_1170 : i32 to index
            %get3A_1172 = tpu.vector_load %arg6[%get3A_1171] {strides = array<i32>} : memref<100352xbf16, #tpu.memory_space<vmem>>, vector<32xbf16>,
            %get3A_1173 = arith.index_cast %add3A_1160 : i32 to index
            %get3A_1174 = arith.constant 32 : index
            %get3A_1175 = tpu.vector_load %arg10[%get3A_1173, %get3A_1174] {strides = array<i32>} : memref<512x64xbf16, #tpu.memory_space<vmem>>, vector<32xbf16>,
            %max3A_1176 = arith.maximumf %get3A_1172, %get3A_1175 : vector<32xbf16>
            %add3A_1177 = arith.constant 32 : i32
            %add3A_1178 = arith.addi %squeeze3A_1153, %add3A_1177 : i32
            %swap3A_1179 = arith.index_cast %add3A_1178 : i32 to index
            %swap3A_1180 = tpu.vector_load %arg6[%swap3A_1179] {strides = array<i32>} : memref<100352xbf16, #tpu.memory_space<vmem>>, vector<32xbf16>,
            tpu.vector_store %arg6[%swap3A_1179], %max3A_1176 {strides = array<i32>} : memref<100352xbf16, #tpu.memory_space<vmem>>, vector<32xbf16>,
            %slice3A_1181 = vector.extract_strided_slice %mul3A_803 {offsets = [13], sizes = [1], strides = [1]} : vector<16xi32> to vector<1xi32>
            %squeeze3A_1182 = vector.extract %slice3A_1181[0] : i32 from vector<1xi32>
            %mul3A_1183 = arith.constant 256 : i32
            %mul3A_1184 = arith.muli %and3A_313, %mul3A_1183 : i32
            %mul3A_1185 = arith.constant 16 : i32
            %mul3A_1186 = arith.muli %scan3A_795, %mul3A_1185 : i32
            %add3A_1187 = arith.addi %mul3A_1184, %mul3A_1186 : i32
            %add3A_1188 = arith.constant 13 : i32
            %add3A_1189 = arith.addi %add3A_1187, %add3A_1188 : i32
            %get3A_1190 = arith.index_cast %squeeze3A_1182 : i32 to index
            %get3A_1191 = tpu.vector_load %arg6[%get3A_1190] {strides = array<i32>} : memref<100352xbf16, #tpu.memory_space<vmem>>, vector<32xbf16>,
            %get3A_1192 = arith.index_cast %add3A_1189 : i32 to index
            %get3A_1193 = arith.constant 0 : index
            %get3A_1194 = tpu.vector_load %arg10[%get3A_1192, %get3A_1193] {strides = array<i32>} : memref<512x64xbf16, #tpu.memory_space<vmem>>, vector<32xbf16>,
            %max3A_1195 = arith.maximumf %get3A_1191, %get3A_1194 : vector<32xbf16>
            %swap3A_1196 = arith.index_cast %squeeze3A_1182 : i32 to index
            %swap3A_1197 = tpu.vector_load %arg6[%swap3A_1196] {strides = array<i32>} : memref<100352xbf16, #tpu.memory_space<vmem>>, vector<32xbf16>,
            tpu.vector_store %arg6[%swap3A_1196], %max3A_1195 {strides = array<i32>} : memref<100352xbf16, #tpu.memory_space<vmem>>, vector<32xbf16>,
            %add3A_1198 = arith.constant 32 : i32
            %add3A_1199 = arith.addi %squeeze3A_1182, %add3A_1198 : i32
            %get3A_1200 = arith.index_cast %add3A_1199 : i32 to index
            %get3A_1201 = tpu.vector_load %arg6[%get3A_1200] {strides = array<i32>} : memref<100352xbf16, #tpu.memory_space<vmem>>, vector<32xbf16>,
            %get3A_1202 = arith.index_cast %add3A_1189 : i32 to index
            %get3A_1203 = arith.constant 32 : index
            %get3A_1204 = tpu.vector_load %arg10[%get3A_1202, %get3A_1203] {strides = array<i32>} : memref<512x64xbf16, #tpu.memory_space<vmem>>, vector<32xbf16>,
            %max3A_1205 = arith.maximumf %get3A_1201, %get3A_1204 : vector<32xbf16>
            %add3A_1206 = arith.constant 32 : i32
            %add3A_1207 = arith.addi %squeeze3A_1182, %add3A_1206 : i32
            %swap3A_1208 = arith.index_cast %add3A_1207 : i32 to index
            %swap3A_1209 = tpu.vector_load %arg6[%swap3A_1208] {strides = array<i32>} : memref<100352xbf16, #tpu.memory_space<vmem>>, vector<32xbf16>,
            tpu.vector_store %arg6[%swap3A_1208], %max3A_1205 {strides = array<i32>} : memref<100352xbf16, #tpu.memory_space<vmem>>, vector<32xbf16>,
            %slice3A_1210 = vector.extract_strided_slice %mul3A_803 {offsets = [14], sizes = [1], strides = [1]} : vector<16xi32> to vector<1xi32>
            %squeeze3A_1211 = vector.extract %slice3A_1210[0] : i32 from vector<1xi32>
            %mul3A_1212 = arith.constant 256 : i32
            %mul3A_1213 = arith.muli %and3A_313, %mul3A_1212 : i32
            %mul3A_1214 = arith.constant 16 : i32
            %mul3A_1215 = arith.muli %scan3A_795, %mul3A_1214 : i32
            %add3A_1216 = arith.addi %mul3A_1213, %mul3A_1215 : i32
            %add3A_1217 = arith.constant 14 : i32
            %add3A_1218 = arith.addi %add3A_1216, %add3A_1217 : i32
            %get3A_1219 = arith.index_cast %squeeze3A_1211 : i32 to index
            %get3A_1220 = tpu.vector_load %arg6[%get3A_1219] {strides = array<i32>} : memref<100352xbf16, #tpu.memory_space<vmem>>, vector<32xbf16>,
            %get3A_1221 = arith.index_cast %add3A_1218 : i32 to index
            %get3A_1222 = arith.constant 0 : index
            %get3A_1223 = tpu.vector_load %arg10[%get3A_1221, %get3A_1222] {strides = array<i32>} : memref<512x64xbf16, #tpu.memory_space<vmem>>, vector<32xbf16>,
            %max3A_1224 = arith.maximumf %get3A_1220, %get3A_1223 : vector<32xbf16>
            %swap3A_1225 = arith.index_cast %squeeze3A_1211 : i32 to index
            %swap3A_1226 = tpu.vector_load %arg6[%swap3A_1225] {strides = array<i32>} : memref<100352xbf16, #tpu.memory_space<vmem>>, vector<32xbf16>,
            tpu.vector_store %arg6[%swap3A_1225], %max3A_1224 {strides = array<i32>} : memref<100352xbf16, #tpu.memory_space<vmem>>, vector<32xbf16>,
            %add3A_1227 = arith.constant 32 : i32
            %add3A_1228 = arith.addi %squeeze3A_1211, %add3A_1227 : i32
            %get3A_1229 = arith.index_cast %add3A_1228 : i32 to index
            %get3A_1230 = tpu.vector_load %arg6[%get3A_1229] {strides = array<i32>} : memref<100352xbf16, #tpu.memory_space<vmem>>, vector<32xbf16>,
            %get3A_1231 = arith.index_cast %add3A_1218 : i32 to index
            %get3A_1232 = arith.constant 32 : index
            %get3A_1233 = tpu.vector_load %arg10[%get3A_1231, %get3A_1232] {strides = array<i32>} : memref<512x64xbf16, #tpu.memory_space<vmem>>, vector<32xbf16>,
            %max3A_1234 = arith.maximumf %get3A_1230, %get3A_1233 : vector<32xbf16>
            %add3A_1235 = arith.constant 32 : i32
            %add3A_1236 = arith.addi %squeeze3A_1211, %add3A_1235 : i32
            %swap3A_1237 = arith.index_cast %add3A_1236 : i32 to index
            %swap3A_1238 = tpu.vector_load %arg6[%swap3A_1237] {strides = array<i32>} : memref<100352xbf16, #tpu.memory_space<vmem>>, vector<32xbf16>,
            tpu.vector_store %arg6[%swap3A_1237], %max3A_1234 {strides = array<i32>} : memref<100352xbf16, #tpu.memory_space<vmem>>, vector<32xbf16>,
            %slice3A_1239 = vector.extract_strided_slice %mul3A_803 {offsets = [15], sizes = [1], strides = [1]} : vector<16xi32> to vector<1xi32>
            %squeeze3A_1240 = vector.extract %slice3A_1239[0] : i32 from vector<1xi32>
            %mul3A_1241 = arith.constant 256 : i32
            %mul3A_1242 = arith.muli %and3A_313, %mul3A_1241 : i32
            %mul3A_1243 = arith.constant 16 : i32
            %mul3A_1244 = arith.muli %scan3A_795, %mul3A_1243 : i32
            %add3A_1245 = arith.addi %mul3A_1242, %mul3A_1244 : i32
            %add3A_1246 = arith.constant 15 : i32
            %add3A_1247 = arith.addi %add3A_1245, %add3A_1246 : i32
            %get3A_1248 = arith.index_cast %squeeze3A_1240 : i32 to index
            %get3A_1249 = tpu.vector_load %arg6[%get3A_1248] {strides = array<i32>} : memref<100352xbf16, #tpu.memory_space<vmem>>, vector<32xbf16>,
            %get3A_1250 = arith.index_cast %add3A_1247 : i32 to index
            %get3A_1251 = arith.constant 0 : index
            %get3A_1252 = tpu.vector_load %arg10[%get3A_1250, %get3A_1251] {strides = array<i32>} : memref<512x64xbf16, #tpu.memory_space<vmem>>, vector<32xbf16>,
            %max3A_1253 = arith.maximumf %get3A_1249, %get3A_1252 : vector<32xbf16>
            %swap3A_1254 = arith.index_cast %squeeze3A_1240 : i32 to index
            %swap3A_1255 = tpu.vector_load %arg6[%swap3A_1254] {strides = array<i32>} : memref<100352xbf16, #tpu.memory_space<vmem>>, vector<32xbf16>,
            tpu.vector_store %arg6[%swap3A_1254], %max3A_1253 {strides = array<i32>} : memref<100352xbf16, #tpu.memory_space<vmem>>, vector<32xbf16>,
            %add3A_1256 = arith.constant 32 : i32
            %add3A_1257 = arith.addi %squeeze3A_1240, %add3A_1256 : i32
            %get3A_1258 = arith.index_cast %add3A_1257 : i32 to index
            %get3A_1259 = tpu.vector_load %arg6[%get3A_1258] {strides = array<i32>} : memref<100352xbf16, #tpu.memory_space<vmem>>, vector<32xbf16>,
            %get3A_1260 = arith.index_cast %add3A_1247 : i32 to index
            %get3A_1261 = arith.constant 32 : index
            %get3A_1262 = tpu.vector_load %arg10[%get3A_1260, %get3A_1261] {strides = array<i32>} : memref<512x64xbf16, #tpu.memory_space<vmem>>, vector<32xbf16>,
            %max3A_1263 = arith.maximumf %get3A_1259, %get3A_1262 : vector<32xbf16>
            %add3A_1264 = arith.constant 32 : i32
            %add3A_1265 = arith.addi %squeeze3A_1240, %add3A_1264 : i32
            %swap3A_1266 = arith.index_cast %add3A_1265 : i32 to index
            %swap3A_1267 = tpu.vector_load %arg6[%swap3A_1266] {strides = array<i32>} : memref<100352xbf16, #tpu.memory_space<vmem>>, vector<32xbf16>,
            tpu.vector_store %arg6[%swap3A_1266], %max3A_1263 {strides = array<i32>} : memref<100352xbf16, #tpu.memory_space<vmem>>, vector<32xbf16>,
            %scan3A_1268 = arith.constant 0 : i32
            scf.yield %scan3A_1268 : i32
          }
          %scan3A_320 = arith.constant 16 : i32
        } else {
        }
        %gt3A_208 = arith.cmpi sgt, %while3A_202, %while3A_203 : i32
        %select_n3A_209 = arith.select %gt3A_208, %while3A_202, %while3A_203 : i32
        %and3A_210 = arith.constant 16383 : i32
        %and3A_211 = arith.andi %while3A_202, %and3A_210 : i32
        %jit3A_212 = arith.constant 256 : i32
        %div3A_213 = arith.divsi %while3A_202, %jit3A_212 : i32
        %sign3A_214 = arith.constant 0 : i32
        %sign3A_215 = arith.cmpi sgt, %while3A_202, %sign3A_214 : i32
        %sign3A_216 = arith.extui %sign3A_215 : i1 to i32
        %sign3A_217 = arith.constant 0 : i32
        %sign3A_218 = arith.cmpi slt, %while3A_202, %sign3A_217 : i32
        %sign3A_219 = arith.extui %sign3A_218 : i1 to i32
        %sign3A_220 = arith.subi %sign3A_216, %sign3A_219 : i32
        %sign3A_221 = arith.constant 0 : i32
        %sign3A_222 = arith.cmpi sgt, %jit3A_212, %sign3A_221 : i32
        %sign3A_223 = arith.extui %sign3A_222 : i1 to i32
        %sign3A_224 = arith.constant 0 : i32
        %sign3A_225 = arith.cmpi slt, %jit3A_212, %sign3A_224 : i32
        %sign3A_226 = arith.extui %sign3A_225 : i1 to i32
        %sign3A_227 = arith.subi %sign3A_223, %sign3A_226 : i32
        %ne3A_228 = arith.cmpi ne, %sign3A_220, %sign3A_227 : i32
        %rem3A_229 = arith.remsi %while3A_202, %jit3A_212 : i32
        %ne3A_230 = arith.constant 0 : i32
        %ne3A_231 = arith.cmpi ne, %rem3A_229, %ne3A_230 : i32
        %and3A_232 = arith.andi %ne3A_228, %ne3A_231 : i1
        %sub3A_233 = arith.constant 1 : i32
        %sub3A_234 = arith.subi %div3A_213, %sub3A_233 : i32
        %select_n3A_235 = arith.select %and3A_232, %sub3A_234, %div3A_213 : i32
        %and3A_236 = arith.constant 1 : i32
        %and3A_237 = arith.andi %select_n3A_235, %and3A_236 : i32
        %multiple_of3A_238 = tpu.assume_multiple %and3A_211, 8 : i32
        %mul3A_239 = arith.constant 256 : i32
        %mul3A_240 = arith.muli %and3A_237, %mul3A_239 : i32
        %dma_start3A_241 = arith.constant 0 : i32
        %dma_start3A_242 = tpu.memref_slice %arg10[%mul3A_240, %dma_start3A_241] : memref<512x64xbf16, #tpu.memory_space<vmem>> -> memref<256x64xbf16, #tpu.memory_space<vmem>>
        %dma_start3A_243 = tpu.memref_slice %arg8[%multiple_of3A_238] : memref<16384xi32, #tpu.memory_space<vmem>> -> memref<256xi32, #tpu.memory_space<vmem>>
        %dma_start3A_244 = arith.constant 0 : i32
        %dma_start3A_245 = arith.constant 0 : i32
        %dma_start3A_246 = tpu.memref_slice %arg2[%dma_start3A_244, %dma_start3A_245] : memref<50000x64xbf16, #tpu.memory_space<hbm>> -> memref<50000x64xbf16, #tpu.memory_space<hbm>>
        tpu.enqueue_indirect_dma source(%dma_start3A_246 : memref<50000x64xbf16, #tpu.memory_space<hbm>>) target(%dma_start3A_242 : memref<256x64xbf16, #tpu.memory_space<vmem>>) offsets(%dma_start3A_243 : memref<256xi32, #tpu.memory_space<vmem>>) semaphore(%arg13 : memref<!tpu.dma_semaphore, #tpu.memory_space<semaphore_mem>>)
        %add3A_247 = arith.constant 256 : i32
        %add3A_248 = arith.addi %while3A_202, %add3A_247 : i32
        scf.yield %add3A_248, %select_n3A_209 : i32, i32
      }
      %add3A_176 = arith.constant 2 : i32
      %add3A_177 = arith.addi %mul3A_146, %add3A_176 : i32
      %lt3A = arith.constant 100 : i32
      %lt3A_178 = arith.cmpi slt, %add3A_177, %lt3A : i32
      %convert_element_type3A_179 = arith.extui %lt3A_178 : i1 to i32
      %cond3A_180 = arith.constant 0 : i32
      %cond3A_181 = arith.cmpi ne, %convert_element_type3A_179, %cond3A_180 : i32
      scf.if %cond3A_181 {
        %add3A_202 = arith.constant 2 : i32
        %add3A_203 = arith.addi %mul3A_146, %add3A_202 : i32
        %mul3A_204 = arith.constant 8000 : i32
        %mul3A_205 = arith.muli %add3A_203, %mul3A_204 : i32
        %multiple_of3A_206 = tpu.assume_multiple %mul3A_205, 8 : i32
        %dma_start3A_207 = arith.constant 0 : i32
        %dma_start3A_208 = tpu.memref_slice %arg7[%dma_start3A_207] : memref<16000xi32, #tpu.memory_space<vmem>> -> memref<8000xi32, #tpu.memory_space<vmem>>
        %dma_start3A_209 = tpu.memref_slice %arg3[%multiple_of3A_206] : memref<800000xi32, #tpu.memory_space<hbm>> -> memref<8000xi32, #tpu.memory_space<hbm>>
        %dma_start3A_210 = arith.constant 0 : i32
        %dma_start3A_211 = tpu.memref_slice %arg7[%dma_start3A_210] : memref<16000xi32, #tpu.memory_space<vmem>> -> memref<8000xi32, #tpu.memory_space<vmem>>
        %dma_start3A_212 = tpu.memref_slice %arg3[%multiple_of3A_206] : memref<800000xi32, #tpu.memory_space<hbm>> -> memref<8000xi32, #tpu.memory_space<hbm>>
        tpu.enqueue_dma source(%dma_start3A_212 : memref<8000xi32, #tpu.memory_space<hbm>>) target(%dma_start3A_211 : memref<8000xi32, #tpu.memory_space<vmem>>) target_semaphore(%arg11 : memref<!tpu.dma_semaphore, #tpu.memory_space<semaphore_mem>>)
      } else {
      }
      %add3A_182 = arith.constant 1 : i32
      %add3A_183 = arith.addi %mul3A_146, %add3A_182 : i32
      %mul3A_184 = arith.constant 8000 : i32
      %mul3A_185 = arith.muli %add3A_183, %mul3A_184 : i32
      %multiple_of3A_186 = tpu.assume_multiple %mul3A_185, 8 : i32
      %dma_wait3A_187 = arith.constant 8000 : i32
      %dma_wait3A_188 = tpu.memref_slice %arg7[%dma_wait3A_187] : memref<16000xi32, #tpu.memory_space<vmem>> -> memref<8000xi32, #tpu.memory_space<vmem>>
      %dma_wait3A_189 = tpu.memref_slice %arg3[%multiple_of3A_186] : memref<800000xi32, #tpu.memory_space<hbm>> -> memref<8000xi32, #tpu.memory_space<hbm>>
      %dma_wait3A_190 = arith.constant 8000 : i32
      %dma_wait3A_191 = tpu.memref_slice %arg7[%dma_wait3A_190] : memref<16000xi32, #tpu.memory_space<vmem>> -> memref<8000xi32, #tpu.memory_space<vmem>>
      %dma_wait3A_192 = tpu.memref_slice %arg3[%multiple_of3A_186] : memref<800000xi32, #tpu.memory_space<hbm>> -> memref<8000xi32, #tpu.memory_space<hbm>>
      tpu.wait_dma2 semaphore(%arg12 : memref<!tpu.dma_semaphore, #tpu.memory_space<semaphore_mem>>) src(%dma_wait3A_192 : memref<8000xi32, #tpu.memory_space<hbm>>) dst(%dma_wait3A_191 : memref<8000xi32, #tpu.memory_space<vmem>>)
      %parallel_loop3A_193 = arith.constant 0 : i32
      %parallel_loop3A_194 = arith.constant 500 : i32
      %parallel_loop3A_195 = arith.constant 1 : i32
      %parallel_loop3A_196 = scf.for %parallel_loop3A_202 = %parallel_loop3A_193 to %parallel_loop3A_194 step %parallel_loop3A_195 iter_args(%parallel_loop3A_203 = %parallel_loop3A_170) -> (vector<16xi32>)  : i32 {
        %parallel_loop3A_204 = arith.constant 16 : i32
        %parallel_loop3A_205 = arith.muli %parallel_loop3A_202, %parallel_loop3A_204 : i32
        %parallel_loop3A_206 = arith.constant 8000 : i32
        %parallel_loop3A_207 = arith.addi %parallel_loop3A_206, %parallel_loop3A_205 : i32
        %parallel_loop3A_208 = arith.index_cast %parallel_loop3A_207 : i32 to index
        %parallel_loop3A_209 = tpu.vector_load %arg7[%parallel_loop3A_208] {strides = array<i32>} : memref<16000xi32, #tpu.memory_space<vmem>>, vector<16xi32>,
        %parallel_loop3A_210 = arith.constant 65535 : i32
        %parallel_loop3A_211 = vector.broadcast %parallel_loop3A_210 : i32 to vector<16xi32>
        %parallel_loop3A_212 = arith.andi %parallel_loop3A_209, %parallel_loop3A_211 : vector<16xi32>
        %parallel_loop3A_213 = arith.constant 16 : i32
        %parallel_loop3A_214 = vector.broadcast %parallel_loop3A_213 : i32 to vector<16xi32>
        %parallel_loop3A_215 = arith.shrui %parallel_loop3A_209, %parallel_loop3A_214 : vector<16xi32>
        %parallel_loop3A_216 = vector.broadcast %mul3A_3 : i32 to vector<16xi32>
        %parallel_loop3A_217 = arith.subi %parallel_loop3A_215, %parallel_loop3A_216 : vector<16xi32>
        %parallel_loop3A_218 = vector.bitcast %parallel_loop3A_217 : vector<16xi32> to vector<16xi32>
        %parallel_loop3A_219 = vector.broadcast %squeeze3A : i32 to vector<16xi32>
        %parallel_loop3A_220 = arith.cmpi ult, %parallel_loop3A_218, %parallel_loop3A_219 : vector<16xi32>
        %parallel_loop3A_221 = arith.constant 1 : i32
        %parallel_loop3A_222 = arith.constant 0 : i32
        %parallel_loop3A_223 = vector.broadcast %parallel_loop3A_221 : i32 to vector<16xi32>
        %parallel_loop3A_224 = vector.broadcast %parallel_loop3A_222 : i32 to vector<16xi32>
        %parallel_loop3A_225 = arith.select %parallel_loop3A_220, %parallel_loop3A_223, %parallel_loop3A_224 : vector<16xi1>, vector<16xi32>
        %parallel_loop3A_226 = arith.constant true
        %parallel_loop3A_227 = vector.broadcast %parallel_loop3A_226 : i1 to vector<16xi1>
        %parallel_loop3A_228 = tpu.scan <sum>, %parallel_loop3A_225 masked %parallel_loop3A_227 : vector<16xi32>, vector<16xi1> -> vector<16xi32>
        %parallel_loop3A_229 = arith.addi %parallel_loop3A_203, %parallel_loop3A_228 : vector<16xi32>
        %parallel_loop3A_230 = arith.constant 16383 : i32
        %parallel_loop3A_231 = vector.broadcast %parallel_loop3A_230 : i32 to vector<16xi32>
        %parallel_loop3A_232 = arith.andi %parallel_loop3A_229, %parallel_loop3A_231 : vector<16xi32>
        tpu.vector_store_idx %arg8[%parallel_loop3A_232], %parallel_loop3A_212 masked %parallel_loop3A_220 : memref<16384xi32, #tpu.memory_space<vmem>>[vector<16xi32>], vector<16xi32>, vector<16xi1>
        tpu.vector_store_idx %arg9[%parallel_loop3A_232], %parallel_loop3A_217 masked %parallel_loop3A_220 : memref<16400xi32, #tpu.memory_space<vmem>>[vector<16xi32>], vector<16xi32>, vector<16xi1>
        %parallel_loop3A_233 = tpu.all_reduce %parallel_loop3A_220 {dim = 0 : i64, kind = #tpu.reduction_kind<sum>} : vector<16xi1> -> vector<16xi32>
        %parallel_loop3A_234 = arith.addi %parallel_loop3A_203, %parallel_loop3A_233 : vector<16xi32>
        scf.yield %parallel_loop3A_234 : vector<16xi32>
      } {sc.loop_unroll_factor = 16 : i64, sc.parallel_access}
      %slice3A_197 = vector.extract_strided_slice %parallel_loop3A_196 {offsets = [0], sizes = [1], strides = [1]} : vector<16xi32> to vector<1xi32>
      %squeeze3A_198 = vector.extract %slice3A_197[0] : i32 from vector<1xi32>
      %add3A_199 = arith.constant 1 : i32
      %add3A_200 = arith.addi %squeeze3A_198, %add3A_199 : i32
      %while3A_201:2 = scf.while (%while3A_202 = %while3A_175#0, %while3A_203 = %while3A_175#1) : (i32, i32) -> (i32, i32) {
        %add3A_204 = arith.constant 256 : i32
        %add3A_205 = arith.addi %while3A_202, %add3A_204 : i32
        %le3A = arith.cmpi sle, %add3A_205, %add3A_200 : i32
        scf.condition(%le3A) %while3A_202, %while3A_203 : i32, i32
      } do {
      ^bb0(%while3A_202: i32, %while3A_203: i32):
        %gt3A_204 = arith.cmpi sgt, %while3A_202, %while3A_203 : i32
        %convert_element_type3A_205 = arith.extui %gt3A_204 : i1 to i32
        %cond3A_206 = arith.constant 0 : i32
        %cond3A_207 = arith.cmpi ne, %convert_element_type3A_205, %cond3A_206 : i32
        scf.if %cond3A_207 {
          %and3A_249 = arith.constant 16383 : i32
          %and3A_250 = arith.andi %while3A_203, %and3A_249 : i32
          %jit3A_251 = arith.constant 256 : i32
          %div3A_252 = arith.divsi %while3A_203, %jit3A_251 : i32
          %sign3A_253 = arith.constant 0 : i32
          %sign3A_254 = arith.cmpi sgt, %while3A_203, %sign3A_253 : i32
          %sign3A_255 = arith.extui %sign3A_254 : i1 to i32
          %sign3A_256 = arith.constant 0 : i32
          %sign3A_257 = arith.cmpi slt, %while3A_203, %sign3A_256 : i32
          %sign3A_258 = arith.extui %sign3A_257 : i1 to i32
          %sign3A_259 = arith.subi %sign3A_255, %sign3A_258 : i32
          %sign3A_260 = arith.constant 0 : i32
          %sign3A_261 = arith.cmpi sgt, %jit3A_251, %sign3A_260 : i32
          %sign3A_262 = arith.extui %sign3A_261 : i1 to i32
          %sign3A_263 = arith.constant 0 : i32
          %sign3A_264 = arith.cmpi slt, %jit3A_251, %sign3A_263 : i32
          %sign3A_265 = arith.extui %sign3A_264 : i1 to i32
          %sign3A_266 = arith.subi %sign3A_262, %sign3A_265 : i32
          %ne3A_267 = arith.cmpi ne, %sign3A_259, %sign3A_266 : i32
          %rem3A_268 = arith.remsi %while3A_203, %jit3A_251 : i32
          %ne3A_269 = arith.constant 0 : i32
          %ne3A_270 = arith.cmpi ne, %rem3A_268, %ne3A_269 : i32
          %and3A_271 = arith.andi %ne3A_267, %ne3A_270 : i1
          %sub3A_272 = arith.constant 1 : i32
          %sub3A_273 = arith.subi %div3A_252, %sub3A_272 : i32
          %select_n3A_274 = arith.select %and3A_271, %sub3A_273, %div3A_252 : i32
          %and3A_275 = arith.constant 1 : i32
          %and3A_276 = arith.andi %select_n3A_274, %and3A_275 : i32
          %multiple_of3A_277 = tpu.assume_multiple %and3A_250, 8 : i32
          %mul3A_278 = arith.constant 256 : i32
          %mul3A_279 = arith.muli %and3A_276, %mul3A_278 : i32
          %dma_wait3A_280 = arith.constant 0 : i32
          %dma_wait3A_281 = tpu.memref_slice %arg10[%mul3A_279, %dma_wait3A_280] : memref<512x64xbf16, #tpu.memory_space<vmem>> -> memref<256x64xbf16, #tpu.memory_space<vmem>>
          %dma_wait3A_282 = tpu.memref_slice %arg8[%multiple_of3A_277] : memref<16384xi32, #tpu.memory_space<vmem>> -> memref<256xi32, #tpu.memory_space<vmem>>
          %dma_wait3A_283 = arith.constant 0 : i32
          %dma_wait3A_284 = arith.constant 0 : i32
          %dma_wait3A_285 = tpu.memref_slice %arg2[%dma_wait3A_283, %dma_wait3A_284] : memref<50000x64xbf16, #tpu.memory_space<hbm>> -> memref<50000x64xbf16, #tpu.memory_space<hbm>>
          tpu.wait_indirect_dma semaphore(%arg13 : memref<!tpu.dma_semaphore, #tpu.memory_space<semaphore_mem>>) src(%dma_wait3A_285 : memref<50000x64xbf16, #tpu.memory_space<hbm>>) dst(%dma_wait3A_281 : memref<256x64xbf16, #tpu.memory_space<vmem>>)
          %and3A_286 = arith.constant 16383 : i32
          %and3A_287 = arith.andi %while3A_203, %and3A_286 : i32
          %jit3A_288 = arith.constant 256 : i32
          %div3A_289 = arith.divsi %while3A_203, %jit3A_288 : i32
          %sign3A_290 = arith.constant 0 : i32
          %sign3A_291 = arith.cmpi sgt, %while3A_203, %sign3A_290 : i32
          %sign3A_292 = arith.extui %sign3A_291 : i1 to i32
          %sign3A_293 = arith.constant 0 : i32
          %sign3A_294 = arith.cmpi slt, %while3A_203, %sign3A_293 : i32
          %sign3A_295 = arith.extui %sign3A_294 : i1 to i32
          %sign3A_296 = arith.subi %sign3A_292, %sign3A_295 : i32
          %sign3A_297 = arith.constant 0 : i32
          %sign3A_298 = arith.cmpi sgt, %jit3A_288, %sign3A_297 : i32
          %sign3A_299 = arith.extui %sign3A_298 : i1 to i32
          %sign3A_300 = arith.constant 0 : i32
          %sign3A_301 = arith.cmpi slt, %jit3A_288, %sign3A_300 : i32
          %sign3A_302 = arith.extui %sign3A_301 : i1 to i32
          %sign3A_303 = arith.subi %sign3A_299, %sign3A_302 : i32
          %ne3A_304 = arith.cmpi ne, %sign3A_296, %sign3A_303 : i32
          %rem3A_305 = arith.remsi %while3A_203, %jit3A_288 : i32
          %ne3A_306 = arith.constant 0 : i32
          %ne3A_307 = arith.cmpi ne, %rem3A_305, %ne3A_306 : i32
          %and3A_308 = arith.andi %ne3A_304, %ne3A_307 : i1
          %sub3A_309 = arith.constant 1 : i32
          %sub3A_310 = arith.subi %div3A_289, %sub3A_309 : i32
          %select_n3A_311 = arith.select %and3A_308, %sub3A_310, %div3A_289 : i32
          %and3A_312 = arith.constant 1 : i32
          %and3A_313 = arith.andi %select_n3A_311, %and3A_312 : i32
          %scan3A_314 = arith.constant 0 : i32
          %scan3A_315 = arith.constant 0 : i32
          %scan3A_316 = arith.constant 16 : i32
          %scan3A_317 = arith.addi %scan3A_315, %scan3A_316 : i32
          %scan3A_318 = arith.constant 2 : i32
          %scan3A_319 = scf.for %scan3A_321 = %scan3A_315 to %scan3A_317 step %scan3A_318 iter_args(%scan3A_322 = %scan3A_314) -> (i32)  : i32 {
            %mul3A_323 = arith.constant 16 : i32
            %mul3A_324 = arith.muli %scan3A_321, %mul3A_323 : i32
            %add3A_325 = arith.addi %and3A_287, %mul3A_324 : i32
            %get3A_326 = arith.index_cast %add3A_325 : i32 to index
            %get3A_327 = tpu.vector_load %arg9[%get3A_326] {strides = array<i32>} : memref<16400xi32, #tpu.memory_space<vmem>>, vector<16xi32>,
            %mul3A_328 = arith.constant 64 : i32
            %mul3A_329 = vector.broadcast %mul3A_328 : i32 to vector<16xi32>
            %mul3A_330 = arith.muli %get3A_327, %mul3A_329 : vector<16xi32>
            %slice3A_331 = vector.extract_strided_slice %mul3A_330 {offsets = [0], sizes = [1], strides = [1]} : vector<16xi32> to vector<1xi32>
            %squeeze3A_332 = vector.extract %slice3A_331[0] : i32 from vector<1xi32>
            %mul3A_333 = arith.constant 256 : i32
            %mul3A_334 = arith.muli %and3A_313, %mul3A_333 : i32
            %mul3A_335 = arith.constant 16 : i32
            %mul3A_336 = arith.muli %scan3A_321, %mul3A_335 : i32
            %add3A_337 = arith.addi %mul3A_334, %mul3A_336 : i32
            %add3A_338 = arith.constant 0 : i32
            %add3A_339 = arith.addi %add3A_337, %add3A_338 : i32
            %get3A_340 = arith.index_cast %squeeze3A_332 : i32 to index
            %get3A_341 = tpu.vector_load %arg6[%get3A_340] {strides = array<i32>} : memref<100352xbf16, #tpu.memory_space<vmem>>, vector<32xbf16>,
            %get3A_342 = arith.index_cast %add3A_339 : i32 to index
            %get3A_343 = arith.constant 0 : index
            %get3A_344 = tpu.vector_load %arg10[%get3A_342, %get3A_343] {strides = array<i32>} : memref<512x64xbf16, #tpu.memory_space<vmem>>, vector<32xbf16>,
            %max3A = arith.maximumf %get3A_341, %get3A_344 : vector<32xbf16>
            %swap3A = arith.index_cast %squeeze3A_332 : i32 to index
            %swap3A_345 = tpu.vector_load %arg6[%swap3A] {strides = array<i32>} : memref<100352xbf16, #tpu.memory_space<vmem>>, vector<32xbf16>,
            tpu.vector_store %arg6[%swap3A], %max3A {strides = array<i32>} : memref<100352xbf16, #tpu.memory_space<vmem>>, vector<32xbf16>,
            %add3A_346 = arith.constant 32 : i32
            %add3A_347 = arith.addi %squeeze3A_332, %add3A_346 : i32
            %get3A_348 = arith.index_cast %add3A_347 : i32 to index
            %get3A_349 = tpu.vector_load %arg6[%get3A_348] {strides = array<i32>} : memref<100352xbf16, #tpu.memory_space<vmem>>, vector<32xbf16>,
            %get3A_350 = arith.index_cast %add3A_339 : i32 to index
            %get3A_351 = arith.constant 32 : index
            %get3A_352 = tpu.vector_load %arg10[%get3A_350, %get3A_351] {strides = array<i32>} : memref<512x64xbf16, #tpu.memory_space<vmem>>, vector<32xbf16>,
            %max3A_353 = arith.maximumf %get3A_349, %get3A_352 : vector<32xbf16>
            %add3A_354 = arith.constant 32 : i32
            %add3A_355 = arith.addi %squeeze3A_332, %add3A_354 : i32
            %swap3A_356 = arith.index_cast %add3A_355 : i32 to index
            %swap3A_357 = tpu.vector_load %arg6[%swap3A_356] {strides = array<i32>} : memref<100352xbf16, #tpu.memory_space<vmem>>, vector<32xbf16>,
            tpu.vector_store %arg6[%swap3A_356], %max3A_353 {strides = array<i32>} : memref<100352xbf16, #tpu.memory_space<vmem>>, vector<32xbf16>,
            %slice3A_358 = vector.extract_strided_slice %mul3A_330 {offsets = [1], sizes = [1], strides = [1]} : vector<16xi32> to vector<1xi32>
            %squeeze3A_359 = vector.extract %slice3A_358[0] : i32 from vector<1xi32>
            %mul3A_360 = arith.constant 256 : i32
            %mul3A_361 = arith.muli %and3A_313, %mul3A_360 : i32
            %mul3A_362 = arith.constant 16 : i32
            %mul3A_363 = arith.muli %scan3A_321, %mul3A_362 : i32
            %add3A_364 = arith.addi %mul3A_361, %mul3A_363 : i32
            %add3A_365 = arith.constant 1 : i32
            %add3A_366 = arith.addi %add3A_364, %add3A_365 : i32
            %get3A_367 = arith.index_cast %squeeze3A_359 : i32 to index
            %get3A_368 = tpu.vector_load %arg6[%get3A_367] {strides = array<i32>} : memref<100352xbf16, #tpu.memory_space<vmem>>, vector<32xbf16>,
            %get3A_369 = arith.index_cast %add3A_366 : i32 to index
            %get3A_370 = arith.constant 0 : index
            %get3A_371 = tpu.vector_load %arg10[%get3A_369, %get3A_370] {strides = array<i32>} : memref<512x64xbf16, #tpu.memory_space<vmem>>, vector<32xbf16>,
            %max3A_372 = arith.maximumf %get3A_368, %get3A_371 : vector<32xbf16>
            %swap3A_373 = arith.index_cast %squeeze3A_359 : i32 to index
            %swap3A_374 = tpu.vector_load %arg6[%swap3A_373] {strides = array<i32>} : memref<100352xbf16, #tpu.memory_space<vmem>>, vector<32xbf16>,
            tpu.vector_store %arg6[%swap3A_373], %max3A_372 {strides = array<i32>} : memref<100352xbf16, #tpu.memory_space<vmem>>, vector<32xbf16>,
            %add3A_375 = arith.constant 32 : i32
            %add3A_376 = arith.addi %squeeze3A_359, %add3A_375 : i32
            %get3A_377 = arith.index_cast %add3A_376 : i32 to index
            %get3A_378 = tpu.vector_load %arg6[%get3A_377] {strides = array<i32>} : memref<100352xbf16, #tpu.memory_space<vmem>>, vector<32xbf16>,
            %get3A_379 = arith.index_cast %add3A_366 : i32 to index
            %get3A_380 = arith.constant 32 : index
            %get3A_381 = tpu.vector_load %arg10[%get3A_379, %get3A_380] {strides = array<i32>} : memref<512x64xbf16, #tpu.memory_space<vmem>>, vector<32xbf16>,
            %max3A_382 = arith.maximumf %get3A_378, %get3A_381 : vector<32xbf16>
            %add3A_383 = arith.constant 32 : i32
            %add3A_384 = arith.addi %squeeze3A_359, %add3A_383 : i32
            %swap3A_385 = arith.index_cast %add3A_384 : i32 to index
            %swap3A_386 = tpu.vector_load %arg6[%swap3A_385] {strides = array<i32>} : memref<100352xbf16, #tpu.memory_space<vmem>>, vector<32xbf16>,
            tpu.vector_store %arg6[%swap3A_385], %max3A_382 {strides = array<i32>} : memref<100352xbf16, #tpu.memory_space<vmem>>, vector<32xbf16>,
            %slice3A_387 = vector.extract_strided_slice %mul3A_330 {offsets = [2], sizes = [1], strides = [1]} : vector<16xi32> to vector<1xi32>
            %squeeze3A_388 = vector.extract %slice3A_387[0] : i32 from vector<1xi32>
            %mul3A_389 = arith.constant 256 : i32
            %mul3A_390 = arith.muli %and3A_313, %mul3A_389 : i32
            %mul3A_391 = arith.constant 16 : i32
            %mul3A_392 = arith.muli %scan3A_321, %mul3A_391 : i32
            %add3A_393 = arith.addi %mul3A_390, %mul3A_392 : i32
            %add3A_394 = arith.constant 2 : i32
            %add3A_395 = arith.addi %add3A_393, %add3A_394 : i32
            %get3A_396 = arith.index_cast %squeeze3A_388 : i32 to index
            %get3A_397 = tpu.vector_load %arg6[%get3A_396] {strides = array<i32>} : memref<100352xbf16, #tpu.memory_space<vmem>>, vector<32xbf16>,
            %get3A_398 = arith.index_cast %add3A_395 : i32 to index
            %get3A_399 = arith.constant 0 : index
            %get3A_400 = tpu.vector_load %arg10[%get3A_398, %get3A_399] {strides = array<i32>} : memref<512x64xbf16, #tpu.memory_space<vmem>>, vector<32xbf16>,
            %max3A_401 = arith.maximumf %get3A_397, %get3A_400 : vector<32xbf16>
            %swap3A_402 = arith.index_cast %squeeze3A_388 : i32 to index
            %swap3A_403 = tpu.vector_load %arg6[%swap3A_402] {strides = array<i32>} : memref<100352xbf16, #tpu.memory_space<vmem>>, vector<32xbf16>,
            tpu.vector_store %arg6[%swap3A_402], %max3A_401 {strides = array<i32>} : memref<100352xbf16, #tpu.memory_space<vmem>>, vector<32xbf16>,
            %add3A_404 = arith.constant 32 : i32
            %add3A_405 = arith.addi %squeeze3A_388, %add3A_404 : i32
            %get3A_406 = arith.index_cast %add3A_405 : i32 to index
            %get3A_407 = tpu.vector_load %arg6[%get3A_406] {strides = array<i32>} : memref<100352xbf16, #tpu.memory_space<vmem>>, vector<32xbf16>,
            %get3A_408 = arith.index_cast %add3A_395 : i32 to index
            %get3A_409 = arith.constant 32 : index
            %get3A_410 = tpu.vector_load %arg10[%get3A_408, %get3A_409] {strides = array<i32>} : memref<512x64xbf16, #tpu.memory_space<vmem>>, vector<32xbf16>,
            %max3A_411 = arith.maximumf %get3A_407, %get3A_410 : vector<32xbf16>
            %add3A_412 = arith.constant 32 : i32
            %add3A_413 = arith.addi %squeeze3A_388, %add3A_412 : i32
            %swap3A_414 = arith.index_cast %add3A_413 : i32 to index
            %swap3A_415 = tpu.vector_load %arg6[%swap3A_414] {strides = array<i32>} : memref<100352xbf16, #tpu.memory_space<vmem>>, vector<32xbf16>,
            tpu.vector_store %arg6[%swap3A_414], %max3A_411 {strides = array<i32>} : memref<100352xbf16, #tpu.memory_space<vmem>>, vector<32xbf16>,
            %slice3A_416 = vector.extract_strided_slice %mul3A_330 {offsets = [3], sizes = [1], strides = [1]} : vector<16xi32> to vector<1xi32>
            %squeeze3A_417 = vector.extract %slice3A_416[0] : i32 from vector<1xi32>
            %mul3A_418 = arith.constant 256 : i32
            %mul3A_419 = arith.muli %and3A_313, %mul3A_418 : i32
            %mul3A_420 = arith.constant 16 : i32
            %mul3A_421 = arith.muli %scan3A_321, %mul3A_420 : i32
            %add3A_422 = arith.addi %mul3A_419, %mul3A_421 : i32
            %add3A_423 = arith.constant 3 : i32
            %add3A_424 = arith.addi %add3A_422, %add3A_423 : i32
            %get3A_425 = arith.index_cast %squeeze3A_417 : i32 to index
            %get3A_426 = tpu.vector_load %arg6[%get3A_425] {strides = array<i32>} : memref<100352xbf16, #tpu.memory_space<vmem>>, vector<32xbf16>,
            %get3A_427 = arith.index_cast %add3A_424 : i32 to index
            %get3A_428 = arith.constant 0 : index
            %get3A_429 = tpu.vector_load %arg10[%get3A_427, %get3A_428] {strides = array<i32>} : memref<512x64xbf16, #tpu.memory_space<vmem>>, vector<32xbf16>,
            %max3A_430 = arith.maximumf %get3A_426, %get3A_429 : vector<32xbf16>
            %swap3A_431 = arith.index_cast %squeeze3A_417 : i32 to index
            %swap3A_432 = tpu.vector_load %arg6[%swap3A_431] {strides = array<i32>} : memref<100352xbf16, #tpu.memory_space<vmem>>, vector<32xbf16>,
            tpu.vector_store %arg6[%swap3A_431], %max3A_430 {strides = array<i32>} : memref<100352xbf16, #tpu.memory_space<vmem>>, vector<32xbf16>,
            %add3A_433 = arith.constant 32 : i32
            %add3A_434 = arith.addi %squeeze3A_417, %add3A_433 : i32
            %get3A_435 = arith.index_cast %add3A_434 : i32 to index
            %get3A_436 = tpu.vector_load %arg6[%get3A_435] {strides = array<i32>} : memref<100352xbf16, #tpu.memory_space<vmem>>, vector<32xbf16>,
            %get3A_437 = arith.index_cast %add3A_424 : i32 to index
            %get3A_438 = arith.constant 32 : index
            %get3A_439 = tpu.vector_load %arg10[%get3A_437, %get3A_438] {strides = array<i32>} : memref<512x64xbf16, #tpu.memory_space<vmem>>, vector<32xbf16>,
            %max3A_440 = arith.maximumf %get3A_436, %get3A_439 : vector<32xbf16>
            %add3A_441 = arith.constant 32 : i32
            %add3A_442 = arith.addi %squeeze3A_417, %add3A_441 : i32
            %swap3A_443 = arith.index_cast %add3A_442 : i32 to index
            %swap3A_444 = tpu.vector_load %arg6[%swap3A_443] {strides = array<i32>} : memref<100352xbf16, #tpu.memory_space<vmem>>, vector<32xbf16>,
            tpu.vector_store %arg6[%swap3A_443], %max3A_440 {strides = array<i32>} : memref<100352xbf16, #tpu.memory_space<vmem>>, vector<32xbf16>,
            %slice3A_445 = vector.extract_strided_slice %mul3A_330 {offsets = [4], sizes = [1], strides = [1]} : vector<16xi32> to vector<1xi32>
            %squeeze3A_446 = vector.extract %slice3A_445[0] : i32 from vector<1xi32>
            %mul3A_447 = arith.constant 256 : i32
            %mul3A_448 = arith.muli %and3A_313, %mul3A_447 : i32
            %mul3A_449 = arith.constant 16 : i32
            %mul3A_450 = arith.muli %scan3A_321, %mul3A_449 : i32
            %add3A_451 = arith.addi %mul3A_448, %mul3A_450 : i32
            %add3A_452 = arith.constant 4 : i32
            %add3A_453 = arith.addi %add3A_451, %add3A_452 : i32
            %get3A_454 = arith.index_cast %squeeze3A_446 : i32 to index
            %get3A_455 = tpu.vector_load %arg6[%get3A_454] {strides = array<i32>} : memref<100352xbf16, #tpu.memory_space<vmem>>, vector<32xbf16>,
            %get3A_456 = arith.index_cast %add3A_453 : i32 to index
            %get3A_457 = arith.constant 0 : index
            %get3A_458 = tpu.vector_load %arg10[%get3A_456, %get3A_457] {strides = array<i32>} : memref<512x64xbf16, #tpu.memory_space<vmem>>, vector<32xbf16>,
            %max3A_459 = arith.maximumf %get3A_455, %get3A_458 : vector<32xbf16>
            %swap3A_460 = arith.index_cast %squeeze3A_446 : i32 to index
            %swap3A_461 = tpu.vector_load %arg6[%swap3A_460] {strides = array<i32>} : memref<100352xbf16, #tpu.memory_space<vmem>>, vector<32xbf16>,
            tpu.vector_store %arg6[%swap3A_460], %max3A_459 {strides = array<i32>} : memref<100352xbf16, #tpu.memory_space<vmem>>, vector<32xbf16>,
            %add3A_462 = arith.constant 32 : i32
            %add3A_463 = arith.addi %squeeze3A_446, %add3A_462 : i32
            %get3A_464 = arith.index_cast %add3A_463 : i32 to index
            %get3A_465 = tpu.vector_load %arg6[%get3A_464] {strides = array<i32>} : memref<100352xbf16, #tpu.memory_space<vmem>>, vector<32xbf16>,
            %get3A_466 = arith.index_cast %add3A_453 : i32 to index
            %get3A_467 = arith.constant 32 : index
            %get3A_468 = tpu.vector_load %arg10[%get3A_466, %get3A_467] {strides = array<i32>} : memref<512x64xbf16, #tpu.memory_space<vmem>>, vector<32xbf16>,
            %max3A_469 = arith.maximumf %get3A_465, %get3A_468 : vector<32xbf16>
            %add3A_470 = arith.constant 32 : i32
            %add3A_471 = arith.addi %squeeze3A_446, %add3A_470 : i32
            %swap3A_472 = arith.index_cast %add3A_471 : i32 to index
            %swap3A_473 = tpu.vector_load %arg6[%swap3A_472] {strides = array<i32>} : memref<100352xbf16, #tpu.memory_space<vmem>>, vector<32xbf16>,
            tpu.vector_store %arg6[%swap3A_472], %max3A_469 {strides = array<i32>} : memref<100352xbf16, #tpu.memory_space<vmem>>, vector<32xbf16>,
            %slice3A_474 = vector.extract_strided_slice %mul3A_330 {offsets = [5], sizes = [1], strides = [1]} : vector<16xi32> to vector<1xi32>
            %squeeze3A_475 = vector.extract %slice3A_474[0] : i32 from vector<1xi32>
            %mul3A_476 = arith.constant 256 : i32
            %mul3A_477 = arith.muli %and3A_313, %mul3A_476 : i32
            %mul3A_478 = arith.constant 16 : i32
            %mul3A_479 = arith.muli %scan3A_321, %mul3A_478 : i32
            %add3A_480 = arith.addi %mul3A_477, %mul3A_479 : i32
            %add3A_481 = arith.constant 5 : i32
            %add3A_482 = arith.addi %add3A_480, %add3A_481 : i32
            %get3A_483 = arith.index_cast %squeeze3A_475 : i32 to index
            %get3A_484 = tpu.vector_load %arg6[%get3A_483] {strides = array<i32>} : memref<100352xbf16, #tpu.memory_space<vmem>>, vector<32xbf16>,
            %get3A_485 = arith.index_cast %add3A_482 : i32 to index
            %get3A_486 = arith.constant 0 : index
            %get3A_487 = tpu.vector_load %arg10[%get3A_485, %get3A_486] {strides = array<i32>} : memref<512x64xbf16, #tpu.memory_space<vmem>>, vector<32xbf16>,
            %max3A_488 = arith.maximumf %get3A_484, %get3A_487 : vector<32xbf16>
            %swap3A_489 = arith.index_cast %squeeze3A_475 : i32 to index
            %swap3A_490 = tpu.vector_load %arg6[%swap3A_489] {strides = array<i32>} : memref<100352xbf16, #tpu.memory_space<vmem>>, vector<32xbf16>,
            tpu.vector_store %arg6[%swap3A_489], %max3A_488 {strides = array<i32>} : memref<100352xbf16, #tpu.memory_space<vmem>>, vector<32xbf16>,
            %add3A_491 = arith.constant 32 : i32
            %add3A_492 = arith.addi %squeeze3A_475, %add3A_491 : i32
            %get3A_493 = arith.index_cast %add3A_492 : i32 to index
            %get3A_494 = tpu.vector_load %arg6[%get3A_493] {strides = array<i32>} : memref<100352xbf16, #tpu.memory_space<vmem>>, vector<32xbf16>,
            %get3A_495 = arith.index_cast %add3A_482 : i32 to index
            %get3A_496 = arith.constant 32 : index
            %get3A_497 = tpu.vector_load %arg10[%get3A_495, %get3A_496] {strides = array<i32>} : memref<512x64xbf16, #tpu.memory_space<vmem>>, vector<32xbf16>,
            %max3A_498 = arith.maximumf %get3A_494, %get3A_497 : vector<32xbf16>
            %add3A_499 = arith.constant 32 : i32
            %add3A_500 = arith.addi %squeeze3A_475, %add3A_499 : i32
            %swap3A_501 = arith.index_cast %add3A_500 : i32 to index
            %swap3A_502 = tpu.vector_load %arg6[%swap3A_501] {strides = array<i32>} : memref<100352xbf16, #tpu.memory_space<vmem>>, vector<32xbf16>,
            tpu.vector_store %arg6[%swap3A_501], %max3A_498 {strides = array<i32>} : memref<100352xbf16, #tpu.memory_space<vmem>>, vector<32xbf16>,
            %slice3A_503 = vector.extract_strided_slice %mul3A_330 {offsets = [6], sizes = [1], strides = [1]} : vector<16xi32> to vector<1xi32>
            %squeeze3A_504 = vector.extract %slice3A_503[0] : i32 from vector<1xi32>
            %mul3A_505 = arith.constant 256 : i32
            %mul3A_506 = arith.muli %and3A_313, %mul3A_505 : i32
            %mul3A_507 = arith.constant 16 : i32
            %mul3A_508 = arith.muli %scan3A_321, %mul3A_507 : i32
            %add3A_509 = arith.addi %mul3A_506, %mul3A_508 : i32
            %add3A_510 = arith.constant 6 : i32
            %add3A_511 = arith.addi %add3A_509, %add3A_510 : i32
            %get3A_512 = arith.index_cast %squeeze3A_504 : i32 to index
            %get3A_513 = tpu.vector_load %arg6[%get3A_512] {strides = array<i32>} : memref<100352xbf16, #tpu.memory_space<vmem>>, vector<32xbf16>,
            %get3A_514 = arith.index_cast %add3A_511 : i32 to index
            %get3A_515 = arith.constant 0 : index
            %get3A_516 = tpu.vector_load %arg10[%get3A_514, %get3A_515] {strides = array<i32>} : memref<512x64xbf16, #tpu.memory_space<vmem>>, vector<32xbf16>,
            %max3A_517 = arith.maximumf %get3A_513, %get3A_516 : vector<32xbf16>
            %swap3A_518 = arith.index_cast %squeeze3A_504 : i32 to index
            %swap3A_519 = tpu.vector_load %arg6[%swap3A_518] {strides = array<i32>} : memref<100352xbf16, #tpu.memory_space<vmem>>, vector<32xbf16>,
            tpu.vector_store %arg6[%swap3A_518], %max3A_517 {strides = array<i32>} : memref<100352xbf16, #tpu.memory_space<vmem>>, vector<32xbf16>,
            %add3A_520 = arith.constant 32 : i32
            %add3A_521 = arith.addi %squeeze3A_504, %add3A_520 : i32
            %get3A_522 = arith.index_cast %add3A_521 : i32 to index
            %get3A_523 = tpu.vector_load %arg6[%get3A_522] {strides = array<i32>} : memref<100352xbf16, #tpu.memory_space<vmem>>, vector<32xbf16>,
            %get3A_524 = arith.index_cast %add3A_511 : i32 to index
            %get3A_525 = arith.constant 32 : index
            %get3A_526 = tpu.vector_load %arg10[%get3A_524, %get3A_525] {strides = array<i32>} : memref<512x64xbf16, #tpu.memory_space<vmem>>, vector<32xbf16>,
            %max3A_527 = arith.maximumf %get3A_523, %get3A_526 : vector<32xbf16>
            %add3A_528 = arith.constant 32 : i32
            %add3A_529 = arith.addi %squeeze3A_504, %add3A_528 : i32
            %swap3A_530 = arith.index_cast %add3A_529 : i32 to index
            %swap3A_531 = tpu.vector_load %arg6[%swap3A_530] {strides = array<i32>} : memref<100352xbf16, #tpu.memory_space<vmem>>, vector<32xbf16>,
            tpu.vector_store %arg6[%swap3A_530], %max3A_527 {strides = array<i32>} : memref<100352xbf16, #tpu.memory_space<vmem>>, vector<32xbf16>,
            %slice3A_532 = vector.extract_strided_slice %mul3A_330 {offsets = [7], sizes = [1], strides = [1]} : vector<16xi32> to vector<1xi32>
            %squeeze3A_533 = vector.extract %slice3A_532[0] : i32 from vector<1xi32>
            %mul3A_534 = arith.constant 256 : i32
            %mul3A_535 = arith.muli %and3A_313, %mul3A_534 : i32
            %mul3A_536 = arith.constant 16 : i32
            %mul3A_537 = arith.muli %scan3A_321, %mul3A_536 : i32
            %add3A_538 = arith.addi %mul3A_535, %mul3A_537 : i32
            %add3A_539 = arith.constant 7 : i32
            %add3A_540 = arith.addi %add3A_538, %add3A_539 : i32
            %get3A_541 = arith.index_cast %squeeze3A_533 : i32 to index
            %get3A_542 = tpu.vector_load %arg6[%get3A_541] {strides = array<i32>} : memref<100352xbf16, #tpu.memory_space<vmem>>, vector<32xbf16>,
            %get3A_543 = arith.index_cast %add3A_540 : i32 to index
            %get3A_544 = arith.constant 0 : index
            %get3A_545 = tpu.vector_load %arg10[%get3A_543, %get3A_544] {strides = array<i32>} : memref<512x64xbf16, #tpu.memory_space<vmem>>, vector<32xbf16>,
            %max3A_546 = arith.maximumf %get3A_542, %get3A_545 : vector<32xbf16>
            %swap3A_547 = arith.index_cast %squeeze3A_533 : i32 to index
            %swap3A_548 = tpu.vector_load %arg6[%swap3A_547] {strides = array<i32>} : memref<100352xbf16, #tpu.memory_space<vmem>>, vector<32xbf16>,
            tpu.vector_store %arg6[%swap3A_547], %max3A_546 {strides = array<i32>} : memref<100352xbf16, #tpu.memory_space<vmem>>, vector<32xbf16>,
            %add3A_549 = arith.constant 32 : i32
            %add3A_550 = arith.addi %squeeze3A_533, %add3A_549 : i32
            %get3A_551 = arith.index_cast %add3A_550 : i32 to index
            %get3A_552 = tpu.vector_load %arg6[%get3A_551] {strides = array<i32>} : memref<100352xbf16, #tpu.memory_space<vmem>>, vector<32xbf16>,
            %get3A_553 = arith.index_cast %add3A_540 : i32 to index
            %get3A_554 = arith.constant 32 : index
            %get3A_555 = tpu.vector_load %arg10[%get3A_553, %get3A_554] {strides = array<i32>} : memref<512x64xbf16, #tpu.memory_space<vmem>>, vector<32xbf16>,
            %max3A_556 = arith.maximumf %get3A_552, %get3A_555 : vector<32xbf16>
            %add3A_557 = arith.constant 32 : i32
            %add3A_558 = arith.addi %squeeze3A_533, %add3A_557 : i32
            %swap3A_559 = arith.index_cast %add3A_558 : i32 to index
            %swap3A_560 = tpu.vector_load %arg6[%swap3A_559] {strides = array<i32>} : memref<100352xbf16, #tpu.memory_space<vmem>>, vector<32xbf16>,
            tpu.vector_store %arg6[%swap3A_559], %max3A_556 {strides = array<i32>} : memref<100352xbf16, #tpu.memory_space<vmem>>, vector<32xbf16>,
            %slice3A_561 = vector.extract_strided_slice %mul3A_330 {offsets = [8], sizes = [1], strides = [1]} : vector<16xi32> to vector<1xi32>
            %squeeze3A_562 = vector.extract %slice3A_561[0] : i32 from vector<1xi32>
            %mul3A_563 = arith.constant 256 : i32
            %mul3A_564 = arith.muli %and3A_313, %mul3A_563 : i32
            %mul3A_565 = arith.constant 16 : i32
            %mul3A_566 = arith.muli %scan3A_321, %mul3A_565 : i32
            %add3A_567 = arith.addi %mul3A_564, %mul3A_566 : i32
            %add3A_568 = arith.constant 8 : i32
            %add3A_569 = arith.addi %add3A_567, %add3A_568 : i32
            %get3A_570 = arith.index_cast %squeeze3A_562 : i32 to index
            %get3A_571 = tpu.vector_load %arg6[%get3A_570] {strides = array<i32>} : memref<100352xbf16, #tpu.memory_space<vmem>>, vector<32xbf16>,
            %get3A_572 = arith.index_cast %add3A_569 : i32 to index
            %get3A_573 = arith.constant 0 : index
            %get3A_574 = tpu.vector_load %arg10[%get3A_572, %get3A_573] {strides = array<i32>} : memref<512x64xbf16, #tpu.memory_space<vmem>>, vector<32xbf16>,
            %max3A_575 = arith.maximumf %get3A_571, %get3A_574 : vector<32xbf16>
            %swap3A_576 = arith.index_cast %squeeze3A_562 : i32 to index
            %swap3A_577 = tpu.vector_load %arg6[%swap3A_576] {strides = array<i32>} : memref<100352xbf16, #tpu.memory_space<vmem>>, vector<32xbf16>,
            tpu.vector_store %arg6[%swap3A_576], %max3A_575 {strides = array<i32>} : memref<100352xbf16, #tpu.memory_space<vmem>>, vector<32xbf16>,
            %add3A_578 = arith.constant 32 : i32
            %add3A_579 = arith.addi %squeeze3A_562, %add3A_578 : i32
            %get3A_580 = arith.index_cast %add3A_579 : i32 to index
            %get3A_581 = tpu.vector_load %arg6[%get3A_580] {strides = array<i32>} : memref<100352xbf16, #tpu.memory_space<vmem>>, vector<32xbf16>,
            %get3A_582 = arith.index_cast %add3A_569 : i32 to index
            %get3A_583 = arith.constant 32 : index
            %get3A_584 = tpu.vector_load %arg10[%get3A_582, %get3A_583] {strides = array<i32>} : memref<512x64xbf16, #tpu.memory_space<vmem>>, vector<32xbf16>,
            %max3A_585 = arith.maximumf %get3A_581, %get3A_584 : vector<32xbf16>
            %add3A_586 = arith.constant 32 : i32
            %add3A_587 = arith.addi %squeeze3A_562, %add3A_586 : i32
            %swap3A_588 = arith.index_cast %add3A_587 : i32 to index
            %swap3A_589 = tpu.vector_load %arg6[%swap3A_588] {strides = array<i32>} : memref<100352xbf16, #tpu.memory_space<vmem>>, vector<32xbf16>,
            tpu.vector_store %arg6[%swap3A_588], %max3A_585 {strides = array<i32>} : memref<100352xbf16, #tpu.memory_space<vmem>>, vector<32xbf16>,
            %slice3A_590 = vector.extract_strided_slice %mul3A_330 {offsets = [9], sizes = [1], strides = [1]} : vector<16xi32> to vector<1xi32>
            %squeeze3A_591 = vector.extract %slice3A_590[0] : i32 from vector<1xi32>
            %mul3A_592 = arith.constant 256 : i32
            %mul3A_593 = arith.muli %and3A_313, %mul3A_592 : i32
            %mul3A_594 = arith.constant 16 : i32
            %mul3A_595 = arith.muli %scan3A_321, %mul3A_594 : i32
            %add3A_596 = arith.addi %mul3A_593, %mul3A_595 : i32
            %add3A_597 = arith.constant 9 : i32
            %add3A_598 = arith.addi %add3A_596, %add3A_597 : i32
            %get3A_599 = arith.index_cast %squeeze3A_591 : i32 to index
            %get3A_600 = tpu.vector_load %arg6[%get3A_599] {strides = array<i32>} : memref<100352xbf16, #tpu.memory_space<vmem>>, vector<32xbf16>,
            %get3A_601 = arith.index_cast %add3A_598 : i32 to index
            %get3A_602 = arith.constant 0 : index
            %get3A_603 = tpu.vector_load %arg10[%get3A_601, %get3A_602] {strides = array<i32>} : memref<512x64xbf16, #tpu.memory_space<vmem>>, vector<32xbf16>,
            %max3A_604 = arith.maximumf %get3A_600, %get3A_603 : vector<32xbf16>
            %swap3A_605 = arith.index_cast %squeeze3A_591 : i32 to index
            %swap3A_606 = tpu.vector_load %arg6[%swap3A_605] {strides = array<i32>} : memref<100352xbf16, #tpu.memory_space<vmem>>, vector<32xbf16>,
            tpu.vector_store %arg6[%swap3A_605], %max3A_604 {strides = array<i32>} : memref<100352xbf16, #tpu.memory_space<vmem>>, vector<32xbf16>,
            %add3A_607 = arith.constant 32 : i32
            %add3A_608 = arith.addi %squeeze3A_591, %add3A_607 : i32
            %get3A_609 = arith.index_cast %add3A_608 : i32 to index
            %get3A_610 = tpu.vector_load %arg6[%get3A_609] {strides = array<i32>} : memref<100352xbf16, #tpu.memory_space<vmem>>, vector<32xbf16>,
            %get3A_611 = arith.index_cast %add3A_598 : i32 to index
            %get3A_612 = arith.constant 32 : index
            %get3A_613 = tpu.vector_load %arg10[%get3A_611, %get3A_612] {strides = array<i32>} : memref<512x64xbf16, #tpu.memory_space<vmem>>, vector<32xbf16>,
            %max3A_614 = arith.maximumf %get3A_610, %get3A_613 : vector<32xbf16>
            %add3A_615 = arith.constant 32 : i32
            %add3A_616 = arith.addi %squeeze3A_591, %add3A_615 : i32
            %swap3A_617 = arith.index_cast %add3A_616 : i32 to index
            %swap3A_618 = tpu.vector_load %arg6[%swap3A_617] {strides = array<i32>} : memref<100352xbf16, #tpu.memory_space<vmem>>, vector<32xbf16>,
            tpu.vector_store %arg6[%swap3A_617], %max3A_614 {strides = array<i32>} : memref<100352xbf16, #tpu.memory_space<vmem>>, vector<32xbf16>,
            %slice3A_619 = vector.extract_strided_slice %mul3A_330 {offsets = [10], sizes = [1], strides = [1]} : vector<16xi32> to vector<1xi32>
            %squeeze3A_620 = vector.extract %slice3A_619[0] : i32 from vector<1xi32>
            %mul3A_621 = arith.constant 256 : i32
            %mul3A_622 = arith.muli %and3A_313, %mul3A_621 : i32
            %mul3A_623 = arith.constant 16 : i32
            %mul3A_624 = arith.muli %scan3A_321, %mul3A_623 : i32
            %add3A_625 = arith.addi %mul3A_622, %mul3A_624 : i32
            %add3A_626 = arith.constant 10 : i32
            %add3A_627 = arith.addi %add3A_625, %add3A_626 : i32
            %get3A_628 = arith.index_cast %squeeze3A_620 : i32 to index
            %get3A_629 = tpu.vector_load %arg6[%get3A_628] {strides = array<i32>} : memref<100352xbf16, #tpu.memory_space<vmem>>, vector<32xbf16>,
            %get3A_630 = arith.index_cast %add3A_627 : i32 to index
            %get3A_631 = arith.constant 0 : index
            %get3A_632 = tpu.vector_load %arg10[%get3A_630, %get3A_631] {strides = array<i32>} : memref<512x64xbf16, #tpu.memory_space<vmem>>, vector<32xbf16>,
            %max3A_633 = arith.maximumf %get3A_629, %get3A_632 : vector<32xbf16>
            %swap3A_634 = arith.index_cast %squeeze3A_620 : i32 to index
            %swap3A_635 = tpu.vector_load %arg6[%swap3A_634] {strides = array<i32>} : memref<100352xbf16, #tpu.memory_space<vmem>>, vector<32xbf16>,
            tpu.vector_store %arg6[%swap3A_634], %max3A_633 {strides = array<i32>} : memref<100352xbf16, #tpu.memory_space<vmem>>, vector<32xbf16>,
            %add3A_636 = arith.constant 32 : i32
            %add3A_637 = arith.addi %squeeze3A_620, %add3A_636 : i32
            %get3A_638 = arith.index_cast %add3A_637 : i32 to index
            %get3A_639 = tpu.vector_load %arg6[%get3A_638] {strides = array<i32>} : memref<100352xbf16, #tpu.memory_space<vmem>>, vector<32xbf16>,
            %get3A_640 = arith.index_cast %add3A_627 : i32 to index
            %get3A_641 = arith.constant 32 : index
            %get3A_642 = tpu.vector_load %arg10[%get3A_640, %get3A_641] {strides = array<i32>} : memref<512x64xbf16, #tpu.memory_space<vmem>>, vector<32xbf16>,
            %max3A_643 = arith.maximumf %get3A_639, %get3A_642 : vector<32xbf16>
            %add3A_644 = arith.constant 32 : i32
            %add3A_645 = arith.addi %squeeze3A_620, %add3A_644 : i32
            %swap3A_646 = arith.index_cast %add3A_645 : i32 to index
            %swap3A_647 = tpu.vector_load %arg6[%swap3A_646] {strides = array<i32>} : memref<100352xbf16, #tpu.memory_space<vmem>>, vector<32xbf16>,
            tpu.vector_store %arg6[%swap3A_646], %max3A_643 {strides = array<i32>} : memref<100352xbf16, #tpu.memory_space<vmem>>, vector<32xbf16>,
            %slice3A_648 = vector.extract_strided_slice %mul3A_330 {offsets = [11], sizes = [1], strides = [1]} : vector<16xi32> to vector<1xi32>
            %squeeze3A_649 = vector.extract %slice3A_648[0] : i32 from vector<1xi32>
            %mul3A_650 = arith.constant 256 : i32
            %mul3A_651 = arith.muli %and3A_313, %mul3A_650 : i32
            %mul3A_652 = arith.constant 16 : i32
            %mul3A_653 = arith.muli %scan3A_321, %mul3A_652 : i32
            %add3A_654 = arith.addi %mul3A_651, %mul3A_653 : i32
            %add3A_655 = arith.constant 11 : i32
            %add3A_656 = arith.addi %add3A_654, %add3A_655 : i32
            %get3A_657 = arith.index_cast %squeeze3A_649 : i32 to index
            %get3A_658 = tpu.vector_load %arg6[%get3A_657] {strides = array<i32>} : memref<100352xbf16, #tpu.memory_space<vmem>>, vector<32xbf16>,
            %get3A_659 = arith.index_cast %add3A_656 : i32 to index
            %get3A_660 = arith.constant 0 : index
            %get3A_661 = tpu.vector_load %arg10[%get3A_659, %get3A_660] {strides = array<i32>} : memref<512x64xbf16, #tpu.memory_space<vmem>>, vector<32xbf16>,
            %max3A_662 = arith.maximumf %get3A_658, %get3A_661 : vector<32xbf16>
            %swap3A_663 = arith.index_cast %squeeze3A_649 : i32 to index
            %swap3A_664 = tpu.vector_load %arg6[%swap3A_663] {strides = array<i32>} : memref<100352xbf16, #tpu.memory_space<vmem>>, vector<32xbf16>,
            tpu.vector_store %arg6[%swap3A_663], %max3A_662 {strides = array<i32>} : memref<100352xbf16, #tpu.memory_space<vmem>>, vector<32xbf16>,
            %add3A_665 = arith.constant 32 : i32
            %add3A_666 = arith.addi %squeeze3A_649, %add3A_665 : i32
            %get3A_667 = arith.index_cast %add3A_666 : i32 to index
            %get3A_668 = tpu.vector_load %arg6[%get3A_667] {strides = array<i32>} : memref<100352xbf16, #tpu.memory_space<vmem>>, vector<32xbf16>,
            %get3A_669 = arith.index_cast %add3A_656 : i32 to index
            %get3A_670 = arith.constant 32 : index
            %get3A_671 = tpu.vector_load %arg10[%get3A_669, %get3A_670] {strides = array<i32>} : memref<512x64xbf16, #tpu.memory_space<vmem>>, vector<32xbf16>,
            %max3A_672 = arith.maximumf %get3A_668, %get3A_671 : vector<32xbf16>
            %add3A_673 = arith.constant 32 : i32
            %add3A_674 = arith.addi %squeeze3A_649, %add3A_673 : i32
            %swap3A_675 = arith.index_cast %add3A_674 : i32 to index
            %swap3A_676 = tpu.vector_load %arg6[%swap3A_675] {strides = array<i32>} : memref<100352xbf16, #tpu.memory_space<vmem>>, vector<32xbf16>,
            tpu.vector_store %arg6[%swap3A_675], %max3A_672 {strides = array<i32>} : memref<100352xbf16, #tpu.memory_space<vmem>>, vector<32xbf16>,
            %slice3A_677 = vector.extract_strided_slice %mul3A_330 {offsets = [12], sizes = [1], strides = [1]} : vector<16xi32> to vector<1xi32>
            %squeeze3A_678 = vector.extract %slice3A_677[0] : i32 from vector<1xi32>
            %mul3A_679 = arith.constant 256 : i32
            %mul3A_680 = arith.muli %and3A_313, %mul3A_679 : i32
            %mul3A_681 = arith.constant 16 : i32
            %mul3A_682 = arith.muli %scan3A_321, %mul3A_681 : i32
            %add3A_683 = arith.addi %mul3A_680, %mul3A_682 : i32
            %add3A_684 = arith.constant 12 : i32
            %add3A_685 = arith.addi %add3A_683, %add3A_684 : i32
            %get3A_686 = arith.index_cast %squeeze3A_678 : i32 to index
            %get3A_687 = tpu.vector_load %arg6[%get3A_686] {strides = array<i32>} : memref<100352xbf16, #tpu.memory_space<vmem>>, vector<32xbf16>,
            %get3A_688 = arith.index_cast %add3A_685 : i32 to index
            %get3A_689 = arith.constant 0 : index
            %get3A_690 = tpu.vector_load %arg10[%get3A_688, %get3A_689] {strides = array<i32>} : memref<512x64xbf16, #tpu.memory_space<vmem>>, vector<32xbf16>,
            %max3A_691 = arith.maximumf %get3A_687, %get3A_690 : vector<32xbf16>
            %swap3A_692 = arith.index_cast %squeeze3A_678 : i32 to index
            %swap3A_693 = tpu.vector_load %arg6[%swap3A_692] {strides = array<i32>} : memref<100352xbf16, #tpu.memory_space<vmem>>, vector<32xbf16>,
            tpu.vector_store %arg6[%swap3A_692], %max3A_691 {strides = array<i32>} : memref<100352xbf16, #tpu.memory_space<vmem>>, vector<32xbf16>,
            %add3A_694 = arith.constant 32 : i32
            %add3A_695 = arith.addi %squeeze3A_678, %add3A_694 : i32
            %get3A_696 = arith.index_cast %add3A_695 : i32 to index
            %get3A_697 = tpu.vector_load %arg6[%get3A_696] {strides = array<i32>} : memref<100352xbf16, #tpu.memory_space<vmem>>, vector<32xbf16>,
            %get3A_698 = arith.index_cast %add3A_685 : i32 to index
            %get3A_699 = arith.constant 32 : index
            %get3A_700 = tpu.vector_load %arg10[%get3A_698, %get3A_699] {strides = array<i32>} : memref<512x64xbf16, #tpu.memory_space<vmem>>, vector<32xbf16>,
            %max3A_701 = arith.maximumf %get3A_697, %get3A_700 : vector<32xbf16>
            %add3A_702 = arith.constant 32 : i32
            %add3A_703 = arith.addi %squeeze3A_678, %add3A_702 : i32
            %swap3A_704 = arith.index_cast %add3A_703 : i32 to index
            %swap3A_705 = tpu.vector_load %arg6[%swap3A_704] {strides = array<i32>} : memref<100352xbf16, #tpu.memory_space<vmem>>, vector<32xbf16>,
            tpu.vector_store %arg6[%swap3A_704], %max3A_701 {strides = array<i32>} : memref<100352xbf16, #tpu.memory_space<vmem>>, vector<32xbf16>,
            %slice3A_706 = vector.extract_strided_slice %mul3A_330 {offsets = [13], sizes = [1], strides = [1]} : vector<16xi32> to vector<1xi32>
            %squeeze3A_707 = vector.extract %slice3A_706[0] : i32 from vector<1xi32>
            %mul3A_708 = arith.constant 256 : i32
            %mul3A_709 = arith.muli %and3A_313, %mul3A_708 : i32
            %mul3A_710 = arith.constant 16 : i32
            %mul3A_711 = arith.muli %scan3A_321, %mul3A_710 : i32
            %add3A_712 = arith.addi %mul3A_709, %mul3A_711 : i32
            %add3A_713 = arith.constant 13 : i32
            %add3A_714 = arith.addi %add3A_712, %add3A_713 : i32
            %get3A_715 = arith.index_cast %squeeze3A_707 : i32 to index
            %get3A_716 = tpu.vector_load %arg6[%get3A_715] {strides = array<i32>} : memref<100352xbf16, #tpu.memory_space<vmem>>, vector<32xbf16>,
            %get3A_717 = arith.index_cast %add3A_714 : i32 to index
            %get3A_718 = arith.constant 0 : index
            %get3A_719 = tpu.vector_load %arg10[%get3A_717, %get3A_718] {strides = array<i32>} : memref<512x64xbf16, #tpu.memory_space<vmem>>, vector<32xbf16>,
            %max3A_720 = arith.maximumf %get3A_716, %get3A_719 : vector<32xbf16>
            %swap3A_721 = arith.index_cast %squeeze3A_707 : i32 to index
            %swap3A_722 = tpu.vector_load %arg6[%swap3A_721] {strides = array<i32>} : memref<100352xbf16, #tpu.memory_space<vmem>>, vector<32xbf16>,
            tpu.vector_store %arg6[%swap3A_721], %max3A_720 {strides = array<i32>} : memref<100352xbf16, #tpu.memory_space<vmem>>, vector<32xbf16>,
            %add3A_723 = arith.constant 32 : i32
            %add3A_724 = arith.addi %squeeze3A_707, %add3A_723 : i32
            %get3A_725 = arith.index_cast %add3A_724 : i32 to index
            %get3A_726 = tpu.vector_load %arg6[%get3A_725] {strides = array<i32>} : memref<100352xbf16, #tpu.memory_space<vmem>>, vector<32xbf16>,
            %get3A_727 = arith.index_cast %add3A_714 : i32 to index
            %get3A_728 = arith.constant 32 : index
            %get3A_729 = tpu.vector_load %arg10[%get3A_727, %get3A_728] {strides = array<i32>} : memref<512x64xbf16, #tpu.memory_space<vmem>>, vector<32xbf16>,
            %max3A_730 = arith.maximumf %get3A_726, %get3A_729 : vector<32xbf16>
            %add3A_731 = arith.constant 32 : i32
            %add3A_732 = arith.addi %squeeze3A_707, %add3A_731 : i32
            %swap3A_733 = arith.index_cast %add3A_732 : i32 to index
            %swap3A_734 = tpu.vector_load %arg6[%swap3A_733] {strides = array<i32>} : memref<100352xbf16, #tpu.memory_space<vmem>>, vector<32xbf16>,
            tpu.vector_store %arg6[%swap3A_733], %max3A_730 {strides = array<i32>} : memref<100352xbf16, #tpu.memory_space<vmem>>, vector<32xbf16>,
            %slice3A_735 = vector.extract_strided_slice %mul3A_330 {offsets = [14], sizes = [1], strides = [1]} : vector<16xi32> to vector<1xi32>
            %squeeze3A_736 = vector.extract %slice3A_735[0] : i32 from vector<1xi32>
            %mul3A_737 = arith.constant 256 : i32
            %mul3A_738 = arith.muli %and3A_313, %mul3A_737 : i32
            %mul3A_739 = arith.constant 16 : i32
            %mul3A_740 = arith.muli %scan3A_321, %mul3A_739 : i32
            %add3A_741 = arith.addi %mul3A_738, %mul3A_740 : i32
            %add3A_742 = arith.constant 14 : i32
            %add3A_743 = arith.addi %add3A_741, %add3A_742 : i32
            %get3A_744 = arith.index_cast %squeeze3A_736 : i32 to index
            %get3A_745 = tpu.vector_load %arg6[%get3A_744] {strides = array<i32>} : memref<100352xbf16, #tpu.memory_space<vmem>>, vector<32xbf16>,
            %get3A_746 = arith.index_cast %add3A_743 : i32 to index
            %get3A_747 = arith.constant 0 : index
            %get3A_748 = tpu.vector_load %arg10[%get3A_746, %get3A_747] {strides = array<i32>} : memref<512x64xbf16, #tpu.memory_space<vmem>>, vector<32xbf16>,
            %max3A_749 = arith.maximumf %get3A_745, %get3A_748 : vector<32xbf16>
            %swap3A_750 = arith.index_cast %squeeze3A_736 : i32 to index
            %swap3A_751 = tpu.vector_load %arg6[%swap3A_750] {strides = array<i32>} : memref<100352xbf16, #tpu.memory_space<vmem>>, vector<32xbf16>,
            tpu.vector_store %arg6[%swap3A_750], %max3A_749 {strides = array<i32>} : memref<100352xbf16, #tpu.memory_space<vmem>>, vector<32xbf16>,
            %add3A_752 = arith.constant 32 : i32
            %add3A_753 = arith.addi %squeeze3A_736, %add3A_752 : i32
            %get3A_754 = arith.index_cast %add3A_753 : i32 to index
            %get3A_755 = tpu.vector_load %arg6[%get3A_754] {strides = array<i32>} : memref<100352xbf16, #tpu.memory_space<vmem>>, vector<32xbf16>,
            %get3A_756 = arith.index_cast %add3A_743 : i32 to index
            %get3A_757 = arith.constant 32 : index
            %get3A_758 = tpu.vector_load %arg10[%get3A_756, %get3A_757] {strides = array<i32>} : memref<512x64xbf16, #tpu.memory_space<vmem>>, vector<32xbf16>,
            %max3A_759 = arith.maximumf %get3A_755, %get3A_758 : vector<32xbf16>
            %add3A_760 = arith.constant 32 : i32
            %add3A_761 = arith.addi %squeeze3A_736, %add3A_760 : i32
            %swap3A_762 = arith.index_cast %add3A_761 : i32 to index
            %swap3A_763 = tpu.vector_load %arg6[%swap3A_762] {strides = array<i32>} : memref<100352xbf16, #tpu.memory_space<vmem>>, vector<32xbf16>,
            tpu.vector_store %arg6[%swap3A_762], %max3A_759 {strides = array<i32>} : memref<100352xbf16, #tpu.memory_space<vmem>>, vector<32xbf16>,
            %slice3A_764 = vector.extract_strided_slice %mul3A_330 {offsets = [15], sizes = [1], strides = [1]} : vector<16xi32> to vector<1xi32>
            %squeeze3A_765 = vector.extract %slice3A_764[0] : i32 from vector<1xi32>
            %mul3A_766 = arith.constant 256 : i32
            %mul3A_767 = arith.muli %and3A_313, %mul3A_766 : i32
            %mul3A_768 = arith.constant 16 : i32
            %mul3A_769 = arith.muli %scan3A_321, %mul3A_768 : i32
            %add3A_770 = arith.addi %mul3A_767, %mul3A_769 : i32
            %add3A_771 = arith.constant 15 : i32
            %add3A_772 = arith.addi %add3A_770, %add3A_771 : i32
            %get3A_773 = arith.index_cast %squeeze3A_765 : i32 to index
            %get3A_774 = tpu.vector_load %arg6[%get3A_773] {strides = array<i32>} : memref<100352xbf16, #tpu.memory_space<vmem>>, vector<32xbf16>,
            %get3A_775 = arith.index_cast %add3A_772 : i32 to index
            %get3A_776 = arith.constant 0 : index
            %get3A_777 = tpu.vector_load %arg10[%get3A_775, %get3A_776] {strides = array<i32>} : memref<512x64xbf16, #tpu.memory_space<vmem>>, vector<32xbf16>,
            %max3A_778 = arith.maximumf %get3A_774, %get3A_777 : vector<32xbf16>
            %swap3A_779 = arith.index_cast %squeeze3A_765 : i32 to index
            %swap3A_780 = tpu.vector_load %arg6[%swap3A_779] {strides = array<i32>} : memref<100352xbf16, #tpu.memory_space<vmem>>, vector<32xbf16>,
            tpu.vector_store %arg6[%swap3A_779], %max3A_778 {strides = array<i32>} : memref<100352xbf16, #tpu.memory_space<vmem>>, vector<32xbf16>,
            %add3A_781 = arith.constant 32 : i32
            %add3A_782 = arith.addi %squeeze3A_765, %add3A_781 : i32
            %get3A_783 = arith.index_cast %add3A_782 : i32 to index
            %get3A_784 = tpu.vector_load %arg6[%get3A_783] {strides = array<i32>} : memref<100352xbf16, #tpu.memory_space<vmem>>, vector<32xbf16>,
            %get3A_785 = arith.index_cast %add3A_772 : i32 to index
            %get3A_786 = arith.constant 32 : index
            %get3A_787 = tpu.vector_load %arg10[%get3A_785, %get3A_786] {strides = array<i32>} : memref<512x64xbf16, #tpu.memory_space<vmem>>, vector<32xbf16>,
            %max3A_788 = arith.maximumf %get3A_784, %get3A_787 : vector<32xbf16>
            %add3A_789 = arith.constant 32 : i32
            %add3A_790 = arith.addi %squeeze3A_765, %add3A_789 : i32
            %swap3A_791 = arith.index_cast %add3A_790 : i32 to index
            %swap3A_792 = tpu.vector_load %arg6[%swap3A_791] {strides = array<i32>} : memref<100352xbf16, #tpu.memory_space<vmem>>, vector<32xbf16>,
            tpu.vector_store %arg6[%swap3A_791], %max3A_788 {strides = array<i32>} : memref<100352xbf16, #tpu.memory_space<vmem>>, vector<32xbf16>,
            %scan3A_793 = arith.constant 0 : i32
            %scan3A_794 = arith.constant 1 : i32
            %scan3A_795 = arith.addi %scan3A_321, %scan3A_794 : i32
            %mul3A_796 = arith.constant 16 : i32
            %mul3A_797 = arith.muli %scan3A_795, %mul3A_796 : i32
            %add3A_798 = arith.addi %and3A_287, %mul3A_797 : i32
            %get3A_799 = arith.index_cast %add3A_798 : i32 to index
            %get3A_800 = tpu.vector_load %arg9[%get3A_799] {strides = array<i32>} : memref<16400xi32, #tpu.memory_space<vmem>>, vector<16xi32>,
            %mul3A_801 = arith.constant 64 : i32
            %mul3A_802 = vector.broadcast %mul3A_801 : i32 to vector<16xi32>
            %mul3A_803 = arith.muli %get3A_800, %mul3A_802 : vector<16xi32>
            %slice3A_804 = vector.extract_strided_slice %mul3A_803 {offsets = [0], sizes = [1], strides = [1]} : vector<16xi32> to vector<1xi32>
            %squeeze3A_805 = vector.extract %slice3A_804[0] : i32 from vector<1xi32>
            %mul3A_806 = arith.constant 256 : i32
            %mul3A_807 = arith.muli %and3A_313, %mul3A_806 : i32
            %mul3A_808 = arith.constant 16 : i32
            %mul3A_809 = arith.muli %scan3A_795, %mul3A_808 : i32
            %add3A_810 = arith.addi %mul3A_807, %mul3A_809 : i32
            %add3A_811 = arith.constant 0 : i32
            %add3A_812 = arith.addi %add3A_810, %add3A_811 : i32
            %get3A_813 = arith.index_cast %squeeze3A_805 : i32 to index
            %get3A_814 = tpu.vector_load %arg6[%get3A_813] {strides = array<i32>} : memref<100352xbf16, #tpu.memory_space<vmem>>, vector<32xbf16>,
            %get3A_815 = arith.index_cast %add3A_812 : i32 to index
            %get3A_816 = arith.constant 0 : index
            %get3A_817 = tpu.vector_load %arg10[%get3A_815, %get3A_816] {strides = array<i32>} : memref<512x64xbf16, #tpu.memory_space<vmem>>, vector<32xbf16>,
            %max3A_818 = arith.maximumf %get3A_814, %get3A_817 : vector<32xbf16>
            %swap3A_819 = arith.index_cast %squeeze3A_805 : i32 to index
            %swap3A_820 = tpu.vector_load %arg6[%swap3A_819] {strides = array<i32>} : memref<100352xbf16, #tpu.memory_space<vmem>>, vector<32xbf16>,
            tpu.vector_store %arg6[%swap3A_819], %max3A_818 {strides = array<i32>} : memref<100352xbf16, #tpu.memory_space<vmem>>, vector<32xbf16>,
            %add3A_821 = arith.constant 32 : i32
            %add3A_822 = arith.addi %squeeze3A_805, %add3A_821 : i32
            %get3A_823 = arith.index_cast %add3A_822 : i32 to index
            %get3A_824 = tpu.vector_load %arg6[%get3A_823] {strides = array<i32>} : memref<100352xbf16, #tpu.memory_space<vmem>>, vector<32xbf16>,
            %get3A_825 = arith.index_cast %add3A_812 : i32 to index
            %get3A_826 = arith.constant 32 : index
            %get3A_827 = tpu.vector_load %arg10[%get3A_825, %get3A_826] {strides = array<i32>} : memref<512x64xbf16, #tpu.memory_space<vmem>>, vector<32xbf16>,
            %max3A_828 = arith.maximumf %get3A_824, %get3A_827 : vector<32xbf16>
            %add3A_829 = arith.constant 32 : i32
            %add3A_830 = arith.addi %squeeze3A_805, %add3A_829 : i32
            %swap3A_831 = arith.index_cast %add3A_830 : i32 to index
            %swap3A_832 = tpu.vector_load %arg6[%swap3A_831] {strides = array<i32>} : memref<100352xbf16, #tpu.memory_space<vmem>>, vector<32xbf16>,
            tpu.vector_store %arg6[%swap3A_831], %max3A_828 {strides = array<i32>} : memref<100352xbf16, #tpu.memory_space<vmem>>, vector<32xbf16>,
            %slice3A_833 = vector.extract_strided_slice %mul3A_803 {offsets = [1], sizes = [1], strides = [1]} : vector<16xi32> to vector<1xi32>
            %squeeze3A_834 = vector.extract %slice3A_833[0] : i32 from vector<1xi32>
            %mul3A_835 = arith.constant 256 : i32
            %mul3A_836 = arith.muli %and3A_313, %mul3A_835 : i32
            %mul3A_837 = arith.constant 16 : i32
            %mul3A_838 = arith.muli %scan3A_795, %mul3A_837 : i32
            %add3A_839 = arith.addi %mul3A_836, %mul3A_838 : i32
            %add3A_840 = arith.constant 1 : i32
            %add3A_841 = arith.addi %add3A_839, %add3A_840 : i32
            %get3A_842 = arith.index_cast %squeeze3A_834 : i32 to index
            %get3A_843 = tpu.vector_load %arg6[%get3A_842] {strides = array<i32>} : memref<100352xbf16, #tpu.memory_space<vmem>>, vector<32xbf16>,
            %get3A_844 = arith.index_cast %add3A_841 : i32 to index
            %get3A_845 = arith.constant 0 : index
            %get3A_846 = tpu.vector_load %arg10[%get3A_844, %get3A_845] {strides = array<i32>} : memref<512x64xbf16, #tpu.memory_space<vmem>>, vector<32xbf16>,
            %max3A_847 = arith.maximumf %get3A_843, %get3A_846 : vector<32xbf16>
            %swap3A_848 = arith.index_cast %squeeze3A_834 : i32 to index
            %swap3A_849 = tpu.vector_load %arg6[%swap3A_848] {strides = array<i32>} : memref<100352xbf16, #tpu.memory_space<vmem>>, vector<32xbf16>,
            tpu.vector_store %arg6[%swap3A_848], %max3A_847 {strides = array<i32>} : memref<100352xbf16, #tpu.memory_space<vmem>>, vector<32xbf16>,
            %add3A_850 = arith.constant 32 : i32
            %add3A_851 = arith.addi %squeeze3A_834, %add3A_850 : i32
            %get3A_852 = arith.index_cast %add3A_851 : i32 to index
            %get3A_853 = tpu.vector_load %arg6[%get3A_852] {strides = array<i32>} : memref<100352xbf16, #tpu.memory_space<vmem>>, vector<32xbf16>,
            %get3A_854 = arith.index_cast %add3A_841 : i32 to index
            %get3A_855 = arith.constant 32 : index
            %get3A_856 = tpu.vector_load %arg10[%get3A_854, %get3A_855] {strides = array<i32>} : memref<512x64xbf16, #tpu.memory_space<vmem>>, vector<32xbf16>,
            %max3A_857 = arith.maximumf %get3A_853, %get3A_856 : vector<32xbf16>
            %add3A_858 = arith.constant 32 : i32
            %add3A_859 = arith.addi %squeeze3A_834, %add3A_858 : i32
            %swap3A_860 = arith.index_cast %add3A_859 : i32 to index
            %swap3A_861 = tpu.vector_load %arg6[%swap3A_860] {strides = array<i32>} : memref<100352xbf16, #tpu.memory_space<vmem>>, vector<32xbf16>,
            tpu.vector_store %arg6[%swap3A_860], %max3A_857 {strides = array<i32>} : memref<100352xbf16, #tpu.memory_space<vmem>>, vector<32xbf16>,
            %slice3A_862 = vector.extract_strided_slice %mul3A_803 {offsets = [2], sizes = [1], strides = [1]} : vector<16xi32> to vector<1xi32>
            %squeeze3A_863 = vector.extract %slice3A_862[0] : i32 from vector<1xi32>
            %mul3A_864 = arith.constant 256 : i32
            %mul3A_865 = arith.muli %and3A_313, %mul3A_864 : i32
            %mul3A_866 = arith.constant 16 : i32
            %mul3A_867 = arith.muli %scan3A_795, %mul3A_866 : i32
            %add3A_868 = arith.addi %mul3A_865, %mul3A_867 : i32
            %add3A_869 = arith.constant 2 : i32
            %add3A_870 = arith.addi %add3A_868, %add3A_869 : i32
            %get3A_871 = arith.index_cast %squeeze3A_863 : i32 to index
            %get3A_872 = tpu.vector_load %arg6[%get3A_871] {strides = array<i32>} : memref<100352xbf16, #tpu.memory_space<vmem>>, vector<32xbf16>,
            %get3A_873 = arith.index_cast %add3A_870 : i32 to index
            %get3A_874 = arith.constant 0 : index
            %get3A_875 = tpu.vector_load %arg10[%get3A_873, %get3A_874] {strides = array<i32>} : memref<512x64xbf16, #tpu.memory_space<vmem>>, vector<32xbf16>,
            %max3A_876 = arith.maximumf %get3A_872, %get3A_875 : vector<32xbf16>
            %swap3A_877 = arith.index_cast %squeeze3A_863 : i32 to index
            %swap3A_878 = tpu.vector_load %arg6[%swap3A_877] {strides = array<i32>} : memref<100352xbf16, #tpu.memory_space<vmem>>, vector<32xbf16>,
            tpu.vector_store %arg6[%swap3A_877], %max3A_876 {strides = array<i32>} : memref<100352xbf16, #tpu.memory_space<vmem>>, vector<32xbf16>,
            %add3A_879 = arith.constant 32 : i32
            %add3A_880 = arith.addi %squeeze3A_863, %add3A_879 : i32
            %get3A_881 = arith.index_cast %add3A_880 : i32 to index
            %get3A_882 = tpu.vector_load %arg6[%get3A_881] {strides = array<i32>} : memref<100352xbf16, #tpu.memory_space<vmem>>, vector<32xbf16>,
            %get3A_883 = arith.index_cast %add3A_870 : i32 to index
            %get3A_884 = arith.constant 32 : index
            %get3A_885 = tpu.vector_load %arg10[%get3A_883, %get3A_884] {strides = array<i32>} : memref<512x64xbf16, #tpu.memory_space<vmem>>, vector<32xbf16>,
            %max3A_886 = arith.maximumf %get3A_882, %get3A_885 : vector<32xbf16>
            %add3A_887 = arith.constant 32 : i32
            %add3A_888 = arith.addi %squeeze3A_863, %add3A_887 : i32
            %swap3A_889 = arith.index_cast %add3A_888 : i32 to index
            %swap3A_890 = tpu.vector_load %arg6[%swap3A_889] {strides = array<i32>} : memref<100352xbf16, #tpu.memory_space<vmem>>, vector<32xbf16>,
            tpu.vector_store %arg6[%swap3A_889], %max3A_886 {strides = array<i32>} : memref<100352xbf16, #tpu.memory_space<vmem>>, vector<32xbf16>,
            %slice3A_891 = vector.extract_strided_slice %mul3A_803 {offsets = [3], sizes = [1], strides = [1]} : vector<16xi32> to vector<1xi32>
            %squeeze3A_892 = vector.extract %slice3A_891[0] : i32 from vector<1xi32>
            %mul3A_893 = arith.constant 256 : i32
            %mul3A_894 = arith.muli %and3A_313, %mul3A_893 : i32
            %mul3A_895 = arith.constant 16 : i32
            %mul3A_896 = arith.muli %scan3A_795, %mul3A_895 : i32
            %add3A_897 = arith.addi %mul3A_894, %mul3A_896 : i32
            %add3A_898 = arith.constant 3 : i32
            %add3A_899 = arith.addi %add3A_897, %add3A_898 : i32
            %get3A_900 = arith.index_cast %squeeze3A_892 : i32 to index
            %get3A_901 = tpu.vector_load %arg6[%get3A_900] {strides = array<i32>} : memref<100352xbf16, #tpu.memory_space<vmem>>, vector<32xbf16>,
            %get3A_902 = arith.index_cast %add3A_899 : i32 to index
            %get3A_903 = arith.constant 0 : index
            %get3A_904 = tpu.vector_load %arg10[%get3A_902, %get3A_903] {strides = array<i32>} : memref<512x64xbf16, #tpu.memory_space<vmem>>, vector<32xbf16>,
            %max3A_905 = arith.maximumf %get3A_901, %get3A_904 : vector<32xbf16>
            %swap3A_906 = arith.index_cast %squeeze3A_892 : i32 to index
            %swap3A_907 = tpu.vector_load %arg6[%swap3A_906] {strides = array<i32>} : memref<100352xbf16, #tpu.memory_space<vmem>>, vector<32xbf16>,
            tpu.vector_store %arg6[%swap3A_906], %max3A_905 {strides = array<i32>} : memref<100352xbf16, #tpu.memory_space<vmem>>, vector<32xbf16>,
            %add3A_908 = arith.constant 32 : i32
            %add3A_909 = arith.addi %squeeze3A_892, %add3A_908 : i32
            %get3A_910 = arith.index_cast %add3A_909 : i32 to index
            %get3A_911 = tpu.vector_load %arg6[%get3A_910] {strides = array<i32>} : memref<100352xbf16, #tpu.memory_space<vmem>>, vector<32xbf16>,
            %get3A_912 = arith.index_cast %add3A_899 : i32 to index
            %get3A_913 = arith.constant 32 : index
            %get3A_914 = tpu.vector_load %arg10[%get3A_912, %get3A_913] {strides = array<i32>} : memref<512x64xbf16, #tpu.memory_space<vmem>>, vector<32xbf16>,
            %max3A_915 = arith.maximumf %get3A_911, %get3A_914 : vector<32xbf16>
            %add3A_916 = arith.constant 32 : i32
            %add3A_917 = arith.addi %squeeze3A_892, %add3A_916 : i32
            %swap3A_918 = arith.index_cast %add3A_917 : i32 to index
            %swap3A_919 = tpu.vector_load %arg6[%swap3A_918] {strides = array<i32>} : memref<100352xbf16, #tpu.memory_space<vmem>>, vector<32xbf16>,
            tpu.vector_store %arg6[%swap3A_918], %max3A_915 {strides = array<i32>} : memref<100352xbf16, #tpu.memory_space<vmem>>, vector<32xbf16>,
            %slice3A_920 = vector.extract_strided_slice %mul3A_803 {offsets = [4], sizes = [1], strides = [1]} : vector<16xi32> to vector<1xi32>
            %squeeze3A_921 = vector.extract %slice3A_920[0] : i32 from vector<1xi32>
            %mul3A_922 = arith.constant 256 : i32
            %mul3A_923 = arith.muli %and3A_313, %mul3A_922 : i32
            %mul3A_924 = arith.constant 16 : i32
            %mul3A_925 = arith.muli %scan3A_795, %mul3A_924 : i32
            %add3A_926 = arith.addi %mul3A_923, %mul3A_925 : i32
            %add3A_927 = arith.constant 4 : i32
            %add3A_928 = arith.addi %add3A_926, %add3A_927 : i32
            %get3A_929 = arith.index_cast %squeeze3A_921 : i32 to index
            %get3A_930 = tpu.vector_load %arg6[%get3A_929] {strides = array<i32>} : memref<100352xbf16, #tpu.memory_space<vmem>>, vector<32xbf16>,
            %get3A_931 = arith.index_cast %add3A_928 : i32 to index
            %get3A_932 = arith.constant 0 : index
            %get3A_933 = tpu.vector_load %arg10[%get3A_931, %get3A_932] {strides = array<i32>} : memref<512x64xbf16, #tpu.memory_space<vmem>>, vector<32xbf16>,
            %max3A_934 = arith.maximumf %get3A_930, %get3A_933 : vector<32xbf16>
            %swap3A_935 = arith.index_cast %squeeze3A_921 : i32 to index
            %swap3A_936 = tpu.vector_load %arg6[%swap3A_935] {strides = array<i32>} : memref<100352xbf16, #tpu.memory_space<vmem>>, vector<32xbf16>,
            tpu.vector_store %arg6[%swap3A_935], %max3A_934 {strides = array<i32>} : memref<100352xbf16, #tpu.memory_space<vmem>>, vector<32xbf16>,
            %add3A_937 = arith.constant 32 : i32
            %add3A_938 = arith.addi %squeeze3A_921, %add3A_937 : i32
            %get3A_939 = arith.index_cast %add3A_938 : i32 to index
            %get3A_940 = tpu.vector_load %arg6[%get3A_939] {strides = array<i32>} : memref<100352xbf16, #tpu.memory_space<vmem>>, vector<32xbf16>,
            %get3A_941 = arith.index_cast %add3A_928 : i32 to index
            %get3A_942 = arith.constant 32 : index
            %get3A_943 = tpu.vector_load %arg10[%get3A_941, %get3A_942] {strides = array<i32>} : memref<512x64xbf16, #tpu.memory_space<vmem>>, vector<32xbf16>,
            %max3A_944 = arith.maximumf %get3A_940, %get3A_943 : vector<32xbf16>
            %add3A_945 = arith.constant 32 : i32
            %add3A_946 = arith.addi %squeeze3A_921, %add3A_945 : i32
            %swap3A_947 = arith.index_cast %add3A_946 : i32 to index
            %swap3A_948 = tpu.vector_load %arg6[%swap3A_947] {strides = array<i32>} : memref<100352xbf16, #tpu.memory_space<vmem>>, vector<32xbf16>,
            tpu.vector_store %arg6[%swap3A_947], %max3A_944 {strides = array<i32>} : memref<100352xbf16, #tpu.memory_space<vmem>>, vector<32xbf16>,
            %slice3A_949 = vector.extract_strided_slice %mul3A_803 {offsets = [5], sizes = [1], strides = [1]} : vector<16xi32> to vector<1xi32>
            %squeeze3A_950 = vector.extract %slice3A_949[0] : i32 from vector<1xi32>
            %mul3A_951 = arith.constant 256 : i32
            %mul3A_952 = arith.muli %and3A_313, %mul3A_951 : i32
            %mul3A_953 = arith.constant 16 : i32
            %mul3A_954 = arith.muli %scan3A_795, %mul3A_953 : i32
            %add3A_955 = arith.addi %mul3A_952, %mul3A_954 : i32
            %add3A_956 = arith.constant 5 : i32
            %add3A_957 = arith.addi %add3A_955, %add3A_956 : i32
            %get3A_958 = arith.index_cast %squeeze3A_950 : i32 to index
            %get3A_959 = tpu.vector_load %arg6[%get3A_958] {strides = array<i32>} : memref<100352xbf16, #tpu.memory_space<vmem>>, vector<32xbf16>,
            %get3A_960 = arith.index_cast %add3A_957 : i32 to index
            %get3A_961 = arith.constant 0 : index
            %get3A_962 = tpu.vector_load %arg10[%get3A_960, %get3A_961] {strides = array<i32>} : memref<512x64xbf16, #tpu.memory_space<vmem>>, vector<32xbf16>,
            %max3A_963 = arith.maximumf %get3A_959, %get3A_962 : vector<32xbf16>
            %swap3A_964 = arith.index_cast %squeeze3A_950 : i32 to index
            %swap3A_965 = tpu.vector_load %arg6[%swap3A_964] {strides = array<i32>} : memref<100352xbf16, #tpu.memory_space<vmem>>, vector<32xbf16>,
            tpu.vector_store %arg6[%swap3A_964], %max3A_963 {strides = array<i32>} : memref<100352xbf16, #tpu.memory_space<vmem>>, vector<32xbf16>,
            %add3A_966 = arith.constant 32 : i32
            %add3A_967 = arith.addi %squeeze3A_950, %add3A_966 : i32
            %get3A_968 = arith.index_cast %add3A_967 : i32 to index
            %get3A_969 = tpu.vector_load %arg6[%get3A_968] {strides = array<i32>} : memref<100352xbf16, #tpu.memory_space<vmem>>, vector<32xbf16>,
            %get3A_970 = arith.index_cast %add3A_957 : i32 to index
            %get3A_971 = arith.constant 32 : index
            %get3A_972 = tpu.vector_load %arg10[%get3A_970, %get3A_971] {strides = array<i32>} : memref<512x64xbf16, #tpu.memory_space<vmem>>, vector<32xbf16>,
            %max3A_973 = arith.maximumf %get3A_969, %get3A_972 : vector<32xbf16>
            %add3A_974 = arith.constant 32 : i32
            %add3A_975 = arith.addi %squeeze3A_950, %add3A_974 : i32
            %swap3A_976 = arith.index_cast %add3A_975 : i32 to index
            %swap3A_977 = tpu.vector_load %arg6[%swap3A_976] {strides = array<i32>} : memref<100352xbf16, #tpu.memory_space<vmem>>, vector<32xbf16>,
            tpu.vector_store %arg6[%swap3A_976], %max3A_973 {strides = array<i32>} : memref<100352xbf16, #tpu.memory_space<vmem>>, vector<32xbf16>,
            %slice3A_978 = vector.extract_strided_slice %mul3A_803 {offsets = [6], sizes = [1], strides = [1]} : vector<16xi32> to vector<1xi32>
            %squeeze3A_979 = vector.extract %slice3A_978[0] : i32 from vector<1xi32>
            %mul3A_980 = arith.constant 256 : i32
            %mul3A_981 = arith.muli %and3A_313, %mul3A_980 : i32
            %mul3A_982 = arith.constant 16 : i32
            %mul3A_983 = arith.muli %scan3A_795, %mul3A_982 : i32
            %add3A_984 = arith.addi %mul3A_981, %mul3A_983 : i32
            %add3A_985 = arith.constant 6 : i32
            %add3A_986 = arith.addi %add3A_984, %add3A_985 : i32
            %get3A_987 = arith.index_cast %squeeze3A_979 : i32 to index
            %get3A_988 = tpu.vector_load %arg6[%get3A_987] {strides = array<i32>} : memref<100352xbf16, #tpu.memory_space<vmem>>, vector<32xbf16>,
            %get3A_989 = arith.index_cast %add3A_986 : i32 to index
            %get3A_990 = arith.constant 0 : index
            %get3A_991 = tpu.vector_load %arg10[%get3A_989, %get3A_990] {strides = array<i32>} : memref<512x64xbf16, #tpu.memory_space<vmem>>, vector<32xbf16>,
            %max3A_992 = arith.maximumf %get3A_988, %get3A_991 : vector<32xbf16>
            %swap3A_993 = arith.index_cast %squeeze3A_979 : i32 to index
            %swap3A_994 = tpu.vector_load %arg6[%swap3A_993] {strides = array<i32>} : memref<100352xbf16, #tpu.memory_space<vmem>>, vector<32xbf16>,
            tpu.vector_store %arg6[%swap3A_993], %max3A_992 {strides = array<i32>} : memref<100352xbf16, #tpu.memory_space<vmem>>, vector<32xbf16>,
            %add3A_995 = arith.constant 32 : i32
            %add3A_996 = arith.addi %squeeze3A_979, %add3A_995 : i32
            %get3A_997 = arith.index_cast %add3A_996 : i32 to index
            %get3A_998 = tpu.vector_load %arg6[%get3A_997] {strides = array<i32>} : memref<100352xbf16, #tpu.memory_space<vmem>>, vector<32xbf16>,
            %get3A_999 = arith.index_cast %add3A_986 : i32 to index
            %get3A_1000 = arith.constant 32 : index
            %get3A_1001 = tpu.vector_load %arg10[%get3A_999, %get3A_1000] {strides = array<i32>} : memref<512x64xbf16, #tpu.memory_space<vmem>>, vector<32xbf16>,
            %max3A_1002 = arith.maximumf %get3A_998, %get3A_1001 : vector<32xbf16>
            %add3A_1003 = arith.constant 32 : i32
            %add3A_1004 = arith.addi %squeeze3A_979, %add3A_1003 : i32
            %swap3A_1005 = arith.index_cast %add3A_1004 : i32 to index
            %swap3A_1006 = tpu.vector_load %arg6[%swap3A_1005] {strides = array<i32>} : memref<100352xbf16, #tpu.memory_space<vmem>>, vector<32xbf16>,
            tpu.vector_store %arg6[%swap3A_1005], %max3A_1002 {strides = array<i32>} : memref<100352xbf16, #tpu.memory_space<vmem>>, vector<32xbf16>,
            %slice3A_1007 = vector.extract_strided_slice %mul3A_803 {offsets = [7], sizes = [1], strides = [1]} : vector<16xi32> to vector<1xi32>
            %squeeze3A_1008 = vector.extract %slice3A_1007[0] : i32 from vector<1xi32>
            %mul3A_1009 = arith.constant 256 : i32
            %mul3A_1010 = arith.muli %and3A_313, %mul3A_1009 : i32
            %mul3A_1011 = arith.constant 16 : i32
            %mul3A_1012 = arith.muli %scan3A_795, %mul3A_1011 : i32
            %add3A_1013 = arith.addi %mul3A_1010, %mul3A_1012 : i32
            %add3A_1014 = arith.constant 7 : i32
            %add3A_1015 = arith.addi %add3A_1013, %add3A_1014 : i32
            %get3A_1016 = arith.index_cast %squeeze3A_1008 : i32 to index
            %get3A_1017 = tpu.vector_load %arg6[%get3A_1016] {strides = array<i32>} : memref<100352xbf16, #tpu.memory_space<vmem>>, vector<32xbf16>,
            %get3A_1018 = arith.index_cast %add3A_1015 : i32 to index
            %get3A_1019 = arith.constant 0 : index
            %get3A_1020 = tpu.vector_load %arg10[%get3A_1018, %get3A_1019] {strides = array<i32>} : memref<512x64xbf16, #tpu.memory_space<vmem>>, vector<32xbf16>,
            %max3A_1021 = arith.maximumf %get3A_1017, %get3A_1020 : vector<32xbf16>
            %swap3A_1022 = arith.index_cast %squeeze3A_1008 : i32 to index
            %swap3A_1023 = tpu.vector_load %arg6[%swap3A_1022] {strides = array<i32>} : memref<100352xbf16, #tpu.memory_space<vmem>>, vector<32xbf16>,
            tpu.vector_store %arg6[%swap3A_1022], %max3A_1021 {strides = array<i32>} : memref<100352xbf16, #tpu.memory_space<vmem>>, vector<32xbf16>,
            %add3A_1024 = arith.constant 32 : i32
            %add3A_1025 = arith.addi %squeeze3A_1008, %add3A_1024 : i32
            %get3A_1026 = arith.index_cast %add3A_1025 : i32 to index
            %get3A_1027 = tpu.vector_load %arg6[%get3A_1026] {strides = array<i32>} : memref<100352xbf16, #tpu.memory_space<vmem>>, vector<32xbf16>,
            %get3A_1028 = arith.index_cast %add3A_1015 : i32 to index
            %get3A_1029 = arith.constant 32 : index
            %get3A_1030 = tpu.vector_load %arg10[%get3A_1028, %get3A_1029] {strides = array<i32>} : memref<512x64xbf16, #tpu.memory_space<vmem>>, vector<32xbf16>,
            %max3A_1031 = arith.maximumf %get3A_1027, %get3A_1030 : vector<32xbf16>
            %add3A_1032 = arith.constant 32 : i32
            %add3A_1033 = arith.addi %squeeze3A_1008, %add3A_1032 : i32
            %swap3A_1034 = arith.index_cast %add3A_1033 : i32 to index
            %swap3A_1035 = tpu.vector_load %arg6[%swap3A_1034] {strides = array<i32>} : memref<100352xbf16, #tpu.memory_space<vmem>>, vector<32xbf16>,
            tpu.vector_store %arg6[%swap3A_1034], %max3A_1031 {strides = array<i32>} : memref<100352xbf16, #tpu.memory_space<vmem>>, vector<32xbf16>,
            %slice3A_1036 = vector.extract_strided_slice %mul3A_803 {offsets = [8], sizes = [1], strides = [1]} : vector<16xi32> to vector<1xi32>
            %squeeze3A_1037 = vector.extract %slice3A_1036[0] : i32 from vector<1xi32>
            %mul3A_1038 = arith.constant 256 : i32
            %mul3A_1039 = arith.muli %and3A_313, %mul3A_1038 : i32
            %mul3A_1040 = arith.constant 16 : i32
            %mul3A_1041 = arith.muli %scan3A_795, %mul3A_1040 : i32
            %add3A_1042 = arith.addi %mul3A_1039, %mul3A_1041 : i32
            %add3A_1043 = arith.constant 8 : i32
            %add3A_1044 = arith.addi %add3A_1042, %add3A_1043 : i32
            %get3A_1045 = arith.index_cast %squeeze3A_1037 : i32 to index
            %get3A_1046 = tpu.vector_load %arg6[%get3A_1045] {strides = array<i32>} : memref<100352xbf16, #tpu.memory_space<vmem>>, vector<32xbf16>,
            %get3A_1047 = arith.index_cast %add3A_1044 : i32 to index
            %get3A_1048 = arith.constant 0 : index
            %get3A_1049 = tpu.vector_load %arg10[%get3A_1047, %get3A_1048] {strides = array<i32>} : memref<512x64xbf16, #tpu.memory_space<vmem>>, vector<32xbf16>,
            %max3A_1050 = arith.maximumf %get3A_1046, %get3A_1049 : vector<32xbf16>
            %swap3A_1051 = arith.index_cast %squeeze3A_1037 : i32 to index
            %swap3A_1052 = tpu.vector_load %arg6[%swap3A_1051] {strides = array<i32>} : memref<100352xbf16, #tpu.memory_space<vmem>>, vector<32xbf16>,
            tpu.vector_store %arg6[%swap3A_1051], %max3A_1050 {strides = array<i32>} : memref<100352xbf16, #tpu.memory_space<vmem>>, vector<32xbf16>,
            %add3A_1053 = arith.constant 32 : i32
            %add3A_1054 = arith.addi %squeeze3A_1037, %add3A_1053 : i32
            %get3A_1055 = arith.index_cast %add3A_1054 : i32 to index
            %get3A_1056 = tpu.vector_load %arg6[%get3A_1055] {strides = array<i32>} : memref<100352xbf16, #tpu.memory_space<vmem>>, vector<32xbf16>,
            %get3A_1057 = arith.index_cast %add3A_1044 : i32 to index
            %get3A_1058 = arith.constant 32 : index
            %get3A_1059 = tpu.vector_load %arg10[%get3A_1057, %get3A_1058] {strides = array<i32>} : memref<512x64xbf16, #tpu.memory_space<vmem>>, vector<32xbf16>,
            %max3A_1060 = arith.maximumf %get3A_1056, %get3A_1059 : vector<32xbf16>
            %add3A_1061 = arith.constant 32 : i32
            %add3A_1062 = arith.addi %squeeze3A_1037, %add3A_1061 : i32
            %swap3A_1063 = arith.index_cast %add3A_1062 : i32 to index
            %swap3A_1064 = tpu.vector_load %arg6[%swap3A_1063] {strides = array<i32>} : memref<100352xbf16, #tpu.memory_space<vmem>>, vector<32xbf16>,
            tpu.vector_store %arg6[%swap3A_1063], %max3A_1060 {strides = array<i32>} : memref<100352xbf16, #tpu.memory_space<vmem>>, vector<32xbf16>,
            %slice3A_1065 = vector.extract_strided_slice %mul3A_803 {offsets = [9], sizes = [1], strides = [1]} : vector<16xi32> to vector<1xi32>
            %squeeze3A_1066 = vector.extract %slice3A_1065[0] : i32 from vector<1xi32>
            %mul3A_1067 = arith.constant 256 : i32
            %mul3A_1068 = arith.muli %and3A_313, %mul3A_1067 : i32
            %mul3A_1069 = arith.constant 16 : i32
            %mul3A_1070 = arith.muli %scan3A_795, %mul3A_1069 : i32
            %add3A_1071 = arith.addi %mul3A_1068, %mul3A_1070 : i32
            %add3A_1072 = arith.constant 9 : i32
            %add3A_1073 = arith.addi %add3A_1071, %add3A_1072 : i32
            %get3A_1074 = arith.index_cast %squeeze3A_1066 : i32 to index
            %get3A_1075 = tpu.vector_load %arg6[%get3A_1074] {strides = array<i32>} : memref<100352xbf16, #tpu.memory_space<vmem>>, vector<32xbf16>,
            %get3A_1076 = arith.index_cast %add3A_1073 : i32 to index
            %get3A_1077 = arith.constant 0 : index
            %get3A_1078 = tpu.vector_load %arg10[%get3A_1076, %get3A_1077] {strides = array<i32>} : memref<512x64xbf16, #tpu.memory_space<vmem>>, vector<32xbf16>,
            %max3A_1079 = arith.maximumf %get3A_1075, %get3A_1078 : vector<32xbf16>
            %swap3A_1080 = arith.index_cast %squeeze3A_1066 : i32 to index
            %swap3A_1081 = tpu.vector_load %arg6[%swap3A_1080] {strides = array<i32>} : memref<100352xbf16, #tpu.memory_space<vmem>>, vector<32xbf16>,
            tpu.vector_store %arg6[%swap3A_1080], %max3A_1079 {strides = array<i32>} : memref<100352xbf16, #tpu.memory_space<vmem>>, vector<32xbf16>,
            %add3A_1082 = arith.constant 32 : i32
            %add3A_1083 = arith.addi %squeeze3A_1066, %add3A_1082 : i32
            %get3A_1084 = arith.index_cast %add3A_1083 : i32 to index
            %get3A_1085 = tpu.vector_load %arg6[%get3A_1084] {strides = array<i32>} : memref<100352xbf16, #tpu.memory_space<vmem>>, vector<32xbf16>,
            %get3A_1086 = arith.index_cast %add3A_1073 : i32 to index
            %get3A_1087 = arith.constant 32 : index
            %get3A_1088 = tpu.vector_load %arg10[%get3A_1086, %get3A_1087] {strides = array<i32>} : memref<512x64xbf16, #tpu.memory_space<vmem>>, vector<32xbf16>,
            %max3A_1089 = arith.maximumf %get3A_1085, %get3A_1088 : vector<32xbf16>
            %add3A_1090 = arith.constant 32 : i32
            %add3A_1091 = arith.addi %squeeze3A_1066, %add3A_1090 : i32
            %swap3A_1092 = arith.index_cast %add3A_1091 : i32 to index
            %swap3A_1093 = tpu.vector_load %arg6[%swap3A_1092] {strides = array<i32>} : memref<100352xbf16, #tpu.memory_space<vmem>>, vector<32xbf16>,
            tpu.vector_store %arg6[%swap3A_1092], %max3A_1089 {strides = array<i32>} : memref<100352xbf16, #tpu.memory_space<vmem>>, vector<32xbf16>,
            %slice3A_1094 = vector.extract_strided_slice %mul3A_803 {offsets = [10], sizes = [1], strides = [1]} : vector<16xi32> to vector<1xi32>
            %squeeze3A_1095 = vector.extract %slice3A_1094[0] : i32 from vector<1xi32>
            %mul3A_1096 = arith.constant 256 : i32
            %mul3A_1097 = arith.muli %and3A_313, %mul3A_1096 : i32
            %mul3A_1098 = arith.constant 16 : i32
            %mul3A_1099 = arith.muli %scan3A_795, %mul3A_1098 : i32
            %add3A_1100 = arith.addi %mul3A_1097, %mul3A_1099 : i32
            %add3A_1101 = arith.constant 10 : i32
            %add3A_1102 = arith.addi %add3A_1100, %add3A_1101 : i32
            %get3A_1103 = arith.index_cast %squeeze3A_1095 : i32 to index
            %get3A_1104 = tpu.vector_load %arg6[%get3A_1103] {strides = array<i32>} : memref<100352xbf16, #tpu.memory_space<vmem>>, vector<32xbf16>,
            %get3A_1105 = arith.index_cast %add3A_1102 : i32 to index
            %get3A_1106 = arith.constant 0 : index
            %get3A_1107 = tpu.vector_load %arg10[%get3A_1105, %get3A_1106] {strides = array<i32>} : memref<512x64xbf16, #tpu.memory_space<vmem>>, vector<32xbf16>,
            %max3A_1108 = arith.maximumf %get3A_1104, %get3A_1107 : vector<32xbf16>
            %swap3A_1109 = arith.index_cast %squeeze3A_1095 : i32 to index
            %swap3A_1110 = tpu.vector_load %arg6[%swap3A_1109] {strides = array<i32>} : memref<100352xbf16, #tpu.memory_space<vmem>>, vector<32xbf16>,
            tpu.vector_store %arg6[%swap3A_1109], %max3A_1108 {strides = array<i32>} : memref<100352xbf16, #tpu.memory_space<vmem>>, vector<32xbf16>,
            %add3A_1111 = arith.constant 32 : i32
            %add3A_1112 = arith.addi %squeeze3A_1095, %add3A_1111 : i32
            %get3A_1113 = arith.index_cast %add3A_1112 : i32 to index
            %get3A_1114 = tpu.vector_load %arg6[%get3A_1113] {strides = array<i32>} : memref<100352xbf16, #tpu.memory_space<vmem>>, vector<32xbf16>,
            %get3A_1115 = arith.index_cast %add3A_1102 : i32 to index
            %get3A_1116 = arith.constant 32 : index
            %get3A_1117 = tpu.vector_load %arg10[%get3A_1115, %get3A_1116] {strides = array<i32>} : memref<512x64xbf16, #tpu.memory_space<vmem>>, vector<32xbf16>,
            %max3A_1118 = arith.maximumf %get3A_1114, %get3A_1117 : vector<32xbf16>
            %add3A_1119 = arith.constant 32 : i32
            %add3A_1120 = arith.addi %squeeze3A_1095, %add3A_1119 : i32
            %swap3A_1121 = arith.index_cast %add3A_1120 : i32 to index
            %swap3A_1122 = tpu.vector_load %arg6[%swap3A_1121] {strides = array<i32>} : memref<100352xbf16, #tpu.memory_space<vmem>>, vector<32xbf16>,
            tpu.vector_store %arg6[%swap3A_1121], %max3A_1118 {strides = array<i32>} : memref<100352xbf16, #tpu.memory_space<vmem>>, vector<32xbf16>,
            %slice3A_1123 = vector.extract_strided_slice %mul3A_803 {offsets = [11], sizes = [1], strides = [1]} : vector<16xi32> to vector<1xi32>
            %squeeze3A_1124 = vector.extract %slice3A_1123[0] : i32 from vector<1xi32>
            %mul3A_1125 = arith.constant 256 : i32
            %mul3A_1126 = arith.muli %and3A_313, %mul3A_1125 : i32
            %mul3A_1127 = arith.constant 16 : i32
            %mul3A_1128 = arith.muli %scan3A_795, %mul3A_1127 : i32
            %add3A_1129 = arith.addi %mul3A_1126, %mul3A_1128 : i32
            %add3A_1130 = arith.constant 11 : i32
            %add3A_1131 = arith.addi %add3A_1129, %add3A_1130 : i32
            %get3A_1132 = arith.index_cast %squeeze3A_1124 : i32 to index
            %get3A_1133 = tpu.vector_load %arg6[%get3A_1132] {strides = array<i32>} : memref<100352xbf16, #tpu.memory_space<vmem>>, vector<32xbf16>,
            %get3A_1134 = arith.index_cast %add3A_1131 : i32 to index
            %get3A_1135 = arith.constant 0 : index
            %get3A_1136 = tpu.vector_load %arg10[%get3A_1134, %get3A_1135] {strides = array<i32>} : memref<512x64xbf16, #tpu.memory_space<vmem>>, vector<32xbf16>,
            %max3A_1137 = arith.maximumf %get3A_1133, %get3A_1136 : vector<32xbf16>
            %swap3A_1138 = arith.index_cast %squeeze3A_1124 : i32 to index
            %swap3A_1139 = tpu.vector_load %arg6[%swap3A_1138] {strides = array<i32>} : memref<100352xbf16, #tpu.memory_space<vmem>>, vector<32xbf16>,
            tpu.vector_store %arg6[%swap3A_1138], %max3A_1137 {strides = array<i32>} : memref<100352xbf16, #tpu.memory_space<vmem>>, vector<32xbf16>,
            %add3A_1140 = arith.constant 32 : i32
            %add3A_1141 = arith.addi %squeeze3A_1124, %add3A_1140 : i32
            %get3A_1142 = arith.index_cast %add3A_1141 : i32 to index
            %get3A_1143 = tpu.vector_load %arg6[%get3A_1142] {strides = array<i32>} : memref<100352xbf16, #tpu.memory_space<vmem>>, vector<32xbf16>,
            %get3A_1144 = arith.index_cast %add3A_1131 : i32 to index
            %get3A_1145 = arith.constant 32 : index
            %get3A_1146 = tpu.vector_load %arg10[%get3A_1144, %get3A_1145] {strides = array<i32>} : memref<512x64xbf16, #tpu.memory_space<vmem>>, vector<32xbf16>,
            %max3A_1147 = arith.maximumf %get3A_1143, %get3A_1146 : vector<32xbf16>
            %add3A_1148 = arith.constant 32 : i32
            %add3A_1149 = arith.addi %squeeze3A_1124, %add3A_1148 : i32
            %swap3A_1150 = arith.index_cast %add3A_1149 : i32 to index
            %swap3A_1151 = tpu.vector_load %arg6[%swap3A_1150] {strides = array<i32>} : memref<100352xbf16, #tpu.memory_space<vmem>>, vector<32xbf16>,
            tpu.vector_store %arg6[%swap3A_1150], %max3A_1147 {strides = array<i32>} : memref<100352xbf16, #tpu.memory_space<vmem>>, vector<32xbf16>,
            %slice3A_1152 = vector.extract_strided_slice %mul3A_803 {offsets = [12], sizes = [1], strides = [1]} : vector<16xi32> to vector<1xi32>
            %squeeze3A_1153 = vector.extract %slice3A_1152[0] : i32 from vector<1xi32>
            %mul3A_1154 = arith.constant 256 : i32
            %mul3A_1155 = arith.muli %and3A_313, %mul3A_1154 : i32
            %mul3A_1156 = arith.constant 16 : i32
            %mul3A_1157 = arith.muli %scan3A_795, %mul3A_1156 : i32
            %add3A_1158 = arith.addi %mul3A_1155, %mul3A_1157 : i32
            %add3A_1159 = arith.constant 12 : i32
            %add3A_1160 = arith.addi %add3A_1158, %add3A_1159 : i32
            %get3A_1161 = arith.index_cast %squeeze3A_1153 : i32 to index
            %get3A_1162 = tpu.vector_load %arg6[%get3A_1161] {strides = array<i32>} : memref<100352xbf16, #tpu.memory_space<vmem>>, vector<32xbf16>,
            %get3A_1163 = arith.index_cast %add3A_1160 : i32 to index
            %get3A_1164 = arith.constant 0 : index
            %get3A_1165 = tpu.vector_load %arg10[%get3A_1163, %get3A_1164] {strides = array<i32>} : memref<512x64xbf16, #tpu.memory_space<vmem>>, vector<32xbf16>,
            %max3A_1166 = arith.maximumf %get3A_1162, %get3A_1165 : vector<32xbf16>
            %swap3A_1167 = arith.index_cast %squeeze3A_1153 : i32 to index
            %swap3A_1168 = tpu.vector_load %arg6[%swap3A_1167] {strides = array<i32>} : memref<100352xbf16, #tpu.memory_space<vmem>>, vector<32xbf16>,
            tpu.vector_store %arg6[%swap3A_1167], %max3A_1166 {strides = array<i32>} : memref<100352xbf16, #tpu.memory_space<vmem>>, vector<32xbf16>,
            %add3A_1169 = arith.constant 32 : i32
            %add3A_1170 = arith.addi %squeeze3A_1153, %add3A_1169 : i32
            %get3A_1171 = arith.index_cast %add3A_1170 : i32 to index
            %get3A_1172 = tpu.vector_load %arg6[%get3A_1171] {strides = array<i32>} : memref<100352xbf16, #tpu.memory_space<vmem>>, vector<32xbf16>,
            %get3A_1173 = arith.index_cast %add3A_1160 : i32 to index
            %get3A_1174 = arith.constant 32 : index
            %get3A_1175 = tpu.vector_load %arg10[%get3A_1173, %get3A_1174] {strides = array<i32>} : memref<512x64xbf16, #tpu.memory_space<vmem>>, vector<32xbf16>,
            %max3A_1176 = arith.maximumf %get3A_1172, %get3A_1175 : vector<32xbf16>
            %add3A_1177 = arith.constant 32 : i32
            %add3A_1178 = arith.addi %squeeze3A_1153, %add3A_1177 : i32
            %swap3A_1179 = arith.index_cast %add3A_1178 : i32 to index
            %swap3A_1180 = tpu.vector_load %arg6[%swap3A_1179] {strides = array<i32>} : memref<100352xbf16, #tpu.memory_space<vmem>>, vector<32xbf16>,
            tpu.vector_store %arg6[%swap3A_1179], %max3A_1176 {strides = array<i32>} : memref<100352xbf16, #tpu.memory_space<vmem>>, vector<32xbf16>,
            %slice3A_1181 = vector.extract_strided_slice %mul3A_803 {offsets = [13], sizes = [1], strides = [1]} : vector<16xi32> to vector<1xi32>
            %squeeze3A_1182 = vector.extract %slice3A_1181[0] : i32 from vector<1xi32>
            %mul3A_1183 = arith.constant 256 : i32
            %mul3A_1184 = arith.muli %and3A_313, %mul3A_1183 : i32
            %mul3A_1185 = arith.constant 16 : i32
            %mul3A_1186 = arith.muli %scan3A_795, %mul3A_1185 : i32
            %add3A_1187 = arith.addi %mul3A_1184, %mul3A_1186 : i32
            %add3A_1188 = arith.constant 13 : i32
            %add3A_1189 = arith.addi %add3A_1187, %add3A_1188 : i32
            %get3A_1190 = arith.index_cast %squeeze3A_1182 : i32 to index
            %get3A_1191 = tpu.vector_load %arg6[%get3A_1190] {strides = array<i32>} : memref<100352xbf16, #tpu.memory_space<vmem>>, vector<32xbf16>,
            %get3A_1192 = arith.index_cast %add3A_1189 : i32 to index
            %get3A_1193 = arith.constant 0 : index
            %get3A_1194 = tpu.vector_load %arg10[%get3A_1192, %get3A_1193] {strides = array<i32>} : memref<512x64xbf16, #tpu.memory_space<vmem>>, vector<32xbf16>,
            %max3A_1195 = arith.maximumf %get3A_1191, %get3A_1194 : vector<32xbf16>
            %swap3A_1196 = arith.index_cast %squeeze3A_1182 : i32 to index
            %swap3A_1197 = tpu.vector_load %arg6[%swap3A_1196] {strides = array<i32>} : memref<100352xbf16, #tpu.memory_space<vmem>>, vector<32xbf16>,
            tpu.vector_store %arg6[%swap3A_1196], %max3A_1195 {strides = array<i32>} : memref<100352xbf16, #tpu.memory_space<vmem>>, vector<32xbf16>,
            %add3A_1198 = arith.constant 32 : i32
            %add3A_1199 = arith.addi %squeeze3A_1182, %add3A_1198 : i32
            %get3A_1200 = arith.index_cast %add3A_1199 : i32 to index
            %get3A_1201 = tpu.vector_load %arg6[%get3A_1200] {strides = array<i32>} : memref<100352xbf16, #tpu.memory_space<vmem>>, vector<32xbf16>,
            %get3A_1202 = arith.index_cast %add3A_1189 : i32 to index
            %get3A_1203 = arith.constant 32 : index
            %get3A_1204 = tpu.vector_load %arg10[%get3A_1202, %get3A_1203] {strides = array<i32>} : memref<512x64xbf16, #tpu.memory_space<vmem>>, vector<32xbf16>,
            %max3A_1205 = arith.maximumf %get3A_1201, %get3A_1204 : vector<32xbf16>
            %add3A_1206 = arith.constant 32 : i32
            %add3A_1207 = arith.addi %squeeze3A_1182, %add3A_1206 : i32
            %swap3A_1208 = arith.index_cast %add3A_1207 : i32 to index
            %swap3A_1209 = tpu.vector_load %arg6[%swap3A_1208] {strides = array<i32>} : memref<100352xbf16, #tpu.memory_space<vmem>>, vector<32xbf16>,
            tpu.vector_store %arg6[%swap3A_1208], %max3A_1205 {strides = array<i32>} : memref<100352xbf16, #tpu.memory_space<vmem>>, vector<32xbf16>,
            %slice3A_1210 = vector.extract_strided_slice %mul3A_803 {offsets = [14], sizes = [1], strides = [1]} : vector<16xi32> to vector<1xi32>
            %squeeze3A_1211 = vector.extract %slice3A_1210[0] : i32 from vector<1xi32>
            %mul3A_1212 = arith.constant 256 : i32
            %mul3A_1213 = arith.muli %and3A_313, %mul3A_1212 : i32
            %mul3A_1214 = arith.constant 16 : i32
            %mul3A_1215 = arith.muli %scan3A_795, %mul3A_1214 : i32
            %add3A_1216 = arith.addi %mul3A_1213, %mul3A_1215 : i32
            %add3A_1217 = arith.constant 14 : i32
            %add3A_1218 = arith.addi %add3A_1216, %add3A_1217 : i32
            %get3A_1219 = arith.index_cast %squeeze3A_1211 : i32 to index
            %get3A_1220 = tpu.vector_load %arg6[%get3A_1219] {strides = array<i32>} : memref<100352xbf16, #tpu.memory_space<vmem>>, vector<32xbf16>,
            %get3A_1221 = arith.index_cast %add3A_1218 : i32 to index
            %get3A_1222 = arith.constant 0 : index
            %get3A_1223 = tpu.vector_load %arg10[%get3A_1221, %get3A_1222] {strides = array<i32>} : memref<512x64xbf16, #tpu.memory_space<vmem>>, vector<32xbf16>,
            %max3A_1224 = arith.maximumf %get3A_1220, %get3A_1223 : vector<32xbf16>
            %swap3A_1225 = arith.index_cast %squeeze3A_1211 : i32 to index
            %swap3A_1226 = tpu.vector_load %arg6[%swap3A_1225] {strides = array<i32>} : memref<100352xbf16, #tpu.memory_space<vmem>>, vector<32xbf16>,
            tpu.vector_store %arg6[%swap3A_1225], %max3A_1224 {strides = array<i32>} : memref<100352xbf16, #tpu.memory_space<vmem>>, vector<32xbf16>,
            %add3A_1227 = arith.constant 32 : i32
            %add3A_1228 = arith.addi %squeeze3A_1211, %add3A_1227 : i32
            %get3A_1229 = arith.index_cast %add3A_1228 : i32 to index
            %get3A_1230 = tpu.vector_load %arg6[%get3A_1229] {strides = array<i32>} : memref<100352xbf16, #tpu.memory_space<vmem>>, vector<32xbf16>,
            %get3A_1231 = arith.index_cast %add3A_1218 : i32 to index
            %get3A_1232 = arith.constant 32 : index
            %get3A_1233 = tpu.vector_load %arg10[%get3A_1231, %get3A_1232] {strides = array<i32>} : memref<512x64xbf16, #tpu.memory_space<vmem>>, vector<32xbf16>,
            %max3A_1234 = arith.maximumf %get3A_1230, %get3A_1233 : vector<32xbf16>
            %add3A_1235 = arith.constant 32 : i32
            %add3A_1236 = arith.addi %squeeze3A_1211, %add3A_1235 : i32
            %swap3A_1237 = arith.index_cast %add3A_1236 : i32 to index
            %swap3A_1238 = tpu.vector_load %arg6[%swap3A_1237] {strides = array<i32>} : memref<100352xbf16, #tpu.memory_space<vmem>>, vector<32xbf16>,
            tpu.vector_store %arg6[%swap3A_1237], %max3A_1234 {strides = array<i32>} : memref<100352xbf16, #tpu.memory_space<vmem>>, vector<32xbf16>,
            %slice3A_1239 = vector.extract_strided_slice %mul3A_803 {offsets = [15], sizes = [1], strides = [1]} : vector<16xi32> to vector<1xi32>
            %squeeze3A_1240 = vector.extract %slice3A_1239[0] : i32 from vector<1xi32>
            %mul3A_1241 = arith.constant 256 : i32
            %mul3A_1242 = arith.muli %and3A_313, %mul3A_1241 : i32
            %mul3A_1243 = arith.constant 16 : i32
            %mul3A_1244 = arith.muli %scan3A_795, %mul3A_1243 : i32
            %add3A_1245 = arith.addi %mul3A_1242, %mul3A_1244 : i32
            %add3A_1246 = arith.constant 15 : i32
            %add3A_1247 = arith.addi %add3A_1245, %add3A_1246 : i32
            %get3A_1248 = arith.index_cast %squeeze3A_1240 : i32 to index
            %get3A_1249 = tpu.vector_load %arg6[%get3A_1248] {strides = array<i32>} : memref<100352xbf16, #tpu.memory_space<vmem>>, vector<32xbf16>,
            %get3A_1250 = arith.index_cast %add3A_1247 : i32 to index
            %get3A_1251 = arith.constant 0 : index
            %get3A_1252 = tpu.vector_load %arg10[%get3A_1250, %get3A_1251] {strides = array<i32>} : memref<512x64xbf16, #tpu.memory_space<vmem>>, vector<32xbf16>,
            %max3A_1253 = arith.maximumf %get3A_1249, %get3A_1252 : vector<32xbf16>
            %swap3A_1254 = arith.index_cast %squeeze3A_1240 : i32 to index
            %swap3A_1255 = tpu.vector_load %arg6[%swap3A_1254] {strides = array<i32>} : memref<100352xbf16, #tpu.memory_space<vmem>>, vector<32xbf16>,
            tpu.vector_store %arg6[%swap3A_1254], %max3A_1253 {strides = array<i32>} : memref<100352xbf16, #tpu.memory_space<vmem>>, vector<32xbf16>,
            %add3A_1256 = arith.constant 32 : i32
            %add3A_1257 = arith.addi %squeeze3A_1240, %add3A_1256 : i32
            %get3A_1258 = arith.index_cast %add3A_1257 : i32 to index
            %get3A_1259 = tpu.vector_load %arg6[%get3A_1258] {strides = array<i32>} : memref<100352xbf16, #tpu.memory_space<vmem>>, vector<32xbf16>,
            %get3A_1260 = arith.index_cast %add3A_1247 : i32 to index
            %get3A_1261 = arith.constant 32 : index
            %get3A_1262 = tpu.vector_load %arg10[%get3A_1260, %get3A_1261] {strides = array<i32>} : memref<512x64xbf16, #tpu.memory_space<vmem>>, vector<32xbf16>,
            %max3A_1263 = arith.maximumf %get3A_1259, %get3A_1262 : vector<32xbf16>
            %add3A_1264 = arith.constant 32 : i32
            %add3A_1265 = arith.addi %squeeze3A_1240, %add3A_1264 : i32
            %swap3A_1266 = arith.index_cast %add3A_1265 : i32 to index
            %swap3A_1267 = tpu.vector_load %arg6[%swap3A_1266] {strides = array<i32>} : memref<100352xbf16, #tpu.memory_space<vmem>>, vector<32xbf16>,
            tpu.vector_store %arg6[%swap3A_1266], %max3A_1263 {strides = array<i32>} : memref<100352xbf16, #tpu.memory_space<vmem>>, vector<32xbf16>,
            %scan3A_1268 = arith.constant 0 : i32
            scf.yield %scan3A_1268 : i32
          }
          %scan3A_320 = arith.constant 16 : i32
        } else {
        }
        %gt3A_208 = arith.cmpi sgt, %while3A_202, %while3A_203 : i32
        %select_n3A_209 = arith.select %gt3A_208, %while3A_202, %while3A_203 : i32
        %and3A_210 = arith.constant 16383 : i32
        %and3A_211 = arith.andi %while3A_202, %and3A_210 : i32
        %jit3A_212 = arith.constant 256 : i32
        %div3A_213 = arith.divsi %while3A_202, %jit3A_212 : i32
        %sign3A_214 = arith.constant 0 : i32
        %sign3A_215 = arith.cmpi sgt, %while3A_202, %sign3A_214 : i32
        %sign3A_216 = arith.extui %sign3A_215 : i1 to i32
        %sign3A_217 = arith.constant 0 : i32
        %sign3A_218 = arith.cmpi slt, %while3A_202, %sign3A_217 : i32
        %sign3A_219 = arith.extui %sign3A_218 : i1 to i32
        %sign3A_220 = arith.subi %sign3A_216, %sign3A_219 : i32
        %sign3A_221 = arith.constant 0 : i32
        %sign3A_222 = arith.cmpi sgt, %jit3A_212, %sign3A_221 : i32
        %sign3A_223 = arith.extui %sign3A_222 : i1 to i32
        %sign3A_224 = arith.constant 0 : i32
        %sign3A_225 = arith.cmpi slt, %jit3A_212, %sign3A_224 : i32
        %sign3A_226 = arith.extui %sign3A_225 : i1 to i32
        %sign3A_227 = arith.subi %sign3A_223, %sign3A_226 : i32
        %ne3A_228 = arith.cmpi ne, %sign3A_220, %sign3A_227 : i32
        %rem3A_229 = arith.remsi %while3A_202, %jit3A_212 : i32
        %ne3A_230 = arith.constant 0 : i32
        %ne3A_231 = arith.cmpi ne, %rem3A_229, %ne3A_230 : i32
        %and3A_232 = arith.andi %ne3A_228, %ne3A_231 : i1
        %sub3A_233 = arith.constant 1 : i32
        %sub3A_234 = arith.subi %div3A_213, %sub3A_233 : i32
        %select_n3A_235 = arith.select %and3A_232, %sub3A_234, %div3A_213 : i32
        %and3A_236 = arith.constant 1 : i32
        %and3A_237 = arith.andi %select_n3A_235, %and3A_236 : i32
        %multiple_of3A_238 = tpu.assume_multiple %and3A_211, 8 : i32
        %mul3A_239 = arith.constant 256 : i32
        %mul3A_240 = arith.muli %and3A_237, %mul3A_239 : i32
        %dma_start3A_241 = arith.constant 0 : i32
        %dma_start3A_242 = tpu.memref_slice %arg10[%mul3A_240, %dma_start3A_241] : memref<512x64xbf16, #tpu.memory_space<vmem>> -> memref<256x64xbf16, #tpu.memory_space<vmem>>
        %dma_start3A_243 = tpu.memref_slice %arg8[%multiple_of3A_238] : memref<16384xi32, #tpu.memory_space<vmem>> -> memref<256xi32, #tpu.memory_space<vmem>>
        %dma_start3A_244 = arith.constant 0 : i32
        %dma_start3A_245 = arith.constant 0 : i32
        %dma_start3A_246 = tpu.memref_slice %arg2[%dma_start3A_244, %dma_start3A_245] : memref<50000x64xbf16, #tpu.memory_space<hbm>> -> memref<50000x64xbf16, #tpu.memory_space<hbm>>
        tpu.enqueue_indirect_dma source(%dma_start3A_246 : memref<50000x64xbf16, #tpu.memory_space<hbm>>) target(%dma_start3A_242 : memref<256x64xbf16, #tpu.memory_space<vmem>>) offsets(%dma_start3A_243 : memref<256xi32, #tpu.memory_space<vmem>>) semaphore(%arg13 : memref<!tpu.dma_semaphore, #tpu.memory_space<semaphore_mem>>)
        %add3A_247 = arith.constant 256 : i32
        %add3A_248 = arith.addi %while3A_202, %add3A_247 : i32
        scf.yield %add3A_248, %select_n3A_209 : i32, i32
      }
      scf.yield %parallel_loop3A_196, %while3A_201#0, %while3A_201#1 : vector<16xi32>, i32, i32
    }
    %scan3A_22 = arith.constant 50 : i32
    %gt3A = arith.cmpi sgt, %scan3A_21#1, %scan3A_21#2 : i32
    %convert_element_type3A = arith.extui %gt3A : i1 to i32
    %cond3A = arith.constant 0 : i32
    %cond3A_23 = arith.cmpi ne, %convert_element_type3A, %cond3A : i32
    scf.if %cond3A_23 {
      %and3A_141 = arith.constant 16383 : i32
      %and3A_142 = arith.andi %scan3A_21#2, %and3A_141 : i32
      %jit3A_143 = arith.constant 256 : i32
      %div3A_144 = arith.divsi %scan3A_21#2, %jit3A_143 : i32
      %sign3A_145 = arith.constant 0 : i32
      %sign3A_146 = arith.cmpi sgt, %scan3A_21#2, %sign3A_145 : i32
      %sign3A_147 = arith.extui %sign3A_146 : i1 to i32
      %sign3A_148 = arith.constant 0 : i32
      %sign3A_149 = arith.cmpi slt, %scan3A_21#2, %sign3A_148 : i32
      %sign3A_150 = arith.extui %sign3A_149 : i1 to i32
      %sign3A_151 = arith.subi %sign3A_147, %sign3A_150 : i32
      %sign3A_152 = arith.constant 0 : i32
      %sign3A_153 = arith.cmpi sgt, %jit3A_143, %sign3A_152 : i32
      %sign3A_154 = arith.extui %sign3A_153 : i1 to i32
      %sign3A_155 = arith.constant 0 : i32
      %sign3A_156 = arith.cmpi slt, %jit3A_143, %sign3A_155 : i32
      %sign3A_157 = arith.extui %sign3A_156 : i1 to i32
      %sign3A_158 = arith.subi %sign3A_154, %sign3A_157 : i32
      %ne3A_159 = arith.cmpi ne, %sign3A_151, %sign3A_158 : i32
      %rem3A_160 = arith.remsi %scan3A_21#2, %jit3A_143 : i32
      %ne3A_161 = arith.constant 0 : i32
      %ne3A_162 = arith.cmpi ne, %rem3A_160, %ne3A_161 : i32
      %and3A_163 = arith.andi %ne3A_159, %ne3A_162 : i1
      %sub3A_164 = arith.constant 1 : i32
      %sub3A_165 = arith.subi %div3A_144, %sub3A_164 : i32
      %select_n3A_166 = arith.select %and3A_163, %sub3A_165, %div3A_144 : i32
      %and3A_167 = arith.constant 1 : i32
      %and3A_168 = arith.andi %select_n3A_166, %and3A_167 : i32
      %multiple_of3A_169 = tpu.assume_multiple %and3A_142, 8 : i32
      %mul3A_170 = arith.constant 256 : i32
      %mul3A_171 = arith.muli %and3A_168, %mul3A_170 : i32
      %dma_wait3A_172 = arith.constant 0 : i32
      %dma_wait3A_173 = tpu.memref_slice %arg10[%mul3A_171, %dma_wait3A_172] : memref<512x64xbf16, #tpu.memory_space<vmem>> -> memref<256x64xbf16, #tpu.memory_space<vmem>>
      %dma_wait3A_174 = tpu.memref_slice %arg8[%multiple_of3A_169] : memref<16384xi32, #tpu.memory_space<vmem>> -> memref<256xi32, #tpu.memory_space<vmem>>
      %dma_wait3A_175 = arith.constant 0 : i32
      %dma_wait3A_176 = arith.constant 0 : i32
      %dma_wait3A_177 = tpu.memref_slice %arg2[%dma_wait3A_175, %dma_wait3A_176] : memref<50000x64xbf16, #tpu.memory_space<hbm>> -> memref<50000x64xbf16, #tpu.memory_space<hbm>>
      tpu.wait_indirect_dma semaphore(%arg13 : memref<!tpu.dma_semaphore, #tpu.memory_space<semaphore_mem>>) src(%dma_wait3A_177 : memref<50000x64xbf16, #tpu.memory_space<hbm>>) dst(%dma_wait3A_173 : memref<256x64xbf16, #tpu.memory_space<vmem>>)
      %and3A_178 = arith.constant 16383 : i32
      %and3A_179 = arith.andi %scan3A_21#2, %and3A_178 : i32
      %jit3A_180 = arith.constant 256 : i32
      %div3A_181 = arith.divsi %scan3A_21#2, %jit3A_180 : i32
      %sign3A_182 = arith.constant 0 : i32
      %sign3A_183 = arith.cmpi sgt, %scan3A_21#2, %sign3A_182 : i32
      %sign3A_184 = arith.extui %sign3A_183 : i1 to i32
      %sign3A_185 = arith.constant 0 : i32
      %sign3A_186 = arith.cmpi slt, %scan3A_21#2, %sign3A_185 : i32
      %sign3A_187 = arith.extui %sign3A_186 : i1 to i32
      %sign3A_188 = arith.subi %sign3A_184, %sign3A_187 : i32
      %sign3A_189 = arith.constant 0 : i32
      %sign3A_190 = arith.cmpi sgt, %jit3A_180, %sign3A_189 : i32
      %sign3A_191 = arith.extui %sign3A_190 : i1 to i32
      %sign3A_192 = arith.constant 0 : i32
      %sign3A_193 = arith.cmpi slt, %jit3A_180, %sign3A_192 : i32
      %sign3A_194 = arith.extui %sign3A_193 : i1 to i32
      %sign3A_195 = arith.subi %sign3A_191, %sign3A_194 : i32
      %ne3A_196 = arith.cmpi ne, %sign3A_188, %sign3A_195 : i32
      %rem3A_197 = arith.remsi %scan3A_21#2, %jit3A_180 : i32
      %ne3A_198 = arith.constant 0 : i32
      %ne3A_199 = arith.cmpi ne, %rem3A_197, %ne3A_198 : i32
      %and3A_200 = arith.andi %ne3A_196, %ne3A_199 : i1
      %sub3A_201 = arith.constant 1 : i32
      %sub3A_202 = arith.subi %div3A_181, %sub3A_201 : i32
      %select_n3A_203 = arith.select %and3A_200, %sub3A_202, %div3A_181 : i32
      %and3A_204 = arith.constant 1 : i32
      %and3A_205 = arith.andi %select_n3A_203, %and3A_204 : i32
      %scan3A_206 = arith.constant 0 : i32
      %scan3A_207 = arith.constant 0 : i32
      %scan3A_208 = arith.constant 16 : i32
      %scan3A_209 = arith.addi %scan3A_207, %scan3A_208 : i32
      %scan3A_210 = arith.constant 2 : i32
      %scan3A_211 = scf.for %scan3A_213 = %scan3A_207 to %scan3A_209 step %scan3A_210 iter_args(%scan3A_214 = %scan3A_206) -> (i32)  : i32 {
        %mul3A_215 = arith.constant 16 : i32
        %mul3A_216 = arith.muli %scan3A_213, %mul3A_215 : i32
        %add3A_217 = arith.addi %and3A_179, %mul3A_216 : i32
        %get3A_218 = arith.index_cast %add3A_217 : i32 to index
        %get3A_219 = tpu.vector_load %arg9[%get3A_218] {strides = array<i32>} : memref<16400xi32, #tpu.memory_space<vmem>>, vector<16xi32>,
        %mul3A_220 = arith.constant 64 : i32
        %mul3A_221 = vector.broadcast %mul3A_220 : i32 to vector<16xi32>
        %mul3A_222 = arith.muli %get3A_219, %mul3A_221 : vector<16xi32>
        %slice3A_223 = vector.extract_strided_slice %mul3A_222 {offsets = [0], sizes = [1], strides = [1]} : vector<16xi32> to vector<1xi32>
        %squeeze3A_224 = vector.extract %slice3A_223[0] : i32 from vector<1xi32>
        %mul3A_225 = arith.constant 256 : i32
        %mul3A_226 = arith.muli %and3A_205, %mul3A_225 : i32
        %mul3A_227 = arith.constant 16 : i32
        %mul3A_228 = arith.muli %scan3A_213, %mul3A_227 : i32
        %add3A_229 = arith.addi %mul3A_226, %mul3A_228 : i32
        %add3A_230 = arith.constant 0 : i32
        %add3A_231 = arith.addi %add3A_229, %add3A_230 : i32
        %get3A_232 = arith.index_cast %squeeze3A_224 : i32 to index
        %get3A_233 = tpu.vector_load %arg6[%get3A_232] {strides = array<i32>} : memref<100352xbf16, #tpu.memory_space<vmem>>, vector<32xbf16>,
        %get3A_234 = arith.index_cast %add3A_231 : i32 to index
        %get3A_235 = arith.constant 0 : index
        %get3A_236 = tpu.vector_load %arg10[%get3A_234, %get3A_235] {strides = array<i32>} : memref<512x64xbf16, #tpu.memory_space<vmem>>, vector<32xbf16>,
        %max3A = arith.maximumf %get3A_233, %get3A_236 : vector<32xbf16>
        %swap3A = arith.index_cast %squeeze3A_224 : i32 to index
        %swap3A_237 = tpu.vector_load %arg6[%swap3A] {strides = array<i32>} : memref<100352xbf16, #tpu.memory_space<vmem>>, vector<32xbf16>,
        tpu.vector_store %arg6[%swap3A], %max3A {strides = array<i32>} : memref<100352xbf16, #tpu.memory_space<vmem>>, vector<32xbf16>,
        %add3A_238 = arith.constant 32 : i32
        %add3A_239 = arith.addi %squeeze3A_224, %add3A_238 : i32
        %get3A_240 = arith.index_cast %add3A_239 : i32 to index
        %get3A_241 = tpu.vector_load %arg6[%get3A_240] {strides = array<i32>} : memref<100352xbf16, #tpu.memory_space<vmem>>, vector<32xbf16>,
        %get3A_242 = arith.index_cast %add3A_231 : i32 to index
        %get3A_243 = arith.constant 32 : index
        %get3A_244 = tpu.vector_load %arg10[%get3A_242, %get3A_243] {strides = array<i32>} : memref<512x64xbf16, #tpu.memory_space<vmem>>, vector<32xbf16>,
        %max3A_245 = arith.maximumf %get3A_241, %get3A_244 : vector<32xbf16>
        %add3A_246 = arith.constant 32 : i32
        %add3A_247 = arith.addi %squeeze3A_224, %add3A_246 : i32
        %swap3A_248 = arith.index_cast %add3A_247 : i32 to index
        %swap3A_249 = tpu.vector_load %arg6[%swap3A_248] {strides = array<i32>} : memref<100352xbf16, #tpu.memory_space<vmem>>, vector<32xbf16>,
        tpu.vector_store %arg6[%swap3A_248], %max3A_245 {strides = array<i32>} : memref<100352xbf16, #tpu.memory_space<vmem>>, vector<32xbf16>,
        %slice3A_250 = vector.extract_strided_slice %mul3A_222 {offsets = [1], sizes = [1], strides = [1]} : vector<16xi32> to vector<1xi32>
        %squeeze3A_251 = vector.extract %slice3A_250[0] : i32 from vector<1xi32>
        %mul3A_252 = arith.constant 256 : i32
        %mul3A_253 = arith.muli %and3A_205, %mul3A_252 : i32
        %mul3A_254 = arith.constant 16 : i32
        %mul3A_255 = arith.muli %scan3A_213, %mul3A_254 : i32
        %add3A_256 = arith.addi %mul3A_253, %mul3A_255 : i32
        %add3A_257 = arith.constant 1 : i32
        %add3A_258 = arith.addi %add3A_256, %add3A_257 : i32
        %get3A_259 = arith.index_cast %squeeze3A_251 : i32 to index
        %get3A_260 = tpu.vector_load %arg6[%get3A_259] {strides = array<i32>} : memref<100352xbf16, #tpu.memory_space<vmem>>, vector<32xbf16>,
        %get3A_261 = arith.index_cast %add3A_258 : i32 to index
        %get3A_262 = arith.constant 0 : index
        %get3A_263 = tpu.vector_load %arg10[%get3A_261, %get3A_262] {strides = array<i32>} : memref<512x64xbf16, #tpu.memory_space<vmem>>, vector<32xbf16>,
        %max3A_264 = arith.maximumf %get3A_260, %get3A_263 : vector<32xbf16>
        %swap3A_265 = arith.index_cast %squeeze3A_251 : i32 to index
        %swap3A_266 = tpu.vector_load %arg6[%swap3A_265] {strides = array<i32>} : memref<100352xbf16, #tpu.memory_space<vmem>>, vector<32xbf16>,
        tpu.vector_store %arg6[%swap3A_265], %max3A_264 {strides = array<i32>} : memref<100352xbf16, #tpu.memory_space<vmem>>, vector<32xbf16>,
        %add3A_267 = arith.constant 32 : i32
        %add3A_268 = arith.addi %squeeze3A_251, %add3A_267 : i32
        %get3A_269 = arith.index_cast %add3A_268 : i32 to index
        %get3A_270 = tpu.vector_load %arg6[%get3A_269] {strides = array<i32>} : memref<100352xbf16, #tpu.memory_space<vmem>>, vector<32xbf16>,
        %get3A_271 = arith.index_cast %add3A_258 : i32 to index
        %get3A_272 = arith.constant 32 : index
        %get3A_273 = tpu.vector_load %arg10[%get3A_271, %get3A_272] {strides = array<i32>} : memref<512x64xbf16, #tpu.memory_space<vmem>>, vector<32xbf16>,
        %max3A_274 = arith.maximumf %get3A_270, %get3A_273 : vector<32xbf16>
        %add3A_275 = arith.constant 32 : i32
        %add3A_276 = arith.addi %squeeze3A_251, %add3A_275 : i32
        %swap3A_277 = arith.index_cast %add3A_276 : i32 to index
        %swap3A_278 = tpu.vector_load %arg6[%swap3A_277] {strides = array<i32>} : memref<100352xbf16, #tpu.memory_space<vmem>>, vector<32xbf16>,
        tpu.vector_store %arg6[%swap3A_277], %max3A_274 {strides = array<i32>} : memref<100352xbf16, #tpu.memory_space<vmem>>, vector<32xbf16>,
        %slice3A_279 = vector.extract_strided_slice %mul3A_222 {offsets = [2], sizes = [1], strides = [1]} : vector<16xi32> to vector<1xi32>
        %squeeze3A_280 = vector.extract %slice3A_279[0] : i32 from vector<1xi32>
        %mul3A_281 = arith.constant 256 : i32
        %mul3A_282 = arith.muli %and3A_205, %mul3A_281 : i32
        %mul3A_283 = arith.constant 16 : i32
        %mul3A_284 = arith.muli %scan3A_213, %mul3A_283 : i32
        %add3A_285 = arith.addi %mul3A_282, %mul3A_284 : i32
        %add3A_286 = arith.constant 2 : i32
        %add3A_287 = arith.addi %add3A_285, %add3A_286 : i32
        %get3A_288 = arith.index_cast %squeeze3A_280 : i32 to index
        %get3A_289 = tpu.vector_load %arg6[%get3A_288] {strides = array<i32>} : memref<100352xbf16, #tpu.memory_space<vmem>>, vector<32xbf16>,
        %get3A_290 = arith.index_cast %add3A_287 : i32 to index
        %get3A_291 = arith.constant 0 : index
        %get3A_292 = tpu.vector_load %arg10[%get3A_290, %get3A_291] {strides = array<i32>} : memref<512x64xbf16, #tpu.memory_space<vmem>>, vector<32xbf16>,
        %max3A_293 = arith.maximumf %get3A_289, %get3A_292 : vector<32xbf16>
        %swap3A_294 = arith.index_cast %squeeze3A_280 : i32 to index
        %swap3A_295 = tpu.vector_load %arg6[%swap3A_294] {strides = array<i32>} : memref<100352xbf16, #tpu.memory_space<vmem>>, vector<32xbf16>,
        tpu.vector_store %arg6[%swap3A_294], %max3A_293 {strides = array<i32>} : memref<100352xbf16, #tpu.memory_space<vmem>>, vector<32xbf16>,
        %add3A_296 = arith.constant 32 : i32
        %add3A_297 = arith.addi %squeeze3A_280, %add3A_296 : i32
        %get3A_298 = arith.index_cast %add3A_297 : i32 to index
        %get3A_299 = tpu.vector_load %arg6[%get3A_298] {strides = array<i32>} : memref<100352xbf16, #tpu.memory_space<vmem>>, vector<32xbf16>,
        %get3A_300 = arith.index_cast %add3A_287 : i32 to index
        %get3A_301 = arith.constant 32 : index
        %get3A_302 = tpu.vector_load %arg10[%get3A_300, %get3A_301] {strides = array<i32>} : memref<512x64xbf16, #tpu.memory_space<vmem>>, vector<32xbf16>,
        %max3A_303 = arith.maximumf %get3A_299, %get3A_302 : vector<32xbf16>
        %add3A_304 = arith.constant 32 : i32
        %add3A_305 = arith.addi %squeeze3A_280, %add3A_304 : i32
        %swap3A_306 = arith.index_cast %add3A_305 : i32 to index
        %swap3A_307 = tpu.vector_load %arg6[%swap3A_306] {strides = array<i32>} : memref<100352xbf16, #tpu.memory_space<vmem>>, vector<32xbf16>,
        tpu.vector_store %arg6[%swap3A_306], %max3A_303 {strides = array<i32>} : memref<100352xbf16, #tpu.memory_space<vmem>>, vector<32xbf16>,
        %slice3A_308 = vector.extract_strided_slice %mul3A_222 {offsets = [3], sizes = [1], strides = [1]} : vector<16xi32> to vector<1xi32>
        %squeeze3A_309 = vector.extract %slice3A_308[0] : i32 from vector<1xi32>
        %mul3A_310 = arith.constant 256 : i32
        %mul3A_311 = arith.muli %and3A_205, %mul3A_310 : i32
        %mul3A_312 = arith.constant 16 : i32
        %mul3A_313 = arith.muli %scan3A_213, %mul3A_312 : i32
        %add3A_314 = arith.addi %mul3A_311, %mul3A_313 : i32
        %add3A_315 = arith.constant 3 : i32
        %add3A_316 = arith.addi %add3A_314, %add3A_315 : i32
        %get3A_317 = arith.index_cast %squeeze3A_309 : i32 to index
        %get3A_318 = tpu.vector_load %arg6[%get3A_317] {strides = array<i32>} : memref<100352xbf16, #tpu.memory_space<vmem>>, vector<32xbf16>,
        %get3A_319 = arith.index_cast %add3A_316 : i32 to index
        %get3A_320 = arith.constant 0 : index
        %get3A_321 = tpu.vector_load %arg10[%get3A_319, %get3A_320] {strides = array<i32>} : memref<512x64xbf16, #tpu.memory_space<vmem>>, vector<32xbf16>,
        %max3A_322 = arith.maximumf %get3A_318, %get3A_321 : vector<32xbf16>
        %swap3A_323 = arith.index_cast %squeeze3A_309 : i32 to index
        %swap3A_324 = tpu.vector_load %arg6[%swap3A_323] {strides = array<i32>} : memref<100352xbf16, #tpu.memory_space<vmem>>, vector<32xbf16>,
        tpu.vector_store %arg6[%swap3A_323], %max3A_322 {strides = array<i32>} : memref<100352xbf16, #tpu.memory_space<vmem>>, vector<32xbf16>,
        %add3A_325 = arith.constant 32 : i32
        %add3A_326 = arith.addi %squeeze3A_309, %add3A_325 : i32
        %get3A_327 = arith.index_cast %add3A_326 : i32 to index
        %get3A_328 = tpu.vector_load %arg6[%get3A_327] {strides = array<i32>} : memref<100352xbf16, #tpu.memory_space<vmem>>, vector<32xbf16>,
        %get3A_329 = arith.index_cast %add3A_316 : i32 to index
        %get3A_330 = arith.constant 32 : index
        %get3A_331 = tpu.vector_load %arg10[%get3A_329, %get3A_330] {strides = array<i32>} : memref<512x64xbf16, #tpu.memory_space<vmem>>, vector<32xbf16>,
        %max3A_332 = arith.maximumf %get3A_328, %get3A_331 : vector<32xbf16>
        %add3A_333 = arith.constant 32 : i32
        %add3A_334 = arith.addi %squeeze3A_309, %add3A_333 : i32
        %swap3A_335 = arith.index_cast %add3A_334 : i32 to index
        %swap3A_336 = tpu.vector_load %arg6[%swap3A_335] {strides = array<i32>} : memref<100352xbf16, #tpu.memory_space<vmem>>, vector<32xbf16>,
        tpu.vector_store %arg6[%swap3A_335], %max3A_332 {strides = array<i32>} : memref<100352xbf16, #tpu.memory_space<vmem>>, vector<32xbf16>,
        %slice3A_337 = vector.extract_strided_slice %mul3A_222 {offsets = [4], sizes = [1], strides = [1]} : vector<16xi32> to vector<1xi32>
        %squeeze3A_338 = vector.extract %slice3A_337[0] : i32 from vector<1xi32>
        %mul3A_339 = arith.constant 256 : i32
        %mul3A_340 = arith.muli %and3A_205, %mul3A_339 : i32
        %mul3A_341 = arith.constant 16 : i32
        %mul3A_342 = arith.muli %scan3A_213, %mul3A_341 : i32
        %add3A_343 = arith.addi %mul3A_340, %mul3A_342 : i32
        %add3A_344 = arith.constant 4 : i32
        %add3A_345 = arith.addi %add3A_343, %add3A_344 : i32
        %get3A_346 = arith.index_cast %squeeze3A_338 : i32 to index
        %get3A_347 = tpu.vector_load %arg6[%get3A_346] {strides = array<i32>} : memref<100352xbf16, #tpu.memory_space<vmem>>, vector<32xbf16>,
        %get3A_348 = arith.index_cast %add3A_345 : i32 to index
        %get3A_349 = arith.constant 0 : index
        %get3A_350 = tpu.vector_load %arg10[%get3A_348, %get3A_349] {strides = array<i32>} : memref<512x64xbf16, #tpu.memory_space<vmem>>, vector<32xbf16>,
        %max3A_351 = arith.maximumf %get3A_347, %get3A_350 : vector<32xbf16>
        %swap3A_352 = arith.index_cast %squeeze3A_338 : i32 to index
        %swap3A_353 = tpu.vector_load %arg6[%swap3A_352] {strides = array<i32>} : memref<100352xbf16, #tpu.memory_space<vmem>>, vector<32xbf16>,
        tpu.vector_store %arg6[%swap3A_352], %max3A_351 {strides = array<i32>} : memref<100352xbf16, #tpu.memory_space<vmem>>, vector<32xbf16>,
        %add3A_354 = arith.constant 32 : i32
        %add3A_355 = arith.addi %squeeze3A_338, %add3A_354 : i32
        %get3A_356 = arith.index_cast %add3A_355 : i32 to index
        %get3A_357 = tpu.vector_load %arg6[%get3A_356] {strides = array<i32>} : memref<100352xbf16, #tpu.memory_space<vmem>>, vector<32xbf16>,
        %get3A_358 = arith.index_cast %add3A_345 : i32 to index
        %get3A_359 = arith.constant 32 : index
        %get3A_360 = tpu.vector_load %arg10[%get3A_358, %get3A_359] {strides = array<i32>} : memref<512x64xbf16, #tpu.memory_space<vmem>>, vector<32xbf16>,
        %max3A_361 = arith.maximumf %get3A_357, %get3A_360 : vector<32xbf16>
        %add3A_362 = arith.constant 32 : i32
        %add3A_363 = arith.addi %squeeze3A_338, %add3A_362 : i32
        %swap3A_364 = arith.index_cast %add3A_363 : i32 to index
        %swap3A_365 = tpu.vector_load %arg6[%swap3A_364] {strides = array<i32>} : memref<100352xbf16, #tpu.memory_space<vmem>>, vector<32xbf16>,
        tpu.vector_store %arg6[%swap3A_364], %max3A_361 {strides = array<i32>} : memref<100352xbf16, #tpu.memory_space<vmem>>, vector<32xbf16>,
        %slice3A_366 = vector.extract_strided_slice %mul3A_222 {offsets = [5], sizes = [1], strides = [1]} : vector<16xi32> to vector<1xi32>
        %squeeze3A_367 = vector.extract %slice3A_366[0] : i32 from vector<1xi32>
        %mul3A_368 = arith.constant 256 : i32
        %mul3A_369 = arith.muli %and3A_205, %mul3A_368 : i32
        %mul3A_370 = arith.constant 16 : i32
        %mul3A_371 = arith.muli %scan3A_213, %mul3A_370 : i32
        %add3A_372 = arith.addi %mul3A_369, %mul3A_371 : i32
        %add3A_373 = arith.constant 5 : i32
        %add3A_374 = arith.addi %add3A_372, %add3A_373 : i32
        %get3A_375 = arith.index_cast %squeeze3A_367 : i32 to index
        %get3A_376 = tpu.vector_load %arg6[%get3A_375] {strides = array<i32>} : memref<100352xbf16, #tpu.memory_space<vmem>>, vector<32xbf16>,
        %get3A_377 = arith.index_cast %add3A_374 : i32 to index
        %get3A_378 = arith.constant 0 : index
        %get3A_379 = tpu.vector_load %arg10[%get3A_377, %get3A_378] {strides = array<i32>} : memref<512x64xbf16, #tpu.memory_space<vmem>>, vector<32xbf16>,
        %max3A_380 = arith.maximumf %get3A_376, %get3A_379 : vector<32xbf16>
        %swap3A_381 = arith.index_cast %squeeze3A_367 : i32 to index
        %swap3A_382 = tpu.vector_load %arg6[%swap3A_381] {strides = array<i32>} : memref<100352xbf16, #tpu.memory_space<vmem>>, vector<32xbf16>,
        tpu.vector_store %arg6[%swap3A_381], %max3A_380 {strides = array<i32>} : memref<100352xbf16, #tpu.memory_space<vmem>>, vector<32xbf16>,
        %add3A_383 = arith.constant 32 : i32
        %add3A_384 = arith.addi %squeeze3A_367, %add3A_383 : i32
        %get3A_385 = arith.index_cast %add3A_384 : i32 to index
        %get3A_386 = tpu.vector_load %arg6[%get3A_385] {strides = array<i32>} : memref<100352xbf16, #tpu.memory_space<vmem>>, vector<32xbf16>,
        %get3A_387 = arith.index_cast %add3A_374 : i32 to index
        %get3A_388 = arith.constant 32 : index
        %get3A_389 = tpu.vector_load %arg10[%get3A_387, %get3A_388] {strides = array<i32>} : memref<512x64xbf16, #tpu.memory_space<vmem>>, vector<32xbf16>,
        %max3A_390 = arith.maximumf %get3A_386, %get3A_389 : vector<32xbf16>
        %add3A_391 = arith.constant 32 : i32
        %add3A_392 = arith.addi %squeeze3A_367, %add3A_391 : i32
        %swap3A_393 = arith.index_cast %add3A_392 : i32 to index
        %swap3A_394 = tpu.vector_load %arg6[%swap3A_393] {strides = array<i32>} : memref<100352xbf16, #tpu.memory_space<vmem>>, vector<32xbf16>,
        tpu.vector_store %arg6[%swap3A_393], %max3A_390 {strides = array<i32>} : memref<100352xbf16, #tpu.memory_space<vmem>>, vector<32xbf16>,
        %slice3A_395 = vector.extract_strided_slice %mul3A_222 {offsets = [6], sizes = [1], strides = [1]} : vector<16xi32> to vector<1xi32>
        %squeeze3A_396 = vector.extract %slice3A_395[0] : i32 from vector<1xi32>
        %mul3A_397 = arith.constant 256 : i32
        %mul3A_398 = arith.muli %and3A_205, %mul3A_397 : i32
        %mul3A_399 = arith.constant 16 : i32
        %mul3A_400 = arith.muli %scan3A_213, %mul3A_399 : i32
        %add3A_401 = arith.addi %mul3A_398, %mul3A_400 : i32
        %add3A_402 = arith.constant 6 : i32
        %add3A_403 = arith.addi %add3A_401, %add3A_402 : i32
        %get3A_404 = arith.index_cast %squeeze3A_396 : i32 to index
        %get3A_405 = tpu.vector_load %arg6[%get3A_404] {strides = array<i32>} : memref<100352xbf16, #tpu.memory_space<vmem>>, vector<32xbf16>,
        %get3A_406 = arith.index_cast %add3A_403 : i32 to index
        %get3A_407 = arith.constant 0 : index
        %get3A_408 = tpu.vector_load %arg10[%get3A_406, %get3A_407] {strides = array<i32>} : memref<512x64xbf16, #tpu.memory_space<vmem>>, vector<32xbf16>,
        %max3A_409 = arith.maximumf %get3A_405, %get3A_408 : vector<32xbf16>
        %swap3A_410 = arith.index_cast %squeeze3A_396 : i32 to index
        %swap3A_411 = tpu.vector_load %arg6[%swap3A_410] {strides = array<i32>} : memref<100352xbf16, #tpu.memory_space<vmem>>, vector<32xbf16>,
        tpu.vector_store %arg6[%swap3A_410], %max3A_409 {strides = array<i32>} : memref<100352xbf16, #tpu.memory_space<vmem>>, vector<32xbf16>,
        %add3A_412 = arith.constant 32 : i32
        %add3A_413 = arith.addi %squeeze3A_396, %add3A_412 : i32
        %get3A_414 = arith.index_cast %add3A_413 : i32 to index
        %get3A_415 = tpu.vector_load %arg6[%get3A_414] {strides = array<i32>} : memref<100352xbf16, #tpu.memory_space<vmem>>, vector<32xbf16>,
        %get3A_416 = arith.index_cast %add3A_403 : i32 to index
        %get3A_417 = arith.constant 32 : index
        %get3A_418 = tpu.vector_load %arg10[%get3A_416, %get3A_417] {strides = array<i32>} : memref<512x64xbf16, #tpu.memory_space<vmem>>, vector<32xbf16>,
        %max3A_419 = arith.maximumf %get3A_415, %get3A_418 : vector<32xbf16>
        %add3A_420 = arith.constant 32 : i32
        %add3A_421 = arith.addi %squeeze3A_396, %add3A_420 : i32
        %swap3A_422 = arith.index_cast %add3A_421 : i32 to index
        %swap3A_423 = tpu.vector_load %arg6[%swap3A_422] {strides = array<i32>} : memref<100352xbf16, #tpu.memory_space<vmem>>, vector<32xbf16>,
        tpu.vector_store %arg6[%swap3A_422], %max3A_419 {strides = array<i32>} : memref<100352xbf16, #tpu.memory_space<vmem>>, vector<32xbf16>,
        %slice3A_424 = vector.extract_strided_slice %mul3A_222 {offsets = [7], sizes = [1], strides = [1]} : vector<16xi32> to vector<1xi32>
        %squeeze3A_425 = vector.extract %slice3A_424[0] : i32 from vector<1xi32>
        %mul3A_426 = arith.constant 256 : i32
        %mul3A_427 = arith.muli %and3A_205, %mul3A_426 : i32
        %mul3A_428 = arith.constant 16 : i32
        %mul3A_429 = arith.muli %scan3A_213, %mul3A_428 : i32
        %add3A_430 = arith.addi %mul3A_427, %mul3A_429 : i32
        %add3A_431 = arith.constant 7 : i32
        %add3A_432 = arith.addi %add3A_430, %add3A_431 : i32
        %get3A_433 = arith.index_cast %squeeze3A_425 : i32 to index
        %get3A_434 = tpu.vector_load %arg6[%get3A_433] {strides = array<i32>} : memref<100352xbf16, #tpu.memory_space<vmem>>, vector<32xbf16>,
        %get3A_435 = arith.index_cast %add3A_432 : i32 to index
        %get3A_436 = arith.constant 0 : index
        %get3A_437 = tpu.vector_load %arg10[%get3A_435, %get3A_436] {strides = array<i32>} : memref<512x64xbf16, #tpu.memory_space<vmem>>, vector<32xbf16>,
        %max3A_438 = arith.maximumf %get3A_434, %get3A_437 : vector<32xbf16>
        %swap3A_439 = arith.index_cast %squeeze3A_425 : i32 to index
        %swap3A_440 = tpu.vector_load %arg6[%swap3A_439] {strides = array<i32>} : memref<100352xbf16, #tpu.memory_space<vmem>>, vector<32xbf16>,
        tpu.vector_store %arg6[%swap3A_439], %max3A_438 {strides = array<i32>} : memref<100352xbf16, #tpu.memory_space<vmem>>, vector<32xbf16>,
        %add3A_441 = arith.constant 32 : i32
        %add3A_442 = arith.addi %squeeze3A_425, %add3A_441 : i32
        %get3A_443 = arith.index_cast %add3A_442 : i32 to index
        %get3A_444 = tpu.vector_load %arg6[%get3A_443] {strides = array<i32>} : memref<100352xbf16, #tpu.memory_space<vmem>>, vector<32xbf16>,
        %get3A_445 = arith.index_cast %add3A_432 : i32 to index
        %get3A_446 = arith.constant 32 : index
        %get3A_447 = tpu.vector_load %arg10[%get3A_445, %get3A_446] {strides = array<i32>} : memref<512x64xbf16, #tpu.memory_space<vmem>>, vector<32xbf16>,
        %max3A_448 = arith.maximumf %get3A_444, %get3A_447 : vector<32xbf16>
        %add3A_449 = arith.constant 32 : i32
        %add3A_450 = arith.addi %squeeze3A_425, %add3A_449 : i32
        %swap3A_451 = arith.index_cast %add3A_450 : i32 to index
        %swap3A_452 = tpu.vector_load %arg6[%swap3A_451] {strides = array<i32>} : memref<100352xbf16, #tpu.memory_space<vmem>>, vector<32xbf16>,
        tpu.vector_store %arg6[%swap3A_451], %max3A_448 {strides = array<i32>} : memref<100352xbf16, #tpu.memory_space<vmem>>, vector<32xbf16>,
        %slice3A_453 = vector.extract_strided_slice %mul3A_222 {offsets = [8], sizes = [1], strides = [1]} : vector<16xi32> to vector<1xi32>
        %squeeze3A_454 = vector.extract %slice3A_453[0] : i32 from vector<1xi32>
        %mul3A_455 = arith.constant 256 : i32
        %mul3A_456 = arith.muli %and3A_205, %mul3A_455 : i32
        %mul3A_457 = arith.constant 16 : i32
        %mul3A_458 = arith.muli %scan3A_213, %mul3A_457 : i32
        %add3A_459 = arith.addi %mul3A_456, %mul3A_458 : i32
        %add3A_460 = arith.constant 8 : i32
        %add3A_461 = arith.addi %add3A_459, %add3A_460 : i32
        %get3A_462 = arith.index_cast %squeeze3A_454 : i32 to index
        %get3A_463 = tpu.vector_load %arg6[%get3A_462] {strides = array<i32>} : memref<100352xbf16, #tpu.memory_space<vmem>>, vector<32xbf16>,
        %get3A_464 = arith.index_cast %add3A_461 : i32 to index
        %get3A_465 = arith.constant 0 : index
        %get3A_466 = tpu.vector_load %arg10[%get3A_464, %get3A_465] {strides = array<i32>} : memref<512x64xbf16, #tpu.memory_space<vmem>>, vector<32xbf16>,
        %max3A_467 = arith.maximumf %get3A_463, %get3A_466 : vector<32xbf16>
        %swap3A_468 = arith.index_cast %squeeze3A_454 : i32 to index
        %swap3A_469 = tpu.vector_load %arg6[%swap3A_468] {strides = array<i32>} : memref<100352xbf16, #tpu.memory_space<vmem>>, vector<32xbf16>,
        tpu.vector_store %arg6[%swap3A_468], %max3A_467 {strides = array<i32>} : memref<100352xbf16, #tpu.memory_space<vmem>>, vector<32xbf16>,
        %add3A_470 = arith.constant 32 : i32
        %add3A_471 = arith.addi %squeeze3A_454, %add3A_470 : i32
        %get3A_472 = arith.index_cast %add3A_471 : i32 to index
        %get3A_473 = tpu.vector_load %arg6[%get3A_472] {strides = array<i32>} : memref<100352xbf16, #tpu.memory_space<vmem>>, vector<32xbf16>,
        %get3A_474 = arith.index_cast %add3A_461 : i32 to index
        %get3A_475 = arith.constant 32 : index
        %get3A_476 = tpu.vector_load %arg10[%get3A_474, %get3A_475] {strides = array<i32>} : memref<512x64xbf16, #tpu.memory_space<vmem>>, vector<32xbf16>,
        %max3A_477 = arith.maximumf %get3A_473, %get3A_476 : vector<32xbf16>
        %add3A_478 = arith.constant 32 : i32
        %add3A_479 = arith.addi %squeeze3A_454, %add3A_478 : i32
        %swap3A_480 = arith.index_cast %add3A_479 : i32 to index
        %swap3A_481 = tpu.vector_load %arg6[%swap3A_480] {strides = array<i32>} : memref<100352xbf16, #tpu.memory_space<vmem>>, vector<32xbf16>,
        tpu.vector_store %arg6[%swap3A_480], %max3A_477 {strides = array<i32>} : memref<100352xbf16, #tpu.memory_space<vmem>>, vector<32xbf16>,
        %slice3A_482 = vector.extract_strided_slice %mul3A_222 {offsets = [9], sizes = [1], strides = [1]} : vector<16xi32> to vector<1xi32>
        %squeeze3A_483 = vector.extract %slice3A_482[0] : i32 from vector<1xi32>
        %mul3A_484 = arith.constant 256 : i32
        %mul3A_485 = arith.muli %and3A_205, %mul3A_484 : i32
        %mul3A_486 = arith.constant 16 : i32
        %mul3A_487 = arith.muli %scan3A_213, %mul3A_486 : i32
        %add3A_488 = arith.addi %mul3A_485, %mul3A_487 : i32
        %add3A_489 = arith.constant 9 : i32
        %add3A_490 = arith.addi %add3A_488, %add3A_489 : i32
        %get3A_491 = arith.index_cast %squeeze3A_483 : i32 to index
        %get3A_492 = tpu.vector_load %arg6[%get3A_491] {strides = array<i32>} : memref<100352xbf16, #tpu.memory_space<vmem>>, vector<32xbf16>,
        %get3A_493 = arith.index_cast %add3A_490 : i32 to index
        %get3A_494 = arith.constant 0 : index
        %get3A_495 = tpu.vector_load %arg10[%get3A_493, %get3A_494] {strides = array<i32>} : memref<512x64xbf16, #tpu.memory_space<vmem>>, vector<32xbf16>,
        %max3A_496 = arith.maximumf %get3A_492, %get3A_495 : vector<32xbf16>
        %swap3A_497 = arith.index_cast %squeeze3A_483 : i32 to index
        %swap3A_498 = tpu.vector_load %arg6[%swap3A_497] {strides = array<i32>} : memref<100352xbf16, #tpu.memory_space<vmem>>, vector<32xbf16>,
        tpu.vector_store %arg6[%swap3A_497], %max3A_496 {strides = array<i32>} : memref<100352xbf16, #tpu.memory_space<vmem>>, vector<32xbf16>,
        %add3A_499 = arith.constant 32 : i32
        %add3A_500 = arith.addi %squeeze3A_483, %add3A_499 : i32
        %get3A_501 = arith.index_cast %add3A_500 : i32 to index
        %get3A_502 = tpu.vector_load %arg6[%get3A_501] {strides = array<i32>} : memref<100352xbf16, #tpu.memory_space<vmem>>, vector<32xbf16>,
        %get3A_503 = arith.index_cast %add3A_490 : i32 to index
        %get3A_504 = arith.constant 32 : index
        %get3A_505 = tpu.vector_load %arg10[%get3A_503, %get3A_504] {strides = array<i32>} : memref<512x64xbf16, #tpu.memory_space<vmem>>, vector<32xbf16>,
        %max3A_506 = arith.maximumf %get3A_502, %get3A_505 : vector<32xbf16>
        %add3A_507 = arith.constant 32 : i32
        %add3A_508 = arith.addi %squeeze3A_483, %add3A_507 : i32
        %swap3A_509 = arith.index_cast %add3A_508 : i32 to index
        %swap3A_510 = tpu.vector_load %arg6[%swap3A_509] {strides = array<i32>} : memref<100352xbf16, #tpu.memory_space<vmem>>, vector<32xbf16>,
        tpu.vector_store %arg6[%swap3A_509], %max3A_506 {strides = array<i32>} : memref<100352xbf16, #tpu.memory_space<vmem>>, vector<32xbf16>,
        %slice3A_511 = vector.extract_strided_slice %mul3A_222 {offsets = [10], sizes = [1], strides = [1]} : vector<16xi32> to vector<1xi32>
        %squeeze3A_512 = vector.extract %slice3A_511[0] : i32 from vector<1xi32>
        %mul3A_513 = arith.constant 256 : i32
        %mul3A_514 = arith.muli %and3A_205, %mul3A_513 : i32
        %mul3A_515 = arith.constant 16 : i32
        %mul3A_516 = arith.muli %scan3A_213, %mul3A_515 : i32
        %add3A_517 = arith.addi %mul3A_514, %mul3A_516 : i32
        %add3A_518 = arith.constant 10 : i32
        %add3A_519 = arith.addi %add3A_517, %add3A_518 : i32
        %get3A_520 = arith.index_cast %squeeze3A_512 : i32 to index
        %get3A_521 = tpu.vector_load %arg6[%get3A_520] {strides = array<i32>} : memref<100352xbf16, #tpu.memory_space<vmem>>, vector<32xbf16>,
        %get3A_522 = arith.index_cast %add3A_519 : i32 to index
        %get3A_523 = arith.constant 0 : index
        %get3A_524 = tpu.vector_load %arg10[%get3A_522, %get3A_523] {strides = array<i32>} : memref<512x64xbf16, #tpu.memory_space<vmem>>, vector<32xbf16>,
        %max3A_525 = arith.maximumf %get3A_521, %get3A_524 : vector<32xbf16>
        %swap3A_526 = arith.index_cast %squeeze3A_512 : i32 to index
        %swap3A_527 = tpu.vector_load %arg6[%swap3A_526] {strides = array<i32>} : memref<100352xbf16, #tpu.memory_space<vmem>>, vector<32xbf16>,
        tpu.vector_store %arg6[%swap3A_526], %max3A_525 {strides = array<i32>} : memref<100352xbf16, #tpu.memory_space<vmem>>, vector<32xbf16>,
        %add3A_528 = arith.constant 32 : i32
        %add3A_529 = arith.addi %squeeze3A_512, %add3A_528 : i32
        %get3A_530 = arith.index_cast %add3A_529 : i32 to index
        %get3A_531 = tpu.vector_load %arg6[%get3A_530] {strides = array<i32>} : memref<100352xbf16, #tpu.memory_space<vmem>>, vector<32xbf16>,
        %get3A_532 = arith.index_cast %add3A_519 : i32 to index
        %get3A_533 = arith.constant 32 : index
        %get3A_534 = tpu.vector_load %arg10[%get3A_532, %get3A_533] {strides = array<i32>} : memref<512x64xbf16, #tpu.memory_space<vmem>>, vector<32xbf16>,
        %max3A_535 = arith.maximumf %get3A_531, %get3A_534 : vector<32xbf16>
        %add3A_536 = arith.constant 32 : i32
        %add3A_537 = arith.addi %squeeze3A_512, %add3A_536 : i32
        %swap3A_538 = arith.index_cast %add3A_537 : i32 to index
        %swap3A_539 = tpu.vector_load %arg6[%swap3A_538] {strides = array<i32>} : memref<100352xbf16, #tpu.memory_space<vmem>>, vector<32xbf16>,
        tpu.vector_store %arg6[%swap3A_538], %max3A_535 {strides = array<i32>} : memref<100352xbf16, #tpu.memory_space<vmem>>, vector<32xbf16>,
        %slice3A_540 = vector.extract_strided_slice %mul3A_222 {offsets = [11], sizes = [1], strides = [1]} : vector<16xi32> to vector<1xi32>
        %squeeze3A_541 = vector.extract %slice3A_540[0] : i32 from vector<1xi32>
        %mul3A_542 = arith.constant 256 : i32
        %mul3A_543 = arith.muli %and3A_205, %mul3A_542 : i32
        %mul3A_544 = arith.constant 16 : i32
        %mul3A_545 = arith.muli %scan3A_213, %mul3A_544 : i32
        %add3A_546 = arith.addi %mul3A_543, %mul3A_545 : i32
        %add3A_547 = arith.constant 11 : i32
        %add3A_548 = arith.addi %add3A_546, %add3A_547 : i32
        %get3A_549 = arith.index_cast %squeeze3A_541 : i32 to index
        %get3A_550 = tpu.vector_load %arg6[%get3A_549] {strides = array<i32>} : memref<100352xbf16, #tpu.memory_space<vmem>>, vector<32xbf16>,
        %get3A_551 = arith.index_cast %add3A_548 : i32 to index
        %get3A_552 = arith.constant 0 : index
        %get3A_553 = tpu.vector_load %arg10[%get3A_551, %get3A_552] {strides = array<i32>} : memref<512x64xbf16, #tpu.memory_space<vmem>>, vector<32xbf16>,
        %max3A_554 = arith.maximumf %get3A_550, %get3A_553 : vector<32xbf16>
        %swap3A_555 = arith.index_cast %squeeze3A_541 : i32 to index
        %swap3A_556 = tpu.vector_load %arg6[%swap3A_555] {strides = array<i32>} : memref<100352xbf16, #tpu.memory_space<vmem>>, vector<32xbf16>,
        tpu.vector_store %arg6[%swap3A_555], %max3A_554 {strides = array<i32>} : memref<100352xbf16, #tpu.memory_space<vmem>>, vector<32xbf16>,
        %add3A_557 = arith.constant 32 : i32
        %add3A_558 = arith.addi %squeeze3A_541, %add3A_557 : i32
        %get3A_559 = arith.index_cast %add3A_558 : i32 to index
        %get3A_560 = tpu.vector_load %arg6[%get3A_559] {strides = array<i32>} : memref<100352xbf16, #tpu.memory_space<vmem>>, vector<32xbf16>,
        %get3A_561 = arith.index_cast %add3A_548 : i32 to index
        %get3A_562 = arith.constant 32 : index
        %get3A_563 = tpu.vector_load %arg10[%get3A_561, %get3A_562] {strides = array<i32>} : memref<512x64xbf16, #tpu.memory_space<vmem>>, vector<32xbf16>,
        %max3A_564 = arith.maximumf %get3A_560, %get3A_563 : vector<32xbf16>
        %add3A_565 = arith.constant 32 : i32
        %add3A_566 = arith.addi %squeeze3A_541, %add3A_565 : i32
        %swap3A_567 = arith.index_cast %add3A_566 : i32 to index
        %swap3A_568 = tpu.vector_load %arg6[%swap3A_567] {strides = array<i32>} : memref<100352xbf16, #tpu.memory_space<vmem>>, vector<32xbf16>,
        tpu.vector_store %arg6[%swap3A_567], %max3A_564 {strides = array<i32>} : memref<100352xbf16, #tpu.memory_space<vmem>>, vector<32xbf16>,
        %slice3A_569 = vector.extract_strided_slice %mul3A_222 {offsets = [12], sizes = [1], strides = [1]} : vector<16xi32> to vector<1xi32>
        %squeeze3A_570 = vector.extract %slice3A_569[0] : i32 from vector<1xi32>
        %mul3A_571 = arith.constant 256 : i32
        %mul3A_572 = arith.muli %and3A_205, %mul3A_571 : i32
        %mul3A_573 = arith.constant 16 : i32
        %mul3A_574 = arith.muli %scan3A_213, %mul3A_573 : i32
        %add3A_575 = arith.addi %mul3A_572, %mul3A_574 : i32
        %add3A_576 = arith.constant 12 : i32
        %add3A_577 = arith.addi %add3A_575, %add3A_576 : i32
        %get3A_578 = arith.index_cast %squeeze3A_570 : i32 to index
        %get3A_579 = tpu.vector_load %arg6[%get3A_578] {strides = array<i32>} : memref<100352xbf16, #tpu.memory_space<vmem>>, vector<32xbf16>,
        %get3A_580 = arith.index_cast %add3A_577 : i32 to index
        %get3A_581 = arith.constant 0 : index
        %get3A_582 = tpu.vector_load %arg10[%get3A_580, %get3A_581] {strides = array<i32>} : memref<512x64xbf16, #tpu.memory_space<vmem>>, vector<32xbf16>,
        %max3A_583 = arith.maximumf %get3A_579, %get3A_582 : vector<32xbf16>
        %swap3A_584 = arith.index_cast %squeeze3A_570 : i32 to index
        %swap3A_585 = tpu.vector_load %arg6[%swap3A_584] {strides = array<i32>} : memref<100352xbf16, #tpu.memory_space<vmem>>, vector<32xbf16>,
        tpu.vector_store %arg6[%swap3A_584], %max3A_583 {strides = array<i32>} : memref<100352xbf16, #tpu.memory_space<vmem>>, vector<32xbf16>,
        %add3A_586 = arith.constant 32 : i32
        %add3A_587 = arith.addi %squeeze3A_570, %add3A_586 : i32
        %get3A_588 = arith.index_cast %add3A_587 : i32 to index
        %get3A_589 = tpu.vector_load %arg6[%get3A_588] {strides = array<i32>} : memref<100352xbf16, #tpu.memory_space<vmem>>, vector<32xbf16>,
        %get3A_590 = arith.index_cast %add3A_577 : i32 to index
        %get3A_591 = arith.constant 32 : index
        %get3A_592 = tpu.vector_load %arg10[%get3A_590, %get3A_591] {strides = array<i32>} : memref<512x64xbf16, #tpu.memory_space<vmem>>, vector<32xbf16>,
        %max3A_593 = arith.maximumf %get3A_589, %get3A_592 : vector<32xbf16>
        %add3A_594 = arith.constant 32 : i32
        %add3A_595 = arith.addi %squeeze3A_570, %add3A_594 : i32
        %swap3A_596 = arith.index_cast %add3A_595 : i32 to index
        %swap3A_597 = tpu.vector_load %arg6[%swap3A_596] {strides = array<i32>} : memref<100352xbf16, #tpu.memory_space<vmem>>, vector<32xbf16>,
        tpu.vector_store %arg6[%swap3A_596], %max3A_593 {strides = array<i32>} : memref<100352xbf16, #tpu.memory_space<vmem>>, vector<32xbf16>,
        %slice3A_598 = vector.extract_strided_slice %mul3A_222 {offsets = [13], sizes = [1], strides = [1]} : vector<16xi32> to vector<1xi32>
        %squeeze3A_599 = vector.extract %slice3A_598[0] : i32 from vector<1xi32>
        %mul3A_600 = arith.constant 256 : i32
        %mul3A_601 = arith.muli %and3A_205, %mul3A_600 : i32
        %mul3A_602 = arith.constant 16 : i32
        %mul3A_603 = arith.muli %scan3A_213, %mul3A_602 : i32
        %add3A_604 = arith.addi %mul3A_601, %mul3A_603 : i32
        %add3A_605 = arith.constant 13 : i32
        %add3A_606 = arith.addi %add3A_604, %add3A_605 : i32
        %get3A_607 = arith.index_cast %squeeze3A_599 : i32 to index
        %get3A_608 = tpu.vector_load %arg6[%get3A_607] {strides = array<i32>} : memref<100352xbf16, #tpu.memory_space<vmem>>, vector<32xbf16>,
        %get3A_609 = arith.index_cast %add3A_606 : i32 to index
        %get3A_610 = arith.constant 0 : index
        %get3A_611 = tpu.vector_load %arg10[%get3A_609, %get3A_610] {strides = array<i32>} : memref<512x64xbf16, #tpu.memory_space<vmem>>, vector<32xbf16>,
        %max3A_612 = arith.maximumf %get3A_608, %get3A_611 : vector<32xbf16>
        %swap3A_613 = arith.index_cast %squeeze3A_599 : i32 to index
        %swap3A_614 = tpu.vector_load %arg6[%swap3A_613] {strides = array<i32>} : memref<100352xbf16, #tpu.memory_space<vmem>>, vector<32xbf16>,
        tpu.vector_store %arg6[%swap3A_613], %max3A_612 {strides = array<i32>} : memref<100352xbf16, #tpu.memory_space<vmem>>, vector<32xbf16>,
        %add3A_615 = arith.constant 32 : i32
        %add3A_616 = arith.addi %squeeze3A_599, %add3A_615 : i32
        %get3A_617 = arith.index_cast %add3A_616 : i32 to index
        %get3A_618 = tpu.vector_load %arg6[%get3A_617] {strides = array<i32>} : memref<100352xbf16, #tpu.memory_space<vmem>>, vector<32xbf16>,
        %get3A_619 = arith.index_cast %add3A_606 : i32 to index
        %get3A_620 = arith.constant 32 : index
        %get3A_621 = tpu.vector_load %arg10[%get3A_619, %get3A_620] {strides = array<i32>} : memref<512x64xbf16, #tpu.memory_space<vmem>>, vector<32xbf16>,
        %max3A_622 = arith.maximumf %get3A_618, %get3A_621 : vector<32xbf16>
        %add3A_623 = arith.constant 32 : i32
        %add3A_624 = arith.addi %squeeze3A_599, %add3A_623 : i32
        %swap3A_625 = arith.index_cast %add3A_624 : i32 to index
        %swap3A_626 = tpu.vector_load %arg6[%swap3A_625] {strides = array<i32>} : memref<100352xbf16, #tpu.memory_space<vmem>>, vector<32xbf16>,
        tpu.vector_store %arg6[%swap3A_625], %max3A_622 {strides = array<i32>} : memref<100352xbf16, #tpu.memory_space<vmem>>, vector<32xbf16>,
        %slice3A_627 = vector.extract_strided_slice %mul3A_222 {offsets = [14], sizes = [1], strides = [1]} : vector<16xi32> to vector<1xi32>
        %squeeze3A_628 = vector.extract %slice3A_627[0] : i32 from vector<1xi32>
        %mul3A_629 = arith.constant 256 : i32
        %mul3A_630 = arith.muli %and3A_205, %mul3A_629 : i32
        %mul3A_631 = arith.constant 16 : i32
        %mul3A_632 = arith.muli %scan3A_213, %mul3A_631 : i32
        %add3A_633 = arith.addi %mul3A_630, %mul3A_632 : i32
        %add3A_634 = arith.constant 14 : i32
        %add3A_635 = arith.addi %add3A_633, %add3A_634 : i32
        %get3A_636 = arith.index_cast %squeeze3A_628 : i32 to index
        %get3A_637 = tpu.vector_load %arg6[%get3A_636] {strides = array<i32>} : memref<100352xbf16, #tpu.memory_space<vmem>>, vector<32xbf16>,
        %get3A_638 = arith.index_cast %add3A_635 : i32 to index
        %get3A_639 = arith.constant 0 : index
        %get3A_640 = tpu.vector_load %arg10[%get3A_638, %get3A_639] {strides = array<i32>} : memref<512x64xbf16, #tpu.memory_space<vmem>>, vector<32xbf16>,
        %max3A_641 = arith.maximumf %get3A_637, %get3A_640 : vector<32xbf16>
        %swap3A_642 = arith.index_cast %squeeze3A_628 : i32 to index
        %swap3A_643 = tpu.vector_load %arg6[%swap3A_642] {strides = array<i32>} : memref<100352xbf16, #tpu.memory_space<vmem>>, vector<32xbf16>,
        tpu.vector_store %arg6[%swap3A_642], %max3A_641 {strides = array<i32>} : memref<100352xbf16, #tpu.memory_space<vmem>>, vector<32xbf16>,
        %add3A_644 = arith.constant 32 : i32
        %add3A_645 = arith.addi %squeeze3A_628, %add3A_644 : i32
        %get3A_646 = arith.index_cast %add3A_645 : i32 to index
        %get3A_647 = tpu.vector_load %arg6[%get3A_646] {strides = array<i32>} : memref<100352xbf16, #tpu.memory_space<vmem>>, vector<32xbf16>,
        %get3A_648 = arith.index_cast %add3A_635 : i32 to index
        %get3A_649 = arith.constant 32 : index
        %get3A_650 = tpu.vector_load %arg10[%get3A_648, %get3A_649] {strides = array<i32>} : memref<512x64xbf16, #tpu.memory_space<vmem>>, vector<32xbf16>,
        %max3A_651 = arith.maximumf %get3A_647, %get3A_650 : vector<32xbf16>
        %add3A_652 = arith.constant 32 : i32
        %add3A_653 = arith.addi %squeeze3A_628, %add3A_652 : i32
        %swap3A_654 = arith.index_cast %add3A_653 : i32 to index
        %swap3A_655 = tpu.vector_load %arg6[%swap3A_654] {strides = array<i32>} : memref<100352xbf16, #tpu.memory_space<vmem>>, vector<32xbf16>,
        tpu.vector_store %arg6[%swap3A_654], %max3A_651 {strides = array<i32>} : memref<100352xbf16, #tpu.memory_space<vmem>>, vector<32xbf16>,
        %slice3A_656 = vector.extract_strided_slice %mul3A_222 {offsets = [15], sizes = [1], strides = [1]} : vector<16xi32> to vector<1xi32>
        %squeeze3A_657 = vector.extract %slice3A_656[0] : i32 from vector<1xi32>
        %mul3A_658 = arith.constant 256 : i32
        %mul3A_659 = arith.muli %and3A_205, %mul3A_658 : i32
        %mul3A_660 = arith.constant 16 : i32
        %mul3A_661 = arith.muli %scan3A_213, %mul3A_660 : i32
        %add3A_662 = arith.addi %mul3A_659, %mul3A_661 : i32
        %add3A_663 = arith.constant 15 : i32
        %add3A_664 = arith.addi %add3A_662, %add3A_663 : i32
        %get3A_665 = arith.index_cast %squeeze3A_657 : i32 to index
        %get3A_666 = tpu.vector_load %arg6[%get3A_665] {strides = array<i32>} : memref<100352xbf16, #tpu.memory_space<vmem>>, vector<32xbf16>,
        %get3A_667 = arith.index_cast %add3A_664 : i32 to index
        %get3A_668 = arith.constant 0 : index
        %get3A_669 = tpu.vector_load %arg10[%get3A_667, %get3A_668] {strides = array<i32>} : memref<512x64xbf16, #tpu.memory_space<vmem>>, vector<32xbf16>,
        %max3A_670 = arith.maximumf %get3A_666, %get3A_669 : vector<32xbf16>
        %swap3A_671 = arith.index_cast %squeeze3A_657 : i32 to index
        %swap3A_672 = tpu.vector_load %arg6[%swap3A_671] {strides = array<i32>} : memref<100352xbf16, #tpu.memory_space<vmem>>, vector<32xbf16>,
        tpu.vector_store %arg6[%swap3A_671], %max3A_670 {strides = array<i32>} : memref<100352xbf16, #tpu.memory_space<vmem>>, vector<32xbf16>,
        %add3A_673 = arith.constant 32 : i32
        %add3A_674 = arith.addi %squeeze3A_657, %add3A_673 : i32
        %get3A_675 = arith.index_cast %add3A_674 : i32 to index
        %get3A_676 = tpu.vector_load %arg6[%get3A_675] {strides = array<i32>} : memref<100352xbf16, #tpu.memory_space<vmem>>, vector<32xbf16>,
        %get3A_677 = arith.index_cast %add3A_664 : i32 to index
        %get3A_678 = arith.constant 32 : index
        %get3A_679 = tpu.vector_load %arg10[%get3A_677, %get3A_678] {strides = array<i32>} : memref<512x64xbf16, #tpu.memory_space<vmem>>, vector<32xbf16>,
        %max3A_680 = arith.maximumf %get3A_676, %get3A_679 : vector<32xbf16>
        %add3A_681 = arith.constant 32 : i32
        %add3A_682 = arith.addi %squeeze3A_657, %add3A_681 : i32
        %swap3A_683 = arith.index_cast %add3A_682 : i32 to index
        %swap3A_684 = tpu.vector_load %arg6[%swap3A_683] {strides = array<i32>} : memref<100352xbf16, #tpu.memory_space<vmem>>, vector<32xbf16>,
        tpu.vector_store %arg6[%swap3A_683], %max3A_680 {strides = array<i32>} : memref<100352xbf16, #tpu.memory_space<vmem>>, vector<32xbf16>,
        %scan3A_685 = arith.constant 0 : i32
        %scan3A_686 = arith.constant 1 : i32
        %scan3A_687 = arith.addi %scan3A_213, %scan3A_686 : i32
        %mul3A_688 = arith.constant 16 : i32
        %mul3A_689 = arith.muli %scan3A_687, %mul3A_688 : i32
        %add3A_690 = arith.addi %and3A_179, %mul3A_689 : i32
        %get3A_691 = arith.index_cast %add3A_690 : i32 to index
        %get3A_692 = tpu.vector_load %arg9[%get3A_691] {strides = array<i32>} : memref<16400xi32, #tpu.memory_space<vmem>>, vector<16xi32>,
        %mul3A_693 = arith.constant 64 : i32
        %mul3A_694 = vector.broadcast %mul3A_693 : i32 to vector<16xi32>
        %mul3A_695 = arith.muli %get3A_692, %mul3A_694 : vector<16xi32>
        %slice3A_696 = vector.extract_strided_slice %mul3A_695 {offsets = [0], sizes = [1], strides = [1]} : vector<16xi32> to vector<1xi32>
        %squeeze3A_697 = vector.extract %slice3A_696[0] : i32 from vector<1xi32>
        %mul3A_698 = arith.constant 256 : i32
        %mul3A_699 = arith.muli %and3A_205, %mul3A_698 : i32
        %mul3A_700 = arith.constant 16 : i32
        %mul3A_701 = arith.muli %scan3A_687, %mul3A_700 : i32
        %add3A_702 = arith.addi %mul3A_699, %mul3A_701 : i32
        %add3A_703 = arith.constant 0 : i32
        %add3A_704 = arith.addi %add3A_702, %add3A_703 : i32
        %get3A_705 = arith.index_cast %squeeze3A_697 : i32 to index
        %get3A_706 = tpu.vector_load %arg6[%get3A_705] {strides = array<i32>} : memref<100352xbf16, #tpu.memory_space<vmem>>, vector<32xbf16>,
        %get3A_707 = arith.index_cast %add3A_704 : i32 to index
        %get3A_708 = arith.constant 0 : index
        %get3A_709 = tpu.vector_load %arg10[%get3A_707, %get3A_708] {strides = array<i32>} : memref<512x64xbf16, #tpu.memory_space<vmem>>, vector<32xbf16>,
        %max3A_710 = arith.maximumf %get3A_706, %get3A_709 : vector<32xbf16>
        %swap3A_711 = arith.index_cast %squeeze3A_697 : i32 to index
        %swap3A_712 = tpu.vector_load %arg6[%swap3A_711] {strides = array<i32>} : memref<100352xbf16, #tpu.memory_space<vmem>>, vector<32xbf16>,
        tpu.vector_store %arg6[%swap3A_711], %max3A_710 {strides = array<i32>} : memref<100352xbf16, #tpu.memory_space<vmem>>, vector<32xbf16>,
        %add3A_713 = arith.constant 32 : i32
        %add3A_714 = arith.addi %squeeze3A_697, %add3A_713 : i32
        %get3A_715 = arith.index_cast %add3A_714 : i32 to index
        %get3A_716 = tpu.vector_load %arg6[%get3A_715] {strides = array<i32>} : memref<100352xbf16, #tpu.memory_space<vmem>>, vector<32xbf16>,
        %get3A_717 = arith.index_cast %add3A_704 : i32 to index
        %get3A_718 = arith.constant 32 : index
        %get3A_719 = tpu.vector_load %arg10[%get3A_717, %get3A_718] {strides = array<i32>} : memref<512x64xbf16, #tpu.memory_space<vmem>>, vector<32xbf16>,
        %max3A_720 = arith.maximumf %get3A_716, %get3A_719 : vector<32xbf16>
        %add3A_721 = arith.constant 32 : i32
        %add3A_722 = arith.addi %squeeze3A_697, %add3A_721 : i32
        %swap3A_723 = arith.index_cast %add3A_722 : i32 to index
        %swap3A_724 = tpu.vector_load %arg6[%swap3A_723] {strides = array<i32>} : memref<100352xbf16, #tpu.memory_space<vmem>>, vector<32xbf16>,
        tpu.vector_store %arg6[%swap3A_723], %max3A_720 {strides = array<i32>} : memref<100352xbf16, #tpu.memory_space<vmem>>, vector<32xbf16>,
        %slice3A_725 = vector.extract_strided_slice %mul3A_695 {offsets = [1], sizes = [1], strides = [1]} : vector<16xi32> to vector<1xi32>
        %squeeze3A_726 = vector.extract %slice3A_725[0] : i32 from vector<1xi32>
        %mul3A_727 = arith.constant 256 : i32
        %mul3A_728 = arith.muli %and3A_205, %mul3A_727 : i32
        %mul3A_729 = arith.constant 16 : i32
        %mul3A_730 = arith.muli %scan3A_687, %mul3A_729 : i32
        %add3A_731 = arith.addi %mul3A_728, %mul3A_730 : i32
        %add3A_732 = arith.constant 1 : i32
        %add3A_733 = arith.addi %add3A_731, %add3A_732 : i32
        %get3A_734 = arith.index_cast %squeeze3A_726 : i32 to index
        %get3A_735 = tpu.vector_load %arg6[%get3A_734] {strides = array<i32>} : memref<100352xbf16, #tpu.memory_space<vmem>>, vector<32xbf16>,
        %get3A_736 = arith.index_cast %add3A_733 : i32 to index
        %get3A_737 = arith.constant 0 : index
        %get3A_738 = tpu.vector_load %arg10[%get3A_736, %get3A_737] {strides = array<i32>} : memref<512x64xbf16, #tpu.memory_space<vmem>>, vector<32xbf16>,
        %max3A_739 = arith.maximumf %get3A_735, %get3A_738 : vector<32xbf16>
        %swap3A_740 = arith.index_cast %squeeze3A_726 : i32 to index
        %swap3A_741 = tpu.vector_load %arg6[%swap3A_740] {strides = array<i32>} : memref<100352xbf16, #tpu.memory_space<vmem>>, vector<32xbf16>,
        tpu.vector_store %arg6[%swap3A_740], %max3A_739 {strides = array<i32>} : memref<100352xbf16, #tpu.memory_space<vmem>>, vector<32xbf16>,
        %add3A_742 = arith.constant 32 : i32
        %add3A_743 = arith.addi %squeeze3A_726, %add3A_742 : i32
        %get3A_744 = arith.index_cast %add3A_743 : i32 to index
        %get3A_745 = tpu.vector_load %arg6[%get3A_744] {strides = array<i32>} : memref<100352xbf16, #tpu.memory_space<vmem>>, vector<32xbf16>,
        %get3A_746 = arith.index_cast %add3A_733 : i32 to index
        %get3A_747 = arith.constant 32 : index
        %get3A_748 = tpu.vector_load %arg10[%get3A_746, %get3A_747] {strides = array<i32>} : memref<512x64xbf16, #tpu.memory_space<vmem>>, vector<32xbf16>,
        %max3A_749 = arith.maximumf %get3A_745, %get3A_748 : vector<32xbf16>
        %add3A_750 = arith.constant 32 : i32
        %add3A_751 = arith.addi %squeeze3A_726, %add3A_750 : i32
        %swap3A_752 = arith.index_cast %add3A_751 : i32 to index
        %swap3A_753 = tpu.vector_load %arg6[%swap3A_752] {strides = array<i32>} : memref<100352xbf16, #tpu.memory_space<vmem>>, vector<32xbf16>,
        tpu.vector_store %arg6[%swap3A_752], %max3A_749 {strides = array<i32>} : memref<100352xbf16, #tpu.memory_space<vmem>>, vector<32xbf16>,
        %slice3A_754 = vector.extract_strided_slice %mul3A_695 {offsets = [2], sizes = [1], strides = [1]} : vector<16xi32> to vector<1xi32>
        %squeeze3A_755 = vector.extract %slice3A_754[0] : i32 from vector<1xi32>
        %mul3A_756 = arith.constant 256 : i32
        %mul3A_757 = arith.muli %and3A_205, %mul3A_756 : i32
        %mul3A_758 = arith.constant 16 : i32
        %mul3A_759 = arith.muli %scan3A_687, %mul3A_758 : i32
        %add3A_760 = arith.addi %mul3A_757, %mul3A_759 : i32
        %add3A_761 = arith.constant 2 : i32
        %add3A_762 = arith.addi %add3A_760, %add3A_761 : i32
        %get3A_763 = arith.index_cast %squeeze3A_755 : i32 to index
        %get3A_764 = tpu.vector_load %arg6[%get3A_763] {strides = array<i32>} : memref<100352xbf16, #tpu.memory_space<vmem>>, vector<32xbf16>,
        %get3A_765 = arith.index_cast %add3A_762 : i32 to index
        %get3A_766 = arith.constant 0 : index
        %get3A_767 = tpu.vector_load %arg10[%get3A_765, %get3A_766] {strides = array<i32>} : memref<512x64xbf16, #tpu.memory_space<vmem>>, vector<32xbf16>,
        %max3A_768 = arith.maximumf %get3A_764, %get3A_767 : vector<32xbf16>
        %swap3A_769 = arith.index_cast %squeeze3A_755 : i32 to index
        %swap3A_770 = tpu.vector_load %arg6[%swap3A_769] {strides = array<i32>} : memref<100352xbf16, #tpu.memory_space<vmem>>, vector<32xbf16>,
        tpu.vector_store %arg6[%swap3A_769], %max3A_768 {strides = array<i32>} : memref<100352xbf16, #tpu.memory_space<vmem>>, vector<32xbf16>,
        %add3A_771 = arith.constant 32 : i32
        %add3A_772 = arith.addi %squeeze3A_755, %add3A_771 : i32
        %get3A_773 = arith.index_cast %add3A_772 : i32 to index
        %get3A_774 = tpu.vector_load %arg6[%get3A_773] {strides = array<i32>} : memref<100352xbf16, #tpu.memory_space<vmem>>, vector<32xbf16>,
        %get3A_775 = arith.index_cast %add3A_762 : i32 to index
        %get3A_776 = arith.constant 32 : index
        %get3A_777 = tpu.vector_load %arg10[%get3A_775, %get3A_776] {strides = array<i32>} : memref<512x64xbf16, #tpu.memory_space<vmem>>, vector<32xbf16>,
        %max3A_778 = arith.maximumf %get3A_774, %get3A_777 : vector<32xbf16>
        %add3A_779 = arith.constant 32 : i32
        %add3A_780 = arith.addi %squeeze3A_755, %add3A_779 : i32
        %swap3A_781 = arith.index_cast %add3A_780 : i32 to index
        %swap3A_782 = tpu.vector_load %arg6[%swap3A_781] {strides = array<i32>} : memref<100352xbf16, #tpu.memory_space<vmem>>, vector<32xbf16>,
        tpu.vector_store %arg6[%swap3A_781], %max3A_778 {strides = array<i32>} : memref<100352xbf16, #tpu.memory_space<vmem>>, vector<32xbf16>,
        %slice3A_783 = vector.extract_strided_slice %mul3A_695 {offsets = [3], sizes = [1], strides = [1]} : vector<16xi32> to vector<1xi32>
        %squeeze3A_784 = vector.extract %slice3A_783[0] : i32 from vector<1xi32>
        %mul3A_785 = arith.constant 256 : i32
        %mul3A_786 = arith.muli %and3A_205, %mul3A_785 : i32
        %mul3A_787 = arith.constant 16 : i32
        %mul3A_788 = arith.muli %scan3A_687, %mul3A_787 : i32
        %add3A_789 = arith.addi %mul3A_786, %mul3A_788 : i32
        %add3A_790 = arith.constant 3 : i32
        %add3A_791 = arith.addi %add3A_789, %add3A_790 : i32
        %get3A_792 = arith.index_cast %squeeze3A_784 : i32 to index
        %get3A_793 = tpu.vector_load %arg6[%get3A_792] {strides = array<i32>} : memref<100352xbf16, #tpu.memory_space<vmem>>, vector<32xbf16>,
        %get3A_794 = arith.index_cast %add3A_791 : i32 to index
        %get3A_795 = arith.constant 0 : index
        %get3A_796 = tpu.vector_load %arg10[%get3A_794, %get3A_795] {strides = array<i32>} : memref<512x64xbf16, #tpu.memory_space<vmem>>, vector<32xbf16>,
        %max3A_797 = arith.maximumf %get3A_793, %get3A_796 : vector<32xbf16>
        %swap3A_798 = arith.index_cast %squeeze3A_784 : i32 to index
        %swap3A_799 = tpu.vector_load %arg6[%swap3A_798] {strides = array<i32>} : memref<100352xbf16, #tpu.memory_space<vmem>>, vector<32xbf16>,
        tpu.vector_store %arg6[%swap3A_798], %max3A_797 {strides = array<i32>} : memref<100352xbf16, #tpu.memory_space<vmem>>, vector<32xbf16>,
        %add3A_800 = arith.constant 32 : i32
        %add3A_801 = arith.addi %squeeze3A_784, %add3A_800 : i32
        %get3A_802 = arith.index_cast %add3A_801 : i32 to index
        %get3A_803 = tpu.vector_load %arg6[%get3A_802] {strides = array<i32>} : memref<100352xbf16, #tpu.memory_space<vmem>>, vector<32xbf16>,
        %get3A_804 = arith.index_cast %add3A_791 : i32 to index
        %get3A_805 = arith.constant 32 : index
        %get3A_806 = tpu.vector_load %arg10[%get3A_804, %get3A_805] {strides = array<i32>} : memref<512x64xbf16, #tpu.memory_space<vmem>>, vector<32xbf16>,
        %max3A_807 = arith.maximumf %get3A_803, %get3A_806 : vector<32xbf16>
        %add3A_808 = arith.constant 32 : i32
        %add3A_809 = arith.addi %squeeze3A_784, %add3A_808 : i32
        %swap3A_810 = arith.index_cast %add3A_809 : i32 to index
        %swap3A_811 = tpu.vector_load %arg6[%swap3A_810] {strides = array<i32>} : memref<100352xbf16, #tpu.memory_space<vmem>>, vector<32xbf16>,
        tpu.vector_store %arg6[%swap3A_810], %max3A_807 {strides = array<i32>} : memref<100352xbf16, #tpu.memory_space<vmem>>, vector<32xbf16>,
        %slice3A_812 = vector.extract_strided_slice %mul3A_695 {offsets = [4], sizes = [1], strides = [1]} : vector<16xi32> to vector<1xi32>
        %squeeze3A_813 = vector.extract %slice3A_812[0] : i32 from vector<1xi32>
        %mul3A_814 = arith.constant 256 : i32
        %mul3A_815 = arith.muli %and3A_205, %mul3A_814 : i32
        %mul3A_816 = arith.constant 16 : i32
        %mul3A_817 = arith.muli %scan3A_687, %mul3A_816 : i32
        %add3A_818 = arith.addi %mul3A_815, %mul3A_817 : i32
        %add3A_819 = arith.constant 4 : i32
        %add3A_820 = arith.addi %add3A_818, %add3A_819 : i32
        %get3A_821 = arith.index_cast %squeeze3A_813 : i32 to index
        %get3A_822 = tpu.vector_load %arg6[%get3A_821] {strides = array<i32>} : memref<100352xbf16, #tpu.memory_space<vmem>>, vector<32xbf16>,
        %get3A_823 = arith.index_cast %add3A_820 : i32 to index
        %get3A_824 = arith.constant 0 : index
        %get3A_825 = tpu.vector_load %arg10[%get3A_823, %get3A_824] {strides = array<i32>} : memref<512x64xbf16, #tpu.memory_space<vmem>>, vector<32xbf16>,
        %max3A_826 = arith.maximumf %get3A_822, %get3A_825 : vector<32xbf16>
        %swap3A_827 = arith.index_cast %squeeze3A_813 : i32 to index
        %swap3A_828 = tpu.vector_load %arg6[%swap3A_827] {strides = array<i32>} : memref<100352xbf16, #tpu.memory_space<vmem>>, vector<32xbf16>,
        tpu.vector_store %arg6[%swap3A_827], %max3A_826 {strides = array<i32>} : memref<100352xbf16, #tpu.memory_space<vmem>>, vector<32xbf16>,
        %add3A_829 = arith.constant 32 : i32
        %add3A_830 = arith.addi %squeeze3A_813, %add3A_829 : i32
        %get3A_831 = arith.index_cast %add3A_830 : i32 to index
        %get3A_832 = tpu.vector_load %arg6[%get3A_831] {strides = array<i32>} : memref<100352xbf16, #tpu.memory_space<vmem>>, vector<32xbf16>,
        %get3A_833 = arith.index_cast %add3A_820 : i32 to index
        %get3A_834 = arith.constant 32 : index
        %get3A_835 = tpu.vector_load %arg10[%get3A_833, %get3A_834] {strides = array<i32>} : memref<512x64xbf16, #tpu.memory_space<vmem>>, vector<32xbf16>,
        %max3A_836 = arith.maximumf %get3A_832, %get3A_835 : vector<32xbf16>
        %add3A_837 = arith.constant 32 : i32
        %add3A_838 = arith.addi %squeeze3A_813, %add3A_837 : i32
        %swap3A_839 = arith.index_cast %add3A_838 : i32 to index
        %swap3A_840 = tpu.vector_load %arg6[%swap3A_839] {strides = array<i32>} : memref<100352xbf16, #tpu.memory_space<vmem>>, vector<32xbf16>,
        tpu.vector_store %arg6[%swap3A_839], %max3A_836 {strides = array<i32>} : memref<100352xbf16, #tpu.memory_space<vmem>>, vector<32xbf16>,
        %slice3A_841 = vector.extract_strided_slice %mul3A_695 {offsets = [5], sizes = [1], strides = [1]} : vector<16xi32> to vector<1xi32>
        %squeeze3A_842 = vector.extract %slice3A_841[0] : i32 from vector<1xi32>
        %mul3A_843 = arith.constant 256 : i32
        %mul3A_844 = arith.muli %and3A_205, %mul3A_843 : i32
        %mul3A_845 = arith.constant 16 : i32
        %mul3A_846 = arith.muli %scan3A_687, %mul3A_845 : i32
        %add3A_847 = arith.addi %mul3A_844, %mul3A_846 : i32
        %add3A_848 = arith.constant 5 : i32
        %add3A_849 = arith.addi %add3A_847, %add3A_848 : i32
        %get3A_850 = arith.index_cast %squeeze3A_842 : i32 to index
        %get3A_851 = tpu.vector_load %arg6[%get3A_850] {strides = array<i32>} : memref<100352xbf16, #tpu.memory_space<vmem>>, vector<32xbf16>,
        %get3A_852 = arith.index_cast %add3A_849 : i32 to index
        %get3A_853 = arith.constant 0 : index
        %get3A_854 = tpu.vector_load %arg10[%get3A_852, %get3A_853] {strides = array<i32>} : memref<512x64xbf16, #tpu.memory_space<vmem>>, vector<32xbf16>,
        %max3A_855 = arith.maximumf %get3A_851, %get3A_854 : vector<32xbf16>
        %swap3A_856 = arith.index_cast %squeeze3A_842 : i32 to index
        %swap3A_857 = tpu.vector_load %arg6[%swap3A_856] {strides = array<i32>} : memref<100352xbf16, #tpu.memory_space<vmem>>, vector<32xbf16>,
        tpu.vector_store %arg6[%swap3A_856], %max3A_855 {strides = array<i32>} : memref<100352xbf16, #tpu.memory_space<vmem>>, vector<32xbf16>,
        %add3A_858 = arith.constant 32 : i32
        %add3A_859 = arith.addi %squeeze3A_842, %add3A_858 : i32
        %get3A_860 = arith.index_cast %add3A_859 : i32 to index
        %get3A_861 = tpu.vector_load %arg6[%get3A_860] {strides = array<i32>} : memref<100352xbf16, #tpu.memory_space<vmem>>, vector<32xbf16>,
        %get3A_862 = arith.index_cast %add3A_849 : i32 to index
        %get3A_863 = arith.constant 32 : index
        %get3A_864 = tpu.vector_load %arg10[%get3A_862, %get3A_863] {strides = array<i32>} : memref<512x64xbf16, #tpu.memory_space<vmem>>, vector<32xbf16>,
        %max3A_865 = arith.maximumf %get3A_861, %get3A_864 : vector<32xbf16>
        %add3A_866 = arith.constant 32 : i32
        %add3A_867 = arith.addi %squeeze3A_842, %add3A_866 : i32
        %swap3A_868 = arith.index_cast %add3A_867 : i32 to index
        %swap3A_869 = tpu.vector_load %arg6[%swap3A_868] {strides = array<i32>} : memref<100352xbf16, #tpu.memory_space<vmem>>, vector<32xbf16>,
        tpu.vector_store %arg6[%swap3A_868], %max3A_865 {strides = array<i32>} : memref<100352xbf16, #tpu.memory_space<vmem>>, vector<32xbf16>,
        %slice3A_870 = vector.extract_strided_slice %mul3A_695 {offsets = [6], sizes = [1], strides = [1]} : vector<16xi32> to vector<1xi32>
        %squeeze3A_871 = vector.extract %slice3A_870[0] : i32 from vector<1xi32>
        %mul3A_872 = arith.constant 256 : i32
        %mul3A_873 = arith.muli %and3A_205, %mul3A_872 : i32
        %mul3A_874 = arith.constant 16 : i32
        %mul3A_875 = arith.muli %scan3A_687, %mul3A_874 : i32
        %add3A_876 = arith.addi %mul3A_873, %mul3A_875 : i32
        %add3A_877 = arith.constant 6 : i32
        %add3A_878 = arith.addi %add3A_876, %add3A_877 : i32
        %get3A_879 = arith.index_cast %squeeze3A_871 : i32 to index
        %get3A_880 = tpu.vector_load %arg6[%get3A_879] {strides = array<i32>} : memref<100352xbf16, #tpu.memory_space<vmem>>, vector<32xbf16>,
        %get3A_881 = arith.index_cast %add3A_878 : i32 to index
        %get3A_882 = arith.constant 0 : index
        %get3A_883 = tpu.vector_load %arg10[%get3A_881, %get3A_882] {strides = array<i32>} : memref<512x64xbf16, #tpu.memory_space<vmem>>, vector<32xbf16>,
        %max3A_884 = arith.maximumf %get3A_880, %get3A_883 : vector<32xbf16>
        %swap3A_885 = arith.index_cast %squeeze3A_871 : i32 to index
        %swap3A_886 = tpu.vector_load %arg6[%swap3A_885] {strides = array<i32>} : memref<100352xbf16, #tpu.memory_space<vmem>>, vector<32xbf16>,
        tpu.vector_store %arg6[%swap3A_885], %max3A_884 {strides = array<i32>} : memref<100352xbf16, #tpu.memory_space<vmem>>, vector<32xbf16>,
        %add3A_887 = arith.constant 32 : i32
        %add3A_888 = arith.addi %squeeze3A_871, %add3A_887 : i32
        %get3A_889 = arith.index_cast %add3A_888 : i32 to index
        %get3A_890 = tpu.vector_load %arg6[%get3A_889] {strides = array<i32>} : memref<100352xbf16, #tpu.memory_space<vmem>>, vector<32xbf16>,
        %get3A_891 = arith.index_cast %add3A_878 : i32 to index
        %get3A_892 = arith.constant 32 : index
        %get3A_893 = tpu.vector_load %arg10[%get3A_891, %get3A_892] {strides = array<i32>} : memref<512x64xbf16, #tpu.memory_space<vmem>>, vector<32xbf16>,
        %max3A_894 = arith.maximumf %get3A_890, %get3A_893 : vector<32xbf16>
        %add3A_895 = arith.constant 32 : i32
        %add3A_896 = arith.addi %squeeze3A_871, %add3A_895 : i32
        %swap3A_897 = arith.index_cast %add3A_896 : i32 to index
        %swap3A_898 = tpu.vector_load %arg6[%swap3A_897] {strides = array<i32>} : memref<100352xbf16, #tpu.memory_space<vmem>>, vector<32xbf16>,
        tpu.vector_store %arg6[%swap3A_897], %max3A_894 {strides = array<i32>} : memref<100352xbf16, #tpu.memory_space<vmem>>, vector<32xbf16>,
        %slice3A_899 = vector.extract_strided_slice %mul3A_695 {offsets = [7], sizes = [1], strides = [1]} : vector<16xi32> to vector<1xi32>
        %squeeze3A_900 = vector.extract %slice3A_899[0] : i32 from vector<1xi32>
        %mul3A_901 = arith.constant 256 : i32
        %mul3A_902 = arith.muli %and3A_205, %mul3A_901 : i32
        %mul3A_903 = arith.constant 16 : i32
        %mul3A_904 = arith.muli %scan3A_687, %mul3A_903 : i32
        %add3A_905 = arith.addi %mul3A_902, %mul3A_904 : i32
        %add3A_906 = arith.constant 7 : i32
        %add3A_907 = arith.addi %add3A_905, %add3A_906 : i32
        %get3A_908 = arith.index_cast %squeeze3A_900 : i32 to index
        %get3A_909 = tpu.vector_load %arg6[%get3A_908] {strides = array<i32>} : memref<100352xbf16, #tpu.memory_space<vmem>>, vector<32xbf16>,
        %get3A_910 = arith.index_cast %add3A_907 : i32 to index
        %get3A_911 = arith.constant 0 : index
        %get3A_912 = tpu.vector_load %arg10[%get3A_910, %get3A_911] {strides = array<i32>} : memref<512x64xbf16, #tpu.memory_space<vmem>>, vector<32xbf16>,
        %max3A_913 = arith.maximumf %get3A_909, %get3A_912 : vector<32xbf16>
        %swap3A_914 = arith.index_cast %squeeze3A_900 : i32 to index
        %swap3A_915 = tpu.vector_load %arg6[%swap3A_914] {strides = array<i32>} : memref<100352xbf16, #tpu.memory_space<vmem>>, vector<32xbf16>,
        tpu.vector_store %arg6[%swap3A_914], %max3A_913 {strides = array<i32>} : memref<100352xbf16, #tpu.memory_space<vmem>>, vector<32xbf16>,
        %add3A_916 = arith.constant 32 : i32
        %add3A_917 = arith.addi %squeeze3A_900, %add3A_916 : i32
        %get3A_918 = arith.index_cast %add3A_917 : i32 to index
        %get3A_919 = tpu.vector_load %arg6[%get3A_918] {strides = array<i32>} : memref<100352xbf16, #tpu.memory_space<vmem>>, vector<32xbf16>,
        %get3A_920 = arith.index_cast %add3A_907 : i32 to index
        %get3A_921 = arith.constant 32 : index
        %get3A_922 = tpu.vector_load %arg10[%get3A_920, %get3A_921] {strides = array<i32>} : memref<512x64xbf16, #tpu.memory_space<vmem>>, vector<32xbf16>,
        %max3A_923 = arith.maximumf %get3A_919, %get3A_922 : vector<32xbf16>
        %add3A_924 = arith.constant 32 : i32
        %add3A_925 = arith.addi %squeeze3A_900, %add3A_924 : i32
        %swap3A_926 = arith.index_cast %add3A_925 : i32 to index
        %swap3A_927 = tpu.vector_load %arg6[%swap3A_926] {strides = array<i32>} : memref<100352xbf16, #tpu.memory_space<vmem>>, vector<32xbf16>,
        tpu.vector_store %arg6[%swap3A_926], %max3A_923 {strides = array<i32>} : memref<100352xbf16, #tpu.memory_space<vmem>>, vector<32xbf16>,
        %slice3A_928 = vector.extract_strided_slice %mul3A_695 {offsets = [8], sizes = [1], strides = [1]} : vector<16xi32> to vector<1xi32>
        %squeeze3A_929 = vector.extract %slice3A_928[0] : i32 from vector<1xi32>
        %mul3A_930 = arith.constant 256 : i32
        %mul3A_931 = arith.muli %and3A_205, %mul3A_930 : i32
        %mul3A_932 = arith.constant 16 : i32
        %mul3A_933 = arith.muli %scan3A_687, %mul3A_932 : i32
        %add3A_934 = arith.addi %mul3A_931, %mul3A_933 : i32
        %add3A_935 = arith.constant 8 : i32
        %add3A_936 = arith.addi %add3A_934, %add3A_935 : i32
        %get3A_937 = arith.index_cast %squeeze3A_929 : i32 to index
        %get3A_938 = tpu.vector_load %arg6[%get3A_937] {strides = array<i32>} : memref<100352xbf16, #tpu.memory_space<vmem>>, vector<32xbf16>,
        %get3A_939 = arith.index_cast %add3A_936 : i32 to index
        %get3A_940 = arith.constant 0 : index
        %get3A_941 = tpu.vector_load %arg10[%get3A_939, %get3A_940] {strides = array<i32>} : memref<512x64xbf16, #tpu.memory_space<vmem>>, vector<32xbf16>,
        %max3A_942 = arith.maximumf %get3A_938, %get3A_941 : vector<32xbf16>
        %swap3A_943 = arith.index_cast %squeeze3A_929 : i32 to index
        %swap3A_944 = tpu.vector_load %arg6[%swap3A_943] {strides = array<i32>} : memref<100352xbf16, #tpu.memory_space<vmem>>, vector<32xbf16>,
        tpu.vector_store %arg6[%swap3A_943], %max3A_942 {strides = array<i32>} : memref<100352xbf16, #tpu.memory_space<vmem>>, vector<32xbf16>,
        %add3A_945 = arith.constant 32 : i32
        %add3A_946 = arith.addi %squeeze3A_929, %add3A_945 : i32
        %get3A_947 = arith.index_cast %add3A_946 : i32 to index
        %get3A_948 = tpu.vector_load %arg6[%get3A_947] {strides = array<i32>} : memref<100352xbf16, #tpu.memory_space<vmem>>, vector<32xbf16>,
        %get3A_949 = arith.index_cast %add3A_936 : i32 to index
        %get3A_950 = arith.constant 32 : index
        %get3A_951 = tpu.vector_load %arg10[%get3A_949, %get3A_950] {strides = array<i32>} : memref<512x64xbf16, #tpu.memory_space<vmem>>, vector<32xbf16>,
        %max3A_952 = arith.maximumf %get3A_948, %get3A_951 : vector<32xbf16>
        %add3A_953 = arith.constant 32 : i32
        %add3A_954 = arith.addi %squeeze3A_929, %add3A_953 : i32
        %swap3A_955 = arith.index_cast %add3A_954 : i32 to index
        %swap3A_956 = tpu.vector_load %arg6[%swap3A_955] {strides = array<i32>} : memref<100352xbf16, #tpu.memory_space<vmem>>, vector<32xbf16>,
        tpu.vector_store %arg6[%swap3A_955], %max3A_952 {strides = array<i32>} : memref<100352xbf16, #tpu.memory_space<vmem>>, vector<32xbf16>,
        %slice3A_957 = vector.extract_strided_slice %mul3A_695 {offsets = [9], sizes = [1], strides = [1]} : vector<16xi32> to vector<1xi32>
        %squeeze3A_958 = vector.extract %slice3A_957[0] : i32 from vector<1xi32>
        %mul3A_959 = arith.constant 256 : i32
        %mul3A_960 = arith.muli %and3A_205, %mul3A_959 : i32
        %mul3A_961 = arith.constant 16 : i32
        %mul3A_962 = arith.muli %scan3A_687, %mul3A_961 : i32
        %add3A_963 = arith.addi %mul3A_960, %mul3A_962 : i32
        %add3A_964 = arith.constant 9 : i32
        %add3A_965 = arith.addi %add3A_963, %add3A_964 : i32
        %get3A_966 = arith.index_cast %squeeze3A_958 : i32 to index
        %get3A_967 = tpu.vector_load %arg6[%get3A_966] {strides = array<i32>} : memref<100352xbf16, #tpu.memory_space<vmem>>, vector<32xbf16>,
        %get3A_968 = arith.index_cast %add3A_965 : i32 to index
        %get3A_969 = arith.constant 0 : index
        %get3A_970 = tpu.vector_load %arg10[%get3A_968, %get3A_969] {strides = array<i32>} : memref<512x64xbf16, #tpu.memory_space<vmem>>, vector<32xbf16>,
        %max3A_971 = arith.maximumf %get3A_967, %get3A_970 : vector<32xbf16>
        %swap3A_972 = arith.index_cast %squeeze3A_958 : i32 to index
        %swap3A_973 = tpu.vector_load %arg6[%swap3A_972] {strides = array<i32>} : memref<100352xbf16, #tpu.memory_space<vmem>>, vector<32xbf16>,
        tpu.vector_store %arg6[%swap3A_972], %max3A_971 {strides = array<i32>} : memref<100352xbf16, #tpu.memory_space<vmem>>, vector<32xbf16>,
        %add3A_974 = arith.constant 32 : i32
        %add3A_975 = arith.addi %squeeze3A_958, %add3A_974 : i32
        %get3A_976 = arith.index_cast %add3A_975 : i32 to index
        %get3A_977 = tpu.vector_load %arg6[%get3A_976] {strides = array<i32>} : memref<100352xbf16, #tpu.memory_space<vmem>>, vector<32xbf16>,
        %get3A_978 = arith.index_cast %add3A_965 : i32 to index
        %get3A_979 = arith.constant 32 : index
        %get3A_980 = tpu.vector_load %arg10[%get3A_978, %get3A_979] {strides = array<i32>} : memref<512x64xbf16, #tpu.memory_space<vmem>>, vector<32xbf16>,
        %max3A_981 = arith.maximumf %get3A_977, %get3A_980 : vector<32xbf16>
        %add3A_982 = arith.constant 32 : i32
        %add3A_983 = arith.addi %squeeze3A_958, %add3A_982 : i32
        %swap3A_984 = arith.index_cast %add3A_983 : i32 to index
        %swap3A_985 = tpu.vector_load %arg6[%swap3A_984] {strides = array<i32>} : memref<100352xbf16, #tpu.memory_space<vmem>>, vector<32xbf16>,
        tpu.vector_store %arg6[%swap3A_984], %max3A_981 {strides = array<i32>} : memref<100352xbf16, #tpu.memory_space<vmem>>, vector<32xbf16>,
        %slice3A_986 = vector.extract_strided_slice %mul3A_695 {offsets = [10], sizes = [1], strides = [1]} : vector<16xi32> to vector<1xi32>
        %squeeze3A_987 = vector.extract %slice3A_986[0] : i32 from vector<1xi32>
        %mul3A_988 = arith.constant 256 : i32
        %mul3A_989 = arith.muli %and3A_205, %mul3A_988 : i32
        %mul3A_990 = arith.constant 16 : i32
        %mul3A_991 = arith.muli %scan3A_687, %mul3A_990 : i32
        %add3A_992 = arith.addi %mul3A_989, %mul3A_991 : i32
        %add3A_993 = arith.constant 10 : i32
        %add3A_994 = arith.addi %add3A_992, %add3A_993 : i32
        %get3A_995 = arith.index_cast %squeeze3A_987 : i32 to index
        %get3A_996 = tpu.vector_load %arg6[%get3A_995] {strides = array<i32>} : memref<100352xbf16, #tpu.memory_space<vmem>>, vector<32xbf16>,
        %get3A_997 = arith.index_cast %add3A_994 : i32 to index
        %get3A_998 = arith.constant 0 : index
        %get3A_999 = tpu.vector_load %arg10[%get3A_997, %get3A_998] {strides = array<i32>} : memref<512x64xbf16, #tpu.memory_space<vmem>>, vector<32xbf16>,
        %max3A_1000 = arith.maximumf %get3A_996, %get3A_999 : vector<32xbf16>
        %swap3A_1001 = arith.index_cast %squeeze3A_987 : i32 to index
        %swap3A_1002 = tpu.vector_load %arg6[%swap3A_1001] {strides = array<i32>} : memref<100352xbf16, #tpu.memory_space<vmem>>, vector<32xbf16>,
        tpu.vector_store %arg6[%swap3A_1001], %max3A_1000 {strides = array<i32>} : memref<100352xbf16, #tpu.memory_space<vmem>>, vector<32xbf16>,
        %add3A_1003 = arith.constant 32 : i32
        %add3A_1004 = arith.addi %squeeze3A_987, %add3A_1003 : i32
        %get3A_1005 = arith.index_cast %add3A_1004 : i32 to index
        %get3A_1006 = tpu.vector_load %arg6[%get3A_1005] {strides = array<i32>} : memref<100352xbf16, #tpu.memory_space<vmem>>, vector<32xbf16>,
        %get3A_1007 = arith.index_cast %add3A_994 : i32 to index
        %get3A_1008 = arith.constant 32 : index
        %get3A_1009 = tpu.vector_load %arg10[%get3A_1007, %get3A_1008] {strides = array<i32>} : memref<512x64xbf16, #tpu.memory_space<vmem>>, vector<32xbf16>,
        %max3A_1010 = arith.maximumf %get3A_1006, %get3A_1009 : vector<32xbf16>
        %add3A_1011 = arith.constant 32 : i32
        %add3A_1012 = arith.addi %squeeze3A_987, %add3A_1011 : i32
        %swap3A_1013 = arith.index_cast %add3A_1012 : i32 to index
        %swap3A_1014 = tpu.vector_load %arg6[%swap3A_1013] {strides = array<i32>} : memref<100352xbf16, #tpu.memory_space<vmem>>, vector<32xbf16>,
        tpu.vector_store %arg6[%swap3A_1013], %max3A_1010 {strides = array<i32>} : memref<100352xbf16, #tpu.memory_space<vmem>>, vector<32xbf16>,
        %slice3A_1015 = vector.extract_strided_slice %mul3A_695 {offsets = [11], sizes = [1], strides = [1]} : vector<16xi32> to vector<1xi32>
        %squeeze3A_1016 = vector.extract %slice3A_1015[0] : i32 from vector<1xi32>
        %mul3A_1017 = arith.constant 256 : i32
        %mul3A_1018 = arith.muli %and3A_205, %mul3A_1017 : i32
        %mul3A_1019 = arith.constant 16 : i32
        %mul3A_1020 = arith.muli %scan3A_687, %mul3A_1019 : i32
        %add3A_1021 = arith.addi %mul3A_1018, %mul3A_1020 : i32
        %add3A_1022 = arith.constant 11 : i32
        %add3A_1023 = arith.addi %add3A_1021, %add3A_1022 : i32
        %get3A_1024 = arith.index_cast %squeeze3A_1016 : i32 to index
        %get3A_1025 = tpu.vector_load %arg6[%get3A_1024] {strides = array<i32>} : memref<100352xbf16, #tpu.memory_space<vmem>>, vector<32xbf16>,
        %get3A_1026 = arith.index_cast %add3A_1023 : i32 to index
        %get3A_1027 = arith.constant 0 : index
        %get3A_1028 = tpu.vector_load %arg10[%get3A_1026, %get3A_1027] {strides = array<i32>} : memref<512x64xbf16, #tpu.memory_space<vmem>>, vector<32xbf16>,
        %max3A_1029 = arith.maximumf %get3A_1025, %get3A_1028 : vector<32xbf16>
        %swap3A_1030 = arith.index_cast %squeeze3A_1016 : i32 to index
        %swap3A_1031 = tpu.vector_load %arg6[%swap3A_1030] {strides = array<i32>} : memref<100352xbf16, #tpu.memory_space<vmem>>, vector<32xbf16>,
        tpu.vector_store %arg6[%swap3A_1030], %max3A_1029 {strides = array<i32>} : memref<100352xbf16, #tpu.memory_space<vmem>>, vector<32xbf16>,
        %add3A_1032 = arith.constant 32 : i32
        %add3A_1033 = arith.addi %squeeze3A_1016, %add3A_1032 : i32
        %get3A_1034 = arith.index_cast %add3A_1033 : i32 to index
        %get3A_1035 = tpu.vector_load %arg6[%get3A_1034] {strides = array<i32>} : memref<100352xbf16, #tpu.memory_space<vmem>>, vector<32xbf16>,
        %get3A_1036 = arith.index_cast %add3A_1023 : i32 to index
        %get3A_1037 = arith.constant 32 : index
        %get3A_1038 = tpu.vector_load %arg10[%get3A_1036, %get3A_1037] {strides = array<i32>} : memref<512x64xbf16, #tpu.memory_space<vmem>>, vector<32xbf16>,
        %max3A_1039 = arith.maximumf %get3A_1035, %get3A_1038 : vector<32xbf16>
        %add3A_1040 = arith.constant 32 : i32
        %add3A_1041 = arith.addi %squeeze3A_1016, %add3A_1040 : i32
        %swap3A_1042 = arith.index_cast %add3A_1041 : i32 to index
        %swap3A_1043 = tpu.vector_load %arg6[%swap3A_1042] {strides = array<i32>} : memref<100352xbf16, #tpu.memory_space<vmem>>, vector<32xbf16>,
        tpu.vector_store %arg6[%swap3A_1042], %max3A_1039 {strides = array<i32>} : memref<100352xbf16, #tpu.memory_space<vmem>>, vector<32xbf16>,
        %slice3A_1044 = vector.extract_strided_slice %mul3A_695 {offsets = [12], sizes = [1], strides = [1]} : vector<16xi32> to vector<1xi32>
        %squeeze3A_1045 = vector.extract %slice3A_1044[0] : i32 from vector<1xi32>
        %mul3A_1046 = arith.constant 256 : i32
        %mul3A_1047 = arith.muli %and3A_205, %mul3A_1046 : i32
        %mul3A_1048 = arith.constant 16 : i32
        %mul3A_1049 = arith.muli %scan3A_687, %mul3A_1048 : i32
        %add3A_1050 = arith.addi %mul3A_1047, %mul3A_1049 : i32
        %add3A_1051 = arith.constant 12 : i32
        %add3A_1052 = arith.addi %add3A_1050, %add3A_1051 : i32
        %get3A_1053 = arith.index_cast %squeeze3A_1045 : i32 to index
        %get3A_1054 = tpu.vector_load %arg6[%get3A_1053] {strides = array<i32>} : memref<100352xbf16, #tpu.memory_space<vmem>>, vector<32xbf16>,
        %get3A_1055 = arith.index_cast %add3A_1052 : i32 to index
        %get3A_1056 = arith.constant 0 : index
        %get3A_1057 = tpu.vector_load %arg10[%get3A_1055, %get3A_1056] {strides = array<i32>} : memref<512x64xbf16, #tpu.memory_space<vmem>>, vector<32xbf16>,
        %max3A_1058 = arith.maximumf %get3A_1054, %get3A_1057 : vector<32xbf16>
        %swap3A_1059 = arith.index_cast %squeeze3A_1045 : i32 to index
        %swap3A_1060 = tpu.vector_load %arg6[%swap3A_1059] {strides = array<i32>} : memref<100352xbf16, #tpu.memory_space<vmem>>, vector<32xbf16>,
        tpu.vector_store %arg6[%swap3A_1059], %max3A_1058 {strides = array<i32>} : memref<100352xbf16, #tpu.memory_space<vmem>>, vector<32xbf16>,
        %add3A_1061 = arith.constant 32 : i32
        %add3A_1062 = arith.addi %squeeze3A_1045, %add3A_1061 : i32
        %get3A_1063 = arith.index_cast %add3A_1062 : i32 to index
        %get3A_1064 = tpu.vector_load %arg6[%get3A_1063] {strides = array<i32>} : memref<100352xbf16, #tpu.memory_space<vmem>>, vector<32xbf16>,
        %get3A_1065 = arith.index_cast %add3A_1052 : i32 to index
        %get3A_1066 = arith.constant 32 : index
        %get3A_1067 = tpu.vector_load %arg10[%get3A_1065, %get3A_1066] {strides = array<i32>} : memref<512x64xbf16, #tpu.memory_space<vmem>>, vector<32xbf16>,
        %max3A_1068 = arith.maximumf %get3A_1064, %get3A_1067 : vector<32xbf16>
        %add3A_1069 = arith.constant 32 : i32
        %add3A_1070 = arith.addi %squeeze3A_1045, %add3A_1069 : i32
        %swap3A_1071 = arith.index_cast %add3A_1070 : i32 to index
        %swap3A_1072 = tpu.vector_load %arg6[%swap3A_1071] {strides = array<i32>} : memref<100352xbf16, #tpu.memory_space<vmem>>, vector<32xbf16>,
        tpu.vector_store %arg6[%swap3A_1071], %max3A_1068 {strides = array<i32>} : memref<100352xbf16, #tpu.memory_space<vmem>>, vector<32xbf16>,
        %slice3A_1073 = vector.extract_strided_slice %mul3A_695 {offsets = [13], sizes = [1], strides = [1]} : vector<16xi32> to vector<1xi32>
        %squeeze3A_1074 = vector.extract %slice3A_1073[0] : i32 from vector<1xi32>
        %mul3A_1075 = arith.constant 256 : i32
        %mul3A_1076 = arith.muli %and3A_205, %mul3A_1075 : i32
        %mul3A_1077 = arith.constant 16 : i32
        %mul3A_1078 = arith.muli %scan3A_687, %mul3A_1077 : i32
        %add3A_1079 = arith.addi %mul3A_1076, %mul3A_1078 : i32
        %add3A_1080 = arith.constant 13 : i32
        %add3A_1081 = arith.addi %add3A_1079, %add3A_1080 : i32
        %get3A_1082 = arith.index_cast %squeeze3A_1074 : i32 to index
        %get3A_1083 = tpu.vector_load %arg6[%get3A_1082] {strides = array<i32>} : memref<100352xbf16, #tpu.memory_space<vmem>>, vector<32xbf16>,
        %get3A_1084 = arith.index_cast %add3A_1081 : i32 to index
        %get3A_1085 = arith.constant 0 : index
        %get3A_1086 = tpu.vector_load %arg10[%get3A_1084, %get3A_1085] {strides = array<i32>} : memref<512x64xbf16, #tpu.memory_space<vmem>>, vector<32xbf16>,
        %max3A_1087 = arith.maximumf %get3A_1083, %get3A_1086 : vector<32xbf16>
        %swap3A_1088 = arith.index_cast %squeeze3A_1074 : i32 to index
        %swap3A_1089 = tpu.vector_load %arg6[%swap3A_1088] {strides = array<i32>} : memref<100352xbf16, #tpu.memory_space<vmem>>, vector<32xbf16>,
        tpu.vector_store %arg6[%swap3A_1088], %max3A_1087 {strides = array<i32>} : memref<100352xbf16, #tpu.memory_space<vmem>>, vector<32xbf16>,
        %add3A_1090 = arith.constant 32 : i32
        %add3A_1091 = arith.addi %squeeze3A_1074, %add3A_1090 : i32
        %get3A_1092 = arith.index_cast %add3A_1091 : i32 to index
        %get3A_1093 = tpu.vector_load %arg6[%get3A_1092] {strides = array<i32>} : memref<100352xbf16, #tpu.memory_space<vmem>>, vector<32xbf16>,
        %get3A_1094 = arith.index_cast %add3A_1081 : i32 to index
        %get3A_1095 = arith.constant 32 : index
        %get3A_1096 = tpu.vector_load %arg10[%get3A_1094, %get3A_1095] {strides = array<i32>} : memref<512x64xbf16, #tpu.memory_space<vmem>>, vector<32xbf16>,
        %max3A_1097 = arith.maximumf %get3A_1093, %get3A_1096 : vector<32xbf16>
        %add3A_1098 = arith.constant 32 : i32
        %add3A_1099 = arith.addi %squeeze3A_1074, %add3A_1098 : i32
        %swap3A_1100 = arith.index_cast %add3A_1099 : i32 to index
        %swap3A_1101 = tpu.vector_load %arg6[%swap3A_1100] {strides = array<i32>} : memref<100352xbf16, #tpu.memory_space<vmem>>, vector<32xbf16>,
        tpu.vector_store %arg6[%swap3A_1100], %max3A_1097 {strides = array<i32>} : memref<100352xbf16, #tpu.memory_space<vmem>>, vector<32xbf16>,
        %slice3A_1102 = vector.extract_strided_slice %mul3A_695 {offsets = [14], sizes = [1], strides = [1]} : vector<16xi32> to vector<1xi32>
        %squeeze3A_1103 = vector.extract %slice3A_1102[0] : i32 from vector<1xi32>
        %mul3A_1104 = arith.constant 256 : i32
        %mul3A_1105 = arith.muli %and3A_205, %mul3A_1104 : i32
        %mul3A_1106 = arith.constant 16 : i32
        %mul3A_1107 = arith.muli %scan3A_687, %mul3A_1106 : i32
        %add3A_1108 = arith.addi %mul3A_1105, %mul3A_1107 : i32
        %add3A_1109 = arith.constant 14 : i32
        %add3A_1110 = arith.addi %add3A_1108, %add3A_1109 : i32
        %get3A_1111 = arith.index_cast %squeeze3A_1103 : i32 to index
        %get3A_1112 = tpu.vector_load %arg6[%get3A_1111] {strides = array<i32>} : memref<100352xbf16, #tpu.memory_space<vmem>>, vector<32xbf16>,
        %get3A_1113 = arith.index_cast %add3A_1110 : i32 to index
        %get3A_1114 = arith.constant 0 : index
        %get3A_1115 = tpu.vector_load %arg10[%get3A_1113, %get3A_1114] {strides = array<i32>} : memref<512x64xbf16, #tpu.memory_space<vmem>>, vector<32xbf16>,
        %max3A_1116 = arith.maximumf %get3A_1112, %get3A_1115 : vector<32xbf16>
        %swap3A_1117 = arith.index_cast %squeeze3A_1103 : i32 to index
        %swap3A_1118 = tpu.vector_load %arg6[%swap3A_1117] {strides = array<i32>} : memref<100352xbf16, #tpu.memory_space<vmem>>, vector<32xbf16>,
        tpu.vector_store %arg6[%swap3A_1117], %max3A_1116 {strides = array<i32>} : memref<100352xbf16, #tpu.memory_space<vmem>>, vector<32xbf16>,
        %add3A_1119 = arith.constant 32 : i32
        %add3A_1120 = arith.addi %squeeze3A_1103, %add3A_1119 : i32
        %get3A_1121 = arith.index_cast %add3A_1120 : i32 to index
        %get3A_1122 = tpu.vector_load %arg6[%get3A_1121] {strides = array<i32>} : memref<100352xbf16, #tpu.memory_space<vmem>>, vector<32xbf16>,
        %get3A_1123 = arith.index_cast %add3A_1110 : i32 to index
        %get3A_1124 = arith.constant 32 : index
        %get3A_1125 = tpu.vector_load %arg10[%get3A_1123, %get3A_1124] {strides = array<i32>} : memref<512x64xbf16, #tpu.memory_space<vmem>>, vector<32xbf16>,
        %max3A_1126 = arith.maximumf %get3A_1122, %get3A_1125 : vector<32xbf16>
        %add3A_1127 = arith.constant 32 : i32
        %add3A_1128 = arith.addi %squeeze3A_1103, %add3A_1127 : i32
        %swap3A_1129 = arith.index_cast %add3A_1128 : i32 to index
        %swap3A_1130 = tpu.vector_load %arg6[%swap3A_1129] {strides = array<i32>} : memref<100352xbf16, #tpu.memory_space<vmem>>, vector<32xbf16>,
        tpu.vector_store %arg6[%swap3A_1129], %max3A_1126 {strides = array<i32>} : memref<100352xbf16, #tpu.memory_space<vmem>>, vector<32xbf16>,
        %slice3A_1131 = vector.extract_strided_slice %mul3A_695 {offsets = [15], sizes = [1], strides = [1]} : vector<16xi32> to vector<1xi32>
        %squeeze3A_1132 = vector.extract %slice3A_1131[0] : i32 from vector<1xi32>
        %mul3A_1133 = arith.constant 256 : i32
        %mul3A_1134 = arith.muli %and3A_205, %mul3A_1133 : i32
        %mul3A_1135 = arith.constant 16 : i32
        %mul3A_1136 = arith.muli %scan3A_687, %mul3A_1135 : i32
        %add3A_1137 = arith.addi %mul3A_1134, %mul3A_1136 : i32
        %add3A_1138 = arith.constant 15 : i32
        %add3A_1139 = arith.addi %add3A_1137, %add3A_1138 : i32
        %get3A_1140 = arith.index_cast %squeeze3A_1132 : i32 to index
        %get3A_1141 = tpu.vector_load %arg6[%get3A_1140] {strides = array<i32>} : memref<100352xbf16, #tpu.memory_space<vmem>>, vector<32xbf16>,
        %get3A_1142 = arith.index_cast %add3A_1139 : i32 to index
        %get3A_1143 = arith.constant 0 : index
        %get3A_1144 = tpu.vector_load %arg10[%get3A_1142, %get3A_1143] {strides = array<i32>} : memref<512x64xbf16, #tpu.memory_space<vmem>>, vector<32xbf16>,
        %max3A_1145 = arith.maximumf %get3A_1141, %get3A_1144 : vector<32xbf16>
        %swap3A_1146 = arith.index_cast %squeeze3A_1132 : i32 to index
        %swap3A_1147 = tpu.vector_load %arg6[%swap3A_1146] {strides = array<i32>} : memref<100352xbf16, #tpu.memory_space<vmem>>, vector<32xbf16>,
        tpu.vector_store %arg6[%swap3A_1146], %max3A_1145 {strides = array<i32>} : memref<100352xbf16, #tpu.memory_space<vmem>>, vector<32xbf16>,
        %add3A_1148 = arith.constant 32 : i32
        %add3A_1149 = arith.addi %squeeze3A_1132, %add3A_1148 : i32
        %get3A_1150 = arith.index_cast %add3A_1149 : i32 to index
        %get3A_1151 = tpu.vector_load %arg6[%get3A_1150] {strides = array<i32>} : memref<100352xbf16, #tpu.memory_space<vmem>>, vector<32xbf16>,
        %get3A_1152 = arith.index_cast %add3A_1139 : i32 to index
        %get3A_1153 = arith.constant 32 : index
        %get3A_1154 = tpu.vector_load %arg10[%get3A_1152, %get3A_1153] {strides = array<i32>} : memref<512x64xbf16, #tpu.memory_space<vmem>>, vector<32xbf16>,
        %max3A_1155 = arith.maximumf %get3A_1151, %get3A_1154 : vector<32xbf16>
        %add3A_1156 = arith.constant 32 : i32
        %add3A_1157 = arith.addi %squeeze3A_1132, %add3A_1156 : i32
        %swap3A_1158 = arith.index_cast %add3A_1157 : i32 to index
        %swap3A_1159 = tpu.vector_load %arg6[%swap3A_1158] {strides = array<i32>} : memref<100352xbf16, #tpu.memory_space<vmem>>, vector<32xbf16>,
        tpu.vector_store %arg6[%swap3A_1158], %max3A_1155 {strides = array<i32>} : memref<100352xbf16, #tpu.memory_space<vmem>>, vector<32xbf16>,
        %scan3A_1160 = arith.constant 0 : i32
        scf.yield %scan3A_1160 : i32
      }
      %scan3A_212 = arith.constant 16 : i32
    } else {
    }
    %gt3A_24 = arith.cmpi sgt, %scan3A_21#1, %scan3A_21#2 : i32
    %select_n3A = arith.select %gt3A_24, %scan3A_21#1, %scan3A_21#2 : i32
    %slice3A_25 = vector.extract_strided_slice %scan3A_21#0 {offsets = [0], sizes = [1], strides = [1]} : vector<16xi32> to vector<1xi32>
    %squeeze3A_26 = vector.extract %slice3A_25[0] : i32 from vector<1xi32>
    %add3A_27 = arith.constant 1 : i32
    %add3A_28 = arith.addi %squeeze3A_26, %add3A_27 : i32
    %and3A = arith.constant 16383 : i32
    %and3A_29 = arith.andi %select_n3A, %and3A : i32
    %jit3A = arith.constant 256 : i32
    %div3A = arith.divsi %select_n3A, %jit3A : i32
    %sign3A = arith.constant 0 : i32
    %sign3A_30 = arith.cmpi sgt, %select_n3A, %sign3A : i32
    %sign3A_31 = arith.extui %sign3A_30 : i1 to i32
    %sign3A_32 = arith.constant 0 : i32
    %sign3A_33 = arith.cmpi slt, %select_n3A, %sign3A_32 : i32
    %sign3A_34 = arith.extui %sign3A_33 : i1 to i32
    %sign3A_35 = arith.subi %sign3A_31, %sign3A_34 : i32
    %sign3A_36 = arith.constant 0 : i32
    %sign3A_37 = arith.cmpi sgt, %jit3A, %sign3A_36 : i32
    %sign3A_38 = arith.extui %sign3A_37 : i1 to i32
    %sign3A_39 = arith.constant 0 : i32
    %sign3A_40 = arith.cmpi slt, %jit3A, %sign3A_39 : i32
    %sign3A_41 = arith.extui %sign3A_40 : i1 to i32
    %sign3A_42 = arith.subi %sign3A_38, %sign3A_41 : i32
    %ne3A = arith.cmpi ne, %sign3A_35, %sign3A_42 : i32
    %rem3A = arith.remsi %select_n3A, %jit3A : i32
    %ne3A_43 = arith.constant 0 : i32
    %ne3A_44 = arith.cmpi ne, %rem3A, %ne3A_43 : i32
    %and3A_45 = arith.andi %ne3A, %ne3A_44 : i1
    %sub3A = arith.constant 1 : i32
    %sub3A_46 = arith.subi %div3A, %sub3A : i32
    %select_n3A_47 = arith.select %and3A_45, %sub3A_46, %div3A : i32
    %and3A_48 = arith.constant 1 : i32
    %and3A_49 = arith.andi %select_n3A_47, %and3A_48 : i32
    %multiple_of3A_50 = tpu.assume_multiple %and3A_29, 8 : i32
    %mul3A_51 = arith.constant 256 : i32
    %mul3A_52 = arith.muli %and3A_49, %mul3A_51 : i32
    %dma_start3A_53 = arith.constant 0 : i32
    %dma_start3A_54 = tpu.memref_slice %arg10[%mul3A_52, %dma_start3A_53] : memref<512x64xbf16, #tpu.memory_space<vmem>> -> memref<256x64xbf16, #tpu.memory_space<vmem>>
    %dma_start3A_55 = tpu.memref_slice %arg8[%multiple_of3A_50] : memref<16384xi32, #tpu.memory_space<vmem>> -> memref<256xi32, #tpu.memory_space<vmem>>
    %dma_start3A_56 = arith.constant 0 : i32
    %dma_start3A_57 = arith.constant 0 : i32
    %dma_start3A_58 = tpu.memref_slice %arg2[%dma_start3A_56, %dma_start3A_57] : memref<50000x64xbf16, #tpu.memory_space<hbm>> -> memref<50000x64xbf16, #tpu.memory_space<hbm>>
    tpu.enqueue_indirect_dma source(%dma_start3A_58 : memref<50000x64xbf16, #tpu.memory_space<hbm>>) target(%dma_start3A_54 : memref<256x64xbf16, #tpu.memory_space<vmem>>) offsets(%dma_start3A_55 : memref<256xi32, #tpu.memory_space<vmem>>) semaphore(%arg13 : memref<!tpu.dma_semaphore, #tpu.memory_space<semaphore_mem>>)
    %and3A_59 = arith.constant 16383 : i32
    %and3A_60 = arith.andi %select_n3A, %and3A_59 : i32
    %jit3A_61 = arith.constant 256 : i32
    %div3A_62 = arith.divsi %select_n3A, %jit3A_61 : i32
    %sign3A_63 = arith.constant 0 : i32
    %sign3A_64 = arith.cmpi sgt, %select_n3A, %sign3A_63 : i32
    %sign3A_65 = arith.extui %sign3A_64 : i1 to i32
    %sign3A_66 = arith.constant 0 : i32
    %sign3A_67 = arith.cmpi slt, %select_n3A, %sign3A_66 : i32
    %sign3A_68 = arith.extui %sign3A_67 : i1 to i32
    %sign3A_69 = arith.subi %sign3A_65, %sign3A_68 : i32
    %sign3A_70 = arith.constant 0 : i32
    %sign3A_71 = arith.cmpi sgt, %jit3A_61, %sign3A_70 : i32
    %sign3A_72 = arith.extui %sign3A_71 : i1 to i32
    %sign3A_73 = arith.constant 0 : i32
    %sign3A_74 = arith.cmpi slt, %jit3A_61, %sign3A_73 : i32
    %sign3A_75 = arith.extui %sign3A_74 : i1 to i32
    %sign3A_76 = arith.subi %sign3A_72, %sign3A_75 : i32
    %ne3A_77 = arith.cmpi ne, %sign3A_69, %sign3A_76 : i32
    %rem3A_78 = arith.remsi %select_n3A, %jit3A_61 : i32
    %ne3A_79 = arith.constant 0 : i32
    %ne3A_80 = arith.cmpi ne, %rem3A_78, %ne3A_79 : i32
    %and3A_81 = arith.andi %ne3A_77, %ne3A_80 : i1
    %sub3A_82 = arith.constant 1 : i32
    %sub3A_83 = arith.subi %div3A_62, %sub3A_82 : i32
    %select_n3A_84 = arith.select %and3A_81, %sub3A_83, %div3A_62 : i32
    %and3A_85 = arith.constant 1 : i32
    %and3A_86 = arith.andi %select_n3A_84, %and3A_85 : i32
    %multiple_of3A_87 = tpu.assume_multiple %and3A_60, 8 : i32
    %mul3A_88 = arith.constant 256 : i32
    %mul3A_89 = arith.muli %and3A_86, %mul3A_88 : i32
    %dma_wait3A = arith.constant 0 : i32
    %dma_wait3A_90 = tpu.memref_slice %arg10[%mul3A_89, %dma_wait3A] : memref<512x64xbf16, #tpu.memory_space<vmem>> -> memref<256x64xbf16, #tpu.memory_space<vmem>>
    %dma_wait3A_91 = tpu.memref_slice %arg8[%multiple_of3A_87] : memref<16384xi32, #tpu.memory_space<vmem>> -> memref<256xi32, #tpu.memory_space<vmem>>
    %dma_wait3A_92 = arith.constant 0 : i32
    %dma_wait3A_93 = arith.constant 0 : i32
    %dma_wait3A_94 = tpu.memref_slice %arg2[%dma_wait3A_92, %dma_wait3A_93] : memref<50000x64xbf16, #tpu.memory_space<hbm>> -> memref<50000x64xbf16, #tpu.memory_space<hbm>>
    tpu.wait_indirect_dma semaphore(%arg13 : memref<!tpu.dma_semaphore, #tpu.memory_space<semaphore_mem>>) src(%dma_wait3A_94 : memref<50000x64xbf16, #tpu.memory_space<hbm>>) dst(%dma_wait3A_90 : memref<256x64xbf16, #tpu.memory_space<vmem>>)
    %and3A_95 = arith.constant 16383 : i32
    %and3A_96 = arith.andi %select_n3A, %and3A_95 : i32
    %sub3A_97 = arith.subi %add3A_28, %select_n3A : i32
    %jit3A_98 = arith.constant 256 : i32
    %div3A_99 = arith.divsi %select_n3A, %jit3A_98 : i32
    %sign3A_100 = arith.constant 0 : i32
    %sign3A_101 = arith.cmpi sgt, %select_n3A, %sign3A_100 : i32
    %sign3A_102 = arith.extui %sign3A_101 : i1 to i32
    %sign3A_103 = arith.constant 0 : i32
    %sign3A_104 = arith.cmpi slt, %select_n3A, %sign3A_103 : i32
    %sign3A_105 = arith.extui %sign3A_104 : i1 to i32
    %sign3A_106 = arith.subi %sign3A_102, %sign3A_105 : i32
    %sign3A_107 = arith.constant 0 : i32
    %sign3A_108 = arith.cmpi sgt, %jit3A_98, %sign3A_107 : i32
    %sign3A_109 = arith.extui %sign3A_108 : i1 to i32
    %sign3A_110 = arith.constant 0 : i32
    %sign3A_111 = arith.cmpi slt, %jit3A_98, %sign3A_110 : i32
    %sign3A_112 = arith.extui %sign3A_111 : i1 to i32
    %sign3A_113 = arith.subi %sign3A_109, %sign3A_112 : i32
    %ne3A_114 = arith.cmpi ne, %sign3A_106, %sign3A_113 : i32
    %rem3A_115 = arith.remsi %select_n3A, %jit3A_98 : i32
    %ne3A_116 = arith.constant 0 : i32
    %ne3A_117 = arith.cmpi ne, %rem3A_115, %ne3A_116 : i32
    %and3A_118 = arith.andi %ne3A_114, %ne3A_117 : i1
    %sub3A_119 = arith.constant 1 : i32
    %sub3A_120 = arith.subi %div3A_99, %sub3A_119 : i32
    %select_n3A_121 = arith.select %and3A_118, %sub3A_120, %div3A_99 : i32
    %and3A_122 = arith.constant 1 : i32
    %and3A_123 = arith.andi %select_n3A_121, %and3A_122 : i32
    %while3A = arith.constant 0 : i32
    %while3A_124 = arith.constant 0 : i32
    %while3A_125 = arith.subi %sub3A_97, %while3A : i32
    %while3A_126 = arith.addi %while3A, %while3A_125 : i32
    %while3A_127 = arith.constant 1 : i32
    %while3A_128 = arith.divsi %while3A_125, %while3A_127 : i32
    %while3A_129 = arith.muli %while3A_128, %while3A_127 : i32
    %while3A_130 = arith.addi %while3A, %while3A_129 : i32
    %while3A_131 = arith.constant 1 : i32
    %while3A_132 = scf.for %while3A_141 = %while3A to %while3A_130 step %while3A_131 iter_args(%while3A_142 = %while3A_124) -> (i32)  : i32 {
      %add3A_143 = arith.addi %and3A_96, %while3A_141 : i32
      %get3A_144 = arith.index_cast %add3A_143 : i32 to index
      %get3A_145 = tpu.vector_load %arg9[%get3A_144] {strides = array<i32>} : memref<16400xi32, #tpu.memory_space<vmem>>, vector<16xi32>,
      %slice3A_146 = vector.extract_strided_slice %get3A_145 {offsets = [0], sizes = [1], strides = [1]} : vector<16xi32> to vector<1xi32>
      %squeeze3A_147 = vector.extract %slice3A_146[0] : i32 from vector<1xi32>
      %mul3A_148 = arith.constant 64 : i32
      %mul3A_149 = arith.muli %squeeze3A_147, %mul3A_148 : i32
      %mul3A_150 = arith.constant 256 : i32
      %mul3A_151 = arith.muli %and3A_123, %mul3A_150 : i32
      %add3A_152 = arith.addi %mul3A_151, %while3A_141 : i32
      %get3A_153 = arith.index_cast %mul3A_149 : i32 to index
      %get3A_154 = tpu.vector_load %arg6[%get3A_153] {strides = array<i32>} : memref<100352xbf16, #tpu.memory_space<vmem>>, vector<32xbf16>,
      %get3A_155 = arith.index_cast %add3A_152 : i32 to index
      %get3A_156 = arith.constant 0 : index
      %get3A_157 = tpu.vector_load %arg10[%get3A_155, %get3A_156] {strides = array<i32>} : memref<512x64xbf16, #tpu.memory_space<vmem>>, vector<32xbf16>,
      %max3A = arith.maximumf %get3A_154, %get3A_157 : vector<32xbf16>
      %swap3A = arith.index_cast %mul3A_149 : i32 to index
      %swap3A_158 = tpu.vector_load %arg6[%swap3A] {strides = array<i32>} : memref<100352xbf16, #tpu.memory_space<vmem>>, vector<32xbf16>,
      tpu.vector_store %arg6[%swap3A], %max3A {strides = array<i32>} : memref<100352xbf16, #tpu.memory_space<vmem>>, vector<32xbf16>,
      %add3A_159 = arith.constant 32 : i32
      %add3A_160 = arith.addi %mul3A_149, %add3A_159 : i32
      %get3A_161 = arith.index_cast %add3A_160 : i32 to index
      %get3A_162 = tpu.vector_load %arg6[%get3A_161] {strides = array<i32>} : memref<100352xbf16, #tpu.memory_space<vmem>>, vector<32xbf16>,
      %get3A_163 = arith.index_cast %add3A_152 : i32 to index
      %get3A_164 = arith.constant 32 : index
      %get3A_165 = tpu.vector_load %arg10[%get3A_163, %get3A_164] {strides = array<i32>} : memref<512x64xbf16, #tpu.memory_space<vmem>>, vector<32xbf16>,
      %max3A_166 = arith.maximumf %get3A_162, %get3A_165 : vector<32xbf16>
      %add3A_167 = arith.constant 32 : i32
      %add3A_168 = arith.addi %mul3A_149, %add3A_167 : i32
      %swap3A_169 = arith.index_cast %add3A_168 : i32 to index
      %swap3A_170 = tpu.vector_load %arg6[%swap3A_169] {strides = array<i32>} : memref<100352xbf16, #tpu.memory_space<vmem>>, vector<32xbf16>,
      tpu.vector_store %arg6[%swap3A_169], %max3A_166 {strides = array<i32>} : memref<100352xbf16, #tpu.memory_space<vmem>>, vector<32xbf16>,
      %while3A_171 = arith.constant 0 : i32
      scf.yield %while3A_171 : i32
    }
    %while3A_133 = arith.constant 1 : i32
    %while3A_134 = scf.for %while3A_141 = %while3A_130 to %while3A_126 step %while3A_133 iter_args(%while3A_142 = %while3A_132) -> (i32)  : i32 {
      %add3A_143 = arith.addi %and3A_96, %while3A_141 : i32
      %get3A_144 = arith.index_cast %add3A_143 : i32 to index
      %get3A_145 = tpu.vector_load %arg9[%get3A_144] {strides = array<i32>} : memref<16400xi32, #tpu.memory_space<vmem>>, vector<16xi32>,
      %slice3A_146 = vector.extract_strided_slice %get3A_145 {offsets = [0], sizes = [1], strides = [1]} : vector<16xi32> to vector<1xi32>
      %squeeze3A_147 = vector.extract %slice3A_146[0] : i32 from vector<1xi32>
      %mul3A_148 = arith.constant 64 : i32
      %mul3A_149 = arith.muli %squeeze3A_147, %mul3A_148 : i32
      %mul3A_150 = arith.constant 256 : i32
      %mul3A_151 = arith.muli %and3A_123, %mul3A_150 : i32
      %add3A_152 = arith.addi %mul3A_151, %while3A_141 : i32
      %get3A_153 = arith.index_cast %mul3A_149 : i32 to index
      %get3A_154 = tpu.vector_load %arg6[%get3A_153] {strides = array<i32>} : memref<100352xbf16, #tpu.memory_space<vmem>>, vector<32xbf16>,
      %get3A_155 = arith.index_cast %add3A_152 : i32 to index
      %get3A_156 = arith.constant 0 : index
      %get3A_157 = tpu.vector_load %arg10[%get3A_155, %get3A_156] {strides = array<i32>} : memref<512x64xbf16, #tpu.memory_space<vmem>>, vector<32xbf16>,
      %max3A = arith.maximumf %get3A_154, %get3A_157 : vector<32xbf16>
      %swap3A = arith.index_cast %mul3A_149 : i32 to index
      %swap3A_158 = tpu.vector_load %arg6[%swap3A] {strides = array<i32>} : memref<100352xbf16, #tpu.memory_space<vmem>>, vector<32xbf16>,
      tpu.vector_store %arg6[%swap3A], %max3A {strides = array<i32>} : memref<100352xbf16, #tpu.memory_space<vmem>>, vector<32xbf16>,
      %add3A_159 = arith.constant 32 : i32
      %add3A_160 = arith.addi %mul3A_149, %add3A_159 : i32
      %get3A_161 = arith.index_cast %add3A_160 : i32 to index
      %get3A_162 = tpu.vector_load %arg6[%get3A_161] {strides = array<i32>} : memref<100352xbf16, #tpu.memory_space<vmem>>, vector<32xbf16>,
      %get3A_163 = arith.index_cast %add3A_152 : i32 to index
      %get3A_164 = arith.constant 32 : index
      %get3A_165 = tpu.vector_load %arg10[%get3A_163, %get3A_164] {strides = array<i32>} : memref<512x64xbf16, #tpu.memory_space<vmem>>, vector<32xbf16>,
      %max3A_166 = arith.maximumf %get3A_162, %get3A_165 : vector<32xbf16>
      %add3A_167 = arith.constant 32 : i32
      %add3A_168 = arith.addi %mul3A_149, %add3A_167 : i32
      %swap3A_169 = arith.index_cast %add3A_168 : i32 to index
      %swap3A_170 = tpu.vector_load %arg6[%swap3A_169] {strides = array<i32>} : memref<100352xbf16, #tpu.memory_space<vmem>>, vector<32xbf16>,
      tpu.vector_store %arg6[%swap3A_169], %max3A_166 {strides = array<i32>} : memref<100352xbf16, #tpu.memory_space<vmem>>, vector<32xbf16>,
      %while3A_171 = arith.constant 0 : i32
      scf.yield %while3A_171 : i32
    }
    %parallel_loop3A_135 = arith.constant 0 : i32
    %parallel_loop3A_136 = arith.constant 3136 : i32
    %parallel_loop3A_137 = arith.constant 1 : i32
    scf.for %parallel_loop3A_141 = %parallel_loop3A_135 to %parallel_loop3A_136 step %parallel_loop3A_137  : i32 {
      %parallel_loop3A_142 = arith.constant 32 : i32
      %parallel_loop3A_143 = arith.muli %parallel_loop3A_141, %parallel_loop3A_142 : i32
      %parallel_loop3A_144 = arith.index_cast %parallel_loop3A_143 : i32 to index
      %parallel_loop3A_145 = tpu.vector_load %arg6[%parallel_loop3A_144] {strides = array<i32>} : memref<100352xbf16, #tpu.memory_space<vmem>>, vector<32xbf16>,
      %parallel_loop3A_146 = arith.constant -3.004060e+38 : bf16
      %parallel_loop3A_147 = vector.broadcast %parallel_loop3A_146 : bf16 to vector<32xbf16>
      %parallel_loop3A_148 = arith.cmpf oeq, %parallel_loop3A_145, %parallel_loop3A_147 : vector<32xbf16>
      %parallel_loop3A_149 = arith.constant 0.000000e+00 : bf16
      %parallel_loop3A_150 = vector.broadcast %parallel_loop3A_149 : bf16 to vector<32xbf16>
      %parallel_loop3A_151 = arith.select %parallel_loop3A_148, %parallel_loop3A_150, %parallel_loop3A_145 : vector<32xi1>, vector<32xbf16>
      %parallel_loop3A_152 = arith.constant 32 : i32
      %parallel_loop3A_153 = arith.muli %parallel_loop3A_141, %parallel_loop3A_152 : i32
      %parallel_loop3A_154 = arith.index_cast %parallel_loop3A_153 : i32 to index
      %parallel_loop3A_155 = tpu.vector_load %arg6[%parallel_loop3A_154] {strides = array<i32>} : memref<100352xbf16, #tpu.memory_space<vmem>>, vector<32xbf16>,
      tpu.vector_store %arg6[%parallel_loop3A_154], %parallel_loop3A_151 {strides = array<i32>} : memref<100352xbf16, #tpu.memory_space<vmem>>, vector<32xbf16>,
    } {sc.loop_unroll_factor = 8 : i64, sc.parallel_access}
    %mul3A_138 = arith.constant 64 : i32
    %mul3A_139 = arith.muli %mul3A_3, %mul3A_138 : i32
    %multiple_of3A_140 = tpu.assume_multiple %mul3A_139, 8 : i32
    "tpu.region"() ({
      %run_scoped3A = tpu.sem_alloc : memref<!tpu.dma_semaphore, #tpu.memory_space<semaphore_mem>>
      %dma_start3A_141 = tpu.memref_slice %arg5[%multiple_of3A_140] : memref<3211264xbf16, #tpu.memory_space<hbm>> -> memref<100352xbf16, #tpu.memory_space<hbm>>
      %dma_start3A_142 = tpu.memref_slice %arg5[%multiple_of3A_140] : memref<3211264xbf16, #tpu.memory_space<hbm>> -> memref<100352xbf16, #tpu.memory_space<hbm>>
      tpu.enqueue_dma source(%arg6 : memref<100352xbf16, #tpu.memory_space<vmem>>) target(%dma_start3A_142 : memref<100352xbf16, #tpu.memory_space<hbm>>) target_semaphore(%run_scoped3A : memref<!tpu.dma_semaphore, #tpu.memory_space<semaphore_mem>>)
      %dma_wait3A_143 = tpu.memref_slice %arg5[%multiple_of3A_140] : memref<3211264xbf16, #tpu.memory_space<hbm>> -> memref<100352xbf16, #tpu.memory_space<hbm>>
      %dma_wait3A_144 = tpu.memref_slice %arg5[%multiple_of3A_140] : memref<3211264xbf16, #tpu.memory_space<hbm>> -> memref<100352xbf16, #tpu.memory_space<hbm>>
      tpu.wait_dma2 semaphore(%run_scoped3A : memref<!tpu.dma_semaphore, #tpu.memory_space<semaphore_mem>>) src(%arg6 : memref<100352xbf16, #tpu.memory_space<vmem>>) dst(%dma_wait3A_144 : memref<100352xbf16, #tpu.memory_space<hbm>>)
      tpu.yield
    }) : () -> ()
    return
  }
}

module attributes {stable_mosaic.version = 14 : i64} {
  func.func @_g_body(%arg0: i32, %arg1: memref<2000x64xf32, #tpu.memory_space<vmem>>, %arg2: memref<2000x3xf32, #tpu.memory_space<vmem>>, %arg3: memref<3x32xf32, #tpu.memory_space<vmem>>, %arg4: memref<1x32xf32, #tpu.memory_space<vmem>>, %arg5: memref<32x64xf32, #tpu.memory_space<vmem>>, %arg6: memref<1x64xf32, #tpu.memory_space<vmem>>, %arg7: memref<2000x64xbf16, #tpu.memory_space<vmem>>) attributes {dimension_semantics = [#tpu.dimension_semantics<arbitrary>], iteration_bounds = array<i64: 25>, scalar_prefetch = 0 : i64, scratch_operands = 0 : i64, tpu.core_type = #tpu.core_type<tc>, window_params = [{transform_indices = @transform_0, window_bounds = array<i64: 2000, 64>}, {transform_indices = @transform_1, window_bounds = array<i64: 2000, 3>}, {pipeline_mode = #tpu.pipeline_mode<synchronous>, transform_indices = @transform_2, window_bounds = array<i64: 3, 32>}, {pipeline_mode = #tpu.pipeline_mode<synchronous>, transform_indices = @transform_3, window_bounds = array<i64: 1, 32>}, {pipeline_mode = #tpu.pipeline_mode<synchronous>, transform_indices = @transform_4, window_bounds = array<i64: 32, 64>}, {pipeline_mode = #tpu.pipeline_mode<synchronous>, transform_indices = @transform_5, window_bounds = array<i64: 1, 64>}, {transform_indices = @transform_6, window_bounds = array<i64: 2000, 64>}]} {
    %get3A = arith.constant 0 : index
    %get3A_0 = arith.constant 0 : index
    %get3A_1 = vector.load %arg2[%get3A, %get3A_0] : memref<2000x3xf32, #tpu.memory_space<vmem>>, vector<2000x3xf32>
    %slice3A = vector.extract_strided_slice %get3A_1 {offsets = [0, 0], sizes = [2000, 1], strides = [1, 1]} : vector<2000x3xf32> to vector<2000x1xf32>
    %get3A_2 = arith.constant 0 : index
    %get3A_3 = arith.constant 0 : index
    %get3A_4 = vector.load %arg3[%get3A_2, %get3A_3] : memref<3x32xf32, #tpu.memory_space<vmem>>, vector<1x32xf32>
    %mul3A = vector.broadcast %slice3A : vector<2000x1xf32> to vector<2000x32xf32>
    %mul3A_5 = vector.broadcast %get3A_4 : vector<1x32xf32> to vector<2000x32xf32>
    %mul3A_6 = arith.mulf %mul3A, %mul3A_5 : vector<2000x32xf32>
    %slice3A_7 = vector.extract_strided_slice %get3A_1 {offsets = [0, 1], sizes = [2000, 1], strides = [1, 1]} : vector<2000x3xf32> to vector<2000x1xf32>
    %get3A_8 = arith.constant 1 : index
    %get3A_9 = arith.constant 0 : index
    %get3A_10 = vector.load %arg3[%get3A_8, %get3A_9] : memref<3x32xf32, #tpu.memory_space<vmem>>, vector<1x32xf32>
    %mul3A_11 = vector.broadcast %slice3A_7 : vector<2000x1xf32> to vector<2000x32xf32>
    %mul3A_12 = vector.broadcast %get3A_10 : vector<1x32xf32> to vector<2000x32xf32>
    %mul3A_13 = arith.mulf %mul3A_11, %mul3A_12 : vector<2000x32xf32>
    %add3A = arith.addf %mul3A_6, %mul3A_13 : vector<2000x32xf32>
    %slice3A_14 = vector.extract_strided_slice %get3A_1 {offsets = [0, 2], sizes = [2000, 1], strides = [1, 1]} : vector<2000x3xf32> to vector<2000x1xf32>
    %get3A_15 = arith.constant 2 : index
    %get3A_16 = arith.constant 0 : index
    %get3A_17 = vector.load %arg3[%get3A_15, %get3A_16] : memref<3x32xf32, #tpu.memory_space<vmem>>, vector<1x32xf32>
    %mul3A_18 = vector.broadcast %slice3A_14 : vector<2000x1xf32> to vector<2000x32xf32>
    %mul3A_19 = vector.broadcast %get3A_17 : vector<1x32xf32> to vector<2000x32xf32>
    %mul3A_20 = arith.mulf %mul3A_18, %mul3A_19 : vector<2000x32xf32>
    %add3A_21 = arith.addf %add3A, %mul3A_20 : vector<2000x32xf32>
    %get3A_22 = arith.constant 0 : index
    %get3A_23 = arith.constant 0 : index
    %get3A_24 = vector.load %arg4[%get3A_22, %get3A_23] : memref<1x32xf32, #tpu.memory_space<vmem>>, vector<1x32xf32>
    %add3A_25 = vector.broadcast %get3A_24 : vector<1x32xf32> to vector<2000x32xf32>
    %add3A_26 = arith.addf %add3A_21, %add3A_25 : vector<2000x32xf32>
    %max3A = arith.constant 0.000000e+00 : f32
    %max3A_27 = vector.broadcast %max3A : f32 to vector<2000x32xf32>
    %max3A_28 = arith.maximumf %add3A_26, %max3A_27 : vector<2000x32xf32>
    %get3A_29 = arith.constant 0 : index
    %get3A_30 = arith.constant 0 : index
    %get3A_31 = vector.load %arg5[%get3A_29, %get3A_30] : memref<32x64xf32, #tpu.memory_space<vmem>>, vector<32x64xf32>
    %dot_general3A = arith.constant dense<0.000000e+00> : vector<2000x64xf32>
    %dot_general3A_32 = tpu.matmul %max3A_28, %get3A_31, %dot_general3A {dimension_numbers = #tpu.dot_dimension_numbers<[1], [0], [0], [1], [0, 0, 1, 1], [], []>, transpose_lhs_hint = false} : vector<2000x32xf32>, vector<32x64xf32>, vector<2000x64xf32> -> vector<2000x64xf32>
    %get3A_33 = arith.constant 0 : index
    %get3A_34 = arith.constant 0 : index
    %get3A_35 = vector.load %arg1[%get3A_33, %get3A_34] : memref<2000x64xf32, #tpu.memory_space<vmem>>, vector<2000x64xf32>
    %add3A_36 = arith.addf %get3A_35, %dot_general3A_32 : vector<2000x64xf32>
    %get3A_37 = arith.constant 0 : index
    %get3A_38 = arith.constant 0 : index
    %get3A_39 = vector.load %arg6[%get3A_37, %get3A_38] : memref<1x64xf32, #tpu.memory_space<vmem>>, vector<1x64xf32>
    %add3A_40 = vector.broadcast %get3A_39 : vector<1x64xf32> to vector<2000x64xf32>
    %add3A_41 = arith.addf %add3A_36, %add3A_40 : vector<2000x64xf32>
    %convert_element_type3A = arith.truncf %add3A_41 : vector<2000x64xf32> to vector<2000x64xbf16>
    %swap3A = arith.constant 0 : index
    %swap3A_42 = arith.constant 0 : index
    %swap3A_43 = vector.load %arg7[%swap3A, %swap3A_42] : memref<2000x64xbf16, #tpu.memory_space<vmem>>, vector<2000x64xbf16>
    tpu.vector_store %arg7[%swap3A, %swap3A_42], %convert_element_type3A {strides = array<i32>} : memref<2000x64xbf16, #tpu.memory_space<vmem>>, vector<2000x64xbf16>,
    return
  }
  func.func @transform_0(%arg0: i32) -> (i32, i32) {
    %c0_i32 = arith.constant 0 : i32
    %c0_i32_0 = arith.constant 0 : i32
    return %arg0, %c0_i32 : i32, i32
  }
  func.func @transform_1(%arg0: i32) -> (i32, i32) {
    %c0_i32 = arith.constant 0 : i32
    %c0_i32_0 = arith.constant 0 : i32
    return %arg0, %c0_i32 : i32, i32
  }
  func.func @transform_2(%arg0: i32) -> (i32, i32) {
    %c0_i32 = arith.constant 0 : i32
    %c0_i32_0 = arith.constant 0 : i32
    %c0_i32_1 = arith.constant 0 : i32
    return %c0_i32, %c0_i32_0 : i32, i32
  }
  func.func @transform_3(%arg0: i32) -> (i32, i32) {
    %c0_i32 = arith.constant 0 : i32
    %c0_i32_0 = arith.constant 0 : i32
    %c0_i32_1 = arith.constant 0 : i32
    return %c0_i32, %c0_i32_0 : i32, i32
  }
  func.func @transform_4(%arg0: i32) -> (i32, i32) {
    %c0_i32 = arith.constant 0 : i32
    %c0_i32_0 = arith.constant 0 : i32
    %c0_i32_1 = arith.constant 0 : i32
    return %c0_i32, %c0_i32_0 : i32, i32
  }
  func.func @transform_5(%arg0: i32) -> (i32, i32) {
    %c0_i32 = arith.constant 0 : i32
    %c0_i32_0 = arith.constant 0 : i32
    %c0_i32_1 = arith.constant 0 : i32
    return %c0_i32, %c0_i32_0 : i32, i32
  }
  func.func @transform_6(%arg0: i32) -> (i32, i32) {
    %c0_i32 = arith.constant 0 : i32
    %c0_i32_0 = arith.constant 0 : i32
    return %arg0, %c0_i32 : i32, i32
  }
}

</mosaic_0001>

<sc_bundles>
// kernel: kernel.4.cloned.1.call-start
scs
__scs_entry_jumppad:
0x0: {  	(pc) =	sbr.rel $0x88, $3  }
0x1: {  	(tag) =	ssettag $0x0;
	lr =	simm.s32 $0x1  }
0x2: {  	[smem:$0x3F9A] =	sst lr;
	_ =	strace $0xD0000000  }
0x3: {  	_ = 	snop  }
0x4: {  	_ = 	snop  }
0x5: {  	_ = 	snop  }
0x6: {  	_ = 	snop  }
0x7: {  	_ = 	snop  }
__scs_overlays_trampoline_lowered:
0x8: {  	[smem:$0x3FA9] =	sst s0  }
0x9: {  	[smem:$0x3FAA] =	sst s1  }
0xa: {  	[smem:$0x3FAB] =	sst s2  }
0xb: {  	[smem:$0x3FAC] =	sst s3  }
0xc: {  	[smem:$0x3FAD] =	sst s4  }
0xd: {  	[smem:$0x3FAE] =	sst s5  }
0xe: {  	[smem:$0x3FAF] =	sst s6  }
0xf: {  	[smem:$0x3FB0] =	sst s7  }
0x10: {  	[smem:$0x3FB1] =	sst s8  }
0x11: {  	[smem:$0x3FB2] =	sst s9;
	s0 =	simm.s32 @!p0 $0x0  }
0x12: {  	s1 =	sld [smem:$0x3F98];
	s0 =	simm.s32 @p0 $0x1  }
0x13: {  	[smem:$0x3FB3] =	sst s0;
	s0 =	simm.s32 @!p1 $0x0  }
0x14: {  	s2 =	sld [smem:$0x3F97];
	s0 =	simm.s32 @p1 $0x1  }
0x15: {  	[smem:$0x3FB4] =	sst s0;
	s0 =	simm.s32 @!p2 $0x0  }
0x16: {  	s3 =	sld [smem:$0x3FDB];
	s0 =	simm.s32 @p2 $0x1  }
0x17: {  	s4 =	simm.s32 $0x1BF5;
	[smem:$0x3FB6] =	sst s0  }
0x18: {  	s0 =	sld [smem:$0x3F99];
	_ =	swait.ge [sflag:s4], $0x0  }
0x19: {  	s7 =	sld [smem:$0x3F9A]  }
0x1a: {  	s8 =	sadd.s32 $0xFFFFE003, lr  }
0x1b: {  	s9 =	sadd.s32 $0xFFFFFEF7, lr;
	s5 =	simm.s32 $0xFFFFFFFF;
	p2 =	slt.u32 s8, $0xFFFFF086  }
0x1c: {  	p1 =	slt.u32 s9, $0xF7A;
	s5 =	simm.s32 @!p2 $0x0  }
0x1d: {  	s5 =	simm.s32 @p1 $0x1;
	p0 =	seq.s32 s7, s2  }
0x1e: {  	s7 =	smul.u32 @!p0 $0xF7A, s2;
	p2 =	seq.s32 @!p0 s5, $0x0  }
0x1f: {  	s9 =	smul.u32 $0xF7A, s1;
	s8 =	simm.s32 @!p0 $0x1BF5;
	p2 =	por !p2, p0  }
0x20: {  	[sflag:s8] =	ssyncset.s32 @!p0 $0xFFFFF086;
	s6 =	sadd.s32 @!p0 s3, s7;
	s7 =	simm.s32 @!p0 $0x108  }
0x21: {  	s3 =	sadd.s32 s3, s9;
	s6 =	sadd.s32 @!p0 $0x88, s6;
	s7 =	simm.s32 @p2 $0x1082  }
0x22: {  	[simem:s7], [sflag:s8] =	dma.local @!p0 [hbm:s6], $0xF7A  }
0x23: {  	s9 =	sor.u32 $0xD0000000, s2;
	s6 =	simm.s32 $0x108;
	_ =	swait.ge @!p0 [sflag:s8], $0x0  }
0x24: {  	s3 =	sadd.s32 $0x88, s3;
	s6 =	simm.s32 @!p1 $0x1082;
	[sflag:s4] =	ssyncset.s32 $0xFFFFF086  }
0x25: {  	[simem:s6], [sflag:s4] =	dma.local [hbm:s3], $0xF7A  }
0x26: {  	[smem:$0x3F9A] =	sst s1;
	(tag) =	ssettag s2;
	_ =	strace s9  }
0x27: {  	s1 =	sld [smem:$0x3FAA]  }
0x28: {  	s2 =	sld [smem:$0x3FAB]  }
0x29: {  	s4 =	sld [smem:$0x3FAD]  }
0x2a: {  	p0 =	seq.s32 s5, $0x0;
	s5 =	sld [smem:$0x3FAE]  }
0x2b: {  	s6 =	sld [smem:$0x3FAF]  }
0x2c: {  	s7 =	sld [smem:$0x3FB0]  }
0x2d: {  	s3 =	simm.s32 $0x108;
	s8 =	sld [smem:$0x3FB1]  }
0x2e: {  	s3 =	simm.s32 @!p0 $0x1082;
	s9 =	sld [smem:$0x3FB2]  }
0x2f: {  	lr =	sadd.s32 s0, s3;
	s0 =	sld [smem:$0x3FA9]  }
0x30: {  	s3 =	sld [smem:$0x3FAC]  }
0x31: {  	[smem:$0x3FB5] =	sst s10  }
0x32: {  	s10 =	sld [smem:$0x3FB3];
	_ =	sdelay $0x3  }
0x33: {  	p0 =	seq.s32 s10, $0x1;
	s10 =	sld [smem:$0x3FB5];
	_ =	sdelay $0x3  }
0x34: {  	[smem:$0x3FB5] =	sst s10  }
0x35: {  	s10 =	sld [smem:$0x3FB4];
	_ =	sdelay $0x3  }
0x36: {  	p1 =	seq.s32 s10, $0x1;
	s10 =	sld [smem:$0x3FB5];
	_ =	sdelay $0x3  }
0x37: {  	[smem:$0x3FB5] =	sst s10  }
0x38: {  	s10 =	sld [smem:$0x3FB6]  }
0x39: {  	_ = 	snop;
	(pc) =	sbr.ind lr, $3  }
0x3a: {  	_ = 	snop  }
0x3b: {  	_ = 	snop  }
0x3c: {  	p2 =	seq.s32 s10, $0x1;
	s10 =	sld [smem:$0x3FB5]  }
0x3d: {  	_ =	shalt  }
0x3e: {  	_ =	shalt  }
0x3f: {  	_ =	shalt  }
0x40: {  	_ =	shalt  }
0x41: {  	_ =	shalt  }
0x42: {  	_ =	shalt  }
0x43: {  	_ =	shalt  }
0x44: {  	_ =	shalt  }
0x45: {  	_ =	shalt  }
0x46: {  	_ =	shalt  }
0x47: {  	_ =	shalt  }
0x48: {  	_ =	shalt  }
0x49: {  	_ =	shalt  }
0x4a: {  	_ =	shalt  }
0x4b: {  	_ =	shalt  }
0x4c: {  	_ =	shalt  }
0x4d: {  	_ =	shalt  }
0x4e: {  	_ =	shalt  }
0x4f: {  	_ =	shalt  }
0x50: {  	_ =	shalt  }
0x51: {  	_ =	shalt  }
0x52: {  	_ =	shalt  }
0x53: {  	_ =	shalt  }
0x54: {  	_ =	shalt  }
0x55: {  	_ =	shalt  }
0x56: {  	_ =	shalt  }
0x57: {  	_ =	shalt  }
0x58: {  	_ =	shalt  }
0x59: {  	_ =	shalt  }
0x5a: {  	_ =	shalt  }
0x5b: {  	_ =	shalt  }
0x5c: {  	_ =	shalt  }
0x5d: {  	_ =	shalt  }
0x5e: {  	_ =	shalt  }
0x5f: {  	_ =	shalt  }
0x60: {  	_ =	shalt  }
0x61: {  	_ =	shalt  }
0x62: {  	_ =	shalt  }
0x63: {  	_ =	shalt  }
0x64: {  	_ =	shalt  }
0x65: {  	_ =	shalt  }
0x66: {  	_ =	shalt  }
0x67: {  	_ =	shalt  }
0x68: {  	_ =	shalt  }
0x69: {  	_ =	shalt  }
0x6a: {  	_ =	shalt  }
0x6b: {  	_ =	shalt  }
0x6c: {  	_ =	shalt  }
0x6d: {  	_ =	shalt  }
0x6e: {  	_ =	shalt  }
0x6f: {  	_ =	shalt  }
0x70: {  	_ =	shalt  }
0x71: {  	_ =	shalt  }
0x72: {  	_ =	shalt  }
0x73: {  	_ =	shalt  }
0x74: {  	_ =	shalt  }
0x75: {  	_ =	shalt  }
0x76: {  	_ =	shalt  }
0x77: {  	_ =	shalt  }
0x78: {  	_ =	shalt  }
0x79: {  	_ =	shalt  }
0x7a: {  	_ =	shalt  }
0x7b: {  	_ =	shalt  }
0x7c: {  	_ =	shalt  }
0x7d: {  	_ =	shalt  }
0x7e: {  	_ =	shalt  }
0x7f: {  	_ =	shalt  }
0x80: {  	_ =	shalt  }
0x81: {  	_ =	shalt  }
0x82: {  	_ =	shalt  }
0x83: {  	_ =	shalt  }
0x84: {  	_ =	shalt  }
0x85: {  	_ =	shalt  }
0x86: {  	_ =	shalt  }
0x87: {  	_ =	shalt  }
.Lfunc_end0:
.L_simem_size_0:
called_computation_lowered:
.L_overlay_start_0:
0x88: {  	s2 =	sld [smem:$0x3FD9]  }
0x89: {  	s3 =	sld [smem:$0x3FFE];
	_ =	sdelay $0x1  }
0x8a: {  	s1 =	srdreg.scid  }
0x8b: {  	s0 =	sand.u32 $0x1, s1  }
0x8c: {  	s17 =	sshll.u32 s0, $0xA;
	s2 =	sadd.s32 s3, s2  }
0x8d: {  	s2 =	sadd.s32 s2, s17  }
0x8e: {  	[smem:$0x3FC1] =	sst s2  }
0x8f: {  	_ = 	snop  }
0x90: {  	s2 =	sld [smem:$0x3FD0];
	(tm) =	ssettm $0x1  }
0x91: {  	s18 =	sld [smem:$0x3FFB];
	_ =	sdelay $0x3  }
0x92: {  	_ =	strace s18  }
0x93: {  	s3 =	sld [smem:$0x3FFC];
	_ =	sdelay $0x3  }
0x94: {  	_ =	strace s3  }
0x95: {  	s3 =	sld [smem:$0x3FFD];
	_ =	sdelay $0x3  }
0x96: {  	_ =	strace s3  }
0x97: {  	_ =	strace $0x8FFFFFFF  }
0x98: {  	s19 =	sld [smem:$0x3FDB];
	_ =	sdelay $0x1  }
0x99: {  	s4 =	simm.s32 $_scs_section_size  }
0x9a: {  	s5 =	simm.s32 $_size__tile_overlayer_lowered;
	s6 =	simm.s32 $_tile_overlayer_lowered  }
0x9b: {  	s22 =	simm.s32 $0x1BFF;
	s21 =	sshll.u32 s6, $0x1;
	s3 =	sadd.s32 s4, s19  }
0x9c: {  	s7 =	simm.s32 $0x0;
	s20 =	sshll.u32 s5, $0x1;
	s5 =	sadd.s32 s21, s3  }
0x9d: {  	[timem:s7], [sflag:s22] =	dma.local [hbm:s5], s20  }
0x9e: {  	_ =	swait.ge [sflag:s22], s20  }
0x9f: {  	s4 =	ssub.s32 $0x0, s20;
	[sflag:s22] =	ssyncset.done $0x0  }
0xa0: {  	[sflag:s22] =	ssyncadd.s32 s4;
	_ =	sdelay $0x1  }
0xa1: {  	s23 =	simm.s32 $0x1B8B  }
0xa2: {  	_ =	swait.ge [sflag:s23], $0x1  }
0xa3: {  	[sflag:s23] =	ssyncset.done $0x0  }
0xa4: {  	s25 =	simm.s32 $0x1B8E;
	s24 =	sld [smem:$0x3FFE];
	[sflag:s23] =	ssyncadd.s32 $0xFFFFFFFF  }
0xa5: {  	s26 =	simm.s32 $execute0_lowered;
	[smem:$0x3FD2] =	sst s25  }
0xa6: {  	s5 =	sshll.u32 s26, $0x1;
	_ =	strace $0x80000046;
	[dreg:$0x1] =	wrdreg $0xFFFFFFFF  }
0xa7: {  	s28 =	simm.s32 $_size_execute0_lowered;
	s3 =	sadd.s32 s3, s5;
	[dreg:$0x0] =	wrdreg $0x0  }
0xa8: {  	s5 =	sshll.u32 s28, $0x1;
	[dreg:$0x2] =	wrdreg s3  }
0xa9: {  	[dreg:$0x3] =	wrdreg s5  }
0xaa: {  	[dreg:$0x4] =	wrdreg $0xC0  }
0xab: {  	_ =	task [dreg:s7], $0x5FFFF  }
0xac: {  	[dreg:$0x1] =	wrdreg $0xFFFFFFFF  }
0xad: {  	[dreg:$0x0] =	wrdreg $0x60  }
0xae: {  	[dreg:$0x2] =	wrdreg s24  }
0xaf: {  	[dreg:$0x3] =	wrdreg s2  }
0xb0: {  	[dreg:$0x4] =	wrdreg $0x9  }
0xb1: {  	_ =	task.clear_ibuf [dreg:s7], $0x5FFFF;
	_ =	strace $0x90000046  }
0xb2: {  	s29 =	simm.s32 $0x9;
	_ =	strace $0x80000048  }
0xb3: {  	_ =	swait.ge [sflag:s29], $0x1  }
0xb4: {  	[sflag:s29] =	ssyncadd.s32 $0xFFFFFFFF  }
0xb5: {  	_ =	strace $0x90000048  }
0xb6: {  	_ =	sfence  }
0xb7: {  	s30 =	sld [smem:$0x0];
	_ =	sdelay $0x2  }
0xb8: {  	s31 =	sshll.u32 s1, $0xD;
	s1 =	sshrl.u32 s1, $0x2  }
0xb9: {  	s3 =	sand.u32 $0x4000, s31;
	s1 =	sadd.s32 s1, s30  }
0xba: {  	s0 =	sor.u32 s3, s0;
	s1 =	sshll.u32 s1, $0x11  }
0xbb: {  	s0 =	sor.u32 s1, s0  }
0xbc: {  	s0 =	sadd.s32 $0x8F2B, s0  }
0xbd: {  	[sflag:s0] =	ssyncadd.remote.s32 $0x1  }
0xbe: {  	_ =	sfence.sel $0xFFFF  }
0xbf: {  	[dreg:$0x0] =	wrdreg $0xFFFFFFFF;
	(pc) =	sbr.abs _section_cstart, $3  }
0xc0: {  	[dreg:$0x1] =	wrdreg $0xFFFFFFFF  }
0xc1: {  	_ =	task.clear_ibuf [dreg:s7], $0x2FFFF;
	_ =	strace $0x9FFFFFFF  }
0xc2: {  	(tm) =	ssettm $0x7FFFFFFF  }
0xc3: {  	_ =	shalt  }
tec
execute0_lowered:
.L_overlay_start_1:
0x0: {  	(tag) =	ssettag $0x1  }
0x1: {  	s5 =	rddreg [dreg:$0x0]  }
0x2: {  	s6 =	rddreg [dreg:$0x1]  }
0x3: {  	s0 =	rddreg [dreg:$0x2];
	s2 =	simm.s32 $0x0;
	s3 =	srdreg.scid  }
0x4: {  	s1 =	stileid.u32;
	s11 =	simm.s32 $0xE340;
	s12 =	simm.s32 $0x1  }
0x5: {  	s14 =	simm.s32 $0x14280;
	s15 =	simm.s32 $0x2;
	s16 =	simm.s32 $0x3  }
0x6: {  	s17 =	simm.s32 $0x100;
	s18 =	simm.s32 $0x0;
	[smem:$0x7FF] =	sst s2  }
0x7: {  	s4 =	sand.u32 $0x1, s3;
	s31 =	sshll.u32 s1, $0x1;
	s3 =	sadd.s32 $0x1200, s5  }
0x8: {  	_ =	strace $0x80000047;
	s7 =	sor.u32 s4, s31;
	s8 =	ssub.s32 $0x2, s4  }
0x9: {  	s4 =	sadd.s32 $0x32000, s5;
	s9 =	smul.u32 $0x1880, s7;
	s10 =	sshrl.u32 s8, $0x1  }
0xa: {  	s5 =	sadd.s32 $0x4A800, s5;
	s13 =	smul.u32 $0x620, s7;
	s8 =	ssub.s32 s8, s10  }
0xb: {  	v1 =	vimm.bf16 $-3.0040e+38;
	s10 =	simm.s32 $0xC400;
	s6 =	sadd.s32 s6, s9;
	s7 =	smax.u32 s8, $0x1  }
0xc: {  	v2 =	vimm.s32 $0x0;
	v3 =	vimm.bf16 $0.0e+00;
	s8 =	simm.s32 $0x1C290;
	s9 =	simm.s32 $0x4;
	v0 =	vmov s13;
	s13 =	simm.s32 $0x10280  }
.LBB2_1:
0xd: {  	[tilespmem:s8], [sflag:$0x4] =	stream.linear.gather [hbm4b:s5+s2], $0x1, $0x38;
	[tilespmem:$0x1C2A0] =	vst v63  }
0xe: {  	_ =	swait.ge [sflag:s9], $0x1  }
0xf: {  	[sflag:s9] =	ssyncset.done $0x0  }
0x10: {  	s20 =	simm.s32 $0x40;
	[sflag:s9] =	ssyncadd.s32 $0xFFFFFFFF  }
0x11: {  	v4 =	vld [tilespmem:$0x1C290];
	[tilespmem:s20+$0xFFFFFFC0] =	vst v1  }
0x12: {  	[tilespmem:s20+$0x30] =	vst v1  }
0x13: {  	[tilespmem:s20+$0x20] =	vst v1  }
0x14: {  	[tilespmem:s20+$0x10] =	vst v1  }
0x15: {  	[tilespmem:s20+$0x0] =	vst v1  }
0x16: {  	[tilespmem:s20+$0xFFFFFFF0] =	vst v1  }
0x17: {  	s21 =	simm.s32 $0x0;
	[tilespmem:s20+$0xFFFFFFE0] =	vst v1  }
.LBB2_2:
0x18: {  	s21 =	sadd.s32 $0x8, s21;
	[tilespmem:s20+$0xFFFFFFD0] =	vst v1;
	s20 =	sadd.s32 $0x80, s20;
	s19 =	simm.s32 $0x102C0  }
0x19: {  	[tilespmem:s20+$0xFFFFFFC0] =	vst v1;
	p0 =	slt.u32 s21, $0xC38  }
0x1a: {  	[tilespmem:s20+$0x30] =	vst v1  }
.Ltmp0:
0x1b: {  	[tilespmem:s20+$0x20] =	vst v1;
	(pc) =	sbr.rel @p0 .LBB2_2-.Ltmp0, $4  }
0x1c: {  	[tilespmem:s20+$0x10] =	vst v1  }
0x1d: {  	[tilespmem:s20+$0x0] =	vst v1  }
0x1e: {  	[tilespmem:s20+$0xFFFFFFF0] =	vst v1  }
0x1f: {  	[tilespmem:s20+$0xFFFFFFE0] =	vst v1  }
0x20: {  	[tilespmem:s20+$0xFFFFFFD0] =	vst v1  }
0x21: {  	[tilespmem:s19+$0xFFFFFFC0] =	vst v2  }
0x22: {  	[tilespmem:s19+$0x30] =	vst v2  }
0x23: {  	[tilespmem:s19+$0x20] =	vst v2  }
0x24: {  	[tilespmem:s19+$0x10] =	vst v2  }
0x25: {  	[tilespmem:s19+$0x0] =	vst v2  }
0x26: {  	[tilespmem:s19+$0xFFFFFFF0] =	vst v2  }
0x27: {  	s20 =	simm.s32 $0x0;
	[tilespmem:s19+$0xFFFFFFE0] =	vst v2  }
.LBB2_4:
0x28: {  	s20 =	sadd.s32 $0x8, s20;
	[tilespmem:s19+$0xFFFFFFD0] =	vst v2;
	s19 =	sadd.s32 $0x80, s19  }
0x29: {  	[tilespmem:s19+$0xFFFFFFC0] =	vst v2;
	p0 =	slt.u32 s20, $0x3F8  }
0x2a: {  	[tilespmem:s19+$0x30] =	vst v2  }
.Ltmp1:
0x2b: {  	[tilespmem:s19+$0x20] =	vst v2;
	(pc) =	sbr.rel @p0 .LBB2_4-.Ltmp1, $4  }
0x2c: {  	[tilespmem:s19+$0x10] =	vst v2  }
0x2d: {  	[tilespmem:s19+$0x0] =	vst v2  }
0x2e: {  	[tilespmem:s19+$0xFFFFFFF0] =	vst v2  }
0x2f: {  	[tilespmem:s19+$0xFFFFFFE0] =	vst v2  }
.Ltmp2:
0x30: {  	(pc) =	sbr.rel .LBB2_6-.Ltmp2, $3  }
0x31: {  	_ =	sdelay $0x1  }
0x32: {  	[tilespmem:s19+$0xFFFFFFD0] =	vst v2;
	s21 =	simm.s32 $0x0;
	s19 =	simm.s32 $0x0;
	s20 =	simm.s32 $0x0  }
0x33: {  	v4 =	vbroadcast v4, $0x0;
	v5 =	vimm.s32 $0xFFFFFFFF;
	[tilespmem:s10], [sflag:$0x1] =	stream.linear.gather [hbm4b:s4+s21], $0x1F40, $0x38;
	[tilespmem:$0x1C2A0] =	vst v63  }
.LBB2_22:
0x34: {  	s21 =	smov.u32 s22  }
.LBB2_28:
0x35: {  	s20 =	sadd.s32 $0x1, s20  }
0x36: {  	p0 =	sne.s32 s20, $0x32  }
.Ltmp3:
0x37: {  	_ = 	snop;
	(pc) =	sbr.rel @!p0 .LBB2_29-.Ltmp3, $1  }
0x38: {  	_ =	sdelay $0x3  }
.LBB2_6:
0x39: {  	s23 =	smul.u32 $0x3E80, s20;
	_ =	sdelay $0x1  }
0x3a: {  	s22 =	sshrl.u32 s23, $0x3  }
0x3b: {  	s22 =	sadd.s32 s4, s22  }
0x3c: {  	s22 =	sadd.s32 $0x3E8, s22  }
0x3d: {  	[tilespmem:s11], [sflag:$0x2] =	stream.linear.gather [hbm4b:s22+s2], $0x1F40, $0x38;
	[tilespmem:$0x1C2A0] =	vst v63  }
0x3e: {  	_ =	swait.ge [sflag:s12], $0x1F40  }
0x3f: {  	[sflag:s12] =	ssyncset.done $0x0  }
0x40: {  	s31 =	simm.s32 $0xC480;
	[sflag:s12] =	ssyncadd.s32 $0xFFFFE0C0  }
0x41: {  	v20 =	vld [tilespmem:s31+$0xFFFFFF90]  }
0x42: {  	v42 =	vld [tilespmem:s31+$0x10]  }
0x43: {  	v29 =	vld [tilespmem:s31+$0x70]  }
0x44: {  	v27 =	vld [tilespmem:s31+$0x20]  }
0x45: {  	v31 =	vld [tilespmem:s31+$0x40]  }
0x46: {  	v24 =	vld [tilespmem:s31+$0xFFFFFFD0]  }
0x47: {  	v28 =	vld [tilespmem:s31+$0xFFFFFFF0]  }
0x48: {  	v30 =	vld [tilespmem:s31+$0xFFFFFFE0]  }
0x49: {  	v33 =	vld [tilespmem:s31+$0xFFFFFFC0]  }
0x4a: {  	v13 =	vld [tilespmem:s31+$0xFFFFFFB0]  }
0x4b: {  	v18 =	vld [tilespmem:s31+$0x60]  }
0x4c: {  	v35 =	vld [tilespmem:s31+$0x30]  }
0x4d: {  	v1 =	vimm.s32 $0x0;
	v21 =	vld [tilespmem:s31+$0x0];
	v6 =	vshrl.u32 v20, $0x10;
	v10 =	vshrl.u32 v42, $0x10  }
0x4e: {  	v11 =	vshrl.u32 v29, $0x10;
	v8 =	vshrl.u32 v27, $0x10;
	v9 =	vshrl.u32 v31, $0x10  }
0x4f: {  	v34 =	vld [tilespmem:s31+$0xFFFFFFA0];
	v7 =	vshrl.u32 v24, $0x10;
	v14 =	vshrl.u32 v28, $0x10;
	v15 =	vshrl.u32 v30, $0x10  }
0x50: {  	v19 =	vshrl.u32 v33, $0x10;
	v32 =	vshrl.u32 v13, $0x10;
	v40 =	vshrl.u32 v18, $0x10  }
0x51: {  	v25 =	vshrl.u32 v35, $0x10;
	v51 =	vand.u32 $0xFFFF, v13;
	v33 =	vand.u32 $0xFFFF, v33  }
0x52: {  	v12 =	vsub.s32 v6, v0;
	v6 =	vshrl.u32 v21, $0x10;
	v7 =	vsub.s32 v7, v0  }
0x53: {  	v17 =	vsub.s32 v14, v0;
	v14 =	vsub.s32 v8, v0;
	v8 =	vsub.s32 v9, v0  }
0x54: {  	v36 =	vld [tilespmem:s31+$0xFFFFFF80];
	v9 =	vshrl.u32 v34, $0x10;
	v15 =	vsub.s32 v15, v0;
	v37 =	vsub.s32 v19, v0  }
0x55: {  	v19 =	vsub.s32 v10, v0;
	v10 =	vand.u32 $0xFFFF, v18;
	v18 =	vsub.s32 v11, v0  }
0x56: {  	v13 =	vsub.s32 v25, v0;
	v11 =	vsub.s32 v40, v0;
	v59 =	vsub.s32 v32, v0  }
0x57: {  	v21 =	vand.u32 $0xFFFF, v21;
	vm2 =	vlt.u32 v12, v4;
	v6 =	vsub.s32 v6, v0  }
0x58: {  	vm6 =	vlt.u32 v17, v4;
	vm15 =	vlt.u32 v15, v4;
	vm0 =	vlt.u32 v37, v4  }
0x59: {  	v50 =	vsub.s32 v9, v0;
	v9 =	vshrl.u32 v36, $0x10;
	vm11 =	vlt.u32 v7, v4  }
0x5a: {  	vm7 =	vlt.u32 v19, v4;
	vm1 =	vlt.u32 v13, v4;
	vm3 =	vlt.u32 v11, v4  }
0x5b: {  	vm9 =	vlt.u32 v14, v4;
	vm14 =	vlt.u32 v59, v4;
	vm8 =	vlt.u32 v8, v4  }
0x5c: {  	vm12 =	vlt.u32 v18, v4;
	v16 =	vsel vm2, $0x1, v2;
	v22 =	vmpcnt.ones.xlane vm2  }
0x5d: {  	vm10 =	vlt.u32 v6, v4;
	v38 =	vsel vm15, $0x1, v2;
	v56 =	vmpcnt.ones.xlane vm0  }
0x5e: {  	v43 =	vld [tilespmem:s31+$0x50];
	v39 =	vsel vm0, $0x1, v2;
	v41 =	vsel vm6, $0x1, v2;
	v9 =	vsub.s32 v9, v0  }
0x5f: {  	v61 =	vmpcnt.ones.xlane vm15;
	vm13 =	vlt.u32 v50, v4;
	v25 =	vmpcnt.ones.xlane vm6;
	(xrf0) =	vadd.scan.msk.s32 $0xffff, v16  }
0x60: {  	v40 =	vsel vm3, $0x1, v2;
	v62 =	vsel vm7, $0x1, v2;
	v1 =	vsel vm3, $0xFFFFFFFF, v1;
	(xrf0) =	vadd.scan.msk.s32 $0xffff, v38  }
0x61: {  	v63 =	vmpcnt.ones.xlane vm14;
	v23 =	vsel vm10, $0x1, v2;
	vm4 =	vlt.u32 v9, v4;
	(xrf0) =	vadd.scan.msk.s32 $0xffff, v39  }
0x62: {  	v46 =	vsel vm9, $0x1, v2;
	v44 =	vsel vm13, $0x1, v2;
	v55 =	vmpcnt.ones.xlane vm4;
	(xrf0) =	vadd.scan.msk.s32 $0xffff, v23  }
0x63: {  	v26 =	vmpcnt.ones.xlane vm11;
	v49 =	vsel vm1, $0x1, v2;
	v16 =	vshrl.u32 v43, $0x10;
	(xrf0) =	vadd.scan.msk.s32 $0xffff, v62  }
0x64: {  	v16 =	vsub.s32 v16, v0;
	v45 =	vadd.s32 v5, v55;
	v55 =	vsel vm14, $0x1, v2;
	(xrf0) =	vadd.scan.msk.s32 $0xffff, v44  }
0x65: {  	v54 =	vmpcnt.ones.xlane vm1;
	v60 =	vmpcnt.ones.xlane vm13;
	vm5 =	vlt.u32 v16, v4;
	v44, _, _ =	vpop (xrf0);
	(xrf0) =	vadd.scan.msk.s32 $0xffff, v55  }
0x66: {  	vm11 =	vmmov vm11;
	v47 =	vsel vm5, $0x1, v2;
	v22 =	vadd.s32 v45, v22;
	v32, _, _ =	vpop (xrf0)  }
0x67: {  	[tilespmem:$0x1FFE0] =	vst v1;
	v53 =	vmpcnt.ones.xlane vm10;
	v48 =	vadd.s32 v22, v60;
	(xrf0) =	vadd.scan.msk.s32 $0xffff, v47;
	v52, _, _ =	vpop (xrf0)  }
0x68: {  	v1 =	vimm.s32 $0x0;
	v38 =	vmpcnt.ones.xlane vm8;
	v58 =	vadd.s32 v48, v63;
	(xrf0) =	vadd.scan.msk.s32 $0xffff, v49;
	v39, _, _ =	vpop (xrf0)  }
0x69: {  	v1 =	vsel vm1, $0xFFFFFFFF, v1;
	v60 =	vsel vm12, $0x1, v2;
	v57 =	vadd.s32 v58, v52;
	(xrf0) =	vadd.scan.msk.s32 $0xffff, v40;
	v52, _, _ =	vpop (xrf0)  }
0x6a: {  	vm1 =	vmmov vm10;
	[tilespmem:$0x1FFF0] =	vst v1;
	v62 =	vand.u32 $0x3FFF, v57;
	(xrf0) =	vadd.scan.msk.s32 $0xffff, v60;
	v63, _, _ =	vpop (xrf0)  }
0x6b: {  	v44 =	vadd.s32 v45, v44;
	v57 =	vsel vm4, $0x1, v2;
	v22 =	vadd.s32 v22, v63;
	v49, _, _ =	vpop (xrf0);
	(xrf0) =	vadd.scan.msk.s32 $0xffff, v46  }
0x6c: {  	v60 =	vsel vm8, $0x1, v2;
	v63 =	vand.u32 $0x3FFF, v22;
	v45 =	vadd.s32 v48, v49;
	(xrf0) =	vadd.scan.msk.s32 $0xffff, v57  }
0x6d: {  	v23 =	vmpcnt.ones.xlane vm3;
	v55 =	vmpcnt.ones.xlane vm9;
	v46, _, _ =	vpop (xrf0);
	v1 =	vand.u32 $0x3FFF, v45;
	(xrf0) =	vadd.scan.msk.s32 $0xffff, v60  }
0x6e: {  	v47 =	vmpcnt.ones.xlane vm7;
	v40 =	vmpcnt.ones.xlane vm5;
	v57 =	vand.u32 $0x3FFF, v44;
	v44, _, _ =	vpop (xrf0);
	(xrf0) =	vadd.scan.msk.s32 $0xffff, v41  }
0x6f: {  	v22 =	vmpcnt.ones.xlane vm12;
	v48 =	vand.u32 $0xFFFF, v31;
	v31 =	vand.u32 $0xFFFF, v28;
	[tilespmem:v62+s13+$0x0] =	vst.idx.msk vm0, v33;
	v49, _, _ =	vpop (xrf0)  }
0x70: {  	v60 =	vand.u32 $0xFFFF, v20;
	v20 =	vand.u32 $0xFFFF, v24;
	[tilespmem:v62+s14+$0x0] =	vst.idx.msk vm0, v37;
	v62 =	vand.u32 $0xFFFF, v34;
	v41, _, _ =	vpop (xrf0)  }
0x71: {  	v24 =	vand.u32 $0xFFFF, v35;
	v35 =	vand.u32 $0xFFFF, v36;
	v37 =	vand.u32 $0xFFFF, v43;
	[tilespmem:v63+s13+$0x0] =	vst.idx.msk vm13, v62;
	v34, _, _ =	vpop (xrf0)  }
0x72: {  	v43 =	vadd.s32 v58, v56;
	v58 =	vand.u32 $0xFFFF, v42;
	v42 =	vand.u32 $0xFFFF, v27;
	[tilespmem:v1+s13+$0x0] =	vst.idx.msk vm14, v51;
	v27, _, _ =	vpop (xrf0)  }
0x73: {  	v45 =	vand.u32 $0xFFFF, v29;
	v26 =	vadd.s32 v43, v26;
	[tilespmem:v63+s14+$0x0] =	vst.idx.msk vm13, v50;
	v51 =	vand.u32 $0xFFFF, v30;
	v33, _, _ =	vpop (xrf0)  }
0x74: {  	s24 =	simm.s32 $0xC580;
	s22 =	simm.s32 $0x0;
	v50 =	vadd.s32 v5, v27;
	[tilespmem:v1+s14+$0x0] =	vst.idx.msk vm14, v59;
	v59 =	vsel vm11, $0x1, v2;
	v5 =	vadd.s32 v26, v61;
	v27, _, _ =	vpop (xrf0)  }
.LBB2_7:
0x75: {  	v1 =	vadd.s32 v26, v32  }
0x76: {  	v26 =	vadd.s32 v5, v27;
	v25 =	vadd.s32 v5, v25;
	v1 =	vand.u32 $0x3FFF, v1  }
0x77: {  	v28 =	vld [tilespmem:s24+$0xFFFFFF90];
	[tilespmem:v57+s13+$0x0] =	vst.idx.msk vm2, v60;
	v27 =	vadd.s32 v25, v39;
	v25 =	vadd.s32 v25, v53  }
0x78: {  	v30 =	vld [tilespmem:s24+$0x40];
	v62 =	vand.u32 $0x3FFF, v26;
	[tilespmem:v57+s14+$0x0] =	vst.idx.msk vm2, v12;
	v12 =	vadd.s32 v25, v52;
	v25 =	vadd.s32 v25, v47  }
0x79: {  	v5 =	vld [tilespmem:s24+$0x10];
	v47 =	vand.u32 $0x3FFF, v12;
	v12 =	vadd.s32 v25, v34;
	v25 =	vadd.s32 v25, v55  }
0x7a: {  	v26 =	vld [tilespmem:s24+$0x70];
	v63 =	vadd.s32 v25, v44;
	v25 =	vadd.s32 v25, v54  }
0x7b: {  	(xrf0) =	vadd.scan.msk.s32 $0xffff, v59;
	v52 =	vand.u32 $0x3FFF, v12;
	v54 =	vadd.s32 v25, v33;
	v33 =	vld [tilespmem:s24+$0xFFFFFFE0];
	[tilespmem:v1+s13+$0x0] =	vst.idx.msk vm15, v51  }
0x7c: {  	[tilespmem:v1+s14+$0x0] =	vst.idx.msk vm15, v15;
	v1 =	vand.u32 $0x3FFF, v50  }
0x7d: {  	v39 =	vand.u32 $0x3FFF, v27;
	v27 =	vld [tilespmem:s24+$0x20];
	v12 =	vshrl.u32 v28, $0x10;
	v61 =	vshrl.u32 v30, $0x10;
	[tilespmem:v62+s13+$0x0] =	vst.idx.msk vm6, v31  }
0x7e: {  	v34 =	vld [tilespmem:s24+$0x0];
	v12 =	vsub.s32 v12, v0;
	v55 =	vshrl.u32 v5, $0x10;
	v25 =	vadd.s32 v25, v38;
	[tilespmem:v62+s14+$0x0] =	vst.idx.msk vm6, v17  }
0x7f: {  	v36 =	vld [tilespmem:s24+$0xFFFFFFD0];
	v57 =	vshrl.u32 v26, $0x10;
	vm2 =	vlt.u32 v12, v4;
	v17 =	vadd.s32 v25, v40;
	[tilespmem:v47+s13+$0x0] =	vst.idx.msk vm7, v58  }
0x80: {  	v44 =	vld [tilespmem:s24+$0xFFFFFFC0];
	v25 =	vadd.s32 v25, v46;
	v54 =	vand.u32 $0x3FFF, v54;
	v46 =	vsub.s32 v61, v0;
	[tilespmem:v52+s13+$0x0] =	vst.idx.msk vm9, v42  }
0x81: {  	v15, _, _ =	vpop (xrf0);
	v32 =	vsel vm2, $0x1, v2;
	v38 =	vmpcnt.ones.xlane vm2;
	v23 =	vadd.s32 v17, v23;
	v42 =	vld [tilespmem:s24+$0xFFFFFF80];
	[tilespmem:v1+s13+$0x0] =	vst.idx.msk vm4, v35  }
0x82: {  	v60 =	vshrl.u32 v27, $0x10;
	v43 =	vadd.s32 v43, v15;
	v41 =	vadd.s32 v23, v41;
	[tilespmem:v1+s14+$0x0] =	vst.idx.msk vm4, v9;
	v1 =	vld [tilespmem:$0x1FFE0]  }
0x83: {  	v31 =	vld [tilespmem:s24+$0xFFFFFFF0];
	v62 =	vshrl.u32 v34, $0x10;
	v56 =	vand.u32 $0x3FFF, v41;
	[tilespmem:v47+s14+$0x0] =	vst.idx.msk vm7, v19;
	v47 =	vand.u32 $0x3FFF, v25  }
0x84: {  	v58 =	vld [tilespmem:s24+$0xFFFFFFB0];
	v19 =	vadd.s32 v17, v49;
	v17 =	vshrl.u32 v36, $0x10;
	v49 =	vsub.s32 v62, v0  }
0x85: {  	v41 =	vld [tilespmem:s24+$0xFFFFFFA0];
	v40 =	vshrl.u32 v44, $0x10;
	[tilespmem:v52+s14+$0x0] =	vst.idx.msk vm9, v14;
	v52 =	vand.u32 $0x3FFF, v63;
	vm13 =	vlt.u32 v49, v4  }
0x86: {  	v53 =	vsub.s32 v17, v0;
	v25 =	vshrl.u32 v33, $0x10;
	v59 =	vsel vm13, $0x1, v2  }
0x87: {  	v15 =	vsub.s32 v25, v0;
	v25 =	vand.u32 $0x3FFF, v19;
	vm0 =	vnez.u8 v1  }
0x88: {  	[tilespmem:v54+s13+$0x0] =	vst.idx.msk vm8, v48;
	v48 =	vld [tilespmem:s24+$0x60];
	vm10 =	vlt.u32 v53, v4;
	v14 =	vshrl.u32 v31, $0x10;
	vm3 =	vlt.u32 v15, v4  }
0x89: {  	v29 =	vld [tilespmem:s24+$0x30];
	(xrf0) =	vadd.scan.msk.s32 $0xffff, v32;
	v31 =	vand.u32 $0xFFFF, v31;
	v17 =	vsub.s32 v14, v0;
	v14 =	vsub.s32 v60, v0  }
0x8a: {  	v60 =	vshrl.u32 v58, $0x10;
	vm6 =	vlt.u32 v17, v4;
	[tilespmem:v56+s13+$0x0] =	vst.idx.msk vm12, v45;
	v50 =	vshrl.u32 v41, $0x10  }
0x8b: {  	v45 =	vsub.s32 v40, v0;
	v40 =	vand.u32 $0x3FFF, v43;
	[tilespmem:v47+s13+$0x0] =	vst.idx.msk vm5, v37;
	v62 =	vsub.s32 v60, v0  }
0x8c: {  	vm9 =	vlt.u32 v14, v4;
	[tilespmem:v56+s14+$0x0] =	vst.idx.msk vm12, v18;
	vm14 =	vlt.u32 v45, v4;
	v18 =	vsel vm3, $0x1, v2  }
0x8d: {  	v51 =	vsub.s32 v50, v0;
	v50 =	vadd.s32 v23, v22;
	v22 =	vshrl.u32 v48, $0x10;
	[tilespmem:v25+s13+$0x0] =	vst.idx.msk vm0, v10  }
0x8e: {  	v35 =	vsel vm6, $0x1, v2;
	v23 =	vshrl.u32 v29, $0x10;
	[tilespmem:v25+s14+$0x0] =	vst.idx.msk vm0, v11;
	v11 =	vsub.s32 v22, v0;
	v22 =	vld [tilespmem:$0x1FFF0]  }
0x8f: {  	v37 =	vld [tilespmem:s24+$0x50];
	v56 =	vmpcnt.ones.xlane vm3;
	vm12 =	vmmov vm1;
	[tilespmem:v47+s14+$0x0] =	vst.idx.msk vm5, v16;
	v16 =	vimm.s32 $0x0  }
0x90: {  	v43 =	vmpcnt.ones.xlane vm14;
	v19 =	vsel vm14, $0x1, v2;
	(xrf0) =	vadd.scan.msk.s32 $0xffff, v18;
	v18 =	vshrl.u32 v42, $0x10  }
0x91: {  	v23 =	vsub.s32 v23, v0;
	vm15 =	vlt.u32 v51, v4;
	(xrf0) =	vadd.scan.msk.s32 $0xffff, v19;
	v19 =	vsub.s32 v55, v0  }
0x92: {  	v9 =	vsub.s32 v18, v0;
	v18 =	vsub.s32 v57, v0;
	v1 =	vand.u32 $0xFFFF, v58  }
0x93: {  	[tilespmem:v54+s14+$0x0] =	vst.idx.msk vm8, v8;
	vm1 =	vlt.u32 v23, v4;
	v55 =	vmpcnt.ones.xlane vm9;
	vm0 =	vnez.u8 v22  }
0x94: {  	vm7 =	vlt.u32 v19, v4;
	vm4 =	vlt.u32 v9, v4;
	v54 =	vmpcnt.ones.xlane vm1;
	[tilespmem:v40+s13+$0x0] =	vst.idx.msk vm11, v20  }
0x95: {  	v8 =	vmovc v46;
	v20 =	vsel vm7, $0x1, v2;
	v47 =	vmpcnt.ones.xlane vm7;
	[tilespmem:v40+s14+$0x0] =	vst.idx.msk vm11, v7;
	v7 =	vmovc v53;
	v53 =	vmpcnt.ones.xlane vm13  }
0x96: {  	v46, _, _ =	vpop (xrf0);
	vm11 =	vmmov vm10;
	[tilespmem:v39+s13+$0x0] =	vst.idx.msk vm12, v21;
	v21 =	vmpcnt.ones.xlane vm15;
	vm8 =	vlt.u32 v11, v4  }
0x97: {  	v32, _, _ =	vpop (xrf0);
	[tilespmem:v39+s14+$0x0] =	vst.idx.msk vm12, v6;
	v6 =	vmov v49;
	v49 =	vsel vm9, $0x1, v2;
	v16 =	vsel vm8, $0xFFFFFFFF, v16  }
0x98: {  	vm12 =	vlt.u32 v18, v4;
	v10 =	vand.u32 $0xFFFF, v48;
	v48, _, _ =	vpop (xrf0);
	(xrf0) =	vadd.scan.msk.s32 $0xffff, v59;
	[tilespmem:$0x1FFE0] =	vst v16  }
0x99: {  	v59 =	vsel vm15, $0x1, v2;
	v22 =	vshrl.u32 v37, $0x10;
	[tilespmem:v52+s13+$0x0] =	vst.idx.msk vm0, v24;
	v24 =	vmpcnt.ones.xlane vm4  }
0x9a: {  	(xrf0) =	vadd.scan.msk.s32 $0xffff, v20;
	v16 =	vsub.s32 v22, v0;
	[tilespmem:v52+s14+$0x0] =	vst.idx.msk vm0, v13;
	vm0 =	vlt.u32 v62, v4  }
0x9b: {  	(xrf0) =	vadd.scan.msk.s32 $0xffff, v59;
	vm5 =	vlt.u32 v16, v4;
	v20 =	vadd.s32 v50, v24;
	v22 =	vsel vm0, $0x1, v2  }
0x9c: {  	v61 =	vsel vm5, $0x1, v2;
	v24 =	vmpcnt.ones.xlane vm0;
	v60 =	vadd.s32 v20, v38;
	(xrf0) =	vadd.scan.msk.s32 $0xffff, v22  }
0x9d: {  	v25 =	vmpcnt.ones.xlane vm6;
	v22 =	vsel vm1, $0x1, v2;
	v21 =	vadd.s32 v60, v21;
	(xrf0) =	vadd.scan.msk.s32 $0xffff, v61  }
0x9e: {  	v59 =	vmpcnt.ones.xlane vm10;
	v63 =	vsel vm8, $0x1, v2;
	v39, _, _ =	vpop (xrf0);
	v58 =	vadd.s32 v21, v24;
	(xrf0) =	vadd.scan.msk.s32 $0xffff, v22  }
0x9f: {  	v37 =	vand.u32 $0xFFFF, v37;
	v40 =	vmpcnt.ones.xlane vm5;
	v13 =	vmovc v23;
	v22 =	vadd.s32 v58, v48  }
0xa0: {  	v52, _, _ =	vpop (xrf0);
	v20 =	vadd.s32 v20, v46;
	(xrf0) =	vadd.scan.msk.s32 $0xffff, v63;
	v24 =	vand.u32 $0x3FFF, v22;
	v22 =	vsel vm12, $0x1, v2  }
0xa1: {  	v23 =	vmpcnt.ones.xlane vm8;
	vm8 =	vlt.u32 v8, v4;
	v57 =	vand.u32 $0x3FFF, v20;
	v63, _, _ =	vpop (xrf0);
	(xrf0) =	vadd.scan.msk.s32 $0xffff, v22  }
0xa2: {  	v48 =	vsel vm4, $0x1, v2;
	v60 =	vadd.s32 v60, v63;
	v22 =	vimm.s32 $0x0;
	v46, _, _ =	vpop (xrf0);
	(xrf0) =	vadd.scan.msk.s32 $0xffff, v49  }
0xa3: {  	v63 =	vand.u32 $0x3FFF, v60;
	v49 =	vsel vm8, $0x1, v2;
	v21 =	vadd.s32 v21, v46;
	(xrf0) =	vadd.scan.msk.s32 $0xffff, v48;
	v46, _, _ =	vpop (xrf0)  }
0xa4: {  	v20 =	vand.u32 $0xFFFF, v44;
	v22 =	vsel vm1, $0xFFFFFFFF, v22;
	v61 =	vand.u32 $0x3FFF, v21;
	v44, _, _ =	vpop (xrf0);
	(xrf0) =	vadd.scan.msk.s32 $0xffff, v49  }
0xa5: {  	s22 =	sadd.s32 $0x10, s22;
	v38 =	vmpcnt.ones.xlane vm8;
	v43 =	vadd.s32 v58, v43;
	[tilespmem:$0x1FFF0] =	vst v22;
	(xrf0) =	vadd.scan.msk.s32 $0xffff, v35  }
0xa6: {  	p0 =	slt.u32 s22, $0x1E0;
	v58 =	vand.u32 $0xFFFF, v5;
	v60 =	vand.u32 $0xFFFF, v28;
	v28 =	vand.u32 $0xFFFF, v41;
	[tilespmem:v24+s13+$0x0] =	vst.idx.msk vm14, v20;
	v49, _, _ =	vpop (xrf0)  }
.Ltmp4:
0xa7: {  	vm1 =	vmmov vm13;
	v22 =	vmpcnt.ones.xlane vm12;
	v48 =	vand.u32 $0xFFFF, v30;
	[tilespmem:v24+s14+$0x0] =	vst.idx.msk vm14, v45;
	v41, _, _ =	vpop (xrf0);
	(pc) =	sbr.rel @p0 .LBB2_7-.Ltmp4, $4  }
0xa8: {  	v21 =	vand.u32 $0xFFFF, v34;
	v20 =	vand.u32 $0xFFFF, v36;
	v35 =	vand.u32 $0xFFFF, v42;
	[tilespmem:v63+s13+$0x0] =	vst.idx.msk vm15, v28;
	v34, _, _ =	vpop (xrf0)  }
0xa9: {  	v42 =	vand.u32 $0xFFFF, v27;
	v24 =	vand.u32 $0xFFFF, v29;
	v45 =	vand.u32 $0xFFFF, v26;
	[tilespmem:v61+s13+$0x0] =	vst.idx.msk vm0, v1;
	v1, _, _ =	vpop (xrf0)  }
0xaa: {  	v26 =	vadd.s32 v43, v59;
	v59 =	vsel vm11, $0x1, v2;
	[tilespmem:v63+s14+$0x0] =	vst.idx.msk vm15, v51;
	v51 =	vand.u32 $0xFFFF, v33;
	v33, _, _ =	vpop (xrf0)  }
0xab: {  	s24 =	sadd.s32 $0x100, s24;
	vm15 =	vmmov vm3;
	v5 =	vadd.s32 v26, v56;
	v50 =	vadd.s32 v50, v1;
	[tilespmem:v61+s14+$0x0] =	vst.idx.msk vm0, v62;
	v27, _, _ =	vpop (xrf0)  }
0xac: {  	_ =	sdelay $0x4  }
0xad: {  	v1 =	vadd.s32 v5, v27;
	[tilespmem:v57+s13+$0x0] =	vst.idx.msk vm2, v60;
	v60 =	vand.u32 $0x3FFF, v50  }
0xae: {  	v26 =	vadd.s32 v26, v32;
	v1 =	vand.u32 $0x3FFF, v1  }
0xaf: {  	v26 =	vand.u32 $0x3FFF, v26  }
0xb0: {  	v5 =	vadd.s32 v5, v25  }
0xb1: {  	v25 =	vadd.s32 v5, v53;
	[tilespmem:v57+s14+$0x0] =	vst.idx.msk vm2, v12  }
0xb2: {  	v53 =	vadd.s32 v25, v52;
	v25 =	vadd.s32 v25, v47;
	[tilespmem:v60+s13+$0x0] =	vst.idx.msk vm4, v35  }
0xb3: {  	v27 =	vand.u32 $0x3FFF, v53;
	v28 =	vadd.s32 v25, v34;
	[tilespmem:v1+s13+$0x0] =	vst.idx.msk vm6, v31  }
0xb4: {  	v25 =	vadd.s32 v25, v55;
	v28 =	vand.u32 $0x3FFF, v28;
	[tilespmem:v26+s13+$0x0] =	vst.idx.msk vm15, v51  }
0xb5: {  	v55 =	vadd.s32 v25, v54;
	[tilespmem:v60+s14+$0x0] =	vst.idx.msk vm4, v9  }
0xb6: {  	v29 =	vadd.s32 v55, v38;
	v12 =	vadd.s32 v55, v33;
	[tilespmem:v1+s14+$0x0] =	vst.idx.msk vm6, v17  }
0xb7: {  	v12 =	vand.u32 $0x3FFF, v12;
	v1 =	vadd.s32 v29, v40;
	[tilespmem:v26+s14+$0x0] =	vst.idx.msk vm15, v15  }
0xb8: {  	v57 =	vadd.s32 v29, v46;
	[tilespmem:v27+s13+$0x0] =	vst.idx.msk vm7, v58;
	v56 =	vadd.s32 v1, v23  }
0xb9: {  	v58 =	vand.u32 $0x3FFF, v57;
	v23 =	vadd.s32 v56, v41;
	[tilespmem:v28+s13+$0x0] =	vst.idx.msk vm9, v42  }
0xba: {  	[tilespmem:v27+s14+$0x0] =	vst.idx.msk vm7, v19;
	v23 =	vand.u32 $0x3FFF, v23  }
0xbb: {  	[tilespmem:v28+s14+$0x0] =	vst.idx.msk vm9, v14  }
0xbc: {  	[tilespmem:v12+s13+$0x0] =	vst.idx.msk vm8, v48  }
0xbd: {  	[tilespmem:v12+s14+$0x0] =	vst.idx.msk vm8, v8  }
0xbe: {  	[tilespmem:v58+s13+$0x0] =	vst.idx.msk vm5, v37  }
0xbf: {  	[tilespmem:v23+s13+$0x0] =	vst.idx.msk vm12, v45  }
0xc0: {  	[tilespmem:v23+s14+$0x0] =	vst.idx.msk vm12, v18  }
0xc1: {  	v9 =	vld [tilespmem:$0x1FFE0];
	_ =	sdelay $0x4  }
0xc2: {  	v1 =	vadd.s32 v1, v49;
	vm0 =	vnez.u8 v9  }
0xc3: {  	v1 =	vand.u32 $0x3FFF, v1  }
0xc4: {  	(xrf0) =	vadd.scan.msk.s32 $0xffff, v59;
	_ =	sdelay $0x3  }
0xc5: {  	[tilespmem:v1+s13+$0x0] =	vst.idx.msk vm0, v10  }
0xc6: {  	[tilespmem:v1+s14+$0x0] =	vst.idx.msk vm0, v11  }
0xc7: {  	v5 =	vadd.s32 v5, v39;
	v62, _, _ =	vpop (xrf0);
	v1 =	vld [tilespmem:$0x1FFF0]  }
0xc8: {  	v5 =	vand.u32 $0x3FFF, v5;
	v63 =	vadd.s32 v43, v62  }
0xc9: {  	v8 =	vand.u32 $0x3FFF, v63;
	_ =	sdelay $0x2  }
0xca: {  	v61 =	vadd.s32 v25, v44;
	vm15 =	vnez.u8 v1  }
0xcb: {  	v18 =	vand.u32 $0x3FFF, v61;
	[tilespmem:v5+s13+$0x0] =	vst.idx.msk vm1, v21  }
0xcc: {  	[tilespmem:v8+s13+$0x0] =	vst.idx.msk vm11, v20  }
0xcd: {  	[tilespmem:v58+s14+$0x0] =	vst.idx.msk vm5, v16  }
0xce: {  	[tilespmem:v5+s14+$0x0] =	vst.idx.msk vm1, v6  }
0xcf: {  	[tilespmem:v8+s14+$0x0] =	vst.idx.msk vm11, v7  }
0xd0: {  	[tilespmem:v18+s13+$0x0] =	vst.idx.msk vm15, v24  }
0xd1: {  	s22 =	simm.s32 $0x0;
	v5 =	vadd.s32 v56, v22;
	[tilespmem:v18+s14+$0x0] =	vst.idx.msk vm15, v13  }
.LBB2_9:
0xd2: {  	s24 =	sshra.s32 s22, $0x2  }
0xd3: {  	v1 =	vld [tilespmem:s24+$0xE300];
	_ =	sdelay $0x4  }
0xd4: {  	v6 =	vshrl.u32 v1, $0x10  }
0xd5: {  	v6 =	vsub.s32 v6, v0  }
0xd6: {  	vm0 =	vlt.u32 v6, v4  }
0xd7: {  	v7 =	vsel vm0, $0x1, v2  }
0xd8: {  	(xrf0) =	vadd.scan.msk.s32 $0xffff, v7;
	_ =	sdelay $0x5  }
0xd9: {  	v7, _, _ =	vpop (xrf0)  }
0xda: {  	v7 =	vadd.s32 v5, v7  }
0xdb: {  	v7 =	vand.u32 $0x3FFF, v7  }
0xdc: {  	p0 =	sne.s32 s22, $0xC0  }
.Ltmp5:
0xdd: {  	_ = 	snop;
	(pc) =	sbr.rel @p0 .LBB2_9-.Ltmp5, $4  }
0xde: {  	_ = 	snop  }
0xdf: {  	v1 =	vand.u32 $0xFFFF, v1;
	v8 =	vmpcnt.ones.xlane vm0  }
0xe0: {  	[tilespmem:v7+s13+$0x0] =	vst.idx.msk vm0, v1  }
0xe1: {  	s22 =	sadd.s32 $0x40, s22;
	v5 =	vadd.s32 v5, v8;
	[tilespmem:v7+s14+$0x0] =	vst.idx.msk vm0, v6  }
0xe2: {  	(v2sf) =	vpush v5, $0x0;
	_ =	sdelay $0xe  }
0xe3: {  	s22 =	spop (v2sf)  }
0xe4: {  	s25 =	sadd.s32 $0x100, s21;
	s24 =	sadd.s32 $0x1, s22  }
0xe5: {  	p0 =	sgt.s32 s25, s24  }
.Ltmp6:
0xe6: {  	_ = 	snop;
	(pc) =	sbr.rel @!p0 .LBB2_12-.Ltmp6, $1  }
0xe7: {  	_ =	sdelay $0x3  }
0xe8: {  	s22 =	smov.u32 s21  }
.LBB2_17:
0xe9: {  	p0 =	seq.s32 s20, $0x31  }
0xea: {  	s21 =	sshrl.u32 @!p0 s23, $0x3  }
0xeb: {  	s21 =	sadd.s32 @!p0 s4, s21  }
0xec: {  	s23 =	simm.s32 @!p0 $0x0;
	s24 =	simm.s32 @!p0 $0xC400;
	s21 =	sadd.s32 @!p0 $0x7D0, s21  }
0xed: {  	[tilespmem:s24], [sflag:$0x1] =	stream.linear.gather @!p0 [hbm4b:s21+s23], $0x1F40, $0x38;
	[tilespmem:$0x1C2A0] =	vst v63  }
0xee: {  	_ =	swait.ge [sflag:s15], $0x1F40  }
0xef: {  	[sflag:s15] =	ssyncset.done $0x0  }
0xf0: {  	s31 =	simm.s32 $0xE430;
	[sflag:s15] =	ssyncadd.s32 $0xFFFFE0C0  }
0xf1: {  	v20 =	vld [tilespmem:s31+$0xFFFFFF20]  }
0xf2: {  	v29 =	vld [tilespmem:s31+$0x0]  }
0xf3: {  	v27 =	vld [tilespmem:s31+$0xFFFFFFB0]  }
0xf4: {  	v31 =	vld [tilespmem:s31+$0xFFFFFFD0]  }
0xf5: {  	v21 =	vld [tilespmem:s31+$0xFFFFFF90]  }
0xf6: {  	v24 =	vld [tilespmem:s31+$0xFFFFFF60]  }
0xf7: {  	v28 =	vld [tilespmem:s31+$0xFFFFFF80]  }
0xf8: {  	v30 =	vld [tilespmem:s31+$0xFFFFFF70]  }
0xf9: {  	v33 =	vld [tilespmem:s31+$0xFFFFFF50]  }
0xfa: {  	v13 =	vld [tilespmem:s31+$0xFFFFFF40]  }
0xfb: {  	v35 =	vld [tilespmem:s31+$0xFFFFFFC0]  }
0xfc: {  	v26 =	vld [tilespmem:s31+$0xFFFFFFA0]  }
0xfd: {  	v1 =	vshrl.u32 v20, $0x10;
	v11 =	vshrl.u32 v29, $0x10;
	v8 =	vshrl.u32 v27, $0x10  }
0xfe: {  	v34 =	vld [tilespmem:s31+$0xFFFFFF30];
	v6 =	vshrl.u32 v21, $0x10;
	v9 =	vshrl.u32 v31, $0x10;
	v7 =	vshrl.u32 v24, $0x10  }
0xff: {  	v10 =	vshrl.u32 v28, $0x10;
	v15 =	vshrl.u32 v30, $0x10;
	v18 =	vshrl.u32 v33, $0x10  }
0x100: {  	v32 =	vshrl.u32 v13, $0x10;
	v25 =	vshrl.u32 v35, $0x10;
	v33 =	vand.u32 $0xFFFF, v33  }
0x101: {  	v21 =	vand.u32 $0xFFFF, v21;
	v12 =	vsub.s32 v1, v0;
	v1 =	vshrl.u32 v26, $0x10  }
0x102: {  	v36 =	vld [tilespmem:s31+$0xFFFFFF10];
	v6 =	vsub.s32 v6, v0;
	v7 =	vsub.s32 v7, v0;
	v17 =	vsub.s32 v10, v0  }
0x103: {  	v14 =	vsub.s32 v8, v0;
	v8 =	vsub.s32 v9, v0;
	v9 =	vshrl.u32 v34, $0x10  }
0x104: {  	v15 =	vsub.s32 v15, v0;
	v37 =	vsub.s32 v18, v0;
	v18 =	vsub.s32 v11, v0  }
0x105: {  	v59 =	vsub.s32 v32, v0;
	vm2 =	vlt.u32 v12, v4;
	vm10 =	vlt.u32 v6, v4  }
0x106: {  	vm6 =	vlt.u32 v17, v4;
	vm15 =	vlt.u32 v15, v4;
	vm0 =	vlt.u32 v37, v4  }
0x107: {  	v50 =	vsub.s32 v9, v0;
	v9 =	vshrl.u32 v36, $0x10;
	v19 =	vsub.s32 v1, v0  }
0x108: {  	vm11 =	vlt.u32 v7, v4;
	v1 =	vand.u32 $0xFFFF, v13;
	v13 =	vsub.s32 v25, v0  }
0x109: {  	vm9 =	vlt.u32 v14, v4;
	vm14 =	vlt.u32 v59, v4;
	vm8 =	vlt.u32 v8, v4  }
0x10a: {  	vm12 =	vlt.u32 v18, v4;
	v16 =	vsel vm2, $0x1, v2;
	v22 =	vmpcnt.ones.xlane vm2  }
0x10b: {  	v23 =	vsel vm10, $0x1, v2;
	v38 =	vsel vm15, $0x1, v2;
	v42 =	vmpcnt.ones.xlane vm0  }
0x10c: {  	v43 =	vld [tilespmem:s31+$0xFFFFFFE0];
	v39 =	vsel vm0, $0x1, v2;
	v41 =	vsel vm6, $0x1, v2;
	v9 =	vsub.s32 v9, v0  }
0x10d: {  	v56 =	vmpcnt.ones.xlane vm15;
	vm7 =	vlt.u32 v19, v4;
	vm13 =	vlt.u32 v50, v4  }
0x10e: {  	v25 =	vmpcnt.ones.xlane vm6;
	vm1 =	vlt.u32 v13, v4;
	v63 =	vmpcnt.ones.xlane vm14  }
0x10f: {  	v10 =	vld [tilespmem:s31+$0xFFFFFFF0];
	v55 =	vsel vm14, $0x1, v2;
	v46 =	vsel vm9, $0x1, v2;
	v51 =	vmpcnt.ones.xlane vm11;
	(xrf0) =	vadd.scan.msk.s32 $0xffff, v16  }
0x110: {  	v53 =	vmpcnt.ones.xlane vm10;
	vm11 =	vmmov vm11;
	vm4 =	vlt.u32 v9, v4;
	(xrf0) =	vadd.scan.msk.s32 $0xffff, v38  }
0x111: {  	v16 =	vshrl.u32 v43, $0x10;
	v61 =	vmpcnt.ones.xlane vm13;
	v62 =	vsel vm7, $0x1, v2;
	(xrf0) =	vadd.scan.msk.s32 $0xffff, v39  }
0x112: {  	v44 =	vsel vm13, $0x1, v2;
	v49 =	vsel vm1, $0x1, v2;
	v54 =	vmpcnt.ones.xlane vm1;
	(xrf0) =	vadd.scan.msk.s32 $0xffff, v23  }
0x113: {  	v60 =	vmpcnt.ones.xlane vm4;
	v16 =	vsub.s32 v16, v0;
	v38 =	vmpcnt.ones.xlane vm8;
	(xrf0) =	vadd.scan.msk.s32 $0xffff, v62  }
0x114: {  	v40 =	vshrl.u32 v10, $0x10;
	v10 =	vand.u32 $0xFFFF, v10;
	vm5 =	vlt.u32 v16, v4;
	(xrf0) =	vadd.scan.msk.s32 $0xffff, v44  }
0x115: {  	v11 =	vsub.s32 v40, v0;
	v23 =	vimm.s32 $0x0;
	v45 =	vadd.s32 v5, v60;
	v44, _, _ =	vpop (xrf0);
	(xrf0) =	vadd.scan.msk.s32 $0xffff, v55  }
0x116: {  	v47 =	vsel vm5, $0x1, v2;
	vm3 =	vlt.u32 v11, v4;
	v22 =	vadd.s32 v45, v22;
	v32, _, _ =	vpop (xrf0)  }
0x117: {  	v60 =	vsel vm12, $0x1, v2;
	v23 =	vsel vm3, $0xFFFFFFFF, v23;
	v48 =	vadd.s32 v22, v61;
	(xrf0) =	vadd.scan.msk.s32 $0xffff, v47;
	v52, _, _ =	vpop (xrf0)  }
0x118: {  	v40 =	vsel vm3, $0x1, v2;
	[tilespmem:$0x1FFC0] =	vst v23;
	v58 =	vadd.s32 v48, v63;
	(xrf0) =	vadd.scan.msk.s32 $0xffff, v49;
	v39, _, _ =	vpop (xrf0)  }
0x119: {  	v23 =	vmpcnt.ones.xlane vm3;
	v63 =	vimm.s32 $0x0;
	v57 =	vadd.s32 v58, v52;
	(xrf0) =	vadd.scan.msk.s32 $0xffff, v40;
	v52, _, _ =	vpop (xrf0)  }
0x11a: {  	v44 =	vadd.s32 v45, v44;
	v45 =	vsel vm1, $0xFFFFFFFF, v63;
	v61 =	vand.u32 $0x3FFF, v57;
	(xrf0) =	vadd.scan.msk.s32 $0xffff, v60;
	v62, _, _ =	vpop (xrf0)  }
0x11b: {  	[tilespmem:$0x1FFD0] =	vst v45;
	v57 =	vsel vm4, $0x1, v2;
	v22 =	vadd.s32 v22, v62;
	v49, _, _ =	vpop (xrf0);
	(xrf0) =	vadd.scan.msk.s32 $0xffff, v46  }
0x11c: {  	v62 =	vand.u32 $0x3FFF, v22;
	v45 =	vadd.s32 v48, v49;
	v48 =	vsel vm8, $0x1, v2;
	(xrf0) =	vadd.scan.msk.s32 $0xffff, v57  }
0x11d: {  	v55 =	vmpcnt.ones.xlane vm9;
	v47 =	vmpcnt.ones.xlane vm7;
	v46, _, _ =	vpop (xrf0);
	v63 =	vand.u32 $0x3FFF, v45;
	(xrf0) =	vadd.scan.msk.s32 $0xffff, v48  }
0x11e: {  	vm1 =	vmmov vm10;
	v40 =	vmpcnt.ones.xlane vm5;
	v57 =	vand.u32 $0x3FFF, v44;
	v44, _, _ =	vpop (xrf0);
	(xrf0) =	vadd.scan.msk.s32 $0xffff, v41  }
0x11f: {  	v60 =	vand.u32 $0xFFFF, v20;
	v20 =	vand.u32 $0xFFFF, v24;
	v24 =	vand.u32 $0xFFFF, v35;
	[tilespmem:v61+s13+$0x0] =	vst.idx.msk vm0, v33;
	v49, _, _ =	vpop (xrf0)  }
0x120: {  	v35 =	vand.u32 $0xFFFF, v36;
	v22 =	vmpcnt.ones.xlane vm12;
	[tilespmem:v61+s14+$0x0] =	vst.idx.msk vm0, v37;
	v61 =	vand.u32 $0xFFFF, v34;
	v41, _, _ =	vpop (xrf0)  }
0x121: {  	v48 =	vand.u32 $0xFFFF, v31;
	v45 =	vand.u32 $0xFFFF, v29;
	v31 =	vand.u32 $0xFFFF, v28;
	[tilespmem:v62+s13+$0x0] =	vst.idx.msk vm13, v61;
	v34, _, _ =	vpop (xrf0)  }
0x122: {  	v37 =	vand.u32 $0xFFFF, v43;
	v43 =	vadd.s32 v58, v42;
	v58 =	vand.u32 $0xFFFF, v26;
	[tilespmem:v63+s13+$0x0] =	vst.idx.msk vm14, v1;
	v1, _, _ =	vpop (xrf0)  }
0x123: {  	v42 =	vand.u32 $0xFFFF, v27;
	v26 =	vadd.s32 v43, v51;
	v51 =	vand.u32 $0xFFFF, v30;
	[tilespmem:v62+s14+$0x0] =	vst.idx.msk vm13, v50;
	v33, _, _ =	vpop (xrf0)  }
0x124: {  	s21 =	simm.s32 $0x0;
	s23 =	simm.s32 $0xE530;
	v50 =	vadd.s32 v5, v1;
	[tilespmem:v63+s14+$0x0] =	vst.idx.msk vm14, v59;
	v59 =	vsel vm11, $0x1, v2;
	v5 =	vadd.s32 v26, v56;
	v27, _, _ =	vpop (xrf0)  }
.LBB2_18:
0x125: {  	v1 =	vadd.s32 v26, v32  }
0x126: {  	v26 =	vadd.s32 v5, v27;
	v25 =	vadd.s32 v5, v25;
	v1 =	vand.u32 $0x3FFF, v1  }
0x127: {  	v28 =	vld [tilespmem:s23+$0xFFFFFF20];
	[tilespmem:v57+s13+$0x0] =	vst.idx.msk vm2, v60;
	v27 =	vadd.s32 v25, v39;
	v25 =	vadd.s32 v25, v53  }
0x128: {  	v30 =	vld [tilespmem:s23+$0xFFFFFFD0];
	v62 =	vand.u32 $0x3FFF, v26;
	[tilespmem:v57+s14+$0x0] =	vst.idx.msk vm2, v12;
	v12 =	vadd.s32 v25, v52;
	v25 =	vadd.s32 v25, v47  }
0x129: {  	v5 =	vld [tilespmem:s23+$0xFFFFFFA0];
	v47 =	vand.u32 $0x3FFF, v12;
	v12 =	vadd.s32 v25, v34;
	v25 =	vadd.s32 v25, v55  }
0x12a: {  	v26 =	vld [tilespmem:s23+$0x0];
	v63 =	vadd.s32 v25, v44;
	v25 =	vadd.s32 v25, v54  }
0x12b: {  	(xrf0) =	vadd.scan.msk.s32 $0xffff, v59;
	v52 =	vand.u32 $0x3FFF, v12;
	v54 =	vadd.s32 v25, v33;
	v33 =	vld [tilespmem:s23+$0xFFFFFF70];
	[tilespmem:v1+s13+$0x0] =	vst.idx.msk vm15, v51  }
0x12c: {  	[tilespmem:v1+s14+$0x0] =	vst.idx.msk vm15, v15;
	v1 =	vand.u32 $0x3FFF, v50  }
0x12d: {  	v39 =	vand.u32 $0x3FFF, v27;
	v27 =	vld [tilespmem:s23+$0xFFFFFFB0];
	v12 =	vshrl.u32 v28, $0x10;
	v61 =	vshrl.u32 v30, $0x10;
	[tilespmem:v62+s13+$0x0] =	vst.idx.msk vm6, v31  }
0x12e: {  	v34 =	vld [tilespmem:s23+$0xFFFFFF90];
	v12 =	vsub.s32 v12, v0;
	v55 =	vshrl.u32 v5, $0x10;
	v25 =	vadd.s32 v25, v38;
	[tilespmem:v62+s14+$0x0] =	vst.idx.msk vm6, v17  }
0x12f: {  	v36 =	vld [tilespmem:s23+$0xFFFFFF60];
	v57 =	vshrl.u32 v26, $0x10;
	vm2 =	vlt.u32 v12, v4;
	v17 =	vadd.s32 v25, v40;
	[tilespmem:v47+s13+$0x0] =	vst.idx.msk vm7, v58  }
0x130: {  	v44 =	vld [tilespmem:s23+$0xFFFFFF50];
	v25 =	vadd.s32 v25, v46;
	v54 =	vand.u32 $0x3FFF, v54;
	v46 =	vsub.s32 v61, v0;
	[tilespmem:v52+s13+$0x0] =	vst.idx.msk vm9, v42  }
0x131: {  	v15, _, _ =	vpop (xrf0);
	v32 =	vsel vm2, $0x1, v2;
	v38 =	vmpcnt.ones.xlane vm2;
	v23 =	vadd.s32 v17, v23;
	v42 =	vld [tilespmem:s23+$0xFFFFFF10];
	[tilespmem:v1+s13+$0x0] =	vst.idx.msk vm4, v35  }
0x132: {  	v60 =	vshrl.u32 v27, $0x10;
	v43 =	vadd.s32 v43, v15;
	v41 =	vadd.s32 v23, v41;
	[tilespmem:v1+s14+$0x0] =	vst.idx.msk vm4, v9;
	v1 =	vld [tilespmem:$0x1FFC0]  }
0x133: {  	v31 =	vld [tilespmem:s23+$0xFFFFFF80];
	v62 =	vshrl.u32 v34, $0x10;
	v56 =	vand.u32 $0x3FFF, v41;
	[tilespmem:v47+s14+$0x0] =	vst.idx.msk vm7, v19;
	v47 =	vand.u32 $0x3FFF, v25  }
0x134: {  	v58 =	vld [tilespmem:s23+$0xFFFFFF40];
	v19 =	vadd.s32 v17, v49;
	v17 =	vshrl.u32 v36, $0x10;
	v49 =	vsub.s32 v62, v0  }
0x135: {  	v41 =	vld [tilespmem:s23+$0xFFFFFF30];
	v40 =	vshrl.u32 v44, $0x10;
	[tilespmem:v52+s14+$0x0] =	vst.idx.msk vm9, v14;
	v52 =	vand.u32 $0x3FFF, v63;
	vm13 =	vlt.u32 v49, v4  }
0x136: {  	v53 =	vsub.s32 v17, v0;
	v25 =	vshrl.u32 v33, $0x10;
	v59 =	vsel vm13, $0x1, v2  }
0x137: {  	v15 =	vsub.s32 v25, v0;
	v25 =	vand.u32 $0x3FFF, v19;
	vm0 =	vnez.u8 v1  }
0x138: {  	[tilespmem:v54+s13+$0x0] =	vst.idx.msk vm8, v48;
	v48 =	vld [tilespmem:s23+$0xFFFFFFF0];
	vm10 =	vlt.u32 v53, v4;
	v14 =	vshrl.u32 v31, $0x10;
	vm3 =	vlt.u32 v15, v4  }
0x139: {  	v29 =	vld [tilespmem:s23+$0xFFFFFFC0];
	(xrf0) =	vadd.scan.msk.s32 $0xffff, v32;
	v31 =	vand.u32 $0xFFFF, v31;
	v17 =	vsub.s32 v14, v0;
	v14 =	vsub.s32 v60, v0  }
0x13a: {  	v60 =	vshrl.u32 v58, $0x10;
	vm6 =	vlt.u32 v17, v4;
	[tilespmem:v56+s13+$0x0] =	vst.idx.msk vm12, v45;
	v50 =	vshrl.u32 v41, $0x10  }
0x13b: {  	v45 =	vsub.s32 v40, v0;
	v40 =	vand.u32 $0x3FFF, v43;
	[tilespmem:v47+s13+$0x0] =	vst.idx.msk vm5, v37;
	v61 =	vsub.s32 v60, v0  }
0x13c: {  	vm9 =	vlt.u32 v14, v4;
	[tilespmem:v56+s14+$0x0] =	vst.idx.msk vm12, v18;
	vm14 =	vlt.u32 v45, v4;
	v18 =	vsel vm3, $0x1, v2  }
0x13d: {  	v51 =	vsub.s32 v50, v0;
	v50 =	vadd.s32 v23, v22;
	v22 =	vshrl.u32 v48, $0x10;
	[tilespmem:v25+s13+$0x0] =	vst.idx.msk vm0, v10  }
0x13e: {  	v35 =	vsel vm6, $0x1, v2;
	v23 =	vshrl.u32 v29, $0x10;
	[tilespmem:v25+s14+$0x0] =	vst.idx.msk vm0, v11;
	v11 =	vsub.s32 v22, v0;
	v22 =	vld [tilespmem:$0x1FFD0]  }
0x13f: {  	v37 =	vld [tilespmem:s23+$0xFFFFFFE0];
	v56 =	vmpcnt.ones.xlane vm3;
	vm12 =	vmmov vm1;
	[tilespmem:v47+s14+$0x0] =	vst.idx.msk vm5, v16;
	v16 =	vimm.s32 $0x0  }
0x140: {  	v43 =	vmpcnt.ones.xlane vm14;
	v19 =	vsel vm14, $0x1, v2;
	(xrf0) =	vadd.scan.msk.s32 $0xffff, v18;
	v18 =	vshrl.u32 v42, $0x10  }
0x141: {  	v23 =	vsub.s32 v23, v0;
	vm15 =	vlt.u32 v51, v4;
	(xrf0) =	vadd.scan.msk.s32 $0xffff, v19;
	v19 =	vsub.s32 v55, v0  }
0x142: {  	v9 =	vsub.s32 v18, v0;
	v18 =	vsub.s32 v57, v0;
	v1 =	vand.u32 $0xFFFF, v58  }
0x143: {  	[tilespmem:v54+s14+$0x0] =	vst.idx.msk vm8, v8;
	vm1 =	vlt.u32 v23, v4;
	v55 =	vmpcnt.ones.xlane vm9;
	vm0 =	vnez.u8 v22  }
0x144: {  	vm7 =	vlt.u32 v19, v4;
	vm4 =	vlt.u32 v9, v4;
	v54 =	vmpcnt.ones.xlane vm1;
	[tilespmem:v40+s13+$0x0] =	vst.idx.msk vm11, v20  }
0x145: {  	v8 =	vmovc v46;
	v20 =	vsel vm7, $0x1, v2;
	v47 =	vmpcnt.ones.xlane vm7;
	[tilespmem:v40+s14+$0x0] =	vst.idx.msk vm11, v7;
	v7 =	vmovc v53;
	v53 =	vmpcnt.ones.xlane vm13  }
0x146: {  	v46, _, _ =	vpop (xrf0);
	vm11 =	vmmov vm10;
	[tilespmem:v39+s13+$0x0] =	vst.idx.msk vm12, v21;
	v21 =	vmpcnt.ones.xlane vm15;
	vm8 =	vlt.u32 v11, v4  }
0x147: {  	v32, _, _ =	vpop (xrf0);
	[tilespmem:v39+s14+$0x0] =	vst.idx.msk vm12, v6;
	v6 =	vmov v49;
	v49 =	vsel vm9, $0x1, v2;
	v16 =	vsel vm8, $0xFFFFFFFF, v16  }
0x148: {  	vm12 =	vlt.u32 v18, v4;
	v10 =	vand.u32 $0xFFFF, v48;
	v48, _, _ =	vpop (xrf0);
	(xrf0) =	vadd.scan.msk.s32 $0xffff, v59;
	[tilespmem:$0x1FFC0] =	vst v16  }
0x149: {  	v59 =	vsel vm15, $0x1, v2;
	v22 =	vshrl.u32 v37, $0x10;
	[tilespmem:v52+s13+$0x0] =	vst.idx.msk vm0, v24;
	v24 =	vmpcnt.ones.xlane vm4  }
0x14a: {  	(xrf0) =	vadd.scan.msk.s32 $0xffff, v20;
	v16 =	vsub.s32 v22, v0;
	[tilespmem:v52+s14+$0x0] =	vst.idx.msk vm0, v13;
	vm0 =	vlt.u32 v61, v4  }
0x14b: {  	(xrf0) =	vadd.scan.msk.s32 $0xffff, v59;
	vm5 =	vlt.u32 v16, v4;
	v20 =	vadd.s32 v50, v24;
	v22 =	vsel vm0, $0x1, v2  }
0x14c: {  	v62 =	vsel vm5, $0x1, v2;
	v24 =	vmpcnt.ones.xlane vm0;
	v60 =	vadd.s32 v20, v38;
	(xrf0) =	vadd.scan.msk.s32 $0xffff, v22  }
0x14d: {  	v25 =	vmpcnt.ones.xlane vm6;
	v22 =	vsel vm1, $0x1, v2;
	v21 =	vadd.s32 v60, v21;
	(xrf0) =	vadd.scan.msk.s32 $0xffff, v62  }
0x14e: {  	v59 =	vmpcnt.ones.xlane vm10;
	v63 =	vsel vm8, $0x1, v2;
	v39, _, _ =	vpop (xrf0);
	v58 =	vadd.s32 v21, v24;
	(xrf0) =	vadd.scan.msk.s32 $0xffff, v22  }
0x14f: {  	v37 =	vand.u32 $0xFFFF, v37;
	v40 =	vmpcnt.ones.xlane vm5;
	v13 =	vmovc v23;
	v22 =	vadd.s32 v58, v48  }
0x150: {  	v52, _, _ =	vpop (xrf0);
	v20 =	vadd.s32 v20, v46;
	(xrf0) =	vadd.scan.msk.s32 $0xffff, v63;
	v24 =	vand.u32 $0x3FFF, v22;
	v22 =	vsel vm12, $0x1, v2  }
0x151: {  	v23 =	vmpcnt.ones.xlane vm8;
	vm8 =	vlt.u32 v8, v4;
	v57 =	vand.u32 $0x3FFF, v20;
	v63, _, _ =	vpop (xrf0);
	(xrf0) =	vadd.scan.msk.s32 $0xffff, v22  }
0x152: {  	v48 =	vsel vm4, $0x1, v2;
	v60 =	vadd.s32 v60, v63;
	v22 =	vimm.s32 $0x0;
	v46, _, _ =	vpop (xrf0);
	(xrf0) =	vadd.scan.msk.s32 $0xffff, v49  }
0x153: {  	v62 =	vand.u32 $0x3FFF, v60;
	v49 =	vsel vm8, $0x1, v2;
	v21 =	vadd.s32 v21, v46;
	(xrf0) =	vadd.scan.msk.s32 $0xffff, v48;
	v46, _, _ =	vpop (xrf0)  }
0x154: {  	v20 =	vand.u32 $0xFFFF, v44;
	v22 =	vsel vm1, $0xFFFFFFFF, v22;
	v63 =	vand.u32 $0x3FFF, v21;
	v44, _, _ =	vpop (xrf0);
	(xrf0) =	vadd.scan.msk.s32 $0xffff, v49  }
0x155: {  	s21 =	sadd.s32 $0x10, s21;
	v38 =	vmpcnt.ones.xlane vm8;
	v43 =	vadd.s32 v58, v43;
	[tilespmem:$0x1FFD0] =	vst v22;
	(xrf0) =	vadd.scan.msk.s32 $0xffff, v35  }
0x156: {  	p0 =	slt.u32 s21, $0x1E0;
	v58 =	vand.u32 $0xFFFF, v5;
	v60 =	vand.u32 $0xFFFF, v28;
	v28 =	vand.u32 $0xFFFF, v41;
	[tilespmem:v24+s13+$0x0] =	vst.idx.msk vm14, v20;
	v49, _, _ =	vpop (xrf0)  }
.Ltmp7:
0x157: {  	vm1 =	vmmov vm13;
	v22 =	vmpcnt.ones.xlane vm12;
	v48 =	vand.u32 $0xFFFF, v30;
	[tilespmem:v24+s14+$0x0] =	vst.idx.msk vm14, v45;
	v41, _, _ =	vpop (xrf0);
	(pc) =	sbr.rel @p0 .LBB2_18-.Ltmp7, $4  }
0x158: {  	v21 =	vand.u32 $0xFFFF, v34;
	v20 =	vand.u32 $0xFFFF, v36;
	v35 =	vand.u32 $0xFFFF, v42;
	[tilespmem:v62+s13+$0x0] =	vst.idx.msk vm15, v28;
	v34, _, _ =	vpop (xrf0)  }
0x159: {  	v42 =	vand.u32 $0xFFFF, v27;
	v24 =	vand.u32 $0xFFFF, v29;
	v45 =	vand.u32 $0xFFFF, v26;
	[tilespmem:v63+s13+$0x0] =	vst.idx.msk vm0, v1;
	v1, _, _ =	vpop (xrf0)  }
0x15a: {  	v26 =	vadd.s32 v43, v59;
	v59 =	vsel vm11, $0x1, v2;
	[tilespmem:v62+s14+$0x0] =	vst.idx.msk vm15, v51;
	v51 =	vand.u32 $0xFFFF, v33;
	v33, _, _ =	vpop (xrf0)  }
0x15b: {  	s23 =	sadd.s32 $0x100, s23;
	vm15 =	vmmov vm3;
	v5 =	vadd.s32 v26, v56;
	v50 =	vadd.s32 v50, v1;
	[tilespmem:v63+s14+$0x0] =	vst.idx.msk vm0, v61;
	v27, _, _ =	vpop (xrf0)  }
0x15c: {  	_ =	sdelay $0x4  }
0x15d: {  	v1 =	vadd.s32 v5, v27;
	[tilespmem:v57+s13+$0x0] =	vst.idx.msk vm2, v60;
	v60 =	vand.u32 $0x3FFF, v50  }
0x15e: {  	v26 =	vadd.s32 v26, v32;
	v1 =	vand.u32 $0x3FFF, v1  }
0x15f: {  	v26 =	vand.u32 $0x3FFF, v26  }
0x160: {  	v5 =	vadd.s32 v5, v25  }
0x161: {  	v25 =	vadd.s32 v5, v53;
	[tilespmem:v57+s14+$0x0] =	vst.idx.msk vm2, v12  }
0x162: {  	v53 =	vadd.s32 v25, v52;
	v25 =	vadd.s32 v25, v47;
	[tilespmem:v60+s13+$0x0] =	vst.idx.msk vm4, v35  }
0x163: {  	v27 =	vand.u32 $0x3FFF, v53;
	v28 =	vadd.s32 v25, v34;
	[tilespmem:v1+s13+$0x0] =	vst.idx.msk vm6, v31  }
0x164: {  	v25 =	vadd.s32 v25, v55;
	v28 =	vand.u32 $0x3FFF, v28;
	[tilespmem:v26+s13+$0x0] =	vst.idx.msk vm15, v51  }
0x165: {  	v55 =	vadd.s32 v25, v54;
	[tilespmem:v60+s14+$0x0] =	vst.idx.msk vm4, v9  }
0x166: {  	v29 =	vadd.s32 v55, v38;
	v12 =	vadd.s32 v55, v33;
	[tilespmem:v1+s14+$0x0] =	vst.idx.msk vm6, v17  }
0x167: {  	v12 =	vand.u32 $0x3FFF, v12;
	v1 =	vadd.s32 v29, v40;
	[tilespmem:v26+s14+$0x0] =	vst.idx.msk vm15, v15  }
0x168: {  	v57 =	vadd.s32 v29, v46;
	[tilespmem:v27+s13+$0x0] =	vst.idx.msk vm7, v58;
	v56 =	vadd.s32 v1, v23  }
0x169: {  	v58 =	vand.u32 $0x3FFF, v57;
	v23 =	vadd.s32 v56, v41;
	[tilespmem:v28+s13+$0x0] =	vst.idx.msk vm9, v42  }
0x16a: {  	[tilespmem:v27+s14+$0x0] =	vst.idx.msk vm7, v19;
	v23 =	vand.u32 $0x3FFF, v23  }
0x16b: {  	[tilespmem:v28+s14+$0x0] =	vst.idx.msk vm9, v14  }
0x16c: {  	[tilespmem:v12+s13+$0x0] =	vst.idx.msk vm8, v48  }
0x16d: {  	[tilespmem:v12+s14+$0x0] =	vst.idx.msk vm8, v8  }
0x16e: {  	[tilespmem:v58+s13+$0x0] =	vst.idx.msk vm5, v37  }
0x16f: {  	[tilespmem:v23+s13+$0x0] =	vst.idx.msk vm12, v45  }
0x170: {  	[tilespmem:v23+s14+$0x0] =	vst.idx.msk vm12, v18  }
0x171: {  	v9 =	vld [tilespmem:$0x1FFC0];
	_ =	sdelay $0x4  }
0x172: {  	v1 =	vadd.s32 v1, v49;
	vm0 =	vnez.u8 v9  }
0x173: {  	v1 =	vand.u32 $0x3FFF, v1  }
0x174: {  	(xrf0) =	vadd.scan.msk.s32 $0xffff, v59;
	_ =	sdelay $0x3  }
0x175: {  	[tilespmem:v1+s13+$0x0] =	vst.idx.msk vm0, v10  }
0x176: {  	[tilespmem:v1+s14+$0x0] =	vst.idx.msk vm0, v11  }
0x177: {  	v5 =	vadd.s32 v5, v39;
	v62, _, _ =	vpop (xrf0);
	v1 =	vld [tilespmem:$0x1FFD0]  }
0x178: {  	v5 =	vand.u32 $0x3FFF, v5;
	v63 =	vadd.s32 v43, v62  }
0x179: {  	v8 =	vand.u32 $0x3FFF, v63;
	_ =	sdelay $0x2  }
0x17a: {  	v61 =	vadd.s32 v25, v44;
	vm15 =	vnez.u8 v1  }
0x17b: {  	v18 =	vand.u32 $0x3FFF, v61;
	[tilespmem:v5+s13+$0x0] =	vst.idx.msk vm1, v21  }
0x17c: {  	[tilespmem:v8+s13+$0x0] =	vst.idx.msk vm11, v20  }
0x17d: {  	[tilespmem:v58+s14+$0x0] =	vst.idx.msk vm5, v16  }
0x17e: {  	[tilespmem:v5+s14+$0x0] =	vst.idx.msk vm1, v6  }
0x17f: {  	[tilespmem:v8+s14+$0x0] =	vst.idx.msk vm11, v7  }
0x180: {  	[tilespmem:v18+s13+$0x0] =	vst.idx.msk vm15, v24  }
0x181: {  	s21 =	simm.s32 $0x0;
	v5 =	vadd.s32 v56, v22;
	[tilespmem:v18+s14+$0x0] =	vst.idx.msk vm15, v13  }
.LBB2_20:
0x182: {  	s23 =	sshra.s32 s21, $0x2  }
0x183: {  	v1 =	vld [tilespmem:s23+$0x10240];
	_ =	sdelay $0x4  }
0x184: {  	v6 =	vshrl.u32 v1, $0x10  }
0x185: {  	v6 =	vsub.s32 v6, v0  }
0x186: {  	vm0 =	vlt.u32 v6, v4  }
0x187: {  	v7 =	vsel vm0, $0x1, v2  }
0x188: {  	(xrf0) =	vadd.scan.msk.s32 $0xffff, v7;
	_ =	sdelay $0x5  }
0x189: {  	v7, _, _ =	vpop (xrf0)  }
0x18a: {  	v7 =	vadd.s32 v5, v7  }
0x18b: {  	v7 =	vand.u32 $0x3FFF, v7  }
0x18c: {  	p0 =	sne.s32 s21, $0xC0  }
.Ltmp8:
0x18d: {  	_ = 	snop;
	(pc) =	sbr.rel @p0 .LBB2_20-.Ltmp8, $4  }
0x18e: {  	_ = 	snop  }
0x18f: {  	v1 =	vand.u32 $0xFFFF, v1;
	v8 =	vmpcnt.ones.xlane vm0  }
0x190: {  	[tilespmem:v7+s13+$0x0] =	vst.idx.msk vm0, v1  }
0x191: {  	s21 =	sadd.s32 $0x40, s21;
	v5 =	vadd.s32 v5, v8;
	[tilespmem:v7+s14+$0x0] =	vst.idx.msk vm0, v6  }
0x192: {  	(v2sf) =	vpush v5, $0x0;
	_ =	sdelay $0xe  }
0x193: {  	s21 =	spop (v2sf)  }
0x194: {  	s24 =	sadd.s32 $0x100, s22;
	s23 =	sadd.s32 $0x1, s21  }
0x195: {  	p0 =	sgt.s32 s24, s23  }
.Ltmp9:
0x196: {  	_ = 	snop;
	(pc) =	sbr.rel @p0 .LBB2_22-.Ltmp9, $1  }
0x197: {  	_ =	sdelay $0x3  }
.Ltmp10:
0x198: {  	(pc) =	sbr.rel .LBB2_24-.Ltmp10, $3  }
0x199: {  	_ =	sdelay $0x1  }
0x19a: {  	s21 =	sand.u32 $0xFF, s22  }
0x19b: {  	p0 =	sne.s32 s21, $0x0  }
.LBB2_27:
0x19c: {  	s24 =	sshra.s32 s22, $0x1F  }
0x19d: {  	s24 =	sshrl.u32 s24, $0x18  }
0x19e: {  	s24 =	sadd.s32 s24, s22  }
0x19f: {  	s24 =	sshrl.u32 s24, $0x8  }
0x1a0: {  	p1 =	slt.s32 s22, $0x1;
	s24 =	sand.u32 $0x1, s24  }
0x1a1: {  	p1 =	por !p1, !p0;
	p2 =	seq.s32 s24, $0x1  }
0x1a2: {  	p1 =	por !p1, !p1;
	p3 =	por !p2, !p2  }
0x1a3: {  	s25 =	sand.u32 $0x3FF8, s22;
	s24 =	simm.s32 $0x1A290;
	p3 =	por @!p1 p2, p2  }
0x1a4: {  	s25 =	sadd.s32 $0x10280, s25;
	s24 =	simm.s32 @!p3 $0x18290  }
0x1a5: {  	[tilespmem:s24], [sflag:$0x3] =	stream.indirect.gather [hbm4b:s3+s17], $0x20, s25, s17, $0xb8;
	[tilespmem:$0x1C2A0] =	vst v63  }
0x1a6: {  	p1 =	sgt.s32 s22, s19;
	s24 =	sadd.s32 $0x100, s21  }
0x1a7: {  	s19 =	smov.u32 @p1 s22;
	p1 =	sle.s32 s24, s23  }
.Ltmp11:
0x1a8: {  	_ = 	snop;
	(pc) =	sbr.rel @!p1 .LBB2_28-.Ltmp11, $2  }
0x1a9: {  	_ =	sdelay $0x2  }
0x1aa: {  	s22 =	smov.u32 s21  }
.LBB2_24:
0x1ab: {  	p1 =	sle.s32 s22, s19  }
.Ltmp12:
0x1ac: {  	_ = 	snop;
	(pc) =	sbr.rel @p1 .LBB2_27-.Ltmp12, $2  }
0x1ad: {  	_ =	sdelay $0x2  }
0x1ae: {  	s21 =	smov.u32 s24  }
0x1af: {  	_ =	swait.ge [sflag:s16], $0x2000;
	p1 =	slt.s32 s19, $0x1  }
0x1b0: {  	s24 =	sand.u32 $0xFF, s19;
	s30 =	sshrl.u32 s19, $0x8;
	s25 =	sshll.u32 s19, $0x2  }
0x1b1: {  	[sflag:s16] =	ssyncset.done $0x0;
	p2 =	sne.s32 s24, $0x0;
	s24 =	sand.u32 $0x1, s30  }
0x1b2: {  	s26 =	sand.u32 $0xFFFC, s25;
	s25 =	sand.u32 $0x1C, s25;
	[sflag:s16] =	ssyncadd.s32 $0xFFFFE000  }
0x1b3: {  	p1 =	por !p1, !p2;
	p2 =	seq.s32 s24, $0x1;
	s31 =	sadd.s32 $0x40, s26  }
0x1b4: {  	s24 =	simm.s32 $0x1A490;
	p1 =	por !p1, !p1;
	s28 =	sand.u32 $0x1FFE0, s31  }
0x1b5: {  	s26 =	sshrl.u32 s26, $0x2;
	p3 =	por !p1, !p1;
	s25 =	sor.u32 s25, s28  }
0x1b6: {  	p3 =	por @!p2 p1, p1;
	s28 =	sshrl.u32 s25, $0x2;
	s25 =	sadd.s32 $0x14280, s26  }
0x1b7: {  	s24 =	simm.s32 @!p3 $0x18490;
	s26 =	sadd.s32 $0x14280, s28;
	s28 =	simm.s32 $0xFFFFFFFE  }
.LBB2_26:
0x1b8: {  	v1 =	vld [tilespmem:s25+$0x0];
	_ =	sdelay $0x4  }
0x1b9: {  	v1 =	vshll.u32 v1, $0x6  }
0x1ba: {  	v6 =	vshra.s32 v1, $0x1  }
0x1bb: {  	(v2sf) =	vpush v6, $0x0;
	_ =	sdelay $0xe  }
0x1bc: {  	v7 =	vld [tilespmem:s24+$0xFFFFFE00];
	s29 =	spop (v2sf);
	(v2sf) =	vpush v6, $0x1  }
0x1bd: {  	v1 =	vld [tilespmem:s29+$0x0];
	_ =	sdelay $0x4  }
0x1be: {  	v1 =	vmax.bf16 v1, v7  }
0x1bf: {  	[tilespmem:s29+$0x0] =	vst v1;
	v1 =	vld [tilespmem:s29+$0x10]  }
0x1c0: {  	v7 =	vld [tilespmem:s24+$0xFFFFFE10];
	_ =	sdelay $0x4  }
0x1c1: {  	v1 =	vmax.bf16 v1, v7  }
0x1c2: {  	[tilespmem:s29+$0x10] =	vst v1  }
0x1c3: {  	s31 =	spop (v2sf);
	(v2sf) =	vpush v6, $0x2;
	v7 =	vld [tilespmem:s24+$0xFFFFFE20]  }
0x1c4: {  	v1 =	vld [tilespmem:s31+$0x0];
	_ =	sdelay $0x4  }
0x1c5: {  	v1 =	vmax.bf16 v1, v7  }
0x1c6: {  	[tilespmem:s31+$0x0] =	vst v1;
	v1 =	vld [tilespmem:s31+$0x10]  }
0x1c7: {  	v7 =	vld [tilespmem:s24+$0xFFFFFE30];
	_ =	sdelay $0x4  }
0x1c8: {  	v1 =	vmax.bf16 v1, v7  }
0x1c9: {  	[tilespmem:s31+$0x10] =	vst v1  }
0x1ca: {  	s30 =	spop (v2sf);
	(v2sf) =	vpush v6, $0x3;
	v7 =	vld [tilespmem:s24+$0xFFFFFE40]  }
0x1cb: {  	v1 =	vld [tilespmem:s30+$0x0];
	_ =	sdelay $0x4  }
0x1cc: {  	v1 =	vmax.bf16 v1, v7  }
0x1cd: {  	[tilespmem:s30+$0x0] =	vst v1;
	v1 =	vld [tilespmem:s30+$0x10]  }
0x1ce: {  	v7 =	vld [tilespmem:s24+$0xFFFFFE50];
	_ =	sdelay $0x4  }
0x1cf: {  	v1 =	vmax.bf16 v1, v7  }
0x1d0: {  	[tilespmem:s30+$0x10] =	vst v1  }
0x1d1: {  	s31 =	spop (v2sf);
	(v2sf) =	vpush v6, $0x4;
	v7 =	vld [tilespmem:s24+$0xFFFFFE60]  }
0x1d2: {  	v1 =	vld [tilespmem:s31+$0x0];
	_ =	sdelay $0x4  }
0x1d3: {  	v1 =	vmax.bf16 v1, v7  }
0x1d4: {  	[tilespmem:s31+$0x0] =	vst v1;
	v1 =	vld [tilespmem:s31+$0x10]  }
0x1d5: {  	v7 =	vld [tilespmem:s24+$0xFFFFFE70];
	_ =	sdelay $0x4  }
0x1d6: {  	v1 =	vmax.bf16 v1, v7  }
0x1d7: {  	[tilespmem:s31+$0x10] =	vst v1  }
0x1d8: {  	s30 =	spop (v2sf);
	(v2sf) =	vpush v6, $0x5;
	v7 =	vld [tilespmem:s24+$0xFFFFFE80]  }
0x1d9: {  	v1 =	vld [tilespmem:s30+$0x0];
	_ =	sdelay $0x4  }
0x1da: {  	v1 =	vmax.bf16 v1, v7  }
0x1db: {  	[tilespmem:s30+$0x0] =	vst v1;
	v1 =	vld [tilespmem:s30+$0x10]  }
0x1dc: {  	v7 =	vld [tilespmem:s24+$0xFFFFFE90];
	_ =	sdelay $0x4  }
0x1dd: {  	v1 =	vmax.bf16 v1, v7  }
0x1de: {  	[tilespmem:s30+$0x10] =	vst v1  }
0x1df: {  	s31 =	spop (v2sf);
	(v2sf) =	vpush v6, $0x6;
	v7 =	vld [tilespmem:s24+$0xFFFFFEA0]  }
0x1e0: {  	v1 =	vld [tilespmem:s31+$0x0];
	_ =	sdelay $0x4  }
0x1e1: {  	v1 =	vmax.bf16 v1, v7  }
0x1e2: {  	[tilespmem:s31+$0x0] =	vst v1;
	v1 =	vld [tilespmem:s31+$0x10]  }
0x1e3: {  	v7 =	vld [tilespmem:s24+$0xFFFFFEB0];
	_ =	sdelay $0x4  }
0x1e4: {  	v1 =	vmax.bf16 v1, v7  }
0x1e5: {  	[tilespmem:s31+$0x10] =	vst v1  }
0x1e6: {  	s30 =	spop (v2sf);
	(v2sf) =	vpush v6, $0x7;
	v7 =	vld [tilespmem:s24+$0xFFFFFEC0]  }
0x1e7: {  	v1 =	vld [tilespmem:s30+$0x0];
	_ =	sdelay $0x4  }
0x1e8: {  	v1 =	vmax.bf16 v1, v7  }
0x1e9: {  	[tilespmem:s30+$0x0] =	vst v1;
	v1 =	vld [tilespmem:s30+$0x10]  }
0x1ea: {  	v7 =	vld [tilespmem:s24+$0xFFFFFED0];
	_ =	sdelay $0x4  }
0x1eb: {  	v1 =	vmax.bf16 v1, v7  }
0x1ec: {  	[tilespmem:s30+$0x10] =	vst v1  }
0x1ed: {  	s31 =	spop (v2sf);
	(v2sf) =	vpush v6, $0x8;
	v7 =	vld [tilespmem:s24+$0xFFFFFEE0]  }
0x1ee: {  	v1 =	vld [tilespmem:s31+$0x0];
	_ =	sdelay $0x4  }
0x1ef: {  	v1 =	vmax.bf16 v1, v7  }
0x1f0: {  	[tilespmem:s31+$0x0] =	vst v1;
	v1 =	vld [tilespmem:s31+$0x10]  }
0x1f1: {  	v7 =	vld [tilespmem:s24+$0xFFFFFEF0];
	_ =	sdelay $0x4  }
0x1f2: {  	v1 =	vmax.bf16 v1, v7  }
0x1f3: {  	[tilespmem:s31+$0x10] =	vst v1  }
0x1f4: {  	s30 =	spop (v2sf);
	(v2sf) =	vpush v6, $0x9;
	v7 =	vld [tilespmem:s24+$0xFFFFFF00]  }
0x1f5: {  	v1 =	vld [tilespmem:s30+$0x0];
	_ =	sdelay $0x4  }
0x1f6: {  	v1 =	vmax.bf16 v1, v7  }
0x1f7: {  	[tilespmem:s30+$0x0] =	vst v1;
	v1 =	vld [tilespmem:s30+$0x10]  }
0x1f8: {  	v7 =	vld [tilespmem:s24+$0xFFFFFF10];
	_ =	sdelay $0x4  }
0x1f9: {  	v1 =	vmax.bf16 v1, v7  }
0x1fa: {  	[tilespmem:s30+$0x10] =	vst v1  }
0x1fb: {  	s31 =	spop (v2sf);
	(v2sf) =	vpush v6, $0xA;
	v7 =	vld [tilespmem:s24+$0xFFFFFF20]  }
0x1fc: {  	v1 =	vld [tilespmem:s31+$0x0];
	_ =	sdelay $0x4  }
0x1fd: {  	v1 =	vmax.bf16 v1, v7  }
0x1fe: {  	[tilespmem:s31+$0x0] =	vst v1;
	v1 =	vld [tilespmem:s31+$0x10]  }
0x1ff: {  	v7 =	vld [tilespmem:s24+$0xFFFFFF30];
	_ =	sdelay $0x4  }
0x200: {  	v1 =	vmax.bf16 v1, v7  }
0x201: {  	[tilespmem:s31+$0x10] =	vst v1  }
0x202: {  	s30 =	spop (v2sf);
	(v2sf) =	vpush v6, $0xB;
	v7 =	vld [tilespmem:s24+$0xFFFFFF40]  }
0x203: {  	v1 =	vld [tilespmem:s30+$0x0];
	_ =	sdelay $0x4  }
0x204: {  	v1 =	vmax.bf16 v1, v7  }
0x205: {  	[tilespmem:s30+$0x0] =	vst v1;
	v1 =	vld [tilespmem:s30+$0x10]  }
0x206: {  	v7 =	vld [tilespmem:s24+$0xFFFFFF50];
	_ =	sdelay $0x4  }
0x207: {  	v1 =	vmax.bf16 v1, v7  }
0x208: {  	[tilespmem:s30+$0x10] =	vst v1  }
0x209: {  	s31 =	spop (v2sf);
	(v2sf) =	vpush v6, $0xC;
	v7 =	vld [tilespmem:s24+$0xFFFFFF60]  }
0x20a: {  	v1 =	vld [tilespmem:s31+$0x0];
	_ =	sdelay $0x4  }
0x20b: {  	v1 =	vmax.bf16 v1, v7  }
0x20c: {  	[tilespmem:s31+$0x0] =	vst v1;
	v1 =	vld [tilespmem:s31+$0x10]  }
0x20d: {  	v7 =	vld [tilespmem:s24+$0xFFFFFF70];
	_ =	sdelay $0x4  }
0x20e: {  	v1 =	vmax.bf16 v1, v7  }
0x20f: {  	[tilespmem:s31+$0x10] =	vst v1  }
0x210: {  	s30 =	spop (v2sf);
	(v2sf) =	vpush v6, $0xD;
	v7 =	vld [tilespmem:s24+$0xFFFFFF80]  }
0x211: {  	v1 =	vld [tilespmem:s30+$0x0];
	_ =	sdelay $0x4  }
0x212: {  	v1 =	vmax.bf16 v1, v7  }
0x213: {  	[tilespmem:s30+$0x0] =	vst v1;
	v1 =	vld [tilespmem:s30+$0x10]  }
0x214: {  	v7 =	vld [tilespmem:s24+$0xFFFFFF90];
	_ =	sdelay $0x4  }
0x215: {  	v1 =	vmax.bf16 v1, v7  }
0x216: {  	[tilespmem:s30+$0x10] =	vst v1  }
0x217: {  	s31 =	spop (v2sf);
	(v2sf) =	vpush v6, $0xE;
	v7 =	vld [tilespmem:s24+$0xFFFFFFA0]  }
0x218: {  	v1 =	vld [tilespmem:s31+$0x0];
	_ =	sdelay $0x4  }
0x219: {  	v1 =	vmax.bf16 v1, v7  }
0x21a: {  	[tilespmem:s31+$0x0] =	vst v1;
	v1 =	vld [tilespmem:s31+$0x10]  }
0x21b: {  	v7 =	vld [tilespmem:s24+$0xFFFFFFB0];
	_ =	sdelay $0x4  }
0x21c: {  	v1 =	vmax.bf16 v1, v7  }
0x21d: {  	[tilespmem:s31+$0x10] =	vst v1  }
0x21e: {  	s30 =	spop (v2sf);
	(v2sf) =	vpush v6, $0xF;
	v6 =	vld [tilespmem:s24+$0xFFFFFFC0]  }
0x21f: {  	v1 =	vld [tilespmem:s30+$0x0];
	_ =	sdelay $0x4  }
0x220: {  	v1 =	vmax.bf16 v1, v6  }
0x221: {  	[tilespmem:s30+$0x0] =	vst v1;
	v1 =	vld [tilespmem:s30+$0x10]  }
0x222: {  	v6 =	vld [tilespmem:s24+$0xFFFFFFD0];
	_ =	sdelay $0x4  }
0x223: {  	v1 =	vmax.bf16 v1, v6  }
0x224: {  	[tilespmem:s30+$0x10] =	vst v1  }
0x225: {  	s31 =	spop (v2sf);
	v6 =	vld [tilespmem:s24+$0xFFFFFFE0]  }
0x226: {  	v1 =	vld [tilespmem:s31+$0x0];
	_ =	sdelay $0x4  }
0x227: {  	v1 =	vmax.bf16 v1, v6  }
0x228: {  	[tilespmem:s31+$0x0] =	vst v1;
	v1 =	vld [tilespmem:s31+$0x10]  }
0x229: {  	v6 =	vld [tilespmem:s24+$0xFFFFFFF0];
	_ =	sdelay $0x4  }
0x22a: {  	v1 =	vmax.bf16 v1, v6  }
0x22b: {  	[tilespmem:s31+$0x10] =	vst v1  }
0x22c: {  	v1 =	vld [tilespmem:s26+$0x0];
	_ =	sdelay $0x4  }
0x22d: {  	v1 =	vshll.u32 v1, $0x6  }
0x22e: {  	v6 =	vshra.s32 v1, $0x1  }
0x22f: {  	(v2sf) =	vpush v6, $0x0;
	_ =	sdelay $0xe  }
0x230: {  	v7 =	vld [tilespmem:s24+$0x0];
	s30 =	spop (v2sf);
	(v2sf) =	vpush v6, $0x1  }
0x231: {  	v1 =	vld [tilespmem:s30+$0x0];
	_ =	sdelay $0x4  }
0x232: {  	v1 =	vmax.bf16 v1, v7  }
0x233: {  	[tilespmem:s30+$0x0] =	vst v1;
	v1 =	vld [tilespmem:s30+$0x10]  }
0x234: {  	v7 =	vld [tilespmem:s24+$0x10];
	_ =	sdelay $0x4  }
0x235: {  	v1 =	vmax.bf16 v1, v7  }
0x236: {  	[tilespmem:s30+$0x10] =	vst v1  }
0x237: {  	s31 =	spop (v2sf);
	(v2sf) =	vpush v6, $0x2;
	v7 =	vld [tilespmem:s24+$0x20]  }
0x238: {  	v1 =	vld [tilespmem:s31+$0x0];
	_ =	sdelay $0x4  }
0x239: {  	v1 =	vmax.bf16 v1, v7  }
0x23a: {  	[tilespmem:s31+$0x0] =	vst v1;
	v1 =	vld [tilespmem:s31+$0x10]  }
0x23b: {  	v7 =	vld [tilespmem:s24+$0x30];
	_ =	sdelay $0x4  }
0x23c: {  	v1 =	vmax.bf16 v1, v7  }
0x23d: {  	[tilespmem:s31+$0x10] =	vst v1  }
0x23e: {  	s30 =	spop (v2sf);
	(v2sf) =	vpush v6, $0x3;
	v7 =	vld [tilespmem:s24+$0x40]  }
0x23f: {  	v1 =	vld [tilespmem:s30+$0x0];
	_ =	sdelay $0x4  }
0x240: {  	v1 =	vmax.bf16 v1, v7  }
0x241: {  	[tilespmem:s30+$0x0] =	vst v1;
	v1 =	vld [tilespmem:s30+$0x10]  }
0x242: {  	v7 =	vld [tilespmem:s24+$0x50];
	_ =	sdelay $0x4  }
0x243: {  	v1 =	vmax.bf16 v1, v7  }
0x244: {  	[tilespmem:s30+$0x10] =	vst v1  }
0x245: {  	s31 =	spop (v2sf);
	(v2sf) =	vpush v6, $0x4;
	v7 =	vld [tilespmem:s24+$0x60]  }
0x246: {  	v1 =	vld [tilespmem:s31+$0x0];
	_ =	sdelay $0x4  }
0x247: {  	v1 =	vmax.bf16 v1, v7  }
0x248: {  	[tilespmem:s31+$0x0] =	vst v1;
	v1 =	vld [tilespmem:s31+$0x10]  }
0x249: {  	v7 =	vld [tilespmem:s24+$0x70];
	_ =	sdelay $0x4  }
0x24a: {  	v1 =	vmax.bf16 v1, v7  }
0x24b: {  	[tilespmem:s31+$0x10] =	vst v1  }
0x24c: {  	s30 =	spop (v2sf);
	(v2sf) =	vpush v6, $0x5;
	v7 =	vld [tilespmem:s24+$0x80]  }
0x24d: {  	v1 =	vld [tilespmem:s30+$0x0];
	_ =	sdelay $0x4  }
0x24e: {  	v1 =	vmax.bf16 v1, v7  }
0x24f: {  	[tilespmem:s30+$0x0] =	vst v1;
	v1 =	vld [tilespmem:s30+$0x10]  }
0x250: {  	v7 =	vld [tilespmem:s24+$0x90];
	_ =	sdelay $0x4  }
0x251: {  	v1 =	vmax.bf16 v1, v7  }
0x252: {  	[tilespmem:s30+$0x10] =	vst v1  }
0x253: {  	s31 =	spop (v2sf);
	(v2sf) =	vpush v6, $0x6;
	v7 =	vld [tilespmem:s24+$0xA0]  }
0x254: {  	v1 =	vld [tilespmem:s31+$0x0];
	_ =	sdelay $0x4  }
0x255: {  	v1 =	vmax.bf16 v1, v7  }
0x256: {  	[tilespmem:s31+$0x0] =	vst v1;
	v1 =	vld [tilespmem:s31+$0x10]  }
0x257: {  	v7 =	vld [tilespmem:s24+$0xB0];
	_ =	sdelay $0x4  }
0x258: {  	v1 =	vmax.bf16 v1, v7  }
0x259: {  	[tilespmem:s31+$0x10] =	vst v1  }
0x25a: {  	s30 =	spop (v2sf);
	(v2sf) =	vpush v6, $0x7;
	v7 =	vld [tilespmem:s24+$0xC0]  }
0x25b: {  	v1 =	vld [tilespmem:s30+$0x0];
	_ =	sdelay $0x4  }
0x25c: {  	v1 =	vmax.bf16 v1, v7  }
0x25d: {  	[tilespmem:s30+$0x0] =	vst v1;
	v1 =	vld [tilespmem:s30+$0x10]  }
0x25e: {  	v7 =	vld [tilespmem:s24+$0xD0];
	_ =	sdelay $0x4  }
0x25f: {  	v1 =	vmax.bf16 v1, v7  }
0x260: {  	[tilespmem:s30+$0x10] =	vst v1  }
0x261: {  	s31 =	spop (v2sf);
	(v2sf) =	vpush v6, $0x8;
	v7 =	vld [tilespmem:s24+$0xE0]  }
0x262: {  	v1 =	vld [tilespmem:s31+$0x0];
	_ =	sdelay $0x4  }
0x263: {  	v1 =	vmax.bf16 v1, v7  }
0x264: {  	[tilespmem:s31+$0x0] =	vst v1;
	v1 =	vld [tilespmem:s31+$0x10]  }
0x265: {  	v7 =	vld [tilespmem:s24+$0xF0];
	_ =	sdelay $0x4  }
0x266: {  	v1 =	vmax.bf16 v1, v7  }
0x267: {  	[tilespmem:s31+$0x10] =	vst v1  }
0x268: {  	s30 =	spop (v2sf);
	(v2sf) =	vpush v6, $0x9;
	v7 =	vld [tilespmem:s24+$0x100]  }
0x269: {  	v1 =	vld [tilespmem:s30+$0x0];
	_ =	sdelay $0x4  }
0x26a: {  	v1 =	vmax.bf16 v1, v7  }
0x26b: {  	[tilespmem:s30+$0x0] =	vst v1;
	v1 =	vld [tilespmem:s30+$0x10]  }
0x26c: {  	v7 =	vld [tilespmem:s24+$0x110];
	_ =	sdelay $0x4  }
0x26d: {  	v1 =	vmax.bf16 v1, v7  }
0x26e: {  	[tilespmem:s30+$0x10] =	vst v1  }
0x26f: {  	s31 =	spop (v2sf);
	(v2sf) =	vpush v6, $0xA;
	v7 =	vld [tilespmem:s24+$0x120]  }
0x270: {  	v1 =	vld [tilespmem:s31+$0x0];
	_ =	sdelay $0x4  }
0x271: {  	v1 =	vmax.bf16 v1, v7  }
0x272: {  	[tilespmem:s31+$0x0] =	vst v1;
	v1 =	vld [tilespmem:s31+$0x10]  }
0x273: {  	v7 =	vld [tilespmem:s24+$0x130];
	_ =	sdelay $0x4  }
0x274: {  	v1 =	vmax.bf16 v1, v7  }
0x275: {  	[tilespmem:s31+$0x10] =	vst v1  }
0x276: {  	s30 =	spop (v2sf);
	(v2sf) =	vpush v6, $0xB;
	v7 =	vld [tilespmem:s24+$0x140]  }
0x277: {  	v1 =	vld [tilespmem:s30+$0x0];
	_ =	sdelay $0x4  }
0x278: {  	v1 =	vmax.bf16 v1, v7  }
0x279: {  	[tilespmem:s30+$0x0] =	vst v1;
	v1 =	vld [tilespmem:s30+$0x10]  }
0x27a: {  	v7 =	vld [tilespmem:s24+$0x150];
	_ =	sdelay $0x4  }
0x27b: {  	v1 =	vmax.bf16 v1, v7  }
0x27c: {  	[tilespmem:s30+$0x10] =	vst v1  }
0x27d: {  	s31 =	spop (v2sf);
	(v2sf) =	vpush v6, $0xC;
	v7 =	vld [tilespmem:s24+$0x160]  }
0x27e: {  	v1 =	vld [tilespmem:s31+$0x0];
	_ =	sdelay $0x4  }
0x27f: {  	v1 =	vmax.bf16 v1, v7  }
0x280: {  	[tilespmem:s31+$0x0] =	vst v1;
	v1 =	vld [tilespmem:s31+$0x10]  }
0x281: {  	v7 =	vld [tilespmem:s24+$0x170];
	_ =	sdelay $0x4  }
0x282: {  	v1 =	vmax.bf16 v1, v7  }
0x283: {  	[tilespmem:s31+$0x10] =	vst v1  }
0x284: {  	s30 =	spop (v2sf);
	(v2sf) =	vpush v6, $0xD;
	v7 =	vld [tilespmem:s24+$0x180]  }
0x285: {  	v1 =	vld [tilespmem:s30+$0x0];
	_ =	sdelay $0x4  }
0x286: {  	v1 =	vmax.bf16 v1, v7  }
0x287: {  	[tilespmem:s30+$0x0] =	vst v1;
	v1 =	vld [tilespmem:s30+$0x10]  }
0x288: {  	v7 =	vld [tilespmem:s24+$0x190];
	_ =	sdelay $0x4  }
0x289: {  	v1 =	vmax.bf16 v1, v7  }
0x28a: {  	[tilespmem:s30+$0x10] =	vst v1  }
0x28b: {  	s31 =	spop (v2sf);
	(v2sf) =	vpush v6, $0xE;
	v7 =	vld [tilespmem:s24+$0x1A0]  }
0x28c: {  	v1 =	vld [tilespmem:s31+$0x0];
	_ =	sdelay $0x4  }
0x28d: {  	v1 =	vmax.bf16 v1, v7  }
0x28e: {  	[tilespmem:s31+$0x0] =	vst v1;
	v1 =	vld [tilespmem:s31+$0x10]  }
0x28f: {  	v7 =	vld [tilespmem:s24+$0x1B0];
	_ =	sdelay $0x4  }
0x290: {  	v1 =	vmax.bf16 v1, v7  }
0x291: {  	[tilespmem:s31+$0x10] =	vst v1  }
0x292: {  	s30 =	spop (v2sf);
	(v2sf) =	vpush v6, $0xF;
	v6 =	vld [tilespmem:s24+$0x1C0]  }
0x293: {  	v1 =	vld [tilespmem:s30+$0x0];
	_ =	sdelay $0x4  }
0x294: {  	v1 =	vmax.bf16 v1, v6  }
0x295: {  	[tilespmem:s30+$0x0] =	vst v1;
	v1 =	vld [tilespmem:s30+$0x10]  }
0x296: {  	v6 =	vld [tilespmem:s24+$0x1D0];
	_ =	sdelay $0x4  }
0x297: {  	v1 =	vmax.bf16 v1, v6  }
0x298: {  	[tilespmem:s30+$0x10] =	vst v1  }
0x299: {  	s31 =	spop (v2sf);
	v6 =	vld [tilespmem:s24+$0x1E0]  }
0x29a: {  	v1 =	vld [tilespmem:s31+$0x0];
	_ =	sdelay $0x4  }
0x29b: {  	v1 =	vmax.bf16 v1, v6  }
0x29c: {  	[tilespmem:s31+$0x0] =	vst v1;
	v1 =	vld [tilespmem:s31+$0x10]  }
0x29d: {  	s28 =	sadd.s32 $0x2, s28;
	v6 =	vld [tilespmem:s24+$0x1F0]  }
0x29e: {  	p1 =	slt.u32 s28, $0xE  }
.Ltmp13:
0x29f: {  	_ = 	snop;
	(pc) =	sbr.rel @p1 .LBB2_26-.Ltmp13, $3  }
0x2a0: {  	_ =	sdelay $0x1  }
0x2a1: {  	v1 =	vmax.bf16 v1, v6  }
0x2a2: {  	s25 =	sadd.s32 $0x20, s25;
	s26 =	sadd.s32 $0x20, s26;
	s24 =	sadd.s32 $0x400, s24;
	[tilespmem:s31+$0x10] =	vst v1  }
.Ltmp14:
0x2a3: {  	_ = 	snop;
	(pc) =	sbr.rel .LBB2_27-.Ltmp14, $1  }
0x2a4: {  	_ =	sdelay $0x3  }
.LBB2_12:
.Ltmp15:
0x2a5: {  	(pc) =	sbr.rel .LBB2_13-.Ltmp15, $3  }
0x2a6: {  	_ =	sdelay $0x1  }
0x2a7: {  	s22 =	sand.u32 $0xFF, s21  }
0x2a8: {  	p0 =	sne.s32 s22, $0x0  }
.LBB2_16:
0x2a9: {  	s25 =	sshra.s32 s21, $0x1F  }
0x2aa: {  	s25 =	sshrl.u32 s25, $0x18  }
0x2ab: {  	s25 =	sadd.s32 s25, s21  }
0x2ac: {  	s25 =	sshrl.u32 s25, $0x8  }
0x2ad: {  	p1 =	slt.s32 s21, $0x1;
	s25 =	sand.u32 $0x1, s25  }
0x2ae: {  	p1 =	por !p1, !p0;
	p2 =	seq.s32 s25, $0x1  }
0x2af: {  	p1 =	por !p1, !p1;
	p3 =	por !p2, !p2  }
0x2b0: {  	s26 =	sand.u32 $0x3FF8, s21;
	s25 =	simm.s32 $0x1A290;
	p3 =	por @!p1 p2, p2  }
0x2b1: {  	s26 =	sadd.s32 $0x10280, s26;
	s25 =	simm.s32 @!p3 $0x18290  }
0x2b2: {  	[tilespmem:s25], [sflag:$0x3] =	stream.indirect.gather [hbm4b:s3+s17], $0x20, s26, s17, $0xb8;
	[tilespmem:$0x1C2A0] =	vst v63  }
0x2b3: {  	p1 =	sgt.s32 s21, s19;
	s25 =	sadd.s32 $0x100, s22  }
0x2b4: {  	s19 =	smov.u32 @p1 s21;
	p1 =	sle.s32 s25, s24  }
.Ltmp16:
0x2b5: {  	_ = 	snop;
	(pc) =	sbr.rel @!p1 .LBB2_17-.Ltmp16, $2  }
0x2b6: {  	_ =	sdelay $0x2  }
0x2b7: {  	s21 =	smov.u32 s22  }
.LBB2_13:
0x2b8: {  	p1 =	sle.s32 s21, s19  }
.Ltmp17:
0x2b9: {  	_ = 	snop;
	(pc) =	sbr.rel @p1 .LBB2_16-.Ltmp17, $2  }
0x2ba: {  	_ =	sdelay $0x2  }
0x2bb: {  	s22 =	smov.u32 s25  }
0x2bc: {  	_ =	swait.ge [sflag:s16], $0x2000;
	p1 =	slt.s32 s19, $0x1  }
0x2bd: {  	s25 =	sand.u32 $0xFF, s19;
	s30 =	sshrl.u32 s19, $0x8;
	s26 =	sshll.u32 s19, $0x2  }
0x2be: {  	[sflag:s16] =	ssyncset.done $0x0;
	p2 =	sne.s32 s25, $0x0;
	s25 =	sand.u32 $0x1, s30  }
0x2bf: {  	s28 =	sand.u32 $0xFFFC, s26;
	s26 =	sand.u32 $0x1C, s26;
	[sflag:s16] =	ssyncadd.s32 $0xFFFFE000  }
0x2c0: {  	p1 =	por !p1, !p2;
	p2 =	seq.s32 s25, $0x1;
	s31 =	sadd.s32 $0x40, s28  }
0x2c1: {  	s25 =	simm.s32 $0x1A490;
	p1 =	por !p1, !p1;
	s29 =	sand.u32 $0x1FFE0, s31  }
0x2c2: {  	s28 =	sshrl.u32 s28, $0x2;
	p3 =	por !p1, !p1;
	s26 =	sor.u32 s26, s29  }
0x2c3: {  	p3 =	por @!p2 p1, p1;
	s29 =	sshrl.u32 s26, $0x2;
	s26 =	sadd.s32 $0x14280, s28  }
0x2c4: {  	s25 =	simm.s32 @!p3 $0x18490;
	s28 =	sadd.s32 $0x14280, s29;
	s29 =	simm.s32 $0xFFFFFFFE  }
.LBB2_15:
0x2c5: {  	v1 =	vld [tilespmem:s26+$0x0];
	_ =	sdelay $0x4  }
0x2c6: {  	v1 =	vshll.u32 v1, $0x6  }
0x2c7: {  	v6 =	vshra.s32 v1, $0x1  }
0x2c8: {  	(v2sf) =	vpush v6, $0x0;
	_ =	sdelay $0xe  }
0x2c9: {  	v7 =	vld [tilespmem:s25+$0xFFFFFE00];
	s30 =	spop (v2sf);
	(v2sf) =	vpush v6, $0x1  }
0x2ca: {  	v1 =	vld [tilespmem:s30+$0x0];
	_ =	sdelay $0x4  }
0x2cb: {  	v1 =	vmax.bf16 v1, v7  }
0x2cc: {  	[tilespmem:s30+$0x0] =	vst v1;
	v1 =	vld [tilespmem:s30+$0x10]  }
0x2cd: {  	v7 =	vld [tilespmem:s25+$0xFFFFFE10];
	_ =	sdelay $0x4  }
0x2ce: {  	v1 =	vmax.bf16 v1, v7  }
0x2cf: {  	[tilespmem:s30+$0x10] =	vst v1  }
0x2d0: {  	s31 =	spop (v2sf);
	(v2sf) =	vpush v6, $0x2;
	v7 =	vld [tilespmem:s25+$0xFFFFFE20]  }
0x2d1: {  	v1 =	vld [tilespmem:s31+$0x0];
	_ =	sdelay $0x4  }
0x2d2: {  	v1 =	vmax.bf16 v1, v7  }
0x2d3: {  	[tilespmem:s31+$0x0] =	vst v1;
	v1 =	vld [tilespmem:s31+$0x10]  }
0x2d4: {  	v7 =	vld [tilespmem:s25+$0xFFFFFE30];
	_ =	sdelay $0x4  }
0x2d5: {  	v1 =	vmax.bf16 v1, v7  }
0x2d6: {  	[tilespmem:s31+$0x10] =	vst v1  }
0x2d7: {  	s31 =	spop (v2sf);
	(v2sf) =	vpush v6, $0x3;
	v7 =	vld [tilespmem:s25+$0xFFFFFE40]  }
0x2d8: {  	v1 =	vld [tilespmem:s31+$0x0];
	_ =	sdelay $0x4  }
0x2d9: {  	v1 =	vmax.bf16 v1, v7  }
0x2da: {  	[tilespmem:s31+$0x0] =	vst v1;
	v1 =	vld [tilespmem:s31+$0x10]  }
0x2db: {  	v7 =	vld [tilespmem:s25+$0xFFFFFE50];
	_ =	sdelay $0x4  }
0x2dc: {  	v1 =	vmax.bf16 v1, v7  }
0x2dd: {  	[tilespmem:s31+$0x10] =	vst v1  }
0x2de: {  	s31 =	spop (v2sf);
	(v2sf) =	vpush v6, $0x4;
	v7 =	vld [tilespmem:s25+$0xFFFFFE60]  }
0x2df: {  	v1 =	vld [tilespmem:s31+$0x0];
	_ =	sdelay $0x4  }
0x2e0: {  	v1 =	vmax.bf16 v1, v7  }
0x2e1: {  	[tilespmem:s31+$0x0] =	vst v1;
	v1 =	vld [tilespmem:s31+$0x10]  }
0x2e2: {  	v7 =	vld [tilespmem:s25+$0xFFFFFE70];
	_ =	sdelay $0x4  }
0x2e3: {  	v1 =	vmax.bf16 v1, v7  }
0x2e4: {  	[tilespmem:s31+$0x10] =	vst v1  }
0x2e5: {  	s31 =	spop (v2sf);
	(v2sf) =	vpush v6, $0x5;
	v7 =	vld [tilespmem:s25+$0xFFFFFE80]  }
0x2e6: {  	v1 =	vld [tilespmem:s31+$0x0];
	_ =	sdelay $0x4  }
0x2e7: {  	v1 =	vmax.bf16 v1, v7  }
0x2e8: {  	[tilespmem:s31+$0x0] =	vst v1;
	v1 =	vld [tilespmem:s31+$0x10]  }
0x2e9: {  	v7 =	vld [tilespmem:s25+$0xFFFFFE90];
	_ =	sdelay $0x4  }
0x2ea: {  	v1 =	vmax.bf16 v1, v7  }
0x2eb: {  	[tilespmem:s31+$0x10] =	vst v1  }
0x2ec: {  	s31 =	spop (v2sf);
	(v2sf) =	vpush v6, $0x6;
	v7 =	vld [tilespmem:s25+$0xFFFFFEA0]  }
0x2ed: {  	v1 =	vld [tilespmem:s31+$0x0];
	_ =	sdelay $0x4  }
0x2ee: {  	v1 =	vmax.bf16 v1, v7  }
0x2ef: {  	[tilespmem:s31+$0x0] =	vst v1;
	v1 =	vld [tilespmem:s31+$0x10]  }
0x2f0: {  	v7 =	vld [tilespmem:s25+$0xFFFFFEB0];
	_ =	sdelay $0x4  }
0x2f1: {  	v1 =	vmax.bf16 v1, v7  }
0x2f2: {  	[tilespmem:s31+$0x10] =	vst v1  }
0x2f3: {  	s31 =	spop (v2sf);
	(v2sf) =	vpush v6, $0x7;
	v7 =	vld [tilespmem:s25+$0xFFFFFEC0]  }
0x2f4: {  	v1 =	vld [tilespmem:s31+$0x0];
	_ =	sdelay $0x4  }
0x2f5: {  	v1 =	vmax.bf16 v1, v7  }
0x2f6: {  	[tilespmem:s31+$0x0] =	vst v1;
	v1 =	vld [tilespmem:s31+$0x10]  }
0x2f7: {  	v7 =	vld [tilespmem:s25+$0xFFFFFED0];
	_ =	sdelay $0x4  }
0x2f8: {  	v1 =	vmax.bf16 v1, v7  }
0x2f9: {  	[tilespmem:s31+$0x10] =	vst v1  }
0x2fa: {  	s31 =	spop (v2sf);
	(v2sf) =	vpush v6, $0x8;
	v7 =	vld [tilespmem:s25+$0xFFFFFEE0]  }
0x2fb: {  	v1 =	vld [tilespmem:s31+$0x0];
	_ =	sdelay $0x4  }
0x2fc: {  	v1 =	vmax.bf16 v1, v7  }
0x2fd: {  	[tilespmem:s31+$0x0] =	vst v1;
	v1 =	vld [tilespmem:s31+$0x10]  }
0x2fe: {  	v7 =	vld [tilespmem:s25+$0xFFFFFEF0];
	_ =	sdelay $0x4  }
0x2ff: {  	v1 =	vmax.bf16 v1, v7  }
0x300: {  	[tilespmem:s31+$0x10] =	vst v1  }
0x301: {  	s31 =	spop (v2sf);
	(v2sf) =	vpush v6, $0x9;
	v7 =	vld [tilespmem:s25+$0xFFFFFF00]  }
0x302: {  	v1 =	vld [tilespmem:s31+$0x0];
	_ =	sdelay $0x4  }
0x303: {  	v1 =	vmax.bf16 v1, v7  }
0x304: {  	[tilespmem:s31+$0x0] =	vst v1;
	v1 =	vld [tilespmem:s31+$0x10]  }
0x305: {  	v7 =	vld [tilespmem:s25+$0xFFFFFF10];
	_ =	sdelay $0x4  }
0x306: {  	v1 =	vmax.bf16 v1, v7  }
0x307: {  	[tilespmem:s31+$0x10] =	vst v1  }
0x308: {  	s31 =	spop (v2sf);
	(v2sf) =	vpush v6, $0xA;
	v7 =	vld [tilespmem:s25+$0xFFFFFF20]  }
0x309: {  	v1 =	vld [tilespmem:s31+$0x0];
	_ =	sdelay $0x4  }
0x30a: {  	v1 =	vmax.bf16 v1, v7  }
0x30b: {  	[tilespmem:s31+$0x0] =	vst v1;
	v1 =	vld [tilespmem:s31+$0x10]  }
0x30c: {  	v7 =	vld [tilespmem:s25+$0xFFFFFF30];
	_ =	sdelay $0x4  }
0x30d: {  	v1 =	vmax.bf16 v1, v7  }
0x30e: {  	[tilespmem:s31+$0x10] =	vst v1  }
0x30f: {  	s31 =	spop (v2sf);
	(v2sf) =	vpush v6, $0xB;
	v7 =	vld [tilespmem:s25+$0xFFFFFF40]  }
0x310: {  	v1 =	vld [tilespmem:s31+$0x0];
	_ =	sdelay $0x4  }
0x311: {  	v1 =	vmax.bf16 v1, v7  }
0x312: {  	[tilespmem:s31+$0x0] =	vst v1;
	v1 =	vld [tilespmem:s31+$0x10]  }
0x313: {  	v7 =	vld [tilespmem:s25+$0xFFFFFF50];
	_ =	sdelay $0x4  }
0x314: {  	v1 =	vmax.bf16 v1, v7  }
0x315: {  	[tilespmem:s31+$0x10] =	vst v1  }
0x316: {  	s31 =	spop (v2sf);
	(v2sf) =	vpush v6, $0xC;
	v7 =	vld [tilespmem:s25+$0xFFFFFF60]  }
0x317: {  	v1 =	vld [tilespmem:s31+$0x0];
	_ =	sdelay $0x4  }
0x318: {  	v1 =	vmax.bf16 v1, v7  }
0x319: {  	[tilespmem:s31+$0x0] =	vst v1;
	v1 =	vld [tilespmem:s31+$0x10]  }
0x31a: {  	v7 =	vld [tilespmem:s25+$0xFFFFFF70];
	_ =	sdelay $0x4  }
0x31b: {  	v1 =	vmax.bf16 v1, v7  }
0x31c: {  	[tilespmem:s31+$0x10] =	vst v1  }
0x31d: {  	s31 =	spop (v2sf);
	(v2sf) =	vpush v6, $0xD;
	v7 =	vld [tilespmem:s25+$0xFFFFFF80]  }
0x31e: {  	v1 =	vld [tilespmem:s31+$0x0];
	_ =	sdelay $0x4  }
0x31f: {  	v1 =	vmax.bf16 v1, v7  }
0x320: {  	[tilespmem:s31+$0x0] =	vst v1;
	v1 =	vld [tilespmem:s31+$0x10]  }
0x321: {  	v7 =	vld [tilespmem:s25+$0xFFFFFF90];
	_ =	sdelay $0x4  }
0x322: {  	v1 =	vmax.bf16 v1, v7  }
0x323: {  	[tilespmem:s31+$0x10] =	vst v1  }
0x324: {  	s31 =	spop (v2sf);
	(v2sf) =	vpush v6, $0xE;
	v7 =	vld [tilespmem:s25+$0xFFFFFFA0]  }
0x325: {  	v1 =	vld [tilespmem:s31+$0x0];
	_ =	sdelay $0x4  }
0x326: {  	v1 =	vmax.bf16 v1, v7  }
0x327: {  	[tilespmem:s31+$0x0] =	vst v1;
	v1 =	vld [tilespmem:s31+$0x10]  }
0x328: {  	v7 =	vld [tilespmem:s25+$0xFFFFFFB0];
	_ =	sdelay $0x4  }
0x329: {  	v1 =	vmax.bf16 v1, v7  }
0x32a: {  	[tilespmem:s31+$0x10] =	vst v1  }
0x32b: {  	s31 =	spop (v2sf);
	(v2sf) =	vpush v6, $0xF;
	v6 =	vld [tilespmem:s25+$0xFFFFFFC0]  }
0x32c: {  	v1 =	vld [tilespmem:s31+$0x0];
	_ =	sdelay $0x4  }
0x32d: {  	v1 =	vmax.bf16 v1, v6  }
0x32e: {  	[tilespmem:s31+$0x0] =	vst v1;
	v1 =	vld [tilespmem:s31+$0x10]  }
0x32f: {  	v6 =	vld [tilespmem:s25+$0xFFFFFFD0];
	_ =	sdelay $0x4  }
0x330: {  	v1 =	vmax.bf16 v1, v6  }
0x331: {  	[tilespmem:s31+$0x10] =	vst v1  }
0x332: {  	s31 =	spop (v2sf);
	v6 =	vld [tilespmem:s25+$0xFFFFFFE0]  }
0x333: {  	v1 =	vld [tilespmem:s31+$0x0];
	_ =	sdelay $0x4  }
0x334: {  	v1 =	vmax.bf16 v1, v6  }
0x335: {  	[tilespmem:s31+$0x0] =	vst v1;
	v1 =	vld [tilespmem:s31+$0x10]  }
0x336: {  	v6 =	vld [tilespmem:s25+$0xFFFFFFF0];
	_ =	sdelay $0x4  }
0x337: {  	v1 =	vmax.bf16 v1, v6  }
0x338: {  	[tilespmem:s31+$0x10] =	vst v1  }
0x339: {  	v1 =	vld [tilespmem:s28+$0x0];
	_ =	sdelay $0x4  }
0x33a: {  	v1 =	vshll.u32 v1, $0x6  }
0x33b: {  	v6 =	vshra.s32 v1, $0x1  }
0x33c: {  	(v2sf) =	vpush v6, $0x0;
	_ =	sdelay $0xe  }
0x33d: {  	v7 =	vld [tilespmem:s25+$0x0];
	s31 =	spop (v2sf);
	(v2sf) =	vpush v6, $0x1  }
0x33e: {  	v1 =	vld [tilespmem:s31+$0x0];
	_ =	sdelay $0x4  }
0x33f: {  	v1 =	vmax.bf16 v1, v7  }
0x340: {  	[tilespmem:s31+$0x0] =	vst v1;
	v1 =	vld [tilespmem:s31+$0x10]  }
0x341: {  	v7 =	vld [tilespmem:s25+$0x10];
	_ =	sdelay $0x4  }
0x342: {  	v1 =	vmax.bf16 v1, v7  }
0x343: {  	[tilespmem:s31+$0x10] =	vst v1  }
0x344: {  	s31 =	spop (v2sf);
	(v2sf) =	vpush v6, $0x2;
	v7 =	vld [tilespmem:s25+$0x20]  }
0x345: {  	v1 =	vld [tilespmem:s31+$0x0];
	_ =	sdelay $0x4  }
0x346: {  	v1 =	vmax.bf16 v1, v7  }
0x347: {  	[tilespmem:s31+$0x0] =	vst v1;
	v1 =	vld [tilespmem:s31+$0x10]  }
0x348: {  	v7 =	vld [tilespmem:s25+$0x30];
	_ =	sdelay $0x4  }
0x349: {  	v1 =	vmax.bf16 v1, v7  }
0x34a: {  	[tilespmem:s31+$0x10] =	vst v1  }
0x34b: {  	s31 =	spop (v2sf);
	(v2sf) =	vpush v6, $0x3;
	v7 =	vld [tilespmem:s25+$0x40]  }
0x34c: {  	v1 =	vld [tilespmem:s31+$0x0];
	_ =	sdelay $0x4  }
0x34d: {  	v1 =	vmax.bf16 v1, v7  }
0x34e: {  	[tilespmem:s31+$0x0] =	vst v1;
	v1 =	vld [tilespmem:s31+$0x10]  }
0x34f: {  	v7 =	vld [tilespmem:s25+$0x50];
	_ =	sdelay $0x4  }
0x350: {  	v1 =	vmax.bf16 v1, v7  }
0x351: {  	[tilespmem:s31+$0x10] =	vst v1  }
0x352: {  	s31 =	spop (v2sf);
	(v2sf) =	vpush v6, $0x4;
	v7 =	vld [tilespmem:s25+$0x60]  }
0x353: {  	v1 =	vld [tilespmem:s31+$0x0];
	_ =	sdelay $0x4  }
0x354: {  	v1 =	vmax.bf16 v1, v7  }
0x355: {  	[tilespmem:s31+$0x0] =	vst v1;
	v1 =	vld [tilespmem:s31+$0x10]  }
0x356: {  	v7 =	vld [tilespmem:s25+$0x70];
	_ =	sdelay $0x4  }
0x357: {  	v1 =	vmax.bf16 v1, v7  }
0x358: {  	[tilespmem:s31+$0x10] =	vst v1  }
0x359: {  	s31 =	spop (v2sf);
	(v2sf) =	vpush v6, $0x5;
	v7 =	vld [tilespmem:s25+$0x80]  }
0x35a: {  	v1 =	vld [tilespmem:s31+$0x0];
	_ =	sdelay $0x4  }
0x35b: {  	v1 =	vmax.bf16 v1, v7  }
0x35c: {  	[tilespmem:s31+$0x0] =	vst v1;
	v1 =	vld [tilespmem:s31+$0x10]  }
0x35d: {  	v7 =	vld [tilespmem:s25+$0x90];
	_ =	sdelay $0x4  }
0x35e: {  	v1 =	vmax.bf16 v1, v7  }
0x35f: {  	[tilespmem:s31+$0x10] =	vst v1  }
0x360: {  	s31 =	spop (v2sf);
	(v2sf) =	vpush v6, $0x6;
	v7 =	vld [tilespmem:s25+$0xA0]  }
0x361: {  	v1 =	vld [tilespmem:s31+$0x0];
	_ =	sdelay $0x4  }
0x362: {  	v1 =	vmax.bf16 v1, v7  }
0x363: {  	[tilespmem:s31+$0x0] =	vst v1;
	v1 =	vld [tilespmem:s31+$0x10]  }
0x364: {  	v7 =	vld [tilespmem:s25+$0xB0];
	_ =	sdelay $0x4  }
0x365: {  	v1 =	vmax.bf16 v1, v7  }
0x366: {  	[tilespmem:s31+$0x10] =	vst v1  }
0x367: {  	s31 =	spop (v2sf);
	(v2sf) =	vpush v6, $0x7;
	v7 =	vld [tilespmem:s25+$0xC0]  }
0x368: {  	v1 =	vld [tilespmem:s31+$0x0];
	_ =	sdelay $0x4  }
0x369: {  	v1 =	vmax.bf16 v1, v7  }
0x36a: {  	[tilespmem:s31+$0x0] =	vst v1;
	v1 =	vld [tilespmem:s31+$0x10]  }
0x36b: {  	v7 =	vld [tilespmem:s25+$0xD0];
	_ =	sdelay $0x4  }
0x36c: {  	v1 =	vmax.bf16 v1, v7  }
0x36d: {  	[tilespmem:s31+$0x10] =	vst v1  }
0x36e: {  	s31 =	spop (v2sf);
	(v2sf) =	vpush v6, $0x8;
	v7 =	vld [tilespmem:s25+$0xE0]  }
0x36f: {  	v1 =	vld [tilespmem:s31+$0x0];
	_ =	sdelay $0x4  }
0x370: {  	v1 =	vmax.bf16 v1, v7  }
0x371: {  	[tilespmem:s31+$0x0] =	vst v1;
	v1 =	vld [tilespmem:s31+$0x10]  }
0x372: {  	v7 =	vld [tilespmem:s25+$0xF0];
	_ =	sdelay $0x4  }
0x373: {  	v1 =	vmax.bf16 v1, v7  }
0x374: {  	[tilespmem:s31+$0x10] =	vst v1  }
0x375: {  	s31 =	spop (v2sf);
	(v2sf) =	vpush v6, $0x9;
	v7 =	vld [tilespmem:s25+$0x100]  }
0x376: {  	v1 =	vld [tilespmem:s31+$0x0];
	_ =	sdelay $0x4  }
0x377: {  	v1 =	vmax.bf16 v1, v7  }
0x378: {  	[tilespmem:s31+$0x0] =	vst v1;
	v1 =	vld [tilespmem:s31+$0x10]  }
0x379: {  	v7 =	vld [tilespmem:s25+$0x110];
	_ =	sdelay $0x4  }
0x37a: {  	v1 =	vmax.bf16 v1, v7  }
0x37b: {  	[tilespmem:s31+$0x10] =	vst v1  }
0x37c: {  	s31 =	spop (v2sf);
	(v2sf) =	vpush v6, $0xA;
	v7 =	vld [tilespmem:s25+$0x120]  }
0x37d: {  	v1 =	vld [tilespmem:s31+$0x0];
	_ =	sdelay $0x4  }
0x37e: {  	v1 =	vmax.bf16 v1, v7  }
0x37f: {  	[tilespmem:s31+$0x0] =	vst v1;
	v1 =	vld [tilespmem:s31+$0x10]  }
0x380: {  	v7 =	vld [tilespmem:s25+$0x130];
	_ =	sdelay $0x4  }
0x381: {  	v1 =	vmax.bf16 v1, v7  }
0x382: {  	[tilespmem:s31+$0x10] =	vst v1  }
0x383: {  	s31 =	spop (v2sf);
	(v2sf) =	vpush v6, $0xB;
	v7 =	vld [tilespmem:s25+$0x140]  }
0x384: {  	v1 =	vld [tilespmem:s31+$0x0];
	_ =	sdelay $0x4  }
0x385: {  	v1 =	vmax.bf16 v1, v7  }
0x386: {  	[tilespmem:s31+$0x0] =	vst v1;
	v1 =	vld [tilespmem:s31+$0x10]  }
0x387: {  	v7 =	vld [tilespmem:s25+$0x150];
	_ =	sdelay $0x4  }
0x388: {  	v1 =	vmax.bf16 v1, v7  }
0x389: {  	[tilespmem:s31+$0x10] =	vst v1  }
0x38a: {  	s31 =	spop (v2sf);
	(v2sf) =	vpush v6, $0xC;
	v7 =	vld [tilespmem:s25+$0x160]  }
0x38b: {  	v1 =	vld [tilespmem:s31+$0x0];
	_ =	sdelay $0x4  }
0x38c: {  	v1 =	vmax.bf16 v1, v7  }
0x38d: {  	[tilespmem:s31+$0x0] =	vst v1;
	v1 =	vld [tilespmem:s31+$0x10]  }
0x38e: {  	v7 =	vld [tilespmem:s25+$0x170];
	_ =	sdelay $0x4  }
0x38f: {  	v1 =	vmax.bf16 v1, v7  }
0x390: {  	[tilespmem:s31+$0x10] =	vst v1  }
0x391: {  	s31 =	spop (v2sf);
	(v2sf) =	vpush v6, $0xD;
	v7 =	vld [tilespmem:s25+$0x180]  }
0x392: {  	v1 =	vld [tilespmem:s31+$0x0];
	_ =	sdelay $0x4  }
0x393: {  	v1 =	vmax.bf16 v1, v7  }
0x394: {  	[tilespmem:s31+$0x0] =	vst v1;
	v1 =	vld [tilespmem:s31+$0x10]  }
0x395: {  	v7 =	vld [tilespmem:s25+$0x190];
	_ =	sdelay $0x4  }
0x396: {  	v1 =	vmax.bf16 v1, v7  }
0x397: {  	[tilespmem:s31+$0x10] =	vst v1  }
0x398: {  	s31 =	spop (v2sf);
	(v2sf) =	vpush v6, $0xE;
	v7 =	vld [tilespmem:s25+$0x1A0]  }
0x399: {  	v1 =	vld [tilespmem:s31+$0x0];
	_ =	sdelay $0x4  }
0x39a: {  	v1 =	vmax.bf16 v1, v7  }
0x39b: {  	[tilespmem:s31+$0x0] =	vst v1;
	v1 =	vld [tilespmem:s31+$0x10]  }
0x39c: {  	v7 =	vld [tilespmem:s25+$0x1B0];
	_ =	sdelay $0x4  }
0x39d: {  	v1 =	vmax.bf16 v1, v7  }
0x39e: {  	[tilespmem:s31+$0x10] =	vst v1  }
0x39f: {  	s31 =	spop (v2sf);
	(v2sf) =	vpush v6, $0xF;
	v6 =	vld [tilespmem:s25+$0x1C0]  }
0x3a0: {  	v1 =	vld [tilespmem:s31+$0x0];
	_ =	sdelay $0x4  }
0x3a1: {  	v1 =	vmax.bf16 v1, v6  }
0x3a2: {  	[tilespmem:s31+$0x0] =	vst v1;
	v1 =	vld [tilespmem:s31+$0x10]  }
0x3a3: {  	v6 =	vld [tilespmem:s25+$0x1D0];
	_ =	sdelay $0x4  }
0x3a4: {  	v1 =	vmax.bf16 v1, v6  }
0x3a5: {  	[tilespmem:s31+$0x10] =	vst v1  }
0x3a6: {  	s31 =	spop (v2sf);
	v6 =	vld [tilespmem:s25+$0x1E0]  }
0x3a7: {  	v1 =	vld [tilespmem:s31+$0x0];
	_ =	sdelay $0x4  }
0x3a8: {  	v1 =	vmax.bf16 v1, v6  }
0x3a9: {  	[tilespmem:s31+$0x0] =	vst v1;
	v1 =	vld [tilespmem:s31+$0x10]  }
0x3aa: {  	s29 =	sadd.s32 $0x2, s29;
	v6 =	vld [tilespmem:s25+$0x1F0]  }
0x3ab: {  	p1 =	slt.u32 s29, $0xE  }
.Ltmp18:
0x3ac: {  	_ = 	snop;
	(pc) =	sbr.rel @p1 .LBB2_15-.Ltmp18, $3  }
0x3ad: {  	_ =	sdelay $0x1  }
0x3ae: {  	v1 =	vmax.bf16 v1, v6  }
0x3af: {  	s26 =	sadd.s32 $0x20, s26;
	s28 =	sadd.s32 $0x20, s28;
	s25 =	sadd.s32 $0x400, s25;
	[tilespmem:s31+$0x10] =	vst v1  }
.Ltmp19:
0x3b0: {  	_ = 	snop;
	(pc) =	sbr.rel .LBB2_16-.Ltmp19, $1  }
0x3b1: {  	_ =	sdelay $0x3  }
.LBB2_29:
0x3b2: {  	p0 =	sle.s32 s21, s19  }
.Ltmp20:
0x3b3: {  	_ = 	snop;
	(pc) =	sbr.rel @p0 .LBB2_32-.Ltmp20, $1  }
0x3b4: {  	_ =	sdelay $0x3  }
0x3b5: {  	_ =	swait.ge [sflag:s16], $0x2000;
	p0 =	slt.s32 s19, $0x1  }
0x3b6: {  	s20 =	sand.u32 $0xFF, s19;
	s30 =	sshrl.u32 s19, $0x8;
	s22 =	sshll.u32 s19, $0x2  }
0x3b7: {  	[sflag:s16] =	ssyncset.done $0x0;
	p1 =	sne.s32 s20, $0x0;
	s20 =	sand.u32 $0x1, s30  }
0x3b8: {  	s24 =	sand.u32 $0xFFFC, s22;
	s22 =	sand.u32 $0x1C, s22;
	[sflag:s16] =	ssyncadd.s32 $0xFFFFE000  }
0x3b9: {  	p0 =	por !p0, !p1;
	p1 =	seq.s32 s20, $0x1;
	s31 =	sadd.s32 $0x40, s24  }
0x3ba: {  	s20 =	simm.s32 $0x1A490;
	p0 =	por !p0, !p0;
	s25 =	sand.u32 $0x1FFE0, s31  }
0x3bb: {  	s24 =	sshrl.u32 s24, $0x2;
	p2 =	por !p0, !p0;
	s22 =	sor.u32 s22, s25  }
0x3bc: {  	p2 =	por @!p1 p0, p0;
	s25 =	sshrl.u32 s22, $0x2;
	s22 =	sadd.s32 $0x14280, s24  }
0x3bd: {  	s20 =	simm.s32 @!p2 $0x18490;
	s24 =	sadd.s32 $0x14280, s25;
	s25 =	simm.s32 $0xFFFFFFFE  }
.LBB2_31:
0x3be: {  	v1 =	vld [tilespmem:s22+$0x0];
	_ =	sdelay $0x4  }
0x3bf: {  	v1 =	vshll.u32 v1, $0x6  }
0x3c0: {  	v4 =	vshra.s32 v1, $0x1  }
0x3c1: {  	(v2sf) =	vpush v4, $0x0;
	_ =	sdelay $0xe  }
0x3c2: {  	v5 =	vld [tilespmem:s20+$0xFFFFFE00];
	s26 =	spop (v2sf);
	(v2sf) =	vpush v4, $0x1  }
0x3c3: {  	v1 =	vld [tilespmem:s26+$0x0];
	_ =	sdelay $0x4  }
0x3c4: {  	v1 =	vmax.bf16 v1, v5  }
0x3c5: {  	[tilespmem:s26+$0x0] =	vst v1;
	v1 =	vld [tilespmem:s26+$0x10]  }
0x3c6: {  	v5 =	vld [tilespmem:s20+$0xFFFFFE10];
	_ =	sdelay $0x4  }
0x3c7: {  	v1 =	vmax.bf16 v1, v5  }
0x3c8: {  	[tilespmem:s26+$0x10] =	vst v1  }
0x3c9: {  	s29 =	spop (v2sf);
	(v2sf) =	vpush v4, $0x2;
	v5 =	vld [tilespmem:s20+$0xFFFFFE20]  }
0x3ca: {  	v1 =	vld [tilespmem:s29+$0x0];
	_ =	sdelay $0x4  }
0x3cb: {  	v1 =	vmax.bf16 v1, v5  }
0x3cc: {  	[tilespmem:s29+$0x0] =	vst v1;
	v1 =	vld [tilespmem:s29+$0x10]  }
0x3cd: {  	v5 =	vld [tilespmem:s20+$0xFFFFFE30];
	_ =	sdelay $0x4  }
0x3ce: {  	v1 =	vmax.bf16 v1, v5  }
0x3cf: {  	[tilespmem:s29+$0x10] =	vst v1  }
0x3d0: {  	s30 =	spop (v2sf);
	(v2sf) =	vpush v4, $0x3;
	v5 =	vld [tilespmem:s20+$0xFFFFFE40]  }
0x3d1: {  	v1 =	vld [tilespmem:s30+$0x0];
	_ =	sdelay $0x4  }
0x3d2: {  	v1 =	vmax.bf16 v1, v5  }
0x3d3: {  	[tilespmem:s30+$0x0] =	vst v1;
	v1 =	vld [tilespmem:s30+$0x10]  }
0x3d4: {  	v5 =	vld [tilespmem:s20+$0xFFFFFE50];
	_ =	sdelay $0x4  }
0x3d5: {  	v1 =	vmax.bf16 v1, v5  }
0x3d6: {  	[tilespmem:s30+$0x10] =	vst v1  }
0x3d7: {  	s31 =	spop (v2sf);
	(v2sf) =	vpush v4, $0x4;
	v5 =	vld [tilespmem:s20+$0xFFFFFE60]  }
0x3d8: {  	v1 =	vld [tilespmem:s31+$0x0];
	_ =	sdelay $0x4  }
0x3d9: {  	v1 =	vmax.bf16 v1, v5  }
0x3da: {  	[tilespmem:s31+$0x0] =	vst v1;
	v1 =	vld [tilespmem:s31+$0x10]  }
0x3db: {  	v5 =	vld [tilespmem:s20+$0xFFFFFE70];
	_ =	sdelay $0x4  }
0x3dc: {  	v1 =	vmax.bf16 v1, v5  }
0x3dd: {  	[tilespmem:s31+$0x10] =	vst v1  }
0x3de: {  	s28 =	spop (v2sf);
	(v2sf) =	vpush v4, $0x5;
	v5 =	vld [tilespmem:s20+$0xFFFFFE80]  }
0x3df: {  	v1 =	vld [tilespmem:s28+$0x0];
	_ =	sdelay $0x4  }
0x3e0: {  	v1 =	vmax.bf16 v1, v5  }
0x3e1: {  	[tilespmem:s28+$0x0] =	vst v1;
	v1 =	vld [tilespmem:s28+$0x10]  }
0x3e2: {  	v5 =	vld [tilespmem:s20+$0xFFFFFE90];
	_ =	sdelay $0x4  }
0x3e3: {  	v1 =	vmax.bf16 v1, v5  }
0x3e4: {  	[tilespmem:s28+$0x10] =	vst v1  }
0x3e5: {  	s29 =	spop (v2sf);
	(v2sf) =	vpush v4, $0x6;
	v5 =	vld [tilespmem:s20+$0xFFFFFEA0]  }
0x3e6: {  	v1 =	vld [tilespmem:s29+$0x0];
	_ =	sdelay $0x4  }
0x3e7: {  	v1 =	vmax.bf16 v1, v5  }
0x3e8: {  	[tilespmem:s29+$0x0] =	vst v1;
	v1 =	vld [tilespmem:s29+$0x10]  }
0x3e9: {  	v5 =	vld [tilespmem:s20+$0xFFFFFEB0];
	_ =	sdelay $0x4  }
0x3ea: {  	v1 =	vmax.bf16 v1, v5  }
0x3eb: {  	[tilespmem:s29+$0x10] =	vst v1  }
0x3ec: {  	s30 =	spop (v2sf);
	(v2sf) =	vpush v4, $0x7;
	v5 =	vld [tilespmem:s20+$0xFFFFFEC0]  }
0x3ed: {  	v1 =	vld [tilespmem:s30+$0x0];
	_ =	sdelay $0x4  }
0x3ee: {  	v1 =	vmax.bf16 v1, v5  }
0x3ef: {  	[tilespmem:s30+$0x0] =	vst v1;
	v1 =	vld [tilespmem:s30+$0x10]  }
0x3f0: {  	v5 =	vld [tilespmem:s20+$0xFFFFFED0];
	_ =	sdelay $0x4  }
0x3f1: {  	v1 =	vmax.bf16 v1, v5  }
0x3f2: {  	[tilespmem:s30+$0x10] =	vst v1  }
0x3f3: {  	s31 =	spop (v2sf);
	(v2sf) =	vpush v4, $0x8;
	v5 =	vld [tilespmem:s20+$0xFFFFFEE0]  }
0x3f4: {  	v1 =	vld [tilespmem:s31+$0x0];
	_ =	sdelay $0x4  }
0x3f5: {  	v1 =	vmax.bf16 v1, v5  }
0x3f6: {  	[tilespmem:s31+$0x0] =	vst v1;
	v1 =	vld [tilespmem:s31+$0x10]  }
0x3f7: {  	v5 =	vld [tilespmem:s20+$0xFFFFFEF0];
	_ =	sdelay $0x4  }
0x3f8: {  	v1 =	vmax.bf16 v1, v5  }
0x3f9: {  	[tilespmem:s31+$0x10] =	vst v1  }
0x3fa: {  	s28 =	spop (v2sf);
	(v2sf) =	vpush v4, $0x9;
	v5 =	vld [tilespmem:s20+$0xFFFFFF00]  }
0x3fb: {  	v1 =	vld [tilespmem:s28+$0x0];
	_ =	sdelay $0x4  }
0x3fc: {  	v1 =	vmax.bf16 v1, v5  }
0x3fd: {  	[tilespmem:s28+$0x0] =	vst v1;
	v1 =	vld [tilespmem:s28+$0x10]  }
0x3fe: {  	v5 =	vld [tilespmem:s20+$0xFFFFFF10];
	_ =	sdelay $0x4  }
0x3ff: {  	v1 =	vmax.bf16 v1, v5  }
0x400: {  	[tilespmem:s28+$0x10] =	vst v1  }
0x401: {  	s29 =	spop (v2sf);
	(v2sf) =	vpush v4, $0xA;
	v5 =	vld [tilespmem:s20+$0xFFFFFF20]  }
0x402: {  	v1 =	vld [tilespmem:s29+$0x0];
	_ =	sdelay $0x4  }
0x403: {  	v1 =	vmax.bf16 v1, v5  }
0x404: {  	[tilespmem:s29+$0x0] =	vst v1;
	v1 =	vld [tilespmem:s29+$0x10]  }
0x405: {  	v5 =	vld [tilespmem:s20+$0xFFFFFF30];
	_ =	sdelay $0x4  }
0x406: {  	v1 =	vmax.bf16 v1, v5  }
0x407: {  	[tilespmem:s29+$0x10] =	vst v1  }
0x408: {  	s30 =	spop (v2sf);
	(v2sf) =	vpush v4, $0xB;
	v5 =	vld [tilespmem:s20+$0xFFFFFF40]  }
0x409: {  	v1 =	vld [tilespmem:s30+$0x0];
	_ =	sdelay $0x4  }
0x40a: {  	v1 =	vmax.bf16 v1, v5  }
0x40b: {  	[tilespmem:s30+$0x0] =	vst v1;
	v1 =	vld [tilespmem:s30+$0x10]  }
0x40c: {  	v5 =	vld [tilespmem:s20+$0xFFFFFF50];
	_ =	sdelay $0x4  }
0x40d: {  	v1 =	vmax.bf16 v1, v5  }
0x40e: {  	[tilespmem:s30+$0x10] =	vst v1  }
0x40f: {  	s31 =	spop (v2sf);
	(v2sf) =	vpush v4, $0xC;
	v5 =	vld [tilespmem:s20+$0xFFFFFF60]  }
0x410: {  	v1 =	vld [tilespmem:s31+$0x0];
	_ =	sdelay $0x4  }
0x411: {  	v1 =	vmax.bf16 v1, v5  }
0x412: {  	[tilespmem:s31+$0x0] =	vst v1;
	v1 =	vld [tilespmem:s31+$0x10]  }
0x413: {  	v5 =	vld [tilespmem:s20+$0xFFFFFF70];
	_ =	sdelay $0x4  }
0x414: {  	v1 =	vmax.bf16 v1, v5  }
0x415: {  	[tilespmem:s31+$0x10] =	vst v1  }
0x416: {  	s28 =	spop (v2sf);
	(v2sf) =	vpush v4, $0xD;
	v5 =	vld [tilespmem:s20+$0xFFFFFF80]  }
0x417: {  	v1 =	vld [tilespmem:s28+$0x0];
	_ =	sdelay $0x4  }
0x418: {  	v1 =	vmax.bf16 v1, v5  }
0x419: {  	[tilespmem:s28+$0x0] =	vst v1;
	v1 =	vld [tilespmem:s28+$0x10]  }
0x41a: {  	v5 =	vld [tilespmem:s20+$0xFFFFFF90];
	_ =	sdelay $0x4  }
0x41b: {  	v1 =	vmax.bf16 v1, v5  }
0x41c: {  	[tilespmem:s28+$0x10] =	vst v1  }
0x41d: {  	s29 =	spop (v2sf);
	(v2sf) =	vpush v4, $0xE;
	v5 =	vld [tilespmem:s20+$0xFFFFFFA0]  }
0x41e: {  	v1 =	vld [tilespmem:s29+$0x0];
	_ =	sdelay $0x4  }
0x41f: {  	v1 =	vmax.bf16 v1, v5  }
0x420: {  	[tilespmem:s29+$0x0] =	vst v1;
	v1 =	vld [tilespmem:s29+$0x10]  }
0x421: {  	v5 =	vld [tilespmem:s20+$0xFFFFFFB0];
	_ =	sdelay $0x4  }
0x422: {  	v1 =	vmax.bf16 v1, v5  }
0x423: {  	[tilespmem:s29+$0x10] =	vst v1  }
0x424: {  	s30 =	spop (v2sf);
	(v2sf) =	vpush v4, $0xF;
	v4 =	vld [tilespmem:s20+$0xFFFFFFC0]  }
0x425: {  	v1 =	vld [tilespmem:s30+$0x0];
	_ =	sdelay $0x4  }
0x426: {  	v1 =	vmax.bf16 v1, v4  }
0x427: {  	[tilespmem:s30+$0x0] =	vst v1;
	v1 =	vld [tilespmem:s30+$0x10]  }
0x428: {  	v4 =	vld [tilespmem:s20+$0xFFFFFFD0];
	_ =	sdelay $0x4  }
0x429: {  	v1 =	vmax.bf16 v1, v4  }
0x42a: {  	[tilespmem:s30+$0x10] =	vst v1  }
0x42b: {  	s31 =	spop (v2sf);
	v4 =	vld [tilespmem:s20+$0xFFFFFFE0]  }
0x42c: {  	v1 =	vld [tilespmem:s31+$0x0];
	_ =	sdelay $0x4  }
0x42d: {  	v1 =	vmax.bf16 v1, v4  }
0x42e: {  	[tilespmem:s31+$0x0] =	vst v1;
	v1 =	vld [tilespmem:s31+$0x10]  }
0x42f: {  	v4 =	vld [tilespmem:s20+$0xFFFFFFF0];
	_ =	sdelay $0x4  }
0x430: {  	v1 =	vmax.bf16 v1, v4  }
0x431: {  	[tilespmem:s31+$0x10] =	vst v1  }
0x432: {  	v1 =	vld [tilespmem:s24+$0x0];
	_ =	sdelay $0x4  }
0x433: {  	v1 =	vshll.u32 v1, $0x6  }
0x434: {  	v4 =	vshra.s32 v1, $0x1  }
0x435: {  	(v2sf) =	vpush v4, $0x0;
	_ =	sdelay $0xe  }
0x436: {  	v5 =	vld [tilespmem:s20+$0x0];
	s28 =	spop (v2sf);
	(v2sf) =	vpush v4, $0x1  }
0x437: {  	v1 =	vld [tilespmem:s28+$0x0];
	_ =	sdelay $0x4  }
0x438: {  	v1 =	vmax.bf16 v1, v5  }
0x439: {  	[tilespmem:s28+$0x0] =	vst v1;
	v1 =	vld [tilespmem:s28+$0x10]  }
0x43a: {  	v5 =	vld [tilespmem:s20+$0x10];
	_ =	sdelay $0x4  }
0x43b: {  	v1 =	vmax.bf16 v1, v5  }
0x43c: {  	[tilespmem:s28+$0x10] =	vst v1  }
0x43d: {  	s29 =	spop (v2sf);
	(v2sf) =	vpush v4, $0x2;
	v5 =	vld [tilespmem:s20+$0x20]  }
0x43e: {  	v1 =	vld [tilespmem:s29+$0x0];
	_ =	sdelay $0x4  }
0x43f: {  	v1 =	vmax.bf16 v1, v5  }
0x440: {  	[tilespmem:s29+$0x0] =	vst v1;
	v1 =	vld [tilespmem:s29+$0x10]  }
0x441: {  	v5 =	vld [tilespmem:s20+$0x30];
	_ =	sdelay $0x4  }
0x442: {  	v1 =	vmax.bf16 v1, v5  }
0x443: {  	[tilespmem:s29+$0x10] =	vst v1  }
0x444: {  	s30 =	spop (v2sf);
	(v2sf) =	vpush v4, $0x3;
	v5 =	vld [tilespmem:s20+$0x40]  }
0x445: {  	v1 =	vld [tilespmem:s30+$0x0];
	_ =	sdelay $0x4  }
0x446: {  	v1 =	vmax.bf16 v1, v5  }
0x447: {  	[tilespmem:s30+$0x0] =	vst v1;
	v1 =	vld [tilespmem:s30+$0x10]  }
0x448: {  	v5 =	vld [tilespmem:s20+$0x50];
	_ =	sdelay $0x4  }
0x449: {  	v1 =	vmax.bf16 v1, v5  }
0x44a: {  	[tilespmem:s30+$0x10] =	vst v1  }
0x44b: {  	s31 =	spop (v2sf);
	(v2sf) =	vpush v4, $0x4;
	v5 =	vld [tilespmem:s20+$0x60]  }
0x44c: {  	v1 =	vld [tilespmem:s31+$0x0];
	_ =	sdelay $0x4  }
0x44d: {  	v1 =	vmax.bf16 v1, v5  }
0x44e: {  	[tilespmem:s31+$0x0] =	vst v1;
	v1 =	vld [tilespmem:s31+$0x10]  }
0x44f: {  	v5 =	vld [tilespmem:s20+$0x70];
	_ =	sdelay $0x4  }
0x450: {  	v1 =	vmax.bf16 v1, v5  }
0x451: {  	[tilespmem:s31+$0x10] =	vst v1  }
0x452: {  	s28 =	spop (v2sf);
	(v2sf) =	vpush v4, $0x5;
	v5 =	vld [tilespmem:s20+$0x80]  }
0x453: {  	v1 =	vld [tilespmem:s28+$0x0];
	_ =	sdelay $0x4  }
0x454: {  	v1 =	vmax.bf16 v1, v5  }
0x455: {  	[tilespmem:s28+$0x0] =	vst v1;
	v1 =	vld [tilespmem:s28+$0x10]  }
0x456: {  	v5 =	vld [tilespmem:s20+$0x90];
	_ =	sdelay $0x4  }
0x457: {  	v1 =	vmax.bf16 v1, v5  }
0x458: {  	[tilespmem:s28+$0x10] =	vst v1  }
0x459: {  	s29 =	spop (v2sf);
	(v2sf) =	vpush v4, $0x6;
	v5 =	vld [tilespmem:s20+$0xA0]  }
0x45a: {  	v1 =	vld [tilespmem:s29+$0x0];
	_ =	sdelay $0x4  }
0x45b: {  	v1 =	vmax.bf16 v1, v5  }
0x45c: {  	[tilespmem:s29+$0x0] =	vst v1;
	v1 =	vld [tilespmem:s29+$0x10]  }
0x45d: {  	v5 =	vld [tilespmem:s20+$0xB0];
	_ =	sdelay $0x4  }
0x45e: {  	v1 =	vmax.bf16 v1, v5  }
0x45f: {  	[tilespmem:s29+$0x10] =	vst v1  }
0x460: {  	s30 =	spop (v2sf);
	(v2sf) =	vpush v4, $0x7;
	v5 =	vld [tilespmem:s20+$0xC0]  }
0x461: {  	v1 =	vld [tilespmem:s30+$0x0];
	_ =	sdelay $0x4  }
0x462: {  	v1 =	vmax.bf16 v1, v5  }
0x463: {  	[tilespmem:s30+$0x0] =	vst v1;
	v1 =	vld [tilespmem:s30+$0x10]  }
0x464: {  	v5 =	vld [tilespmem:s20+$0xD0];
	_ =	sdelay $0x4  }
0x465: {  	v1 =	vmax.bf16 v1, v5  }
0x466: {  	[tilespmem:s30+$0x10] =	vst v1  }
0x467: {  	s31 =	spop (v2sf);
	(v2sf) =	vpush v4, $0x8;
	v5 =	vld [tilespmem:s20+$0xE0]  }
0x468: {  	v1 =	vld [tilespmem:s31+$0x0];
	_ =	sdelay $0x4  }
0x469: {  	v1 =	vmax.bf16 v1, v5  }
0x46a: {  	[tilespmem:s31+$0x0] =	vst v1;
	v1 =	vld [tilespmem:s31+$0x10]  }
0x46b: {  	v5 =	vld [tilespmem:s20+$0xF0];
	_ =	sdelay $0x4  }
0x46c: {  	v1 =	vmax.bf16 v1, v5  }
0x46d: {  	[tilespmem:s31+$0x10] =	vst v1  }
0x46e: {  	s28 =	spop (v2sf);
	(v2sf) =	vpush v4, $0x9;
	v5 =	vld [tilespmem:s20+$0x100]  }
0x46f: {  	v1 =	vld [tilespmem:s28+$0x0];
	_ =	sdelay $0x4  }
0x470: {  	v1 =	vmax.bf16 v1, v5  }
0x471: {  	[tilespmem:s28+$0x0] =	vst v1;
	v1 =	vld [tilespmem:s28+$0x10]  }
0x472: {  	v5 =	vld [tilespmem:s20+$0x110];
	_ =	sdelay $0x4  }
0x473: {  	v1 =	vmax.bf16 v1, v5  }
0x474: {  	[tilespmem:s28+$0x10] =	vst v1  }
0x475: {  	s29 =	spop (v2sf);
	(v2sf) =	vpush v4, $0xA;
	v5 =	vld [tilespmem:s20+$0x120]  }
0x476: {  	v1 =	vld [tilespmem:s29+$0x0];
	_ =	sdelay $0x4  }
0x477: {  	v1 =	vmax.bf16 v1, v5  }
0x478: {  	[tilespmem:s29+$0x0] =	vst v1;
	v1 =	vld [tilespmem:s29+$0x10]  }
0x479: {  	v5 =	vld [tilespmem:s20+$0x130];
	_ =	sdelay $0x4  }
0x47a: {  	v1 =	vmax.bf16 v1, v5  }
0x47b: {  	[tilespmem:s29+$0x10] =	vst v1  }
0x47c: {  	s30 =	spop (v2sf);
	(v2sf) =	vpush v4, $0xB;
	v5 =	vld [tilespmem:s20+$0x140]  }
0x47d: {  	v1 =	vld [tilespmem:s30+$0x0];
	_ =	sdelay $0x4  }
0x47e: {  	v1 =	vmax.bf16 v1, v5  }
0x47f: {  	[tilespmem:s30+$0x0] =	vst v1;
	v1 =	vld [tilespmem:s30+$0x10]  }
0x480: {  	v5 =	vld [tilespmem:s20+$0x150];
	_ =	sdelay $0x4  }
0x481: {  	v1 =	vmax.bf16 v1, v5  }
0x482: {  	[tilespmem:s30+$0x10] =	vst v1  }
0x483: {  	s31 =	spop (v2sf);
	(v2sf) =	vpush v4, $0xC;
	v5 =	vld [tilespmem:s20+$0x160]  }
0x484: {  	v1 =	vld [tilespmem:s31+$0x0];
	_ =	sdelay $0x4  }
0x485: {  	v1 =	vmax.bf16 v1, v5  }
0x486: {  	[tilespmem:s31+$0x0] =	vst v1;
	v1 =	vld [tilespmem:s31+$0x10]  }
0x487: {  	v5 =	vld [tilespmem:s20+$0x170];
	_ =	sdelay $0x4  }
0x488: {  	v1 =	vmax.bf16 v1, v5  }
0x489: {  	[tilespmem:s31+$0x10] =	vst v1  }
0x48a: {  	s28 =	spop (v2sf);
	(v2sf) =	vpush v4, $0xD;
	v5 =	vld [tilespmem:s20+$0x180]  }
0x48b: {  	v1 =	vld [tilespmem:s28+$0x0];
	_ =	sdelay $0x4  }
0x48c: {  	v1 =	vmax.bf16 v1, v5  }
0x48d: {  	[tilespmem:s28+$0x0] =	vst v1;
	v1 =	vld [tilespmem:s28+$0x10]  }
0x48e: {  	v5 =	vld [tilespmem:s20+$0x190];
	_ =	sdelay $0x4  }
0x48f: {  	v1 =	vmax.bf16 v1, v5  }
0x490: {  	[tilespmem:s28+$0x10] =	vst v1  }
0x491: {  	s29 =	spop (v2sf);
	(v2sf) =	vpush v4, $0xE;
	v5 =	vld [tilespmem:s20+$0x1A0]  }
0x492: {  	v1 =	vld [tilespmem:s29+$0x0];
	_ =	sdelay $0x4  }
0x493: {  	v1 =	vmax.bf16 v1, v5  }
0x494: {  	[tilespmem:s29+$0x0] =	vst v1;
	v1 =	vld [tilespmem:s29+$0x10]  }
0x495: {  	v5 =	vld [tilespmem:s20+$0x1B0];
	_ =	sdelay $0x4  }
0x496: {  	v1 =	vmax.bf16 v1, v5  }
0x497: {  	[tilespmem:s29+$0x10] =	vst v1  }
0x498: {  	s30 =	spop (v2sf);
	(v2sf) =	vpush v4, $0xF;
	v4 =	vld [tilespmem:s20+$0x1C0]  }
0x499: {  	v1 =	vld [tilespmem:s30+$0x0];
	_ =	sdelay $0x4  }
0x49a: {  	v1 =	vmax.bf16 v1, v4  }
0x49b: {  	[tilespmem:s30+$0x0] =	vst v1;
	v1 =	vld [tilespmem:s30+$0x10]  }
0x49c: {  	v4 =	vld [tilespmem:s20+$0x1D0];
	_ =	sdelay $0x4  }
0x49d: {  	v1 =	vmax.bf16 v1, v4  }
0x49e: {  	[tilespmem:s30+$0x10] =	vst v1  }
0x49f: {  	s31 =	spop (v2sf);
	v4 =	vld [tilespmem:s20+$0x1E0]  }
0x4a0: {  	v1 =	vld [tilespmem:s31+$0x0];
	_ =	sdelay $0x4  }
0x4a1: {  	v1 =	vmax.bf16 v1, v4  }
0x4a2: {  	[tilespmem:s31+$0x0] =	vst v1;
	v1 =	vld [tilespmem:s31+$0x10]  }
0x4a3: {  	s25 =	sadd.s32 $0x2, s25;
	v4 =	vld [tilespmem:s20+$0x1F0]  }
0x4a4: {  	p0 =	slt.u32 s25, $0xE  }
.Ltmp21:
0x4a5: {  	_ = 	snop;
	(pc) =	sbr.rel @p0 .LBB2_31-.Ltmp21, $3  }
0x4a6: {  	_ =	sdelay $0x1  }
0x4a7: {  	v1 =	vmax.bf16 v1, v4  }
0x4a8: {  	s22 =	sadd.s32 $0x20, s22;
	s24 =	sadd.s32 $0x20, s24;
	s20 =	sadd.s32 $0x400, s20;
	[tilespmem:s31+$0x10] =	vst v1  }
.LBB2_32:
0x4a9: {  	p0 =	sgt.s32 s21, s19  }
0x4aa: {  	s19 =	smov.u32 @p0 s21  }
0x4ab: {  	s20 =	sand.u32 $0xFF, s19  }
0x4ac: {  	p0 =	slt.s32 s19, $0x1;
	p1 =	sne.s32 s20, $0x0  }
0x4ad: {  	s31 =	sshrl.u32 s19, $0x8;
	p0 =	por !p0, !p1  }
0x4ae: {  	s20 =	sand.u32 $0x1, s31;
	p0 =	por !p0, !p0  }
0x4af: {  	p1 =	seq.s32 s20, $0x1;
	p2 =	por !p0, !p0  }
0x4b0: {  	s20 =	simm.s32 $0x100;
	p2 =	por @!p1 p0, p0  }
0x4b1: {  	s20 =	simm.s32 @!p2 $0x0  }
0x4b2: {  	s21 =	sand.u32 $0x3FF8, s19;
	s20 =	sshll.u32 s20, $0x5  }
0x4b3: {  	s21 =	sadd.s32 $0x10280, s21;
	s22 =	sor.u32 $0x18290, s20  }
0x4b4: {  	[tilespmem:s22], [sflag:$0x3] =	stream.indirect.gather [hbm4b:s3+s17], $0x20, s21, s17, $0xb8;
	[tilespmem:$0x1C2A0] =	vst v63  }
0x4b5: {  	s21 =	ssub.s32 s23, s19  }
0x4b6: {  	p0 =	slt.s32 s21, $0x1  }
.Ltmp22:
0x4b7: {  	_ = 	snop;
	(pc) =	sbr.rel @p0 .LBB2_36-.Ltmp22, $4  }
0x4b8: {  	_ = 	snop  }
0x4b9: {  	_ =	swait.ge [sflag:s16], $0x2000  }
0x4ba: {  	[sflag:s16] =	ssyncset.done $0x0  }
0x4bb: {  	[sflag:s16] =	ssyncadd.s32 $0xFFFFE000  }
0x4bc: {  	s19 =	sand.u32 $0x3FFF, s19  }
0x4bd: {  	s19 =	sadd.s32 $0x14280, s19  }
0x4be: {  	v1 =	vld [tilespmem:s19+$0x0];
	_ =	sdelay $0x4  }
0x4bf: {  	(v2sf) =	vpush v1, $0x0;
	_ =	sdelay $0xe  }
0x4c0: {  	s22 =	spop (v2sf)  }
0x4c1: {  	s20 =	sadd.s32 $0x182A0, s20;
	s22 =	sshll.u32 s22, $0x7  }
0x4c2: {  	v1 =	vld [tilespmem:s20+$0xFFFFFFF0];
	s22 =	sshra.s32 s22, $0x2  }
0x4c3: {  	v4 =	vld [tilespmem:s22+$0x0];
	_ =	sdelay $0x4  }
0x4c4: {  	v1 =	vmax.bf16 v4, v1  }
0x4c5: {  	[tilespmem:s22+$0x0] =	vst v1;
	v1 =	vld [tilespmem:s22+$0x10]  }
0x4c6: {  	p0 =	sne.s32 s21, $0x1;
	v4 =	vld [tilespmem:s20+$0x0]  }
.Ltmp23:
0x4c7: {  	_ = 	snop;
	(pc) =	sbr.rel @!p0 .LBB2_35-.Ltmp23, $2  }
0x4c8: {  	_ =	sdelay $0x2  }
0x4c9: {  	s21 =	sadd.s32 $0xFFFFFFFF, s21;
	v4 =	vmax.bf16 v1, v4  }
.LBB2_34:
0x4ca: {  	p0 =	sne.s32 s21, $0x1;
	[tilespmem:s22+$0x10] =	vst v4;
	s20 =	sadd.s32 $0x20, s20;
	s19 =	sadd.s32 $0x1, s19  }
0x4cb: {  	s21 =	sadd.s32 $0xFFFFFFFF, s21;
	v1 =	vld [tilespmem:s19+$0x0];
	_ =	sdelay $0x4  }
0x4cc: {  	(v2sf) =	vpush v1, $0x0;
	_ =	sdelay $0xe  }
0x4cd: {  	s22 =	spop (v2sf)  }
0x4ce: {  	s22 =	sshll.u32 s22, $0x7  }
0x4cf: {  	s22 =	sshra.s32 s22, $0x2;
	v1 =	vld [tilespmem:s20+$0xFFFFFFF0]  }
0x4d0: {  	v4 =	vld [tilespmem:s22+$0x0];
	_ =	sdelay $0x4  }
0x4d1: {  	v1 =	vmax.bf16 v4, v1  }
0x4d2: {  	[tilespmem:s22+$0x0] =	vst v1;
	v1 =	vld [tilespmem:s22+$0x10]  }
0x4d3: {  	v4 =	vld [tilespmem:s20+$0x0]  }
.Ltmp24:
0x4d4: {  	(pc) =	sbr.rel @p0 .LBB2_34-.Ltmp24, $2  }
0x4d5: {  	_ =	sdelay $0x2  }
0x4d6: {  	v4 =	vmax.bf16 v1, v4  }
.LBB2_35:
0x4d7: {  	[tilespmem:s22+$0x10] =	vst v4  }
.LBB2_36:
0x4d8: {  	s19 =	simm.s32 $0x40  }
0x4d9: {  	v1 =	vld [tilespmem:s19+$0x30]  }
0x4da: {  	v10 =	vld [tilespmem:s19+$0xFFFFFFD0]  }
0x4db: {  	v9 =	vld [tilespmem:s19+$0xFFFFFFE0]  }
0x4dc: {  	v8 =	vld [tilespmem:s19+$0xFFFFFFF0]  }
0x4dd: {  	v6 =	vld [tilespmem:s19+$0x0]  }
0x4de: {  	v5 =	vld [tilespmem:s19+$0x10];
	vm0 =	veq.bf16 v1, $-3.0040e+38  }
0x4df: {  	v4 =	vld [tilespmem:s19+$0x20];
	vm1 =	veq.bf16 v10, $-3.0040e+38;
	v1 =	vsel vm0, v3, v1  }
0x4e0: {  	s20 =	simm.s32 $0x0;
	s21 =	simm.s32 $0xC0;
	v7 =	vld [tilespmem:s19+$0xFFFFFFC0];
	v10 =	vsel vm1, v3, v10;
	vm0 =	veq.bf16 v9, $-3.0040e+38;
	[tilespmem:s19+$0x30] =	vst v1  }
.LBB2_37:
0x4e1: {  	v1 =	vld [tilespmem:s21+$0x30];
	s20 =	sadd.s32 $0x8, s20;
	[tilespmem:s19+$0xFFFFFFD0] =	vst v10;
	v9 =	vsel vm0, v3, v9;
	vm0 =	veq.bf16 v8, $-3.0040e+38  }
0x4e2: {  	v10 =	vld [tilespmem:s21+$0xFFFFFFD0];
	p0 =	slt.u32 s20, $0xC38;
	[tilespmem:s19+$0xFFFFFFE0] =	vst v9;
	v8 =	vsel vm0, v3, v8;
	vm0 =	veq.bf16 v6, $-3.0040e+38  }
0x4e3: {  	v9 =	vld [tilespmem:s21+$0xFFFFFFE0];
	[tilespmem:s19+$0xFFFFFFF0] =	vst v8;
	v6 =	vsel vm0, v3, v6;
	vm0 =	veq.bf16 v5, $-3.0040e+38  }
.Ltmp25:
0x4e4: {  	v8 =	vld [tilespmem:s21+$0xFFFFFFF0];
	[tilespmem:s19+$0x0] =	vst v6;
	v5 =	vsel vm0, v3, v5;
	vm0 =	veq.bf16 v4, $-3.0040e+38;
	(pc) =	sbr.rel @p0 .LBB2_37-.Ltmp25, $4  }
0x4e5: {  	v6 =	vld [tilespmem:s21+$0x0];
	vm1 =	veq.bf16 v7, $-3.0040e+38;
	[tilespmem:s19+$0x10] =	vst v5;
	v4 =	vsel vm0, v3, v4  }
0x4e6: {  	v5 =	vld [tilespmem:s21+$0x10];
	vm0 =	veq.bf16 v1, $-3.0040e+38;
	v7 =	vsel vm1, v3, v7;
	[tilespmem:s19+$0x20] =	vst v4  }
0x4e7: {  	vm1 =	veq.bf16 v10, $-3.0040e+38;
	v4 =	vld [tilespmem:s21+$0x20];
	v1 =	vsel vm0, v3, v1;
	[tilespmem:s19+$0xFFFFFFC0] =	vst v7;
	s19 =	smov.u32 s21  }
0x4e8: {  	s21 =	sadd.s32 $0x80, s21;
	v7 =	vld [tilespmem:s19+$0xFFFFFFC0];
	v10 =	vsel vm1, v3, v10;
	vm0 =	veq.bf16 v9, $-3.0040e+38;
	[tilespmem:s19+$0x30] =	vst v1  }
0x4e9: {  	[tilespmem:s19+$0xFFFFFFD0] =	vst v10;
	v1 =	vsel vm0, v3, v9;
	vm12 =	veq.bf16 v8, $-3.0040e+38  }
0x4ea: {  	[tilespmem:s19+$0xFFFFFFE0] =	vst v1;
	v1 =	vsel vm12, v3, v8;
	vm13 =	veq.bf16 v6, $-3.0040e+38  }
0x4eb: {  	[tilespmem:s19+$0xFFFFFFF0] =	vst v1;
	v1 =	vsel vm13, v3, v6;
	vm14 =	veq.bf16 v5, $-3.0040e+38  }
0x4ec: {  	[tilespmem:s19+$0x0] =	vst v1;
	v1 =	vsel vm14, v3, v5;
	vm15 =	veq.bf16 v4, $-3.0040e+38  }
0x4ed: {  	s18 =	sadd.s32 $0x1, s18;
	vm1 =	veq.bf16 v7, $-3.0040e+38;
	[tilespmem:s19+$0x10] =	vst v1;
	v1 =	vsel vm15, v3, v4  }
0x4ee: {  	p0 =	sne.s32 s18, s7;
	v4 =	vsel vm1, v3, v7;
	[tilespmem:s19+$0x20] =	vst v1  }
.Ltmp26:
0x4ef: {  	[tilespmem:s19+$0xFFFFFFC0] =	vst v4;
	(pc) =	sbr.rel @p0 .LBB2_1-.Ltmp26, $4  }
0x4f0: {  	[hbm4b:s6+s2] =	stream.linear.scatter [tilespmem:s2], [sflag:$0x4], $0xC400, $0x38;
	[tilespmem:$0x1C2A0] =	vst v63  }
0x4f1: {  	_ =	swait.ge [sflag:s9], $0xC400  }
0x4f2: {  	[sflag:s9] =	ssyncset.done $0x0  }
0x4f3: {  	v1 =	vimm.bf16 $-3.0040e+38;
	[sflag:s9] =	ssyncadd.s32 $0xFFFF3C00  }
0x4f4: {  	_ =	sfence.sel $0x180000  }
0x4f5: {  	[bflag:$0x0] =	sbarrier.arrive $0xFFFF  }
0x4f6: {  	p0 =	sne.s32 s1, $0x0;
	_ =	strace $0x90000047  }
0x4f7: {  	s0 =	sadd.s32 @!p0 $0x100000, s0;
	[bflag:$0x2] =	sbarrier.arrive $0xFFFF  }
0x4f8: {  	[sflag:s0] =	ssyncadd.tile.s32 @!p0 $0x1;
	_ =	shalt  }
.Lfunc_end2:
_tile_overlayer_lowered:
.L_overlay_start_2:
0x4f9: {  	(tag) =	ssettag $0x2  }
0x4fa: {  	s0 =	rddreg [dreg:$0x0];
	s2 =	stileid.u32  }
0x4fb: {  	s1 =	rddreg [dreg:$0x1];
	p0 =	sne.s32 s2, $0x0  }
0x4fc: {  	s3 =	rddreg [dreg:$0x2];
	[bflag:$0x3] =	sbarrier.arrive $0xFFFF;
	s2 =	simm.s32 @!p0 $0x1C04  }
0x4fd: {  	[timem:s3], [sflag:s2] =	dma.local @!p0 [hbm:s0], s1  }
0x4fe: {  	s0 =	simm.s32 @!p0 $0x4  }
0x4ff: {  	_ =	swait.ge @!p0 [sflag:s0], s1  }
0x500: {  	s1 =	ssub.s32 @!p0 $0x0, s1;
	[sflag:s0] =	ssyncset.done @!p0 $0x0  }
0x501: {  	[sflag:s0] =	ssyncadd.s32 @!p0 s1  }
0x502: {  	[bflag:$0x3] =	sbarrier.arrive $0xFFFF  }
0x503: {  	_ =	shalt  }

</sc_bundles>
